<compile_context>
chip_gen: v7x
topology: tpu7x:2x2x1
jax: 0.10.2.dev20260603
libtpu: 0.0.44.dev20260713+nightly
codegen_flags: <defaults>
</compile_context>

<pallas_src>
import functools

import jax
import jax.numpy as jnp
from jax import lax
from jax.experimental import pallas as pl
from jax.experimental.pallas import tpu as pltpu
from jax.experimental.pallas import tpu_sc as plsc

N = 10000
E = 320000
D = 128
DP = 144
NC = 2
NS = 16
NW = NC * NS
EPT = E // NW
CH = 64
NCH = 158
EPTP = NCH * CH
NPT = N // NS
LANES = 16



def _node_prep(h, asv, adv, hp_ref, ad_ref, gm_ref):
    a_s = jnp.dot(h, asv, preferred_element_type=jnp.float32)
    a_d = jnp.dot(h, adv, preferred_element_type=jnp.float32)
    cols = lax.broadcasted_iota(jnp.int32, (N, DP - D), 1)
    tail = jnp.where(cols == 0, 1.0,
                     jnp.where(cols == 1, a_s[:, None], 0.0))
    hp_ref[:, :D] = h
    hp_ref[:, D:] = tail.astype(jnp.float32)
    ad_ref[...] = a_d
    gm_ref[...] = jnp.full((D,), jnp.max(a_s), dtype=jnp.float32)


def _prep1_body(x_ref, w_ref, asv_ref, adv_ref, hp_ref, ad_ref, gm_ref):
    h = jnp.dot(x_ref[...], w_ref[...], preferred_element_type=jnp.float32)
    _node_prep(h, asv_ref[...], adv_ref[...], hp_ref, ad_ref, gm_ref)


def _combine(s):
    feat = s[:, :D]
    cols = lax.broadcasted_iota(jnp.int32, (N, DP - D), 1)
    den = jnp.sum(jnp.where(cols == 0, s[:, D:], 0.0), axis=1)
    return feat, den


def _prep2_body(s_ref, b_ref, w_ref, asv_ref, adv_ref,
                hp_ref, ad_ref, gm_ref):
    feat, den = _combine(s_ref[0] + s_ref[1])
    y = feat / (den[:, None] + 1e-16) + b_ref[...][None, :]
    y = jnp.maximum(y, 0.0)
    h = jnp.dot(y, w_ref[...], preferred_element_type=jnp.float32)
    _node_prep(h, asv_ref[...], adv_ref[...], hp_ref, ad_ref, gm_ref)


def _final_body(s_ref, b_ref, out_ref):
    feat, den = _combine(s_ref[0] + s_ref[1])
    out_ref[...] = feat / (den[:, None] + 1e-16) + b_ref[...][None, :]


_node_out = [
    jax.ShapeDtypeStruct((N, DP), jnp.float32),
    jax.ShapeDtypeStruct((N,), jnp.float32),
    jax.ShapeDtypeStruct((D,), jnp.float32),
]

_prep1 = pl.pallas_call(_prep1_body, out_shape=_node_out)
_prep2 = pl.pallas_call(_prep2_body, out_shape=_node_out)
_final = pl.pallas_call(
    _final_body, out_shape=jax.ShapeDtypeStruct((N, D), jnp.float32))



def _edge_body(hp, pk, adst, gmax, out,
               s_acc, ad_l, gm_l, pk_l,
               src0, src1, dst0, dst1, w_l, rows0, rows1,
               gsem, ssem):
    c_id = lax.axis_index("c")
    s_id = lax.axis_index("s")
    wid = s_id * NC + c_id
    base = s_id * NPT

    pltpu.sync_copy(adst, ad_l)
    pltpu.sync_copy(gmax.at[pl.ds(0, LANES)], gm_l)
    pltpu.sync_copy(pk.at[wid], pk_l)

    srcb = (src0, src1)
    dstb = (dst0, dst1)
    rowsb = (rows0, rows1)

    @plsc.parallel_loop(0, CH, 1, unroll=4)
    def zinit(i):
        for k in range(DP // LANES):
            rows0[i, pl.ds(k * LANES, LANES)] = jnp.zeros((LANES,),
                                                          jnp.float32)
    for q in range(9):
        pltpu.sync_copy(rows0, s_acc.at[pl.ds(base + CH * q, CH)])
    pltpu.sync_copy(rows0.at[pl.ds(0, NPT - 9 * CH)],
                    s_acc.at[pl.ds(base + 9 * CH, NPT - 9 * CH)])
    plsc.subcore_barrier()

    gv = gm_l[...]

    def unpack(c, b):
        for g in range(CH // LANES):
            sl = pl.ds(g * LANES, LANES)
            p = pk_l[pl.ds(c * CH + g * LANES, LANES)]
            srcb[b][sl] = p & 0xFFFF
            dstb[b][sl] = lax.shift_right_logical(p, 16)

    def g_desc(b):
        return pltpu.make_async_copy(hp.at[srcb[b]], rowsb[b], gsem)

    def s_desc(b):
        return pltpu.make_async_copy(rowsb[b], s_acc.at[dstb[b]], ssem)

    def compute(c, b):
        rows = rowsb[b]
        for g in range(CH // LANES):
            sl = pl.ds(g * LANES, LANES)
            lane = lax.iota(jnp.int32, LANES)
            asv = plsc.load_gather(
                rows, [lane + g * LANES,
                       jnp.full((LANES,), D + 1, jnp.int32)])
            adv = plsc.load_gather(ad_l, [dstb[b][sl]])
            t = asv + adv
            e = jnp.maximum(t, 0.2 * t)
            z = gv + adv
            mv = jnp.maximum(z, 0.2 * z)
            w = jnp.exp(e - mv)
            eid = c * CH + g * LANES + lane
            w_l[sl] = jnp.where(eid < EPT, w, 0.0)

        @plsc.parallel_loop(0, CH, 1, unroll=4)
        def scale(i):
            wv = plsc.load_gather(w_l, [jnp.full((LANES,), i, jnp.int32)])
            for k in range(DP // LANES):
                ksl = pl.ds(k * LANES, LANES)
                rows[i, ksl] = rows[i, ksl] * wv

    unpack(0, 0)
    g_desc(0).start()

    def pair(i, carry):
        for b in range(2):
            c = 2 * i + b
            g_desc(b).wait()

            @pl.when(c > 0)
            def _():
                s_desc(1 - b).wait()

            @pl.when(c + 1 < NCH)
            def _():
                unpack(c + 1, 1 - b)
                g_desc(1 - b).start()
            compute(c, b)
            s_desc(b).start(add=True)
        return carry
    lax.fori_loop(0, NCH // 2, pair, 0)

    s_desc(1).wait()

    plsc.subcore_barrier()
    pltpu.sync_copy(s_acc.at[pl.ds(base, NPT)],
                    out.at[c_id, pl.ds(base, NPT)])


_edge = pl.kernel(
    _edge_body,
    out_type=jax.ShapeDtypeStruct((NC, N, DP), jnp.float32),
    mesh=plsc.VectorSubcoreMesh(core_axis_name="c", subcore_axis_name="s",
                                num_cores=NC, num_subcores=NS),
    compiler_params=pltpu.CompilerParams(use_tc_tiling_on_sc=False,
                                         needs_layout_passes=False),
    scratch_types=[
        pltpu.VMEM_SHARED((N, DP), jnp.float32),
        pltpu.VMEM((N,), jnp.float32),
        pltpu.VMEM((LANES,), jnp.float32),
        pltpu.VMEM((EPTP,), jnp.int32),
        pltpu.VMEM((CH,), jnp.int32),
        pltpu.VMEM((CH,), jnp.int32),
        pltpu.VMEM((CH,), jnp.int32),
        pltpu.VMEM((CH,), jnp.int32),
        pltpu.VMEM((CH,), jnp.float32),
        pltpu.VMEM((CH, DP), jnp.float32),
        pltpu.VMEM((CH, DP), jnp.float32),
        pltpu.SemaphoreType.DMA,
        pltpu.SemaphoreType.DMA,
    ],
)



@jax.jit
def kernel(x, edge_index, W1, att_src1, att_dst1, b1,
           W2, att_src2, att_dst2, b2):
    packed = jnp.left_shift(edge_index[1], 16) | edge_index[0]
    packed = packed.reshape(NW, EPT)
    packed = jnp.pad(packed, ((0, 0), (0, EPTP - EPT)))

    hp1, ad1, gm1 = _prep1(x, W1, att_src1.reshape(D), att_dst1.reshape(D))
    part1 = _edge(hp1, packed, ad1, gm1)
    hp2, ad2, gm2 = _prep2(part1, b1, W2,
                           att_src2.reshape(D), att_dst2.reshape(D))
    part2 = _edge(hp2, packed, ad2, gm2)
    return _final(part2, b2)

# --- scband reference (transcript-rebuilt; emitter-appended) ---
"""Pipeline reference for scband-gat-38113539785175 (READ-ONLY COPY).

The authoritative reference and input builder live on the scoring server;
editing this copy changes nothing except your own understanding.
"""

import jax, jax.numpy as jnp
import numpy as np

N = 10000
E = 320000
D_IN = 128
HEADS = 1
HID = 128
OUT = 128

def _gat_conv(x, src, dst, W, att_src, att_dst, bias, heads, out_ch, concat):
    n = x.shape[0]
    h = (x @ W).reshape(n, heads, out_ch)
    a_s = jnp.sum(h * att_src, axis=-1)
    a_d = jnp.sum(h * att_dst, axis=-1)
    e = jax.nn.leaky_relu(a_s[src] + a_d[dst], negative_slope=0.2)
    e_max = jax.ops.segment_max(e, dst, num_segments=n)
    e_max = jnp.where(jnp.isfinite(e_max), e_max, 0.0)
    e_max = jax.lax.stop_gradient(e_max)
    ex = jnp.exp(e - e_max[dst])
    denom = jax.ops.segment_sum(ex, dst, num_segments=n)
    alpha = ex / (denom[dst] + 1e-16)
    msg = h[src] * alpha[:, :, None]
    out = jax.ops.segment_sum(msg, dst, num_segments=n)
    if concat:
        out = out.reshape(n, heads * out_ch)
    else:
        out = out.mean(axis=1)
    return out + bias

def setup_inputs(seed: int = 0):
    key = jax.random.key(seed)
    ks = jax.random.split(key, 10)
    x = jax.random.normal(ks[0], (N, D_IN), dtype=jnp.float32)
    edge_index = jax.random.randint(ks[1], (2, E), 0, N, dtype=jnp.int32)
    s1 = 1.0 / np.sqrt(D_IN)
    W1 = jax.random.normal(ks[2], (D_IN, HEADS * HID), dtype=jnp.float32) * s1
    att_src1 = jax.random.normal(ks[3], (HEADS, HID), dtype=jnp.float32) * (1.0 / np.sqrt(HID))
    att_dst1 = jax.random.normal(ks[4], (HEADS, HID), dtype=jnp.float32) * (1.0 / np.sqrt(HID))
    b1 = jnp.zeros((HEADS * HID,), dtype=jnp.float32)
    s2 = 1.0 / np.sqrt(HEADS * HID)
    W2 = jax.random.normal(ks[5], (HEADS * HID, HEADS * OUT), dtype=jnp.float32) * s2
    att_src2 = jax.random.normal(ks[6], (HEADS, OUT), dtype=jnp.float32) * (1.0 / np.sqrt(OUT))
    att_dst2 = jax.random.normal(ks[7], (HEADS, OUT), dtype=jnp.float32) * (1.0 / np.sqrt(OUT))
    b2 = jnp.zeros((OUT,), dtype=jnp.float32)
    return {"x": x, "edge_index": edge_index, "W1": W1, "att_src1": att_src1, "att_dst1": att_dst1, "b1": b1, "W2": W2, "att_src2": att_src2, "att_dst2": att_dst2, "b2": b2}

def reference(x, edge_index, W1, att_src1, att_dst1, b1, W2, att_src2, att_dst2, b2):
    src = edge_index[0]
    dst = edge_index[1]
    # layer 1 (concat=True); 2-layer path with use_batch_only_training=True skips BN
    h = _gat_conv(x, src, dst, W1, att_src1, att_dst1, b1, HEADS, HID, True)
    h = jax.nn.relu(h)
    # dropout is identity in eval / deterministic reference
    out = _gat_conv(h, src, dst, W2, att_src2, att_dst2, b2, HEADS, OUT, False)
    return out

if __name__ == "__main__":
    import jax
    _d = setup_inputs()
    print(jax.jit(kernel)(*tuple(_d.values())))

</pallas_src>

<mosaic_0001>
#map = affine_map<(d0, d1) -> (0, 0)>
#map1 = affine_map<(d0, d1) -> (0)>
#map2 = affine_map<(d0, d1) -> (0, 0, 0)>
module attributes {stable_mosaic.version = 14 : i64} {
  func.func @_edge_body(%arg0: i32, %arg1: i32, %arg2: memref<10000x144xf32, #tpu.memory_space<hbm>>, %arg3: memref<32x10112xi32, #tpu.memory_space<hbm>>, %arg4: memref<10000xf32, #tpu.memory_space<hbm>>, %arg5: memref<128xf32, #tpu.memory_space<hbm>>, %arg6: memref<2x10000x144xf32, #tpu.memory_space<hbm>>, %arg7: memref<10000x144xf32, #tpu.memory_space<vmem_shared>>, %arg8: memref<10000xf32, #tpu.memory_space<vmem>>, %arg9: memref<16xf32, #tpu.memory_space<vmem>>, %arg10: memref<10112xi32, #tpu.memory_space<vmem>>, %arg11: memref<64xi32, #tpu.memory_space<vmem>>, %arg12: memref<64xi32, #tpu.memory_space<vmem>>, %arg13: memref<64xi32, #tpu.memory_space<vmem>>, %arg14: memref<64xi32, #tpu.memory_space<vmem>>, %arg15: memref<64xf32, #tpu.memory_space<vmem>>, %arg16: memref<64x144xf32, #tpu.memory_space<vmem>>, %arg17: memref<64x144xf32, #tpu.memory_space<vmem>>, %arg18: memref<!tpu.dma_semaphore, #tpu.memory_space<semaphore_mem>>, %arg19: memref<!tpu.dma_semaphore, #tpu.memory_space<semaphore_mem>>) attributes {dimension_semantics = [#tpu.dimension_semantics<core_parallel>, #tpu.dimension_semantics<subcore_parallel>], iteration_bounds = array<i64: 2, 16>, scalar_prefetch = 0 : i64, scratch_operands = 13 : i64, tpu.core_type = #tpu.core_type<sc_vector_subcore>, window_params = [{transform_indices = #map}, {transform_indices = #map}, {transform_indices = #map1}, {transform_indices = #map1}, {transform_indices = #map2}]} {
    %mul3A = arith.constant 2 : i32
    %mul3A_0 = arith.muli %arg1, %mul3A : i32
    %add3A = arith.addi %mul3A_0, %arg0 : i32
    %mul3A_1 = arith.constant 625 : i32
    %mul3A_2 = arith.muli %arg1, %mul3A_1 : i32
    "tpu.region"() ({
      %run_scoped3A = tpu.sem_alloc : memref<!tpu.dma_semaphore, #tpu.memory_space<semaphore_mem>>
      tpu.enqueue_dma source(%arg4 : memref<10000xf32, #tpu.memory_space<hbm>>) target(%arg8 : memref<10000xf32, #tpu.memory_space<vmem>>) target_semaphore(%run_scoped3A : memref<!tpu.dma_semaphore, #tpu.memory_space<semaphore_mem>>)
      tpu.wait_dma2 semaphore(%run_scoped3A : memref<!tpu.dma_semaphore, #tpu.memory_space<semaphore_mem>>) src(%arg4 : memref<10000xf32, #tpu.memory_space<hbm>>) dst(%arg8 : memref<10000xf32, #tpu.memory_space<vmem>>)
      tpu.yield
    }) : () -> ()
    "tpu.region"() ({
      %run_scoped3A = tpu.sem_alloc : memref<!tpu.dma_semaphore, #tpu.memory_space<semaphore_mem>>
      %dma_start3A_81 = arith.constant 0 : i32
      %dma_start3A_82 = tpu.memref_slice %arg5[%dma_start3A_81] : memref<128xf32, #tpu.memory_space<hbm>> -> memref<16xf32, #tpu.memory_space<hbm>>
      %dma_start3A_83 = arith.constant 0 : i32
      %dma_start3A_84 = tpu.memref_slice %arg5[%dma_start3A_83] : memref<128xf32, #tpu.memory_space<hbm>> -> memref<16xf32, #tpu.memory_space<hbm>>
      tpu.enqueue_dma source(%dma_start3A_84 : memref<16xf32, #tpu.memory_space<hbm>>) target(%arg9 : memref<16xf32, #tpu.memory_space<vmem>>) target_semaphore(%run_scoped3A : memref<!tpu.dma_semaphore, #tpu.memory_space<semaphore_mem>>)
      %dma_wait3A_85 = arith.constant 0 : i32
      %dma_wait3A_86 = tpu.memref_slice %arg5[%dma_wait3A_85] : memref<128xf32, #tpu.memory_space<hbm>> -> memref<16xf32, #tpu.memory_space<hbm>>
      %dma_wait3A_87 = arith.constant 0 : i32
      %dma_wait3A_88 = tpu.memref_slice %arg5[%dma_wait3A_87] : memref<128xf32, #tpu.memory_space<hbm>> -> memref<16xf32, #tpu.memory_space<hbm>>
      tpu.wait_dma2 semaphore(%run_scoped3A : memref<!tpu.dma_semaphore, #tpu.memory_space<semaphore_mem>>) src(%dma_wait3A_88 : memref<16xf32, #tpu.memory_space<hbm>>) dst(%arg9 : memref<16xf32, #tpu.memory_space<vmem>>)
      tpu.yield
    }) : () -> ()
    "tpu.region"() ({
      %run_scoped3A = tpu.sem_alloc : memref<!tpu.dma_semaphore, #tpu.memory_space<semaphore_mem>>
      %dma_start3A_81 = arith.constant 0 : i32
      %dma_start3A_82 = tpu.memref_slice %arg3[%add3A, %dma_start3A_81] : memref<32x10112xi32, #tpu.memory_space<hbm>> -> memref<1x10112xi32, #tpu.memory_space<hbm>>
      %dma_start3A_83 = tpu.memref_squeeze %dma_start3A_82 : memref<1x10112xi32, #tpu.memory_space<hbm>> -> memref<10112xi32, #tpu.memory_space<hbm>>
      %dma_start3A_84 = arith.constant 0 : i32
      %dma_start3A_85 = tpu.memref_slice %arg3[%add3A, %dma_start3A_84] : memref<32x10112xi32, #tpu.memory_space<hbm>> -> memref<1x10112xi32, #tpu.memory_space<hbm>>
      %dma_start3A_86 = tpu.memref_squeeze %dma_start3A_85 : memref<1x10112xi32, #tpu.memory_space<hbm>> -> memref<10112xi32, #tpu.memory_space<hbm>>
      tpu.enqueue_dma source(%dma_start3A_86 : memref<10112xi32, #tpu.memory_space<hbm>>) target(%arg10 : memref<10112xi32, #tpu.memory_space<vmem>>) target_semaphore(%run_scoped3A : memref<!tpu.dma_semaphore, #tpu.memory_space<semaphore_mem>>)
      %dma_wait3A_87 = arith.constant 0 : i32
      %dma_wait3A_88 = tpu.memref_slice %arg3[%add3A, %dma_wait3A_87] : memref<32x10112xi32, #tpu.memory_space<hbm>> -> memref<1x10112xi32, #tpu.memory_space<hbm>>
      %dma_wait3A_89 = tpu.memref_squeeze %dma_wait3A_88 : memref<1x10112xi32, #tpu.memory_space<hbm>> -> memref<10112xi32, #tpu.memory_space<hbm>>
      %dma_wait3A_90 = arith.constant 0 : i32
      %dma_wait3A_91 = tpu.memref_slice %arg3[%add3A, %dma_wait3A_90] : memref<32x10112xi32, #tpu.memory_space<hbm>> -> memref<1x10112xi32, #tpu.memory_space<hbm>>
      %dma_wait3A_92 = tpu.memref_squeeze %dma_wait3A_91 : memref<1x10112xi32, #tpu.memory_space<hbm>> -> memref<10112xi32, #tpu.memory_space<hbm>>
      tpu.wait_dma2 semaphore(%run_scoped3A : memref<!tpu.dma_semaphore, #tpu.memory_space<semaphore_mem>>) src(%dma_wait3A_92 : memref<10112xi32, #tpu.memory_space<hbm>>) dst(%arg10 : memref<10112xi32, #tpu.memory_space<vmem>>)
      tpu.yield
    }) : () -> ()
    %parallel_loop3A = arith.constant 0 : i32
    %parallel_loop3A_3 = arith.constant 64 : i32
    %parallel_loop3A_4 = arith.constant 1 : i32
    scf.for %parallel_loop3A_81 = %parallel_loop3A to %parallel_loop3A_3 step %parallel_loop3A_4  : i32 {
      %parallel_loop3A_82 = arith.constant 0.000000e+00 : f32
      %parallel_loop3A_83 = vector.broadcast %parallel_loop3A_82 : f32 to vector<16xf32>
      %parallel_loop3A_84 = arith.index_cast %parallel_loop3A_81 : i32 to index
      %parallel_loop3A_85 = arith.constant 0 : index
      %parallel_loop3A_86 = tpu.vector_load %arg16[%parallel_loop3A_84, %parallel_loop3A_85] {strides = array<i32>} : memref<64x144xf32, #tpu.memory_space<vmem>>, vector<16xf32>,
      tpu.vector_store %arg16[%parallel_loop3A_84, %parallel_loop3A_85], %parallel_loop3A_83 {strides = array<i32>} : memref<64x144xf32, #tpu.memory_space<vmem>>, vector<16xf32>,
      %parallel_loop3A_87 = arith.constant 0.000000e+00 : f32
      %parallel_loop3A_88 = vector.broadcast %parallel_loop3A_87 : f32 to vector<16xf32>
      %parallel_loop3A_89 = arith.index_cast %parallel_loop3A_81 : i32 to index
      %parallel_loop3A_90 = arith.constant 16 : index
      %parallel_loop3A_91 = tpu.vector_load %arg16[%parallel_loop3A_89, %parallel_loop3A_90] {strides = array<i32>} : memref<64x144xf32, #tpu.memory_space<vmem>>, vector<16xf32>,
      tpu.vector_store %arg16[%parallel_loop3A_89, %parallel_loop3A_90], %parallel_loop3A_88 {strides = array<i32>} : memref<64x144xf32, #tpu.memory_space<vmem>>, vector<16xf32>,
      %parallel_loop3A_92 = arith.constant 0.000000e+00 : f32
      %parallel_loop3A_93 = vector.broadcast %parallel_loop3A_92 : f32 to vector<16xf32>
      %parallel_loop3A_94 = arith.index_cast %parallel_loop3A_81 : i32 to index
      %parallel_loop3A_95 = arith.constant 32 : index
      %parallel_loop3A_96 = tpu.vector_load %arg16[%parallel_loop3A_94, %parallel_loop3A_95] {strides = array<i32>} : memref<64x144xf32, #tpu.memory_space<vmem>>, vector<16xf32>,
      tpu.vector_store %arg16[%parallel_loop3A_94, %parallel_loop3A_95], %parallel_loop3A_93 {strides = array<i32>} : memref<64x144xf32, #tpu.memory_space<vmem>>, vector<16xf32>,
      %parallel_loop3A_97 = arith.constant 0.000000e+00 : f32
      %parallel_loop3A_98 = vector.broadcast %parallel_loop3A_97 : f32 to vector<16xf32>
      %parallel_loop3A_99 = arith.index_cast %parallel_loop3A_81 : i32 to index
      %parallel_loop3A_100 = arith.constant 48 : index
      %parallel_loop3A_101 = tpu.vector_load %arg16[%parallel_loop3A_99, %parallel_loop3A_100] {strides = array<i32>} : memref<64x144xf32, #tpu.memory_space<vmem>>, vector<16xf32>,
      tpu.vector_store %arg16[%parallel_loop3A_99, %parallel_loop3A_100], %parallel_loop3A_98 {strides = array<i32>} : memref<64x144xf32, #tpu.memory_space<vmem>>, vector<16xf32>,
      %parallel_loop3A_102 = arith.constant 0.000000e+00 : f32
      %parallel_loop3A_103 = vector.broadcast %parallel_loop3A_102 : f32 to vector<16xf32>
      %parallel_loop3A_104 = arith.index_cast %parallel_loop3A_81 : i32 to index
      %parallel_loop3A_105 = arith.constant 64 : index
      %parallel_loop3A_106 = tpu.vector_load %arg16[%parallel_loop3A_104, %parallel_loop3A_105] {strides = array<i32>} : memref<64x144xf32, #tpu.memory_space<vmem>>, vector<16xf32>,
      tpu.vector_store %arg16[%parallel_loop3A_104, %parallel_loop3A_105], %parallel_loop3A_103 {strides = array<i32>} : memref<64x144xf32, #tpu.memory_space<vmem>>, vector<16xf32>,
      %parallel_loop3A_107 = arith.constant 0.000000e+00 : f32
      %parallel_loop3A_108 = vector.broadcast %parallel_loop3A_107 : f32 to vector<16xf32>
      %parallel_loop3A_109 = arith.index_cast %parallel_loop3A_81 : i32 to index
      %parallel_loop3A_110 = arith.constant 80 : index
      %parallel_loop3A_111 = tpu.vector_load %arg16[%parallel_loop3A_109, %parallel_loop3A_110] {strides = array<i32>} : memref<64x144xf32, #tpu.memory_space<vmem>>, vector<16xf32>,
      tpu.vector_store %arg16[%parallel_loop3A_109, %parallel_loop3A_110], %parallel_loop3A_108 {strides = array<i32>} : memref<64x144xf32, #tpu.memory_space<vmem>>, vector<16xf32>,
      %parallel_loop3A_112 = arith.constant 0.000000e+00 : f32
      %parallel_loop3A_113 = vector.broadcast %parallel_loop3A_112 : f32 to vector<16xf32>
      %parallel_loop3A_114 = arith.index_cast %parallel_loop3A_81 : i32 to index
      %parallel_loop3A_115 = arith.constant 96 : index
      %parallel_loop3A_116 = tpu.vector_load %arg16[%parallel_loop3A_114, %parallel_loop3A_115] {strides = array<i32>} : memref<64x144xf32, #tpu.memory_space<vmem>>, vector<16xf32>,
      tpu.vector_store %arg16[%parallel_loop3A_114, %parallel_loop3A_115], %parallel_loop3A_113 {strides = array<i32>} : memref<64x144xf32, #tpu.memory_space<vmem>>, vector<16xf32>,
      %parallel_loop3A_117 = arith.constant 0.000000e+00 : f32
      %parallel_loop3A_118 = vector.broadcast %parallel_loop3A_117 : f32 to vector<16xf32>
      %parallel_loop3A_119 = arith.index_cast %parallel_loop3A_81 : i32 to index
      %parallel_loop3A_120 = arith.constant 112 : index
      %parallel_loop3A_121 = tpu.vector_load %arg16[%parallel_loop3A_119, %parallel_loop3A_120] {strides = array<i32>} : memref<64x144xf32, #tpu.memory_space<vmem>>, vector<16xf32>,
      tpu.vector_store %arg16[%parallel_loop3A_119, %parallel_loop3A_120], %parallel_loop3A_118 {strides = array<i32>} : memref<64x144xf32, #tpu.memory_space<vmem>>, vector<16xf32>,
      %parallel_loop3A_122 = arith.constant 0.000000e+00 : f32
      %parallel_loop3A_123 = vector.broadcast %parallel_loop3A_122 : f32 to vector<16xf32>
      %parallel_loop3A_124 = arith.index_cast %parallel_loop3A_81 : i32 to index
      %parallel_loop3A_125 = arith.constant 128 : index
      %parallel_loop3A_126 = tpu.vector_load %arg16[%parallel_loop3A_124, %parallel_loop3A_125] {strides = array<i32>} : memref<64x144xf32, #tpu.memory_space<vmem>>, vector<16xf32>,
      tpu.vector_store %arg16[%parallel_loop3A_124, %parallel_loop3A_125], %parallel_loop3A_123 {strides = array<i32>} : memref<64x144xf32, #tpu.memory_space<vmem>>, vector<16xf32>,
    } {sc.loop_unroll_factor = 4 : i64, sc.parallel_access}
    %add3A_5 = arith.constant 0 : i32
    %add3A_6 = arith.addi %mul3A_2, %add3A_5 : i32
    "tpu.region"() ({
      %run_scoped3A = tpu.sem_alloc : memref<!tpu.dma_semaphore, #tpu.memory_space<semaphore_mem>>
      %dma_start3A_81 = arith.constant 0 : i32
      %dma_start3A_82 = tpu.memref_slice %arg7[%add3A_6, %dma_start3A_81] : memref<10000x144xf32, #tpu.memory_space<vmem_shared>> -> memref<64x144xf32, #tpu.memory_space<vmem_shared>>
      %dma_start3A_83 = arith.constant 0 : i32
      %dma_start3A_84 = tpu.memref_slice %arg7[%add3A_6, %dma_start3A_83] : memref<10000x144xf32, #tpu.memory_space<vmem_shared>> -> memref<64x144xf32, #tpu.memory_space<vmem_shared>>
      tpu.enqueue_dma source(%arg16 : memref<64x144xf32, #tpu.memory_space<vmem>>) target(%dma_start3A_84 : memref<64x144xf32, #tpu.memory_space<vmem_shared>>) target_semaphore(%run_scoped3A : memref<!tpu.dma_semaphore, #tpu.memory_space<semaphore_mem>>)
      %dma_wait3A_85 = arith.constant 0 : i32
      %dma_wait3A_86 = tpu.memref_slice %arg7[%add3A_6, %dma_wait3A_85] : memref<10000x144xf32, #tpu.memory_space<vmem_shared>> -> memref<64x144xf32, #tpu.memory_space<vmem_shared>>
      %dma_wait3A_87 = arith.constant 0 : i32
      %dma_wait3A_88 = tpu.memref_slice %arg7[%add3A_6, %dma_wait3A_87] : memref<10000x144xf32, #tpu.memory_space<vmem_shared>> -> memref<64x144xf32, #tpu.memory_space<vmem_shared>>
      tpu.wait_dma2 semaphore(%run_scoped3A : memref<!tpu.dma_semaphore, #tpu.memory_space<semaphore_mem>>) src(%arg16 : memref<64x144xf32, #tpu.memory_space<vmem>>) dst(%dma_wait3A_88 : memref<64x144xf32, #tpu.memory_space<vmem_shared>>)
      tpu.yield
    }) : () -> ()
    %add3A_7 = arith.constant 64 : i32
    %add3A_8 = arith.addi %mul3A_2, %add3A_7 : i32
    "tpu.region"() ({
      %run_scoped3A = tpu.sem_alloc : memref<!tpu.dma_semaphore, #tpu.memory_space<semaphore_mem>>
      %dma_start3A_81 = arith.constant 0 : i32
      %dma_start3A_82 = tpu.memref_slice %arg7[%add3A_8, %dma_start3A_81] : memref<10000x144xf32, #tpu.memory_space<vmem_shared>> -> memref<64x144xf32, #tpu.memory_space<vmem_shared>>
      %dma_start3A_83 = arith.constant 0 : i32
      %dma_start3A_84 = tpu.memref_slice %arg7[%add3A_8, %dma_start3A_83] : memref<10000x144xf32, #tpu.memory_space<vmem_shared>> -> memref<64x144xf32, #tpu.memory_space<vmem_shared>>
      tpu.enqueue_dma source(%arg16 : memref<64x144xf32, #tpu.memory_space<vmem>>) target(%dma_start3A_84 : memref<64x144xf32, #tpu.memory_space<vmem_shared>>) target_semaphore(%run_scoped3A : memref<!tpu.dma_semaphore, #tpu.memory_space<semaphore_mem>>)
      %dma_wait3A_85 = arith.constant 0 : i32
      %dma_wait3A_86 = tpu.memref_slice %arg7[%add3A_8, %dma_wait3A_85] : memref<10000x144xf32, #tpu.memory_space<vmem_shared>> -> memref<64x144xf32, #tpu.memory_space<vmem_shared>>
      %dma_wait3A_87 = arith.constant 0 : i32
      %dma_wait3A_88 = tpu.memref_slice %arg7[%add3A_8, %dma_wait3A_87] : memref<10000x144xf32, #tpu.memory_space<vmem_shared>> -> memref<64x144xf32, #tpu.memory_space<vmem_shared>>
      tpu.wait_dma2 semaphore(%run_scoped3A : memref<!tpu.dma_semaphore, #tpu.memory_space<semaphore_mem>>) src(%arg16 : memref<64x144xf32, #tpu.memory_space<vmem>>) dst(%dma_wait3A_88 : memref<64x144xf32, #tpu.memory_space<vmem_shared>>)
      tpu.yield
    }) : () -> ()
    %add3A_9 = arith.constant 128 : i32
    %add3A_10 = arith.addi %mul3A_2, %add3A_9 : i32
    "tpu.region"() ({
      %run_scoped3A = tpu.sem_alloc : memref<!tpu.dma_semaphore, #tpu.memory_space<semaphore_mem>>
      %dma_start3A_81 = arith.constant 0 : i32
      %dma_start3A_82 = tpu.memref_slice %arg7[%add3A_10, %dma_start3A_81] : memref<10000x144xf32, #tpu.memory_space<vmem_shared>> -> memref<64x144xf32, #tpu.memory_space<vmem_shared>>
      %dma_start3A_83 = arith.constant 0 : i32
      %dma_start3A_84 = tpu.memref_slice %arg7[%add3A_10, %dma_start3A_83] : memref<10000x144xf32, #tpu.memory_space<vmem_shared>> -> memref<64x144xf32, #tpu.memory_space<vmem_shared>>
      tpu.enqueue_dma source(%arg16 : memref<64x144xf32, #tpu.memory_space<vmem>>) target(%dma_start3A_84 : memref<64x144xf32, #tpu.memory_space<vmem_shared>>) target_semaphore(%run_scoped3A : memref<!tpu.dma_semaphore, #tpu.memory_space<semaphore_mem>>)
      %dma_wait3A_85 = arith.constant 0 : i32
      %dma_wait3A_86 = tpu.memref_slice %arg7[%add3A_10, %dma_wait3A_85] : memref<10000x144xf32, #tpu.memory_space<vmem_shared>> -> memref<64x144xf32, #tpu.memory_space<vmem_shared>>
      %dma_wait3A_87 = arith.constant 0 : i32
      %dma_wait3A_88 = tpu.memref_slice %arg7[%add3A_10, %dma_wait3A_87] : memref<10000x144xf32, #tpu.memory_space<vmem_shared>> -> memref<64x144xf32, #tpu.memory_space<vmem_shared>>
      tpu.wait_dma2 semaphore(%run_scoped3A : memref<!tpu.dma_semaphore, #tpu.memory_space<semaphore_mem>>) src(%arg16 : memref<64x144xf32, #tpu.memory_space<vmem>>) dst(%dma_wait3A_88 : memref<64x144xf32, #tpu.memory_space<vmem_shared>>)
      tpu.yield
    }) : () -> ()
    %add3A_11 = arith.constant 192 : i32
    %add3A_12 = arith.addi %mul3A_2, %add3A_11 : i32
    "tpu.region"() ({
      %run_scoped3A = tpu.sem_alloc : memref<!tpu.dma_semaphore, #tpu.memory_space<semaphore_mem>>
      %dma_start3A_81 = arith.constant 0 : i32
      %dma_start3A_82 = tpu.memref_slice %arg7[%add3A_12, %dma_start3A_81] : memref<10000x144xf32, #tpu.memory_space<vmem_shared>> -> memref<64x144xf32, #tpu.memory_space<vmem_shared>>
      %dma_start3A_83 = arith.constant 0 : i32
      %dma_start3A_84 = tpu.memref_slice %arg7[%add3A_12, %dma_start3A_83] : memref<10000x144xf32, #tpu.memory_space<vmem_shared>> -> memref<64x144xf32, #tpu.memory_space<vmem_shared>>
      tpu.enqueue_dma source(%arg16 : memref<64x144xf32, #tpu.memory_space<vmem>>) target(%dma_start3A_84 : memref<64x144xf32, #tpu.memory_space<vmem_shared>>) target_semaphore(%run_scoped3A : memref<!tpu.dma_semaphore, #tpu.memory_space<semaphore_mem>>)
      %dma_wait3A_85 = arith.constant 0 : i32
      %dma_wait3A_86 = tpu.memref_slice %arg7[%add3A_12, %dma_wait3A_85] : memref<10000x144xf32, #tpu.memory_space<vmem_shared>> -> memref<64x144xf32, #tpu.memory_space<vmem_shared>>
      %dma_wait3A_87 = arith.constant 0 : i32
      %dma_wait3A_88 = tpu.memref_slice %arg7[%add3A_12, %dma_wait3A_87] : memref<10000x144xf32, #tpu.memory_space<vmem_shared>> -> memref<64x144xf32, #tpu.memory_space<vmem_shared>>
      tpu.wait_dma2 semaphore(%run_scoped3A : memref<!tpu.dma_semaphore, #tpu.memory_space<semaphore_mem>>) src(%arg16 : memref<64x144xf32, #tpu.memory_space<vmem>>) dst(%dma_wait3A_88 : memref<64x144xf32, #tpu.memory_space<vmem_shared>>)
      tpu.yield
    }) : () -> ()
    %add3A_13 = arith.constant 256 : i32
    %add3A_14 = arith.addi %mul3A_2, %add3A_13 : i32
    "tpu.region"() ({
      %run_scoped3A = tpu.sem_alloc : memref<!tpu.dma_semaphore, #tpu.memory_space<semaphore_mem>>
      %dma_start3A_81 = arith.constant 0 : i32
      %dma_start3A_82 = tpu.memref_slice %arg7[%add3A_14, %dma_start3A_81] : memref<10000x144xf32, #tpu.memory_space<vmem_shared>> -> memref<64x144xf32, #tpu.memory_space<vmem_shared>>
      %dma_start3A_83 = arith.constant 0 : i32
      %dma_start3A_84 = tpu.memref_slice %arg7[%add3A_14, %dma_start3A_83] : memref<10000x144xf32, #tpu.memory_space<vmem_shared>> -> memref<64x144xf32, #tpu.memory_space<vmem_shared>>
      tpu.enqueue_dma source(%arg16 : memref<64x144xf32, #tpu.memory_space<vmem>>) target(%dma_start3A_84 : memref<64x144xf32, #tpu.memory_space<vmem_shared>>) target_semaphore(%run_scoped3A : memref<!tpu.dma_semaphore, #tpu.memory_space<semaphore_mem>>)
      %dma_wait3A_85 = arith.constant 0 : i32
      %dma_wait3A_86 = tpu.memref_slice %arg7[%add3A_14, %dma_wait3A_85] : memref<10000x144xf32, #tpu.memory_space<vmem_shared>> -> memref<64x144xf32, #tpu.memory_space<vmem_shared>>
      %dma_wait3A_87 = arith.constant 0 : i32
      %dma_wait3A_88 = tpu.memref_slice %arg7[%add3A_14, %dma_wait3A_87] : memref<10000x144xf32, #tpu.memory_space<vmem_shared>> -> memref<64x144xf32, #tpu.memory_space<vmem_shared>>
      tpu.wait_dma2 semaphore(%run_scoped3A : memref<!tpu.dma_semaphore, #tpu.memory_space<semaphore_mem>>) src(%arg16 : memref<64x144xf32, #tpu.memory_space<vmem>>) dst(%dma_wait3A_88 : memref<64x144xf32, #tpu.memory_space<vmem_shared>>)
      tpu.yield
    }) : () -> ()
    %add3A_15 = arith.constant 320 : i32
    %add3A_16 = arith.addi %mul3A_2, %add3A_15 : i32
    "tpu.region"() ({
      %run_scoped3A = tpu.sem_alloc : memref<!tpu.dma_semaphore, #tpu.memory_space<semaphore_mem>>
      %dma_start3A_81 = arith.constant 0 : i32
      %dma_start3A_82 = tpu.memref_slice %arg7[%add3A_16, %dma_start3A_81] : memref<10000x144xf32, #tpu.memory_space<vmem_shared>> -> memref<64x144xf32, #tpu.memory_space<vmem_shared>>
      %dma_start3A_83 = arith.constant 0 : i32
      %dma_start3A_84 = tpu.memref_slice %arg7[%add3A_16, %dma_start3A_83] : memref<10000x144xf32, #tpu.memory_space<vmem_shared>> -> memref<64x144xf32, #tpu.memory_space<vmem_shared>>
      tpu.enqueue_dma source(%arg16 : memref<64x144xf32, #tpu.memory_space<vmem>>) target(%dma_start3A_84 : memref<64x144xf32, #tpu.memory_space<vmem_shared>>) target_semaphore(%run_scoped3A : memref<!tpu.dma_semaphore, #tpu.memory_space<semaphore_mem>>)
      %dma_wait3A_85 = arith.constant 0 : i32
      %dma_wait3A_86 = tpu.memref_slice %arg7[%add3A_16, %dma_wait3A_85] : memref<10000x144xf32, #tpu.memory_space<vmem_shared>> -> memref<64x144xf32, #tpu.memory_space<vmem_shared>>
      %dma_wait3A_87 = arith.constant 0 : i32
      %dma_wait3A_88 = tpu.memref_slice %arg7[%add3A_16, %dma_wait3A_87] : memref<10000x144xf32, #tpu.memory_space<vmem_shared>> -> memref<64x144xf32, #tpu.memory_space<vmem_shared>>
      tpu.wait_dma2 semaphore(%run_scoped3A : memref<!tpu.dma_semaphore, #tpu.memory_space<semaphore_mem>>) src(%arg16 : memref<64x144xf32, #tpu.memory_space<vmem>>) dst(%dma_wait3A_88 : memref<64x144xf32, #tpu.memory_space<vmem_shared>>)
      tpu.yield
    }) : () -> ()
    %add3A_17 = arith.constant 384 : i32
    %add3A_18 = arith.addi %mul3A_2, %add3A_17 : i32
    "tpu.region"() ({
      %run_scoped3A = tpu.sem_alloc : memref<!tpu.dma_semaphore, #tpu.memory_space<semaphore_mem>>
      %dma_start3A_81 = arith.constant 0 : i32
      %dma_start3A_82 = tpu.memref_slice %arg7[%add3A_18, %dma_start3A_81] : memref<10000x144xf32, #tpu.memory_space<vmem_shared>> -> memref<64x144xf32, #tpu.memory_space<vmem_shared>>
      %dma_start3A_83 = arith.constant 0 : i32
      %dma_start3A_84 = tpu.memref_slice %arg7[%add3A_18, %dma_start3A_83] : memref<10000x144xf32, #tpu.memory_space<vmem_shared>> -> memref<64x144xf32, #tpu.memory_space<vmem_shared>>
      tpu.enqueue_dma source(%arg16 : memref<64x144xf32, #tpu.memory_space<vmem>>) target(%dma_start3A_84 : memref<64x144xf32, #tpu.memory_space<vmem_shared>>) target_semaphore(%run_scoped3A : memref<!tpu.dma_semaphore, #tpu.memory_space<semaphore_mem>>)
      %dma_wait3A_85 = arith.constant 0 : i32
      %dma_wait3A_86 = tpu.memref_slice %arg7[%add3A_18, %dma_wait3A_85] : memref<10000x144xf32, #tpu.memory_space<vmem_shared>> -> memref<64x144xf32, #tpu.memory_space<vmem_shared>>
      %dma_wait3A_87 = arith.constant 0 : i32
      %dma_wait3A_88 = tpu.memref_slice %arg7[%add3A_18, %dma_wait3A_87] : memref<10000x144xf32, #tpu.memory_space<vmem_shared>> -> memref<64x144xf32, #tpu.memory_space<vmem_shared>>
      tpu.wait_dma2 semaphore(%run_scoped3A : memref<!tpu.dma_semaphore, #tpu.memory_space<semaphore_mem>>) src(%arg16 : memref<64x144xf32, #tpu.memory_space<vmem>>) dst(%dma_wait3A_88 : memref<64x144xf32, #tpu.memory_space<vmem_shared>>)
      tpu.yield
    }) : () -> ()
    %add3A_19 = arith.constant 448 : i32
    %add3A_20 = arith.addi %mul3A_2, %add3A_19 : i32
    "tpu.region"() ({
      %run_scoped3A = tpu.sem_alloc : memref<!tpu.dma_semaphore, #tpu.memory_space<semaphore_mem>>
      %dma_start3A_81 = arith.constant 0 : i32
      %dma_start3A_82 = tpu.memref_slice %arg7[%add3A_20, %dma_start3A_81] : memref<10000x144xf32, #tpu.memory_space<vmem_shared>> -> memref<64x144xf32, #tpu.memory_space<vmem_shared>>
      %dma_start3A_83 = arith.constant 0 : i32
      %dma_start3A_84 = tpu.memref_slice %arg7[%add3A_20, %dma_start3A_83] : memref<10000x144xf32, #tpu.memory_space<vmem_shared>> -> memref<64x144xf32, #tpu.memory_space<vmem_shared>>
      tpu.enqueue_dma source(%arg16 : memref<64x144xf32, #tpu.memory_space<vmem>>) target(%dma_start3A_84 : memref<64x144xf32, #tpu.memory_space<vmem_shared>>) target_semaphore(%run_scoped3A : memref<!tpu.dma_semaphore, #tpu.memory_space<semaphore_mem>>)
      %dma_wait3A_85 = arith.constant 0 : i32
      %dma_wait3A_86 = tpu.memref_slice %arg7[%add3A_20, %dma_wait3A_85] : memref<10000x144xf32, #tpu.memory_space<vmem_shared>> -> memref<64x144xf32, #tpu.memory_space<vmem_shared>>
      %dma_wait3A_87 = arith.constant 0 : i32
      %dma_wait3A_88 = tpu.memref_slice %arg7[%add3A_20, %dma_wait3A_87] : memref<10000x144xf32, #tpu.memory_space<vmem_shared>> -> memref<64x144xf32, #tpu.memory_space<vmem_shared>>
      tpu.wait_dma2 semaphore(%run_scoped3A : memref<!tpu.dma_semaphore, #tpu.memory_space<semaphore_mem>>) src(%arg16 : memref<64x144xf32, #tpu.memory_space<vmem>>) dst(%dma_wait3A_88 : memref<64x144xf32, #tpu.memory_space<vmem_shared>>)
      tpu.yield
    }) : () -> ()
    %add3A_21 = arith.constant 512 : i32
    %add3A_22 = arith.addi %mul3A_2, %add3A_21 : i32
    "tpu.region"() ({
      %run_scoped3A = tpu.sem_alloc : memref<!tpu.dma_semaphore, #tpu.memory_space<semaphore_mem>>
      %dma_start3A_81 = arith.constant 0 : i32
      %dma_start3A_82 = tpu.memref_slice %arg7[%add3A_22, %dma_start3A_81] : memref<10000x144xf32, #tpu.memory_space<vmem_shared>> -> memref<64x144xf32, #tpu.memory_space<vmem_shared>>
      %dma_start3A_83 = arith.constant 0 : i32
      %dma_start3A_84 = tpu.memref_slice %arg7[%add3A_22, %dma_start3A_83] : memref<10000x144xf32, #tpu.memory_space<vmem_shared>> -> memref<64x144xf32, #tpu.memory_space<vmem_shared>>
      tpu.enqueue_dma source(%arg16 : memref<64x144xf32, #tpu.memory_space<vmem>>) target(%dma_start3A_84 : memref<64x144xf32, #tpu.memory_space<vmem_shared>>) target_semaphore(%run_scoped3A : memref<!tpu.dma_semaphore, #tpu.memory_space<semaphore_mem>>)
      %dma_wait3A_85 = arith.constant 0 : i32
      %dma_wait3A_86 = tpu.memref_slice %arg7[%add3A_22, %dma_wait3A_85] : memref<10000x144xf32, #tpu.memory_space<vmem_shared>> -> memref<64x144xf32, #tpu.memory_space<vmem_shared>>
      %dma_wait3A_87 = arith.constant 0 : i32
      %dma_wait3A_88 = tpu.memref_slice %arg7[%add3A_22, %dma_wait3A_87] : memref<10000x144xf32, #tpu.memory_space<vmem_shared>> -> memref<64x144xf32, #tpu.memory_space<vmem_shared>>
      tpu.wait_dma2 semaphore(%run_scoped3A : memref<!tpu.dma_semaphore, #tpu.memory_space<semaphore_mem>>) src(%arg16 : memref<64x144xf32, #tpu.memory_space<vmem>>) dst(%dma_wait3A_88 : memref<64x144xf32, #tpu.memory_space<vmem_shared>>)
      tpu.yield
    }) : () -> ()
    %add3A_23 = arith.constant 576 : i32
    %add3A_24 = arith.addi %mul3A_2, %add3A_23 : i32
    "tpu.region"() ({
      %run_scoped3A = tpu.sem_alloc : memref<!tpu.dma_semaphore, #tpu.memory_space<semaphore_mem>>
      %dma_start3A_81 = arith.constant 0 : i32
      %dma_start3A_82 = arith.constant 0 : i32
      %dma_start3A_83 = tpu.memref_slice %arg16[%dma_start3A_81, %dma_start3A_82] : memref<64x144xf32, #tpu.memory_space<vmem>> -> memref<49x144xf32, #tpu.memory_space<vmem>>
      %dma_start3A_84 = arith.constant 0 : i32
      %dma_start3A_85 = tpu.memref_slice %arg7[%add3A_24, %dma_start3A_84] : memref<10000x144xf32, #tpu.memory_space<vmem_shared>> -> memref<49x144xf32, #tpu.memory_space<vmem_shared>>
      %dma_start3A_86 = arith.constant 0 : i32
      %dma_start3A_87 = tpu.memref_slice %arg7[%add3A_24, %dma_start3A_86] : memref<10000x144xf32, #tpu.memory_space<vmem_shared>> -> memref<49x144xf32, #tpu.memory_space<vmem_shared>>
      %dma_start3A_88 = arith.constant 0 : i32
      %dma_start3A_89 = arith.constant 0 : i32
      %dma_start3A_90 = tpu.memref_slice %arg16[%dma_start3A_88, %dma_start3A_89] : memref<64x144xf32, #tpu.memory_space<vmem>> -> memref<49x144xf32, #tpu.memory_space<vmem>>
      tpu.enqueue_dma source(%dma_start3A_90 : memref<49x144xf32, #tpu.memory_space<vmem>>) target(%dma_start3A_87 : memref<49x144xf32, #tpu.memory_space<vmem_shared>>) target_semaphore(%run_scoped3A : memref<!tpu.dma_semaphore, #tpu.memory_space<semaphore_mem>>)
      %dma_wait3A_91 = arith.constant 0 : i32
      %dma_wait3A_92 = arith.constant 0 : i32
      %dma_wait3A_93 = tpu.memref_slice %arg16[%dma_wait3A_91, %dma_wait3A_92] : memref<64x144xf32, #tpu.memory_space<vmem>> -> memref<49x144xf32, #tpu.memory_space<vmem>>
      %dma_wait3A_94 = arith.constant 0 : i32
      %dma_wait3A_95 = tpu.memref_slice %arg7[%add3A_24, %dma_wait3A_94] : memref<10000x144xf32, #tpu.memory_space<vmem_shared>> -> memref<49x144xf32, #tpu.memory_space<vmem_shared>>
      %dma_wait3A_96 = arith.constant 0 : i32
      %dma_wait3A_97 = tpu.memref_slice %arg7[%add3A_24, %dma_wait3A_96] : memref<10000x144xf32, #tpu.memory_space<vmem_shared>> -> memref<49x144xf32, #tpu.memory_space<vmem_shared>>
      %dma_wait3A_98 = arith.constant 0 : i32
      %dma_wait3A_99 = arith.constant 0 : i32
      %dma_wait3A_100 = tpu.memref_slice %arg16[%dma_wait3A_98, %dma_wait3A_99] : memref<64x144xf32, #tpu.memory_space<vmem>> -> memref<49x144xf32, #tpu.memory_space<vmem>>
      tpu.wait_dma2 semaphore(%run_scoped3A : memref<!tpu.dma_semaphore, #tpu.memory_space<semaphore_mem>>) src(%dma_wait3A_100 : memref<49x144xf32, #tpu.memory_space<vmem>>) dst(%dma_wait3A_97 : memref<49x144xf32, #tpu.memory_space<vmem_shared>>)
      tpu.yield
    }) : () -> ()
    %barrier3A = arith.constant 0 : index
    tpu.barrier barrier_id(%barrier3A)
    %get3A = arith.constant 0 : index
    %get3A_25 = tpu.vector_load %arg9[%get3A] {strides = array<i32>} : memref<16xf32, #tpu.memory_space<vmem>>, vector<16xf32>,
    %get3A_26 = arith.constant 0 : index
    %get3A_27 = tpu.vector_load %arg10[%get3A_26] {strides = array<i32>} : memref<10112xi32, #tpu.memory_space<vmem>>, vector<16xi32>,
    %and3A = arith.constant 65535 : i32
    %and3A_28 = vector.broadcast %and3A : i32 to vector<16xi32>
    %and3A_29 = arith.andi %get3A_27, %and3A_28 : vector<16xi32>
    %swap3A = arith.constant 0 : index
    %swap3A_30 = tpu.vector_load %arg11[%swap3A] {strides = array<i32>} : memref<64xi32, #tpu.memory_space<vmem>>, vector<16xi32>,
    tpu.vector_store %arg11[%swap3A], %and3A_29 {strides = array<i32>} : memref<64xi32, #tpu.memory_space<vmem>>, vector<16xi32>,
    %shift_right_logical3A = arith.constant 16 : i32
    %shift_right_logical3A_31 = vector.broadcast %shift_right_logical3A : i32 to vector<16xi32>
    %shift_right_logical3A_32 = arith.shrui %get3A_27, %shift_right_logical3A_31 : vector<16xi32>
    %swap3A_33 = arith.constant 0 : index
    %swap3A_34 = tpu.vector_load %arg13[%swap3A_33] {strides = array<i32>} : memref<64xi32, #tpu.memory_space<vmem>>, vector<16xi32>,
    tpu.vector_store %arg13[%swap3A_33], %shift_right_logical3A_32 {strides = array<i32>} : memref<64xi32, #tpu.memory_space<vmem>>, vector<16xi32>,
    %get3A_35 = arith.constant 16 : index
    %get3A_36 = tpu.vector_load %arg10[%get3A_35] {strides = array<i32>} : memref<10112xi32, #tpu.memory_space<vmem>>, vector<16xi32>,
    %and3A_37 = arith.constant 65535 : i32
    %and3A_38 = vector.broadcast %and3A_37 : i32 to vector<16xi32>
    %and3A_39 = arith.andi %get3A_36, %and3A_38 : vector<16xi32>
    %swap3A_40 = arith.constant 16 : index
    %swap3A_41 = tpu.vector_load %arg11[%swap3A_40] {strides = array<i32>} : memref<64xi32, #tpu.memory_space<vmem>>, vector<16xi32>,
    tpu.vector_store %arg11[%swap3A_40], %and3A_39 {strides = array<i32>} : memref<64xi32, #tpu.memory_space<vmem>>, vector<16xi32>,
    %shift_right_logical3A_42 = arith.constant 16 : i32
    %shift_right_logical3A_43 = vector.broadcast %shift_right_logical3A_42 : i32 to vector<16xi32>
    %shift_right_logical3A_44 = arith.shrui %get3A_36, %shift_right_logical3A_43 : vector<16xi32>
    %swap3A_45 = arith.constant 16 : index
    %swap3A_46 = tpu.vector_load %arg13[%swap3A_45] {strides = array<i32>} : memref<64xi32, #tpu.memory_space<vmem>>, vector<16xi32>,
    tpu.vector_store %arg13[%swap3A_45], %shift_right_logical3A_44 {strides = array<i32>} : memref<64xi32, #tpu.memory_space<vmem>>, vector<16xi32>,
    %get3A_47 = arith.constant 32 : index
    %get3A_48 = tpu.vector_load %arg10[%get3A_47] {strides = array<i32>} : memref<10112xi32, #tpu.memory_space<vmem>>, vector<16xi32>,
    %and3A_49 = arith.constant 65535 : i32
    %and3A_50 = vector.broadcast %and3A_49 : i32 to vector<16xi32>
    %and3A_51 = arith.andi %get3A_48, %and3A_50 : vector<16xi32>
    %swap3A_52 = arith.constant 32 : index
    %swap3A_53 = tpu.vector_load %arg11[%swap3A_52] {strides = array<i32>} : memref<64xi32, #tpu.memory_space<vmem>>, vector<16xi32>,
    tpu.vector_store %arg11[%swap3A_52], %and3A_51 {strides = array<i32>} : memref<64xi32, #tpu.memory_space<vmem>>, vector<16xi32>,
    %shift_right_logical3A_54 = arith.constant 16 : i32
    %shift_right_logical3A_55 = vector.broadcast %shift_right_logical3A_54 : i32 to vector<16xi32>
    %shift_right_logical3A_56 = arith.shrui %get3A_48, %shift_right_logical3A_55 : vector<16xi32>
    %swap3A_57 = arith.constant 32 : index
    %swap3A_58 = tpu.vector_load %arg13[%swap3A_57] {strides = array<i32>} : memref<64xi32, #tpu.memory_space<vmem>>, vector<16xi32>,
    tpu.vector_store %arg13[%swap3A_57], %shift_right_logical3A_56 {strides = array<i32>} : memref<64xi32, #tpu.memory_space<vmem>>, vector<16xi32>,
    %get3A_59 = arith.constant 48 : index
    %get3A_60 = tpu.vector_load %arg10[%get3A_59] {strides = array<i32>} : memref<10112xi32, #tpu.memory_space<vmem>>, vector<16xi32>,
    %and3A_61 = arith.constant 65535 : i32
    %and3A_62 = vector.broadcast %and3A_61 : i32 to vector<16xi32>
    %and3A_63 = arith.andi %get3A_60, %and3A_62 : vector<16xi32>
    %swap3A_64 = arith.constant 48 : index
    %swap3A_65 = tpu.vector_load %arg11[%swap3A_64] {strides = array<i32>} : memref<64xi32, #tpu.memory_space<vmem>>, vector<16xi32>,
    tpu.vector_store %arg11[%swap3A_64], %and3A_63 {strides = array<i32>} : memref<64xi32, #tpu.memory_space<vmem>>, vector<16xi32>,
    %shift_right_logical3A_66 = arith.constant 16 : i32
    %shift_right_logical3A_67 = vector.broadcast %shift_right_logical3A_66 : i32 to vector<16xi32>
    %shift_right_logical3A_68 = arith.shrui %get3A_60, %shift_right_logical3A_67 : vector<16xi32>
    %swap3A_69 = arith.constant 48 : index
    %swap3A_70 = tpu.vector_load %arg13[%swap3A_69] {strides = array<i32>} : memref<64xi32, #tpu.memory_space<vmem>>, vector<16xi32>,
    tpu.vector_store %arg13[%swap3A_69], %shift_right_logical3A_68 {strides = array<i32>} : memref<64xi32, #tpu.memory_space<vmem>>, vector<16xi32>,
    %dma_start3A = arith.constant 0 : i32
    %dma_start3A_71 = arith.constant 0 : i32
    %dma_start3A_72 = tpu.memref_slice %arg2[%dma_start3A, %dma_start3A_71] : memref<10000x144xf32, #tpu.memory_space<hbm>> -> memref<10000x144xf32, #tpu.memory_space<hbm>>
    tpu.enqueue_indirect_dma source(%dma_start3A_72 : memref<10000x144xf32, #tpu.memory_space<hbm>>) target(%arg16 : memref<64x144xf32, #tpu.memory_space<vmem>>) offsets(%arg11 : memref<64xi32, #tpu.memory_space<vmem>>) semaphore(%arg18 : memref<!tpu.dma_semaphore, #tpu.memory_space<semaphore_mem>>)
    %scan3A = arith.constant 0 : i32
    %scan3A_73 = arith.constant 0 : i32
    %scan3A_74 = arith.constant 79 : i32
    %scan3A_75 = arith.addi %scan3A_73, %scan3A_74 : i32
    %scan3A_76 = arith.constant 1 : i32
    scf.for %scan3A_81 = %scan3A_73 to %scan3A_75 step %scan3A_76  : i32 {
      %mul3A_82 = arith.constant 2 : i32
      %mul3A_83 = arith.muli %mul3A_82, %scan3A_81 : i32
      %add3A_84 = arith.constant 0 : i32
      %add3A_85 = arith.addi %mul3A_83, %add3A_84 : i32
      %dma_wait3A_86 = arith.constant 0 : i32
      %dma_wait3A_87 = arith.constant 0 : i32
      %dma_wait3A_88 = tpu.memref_slice %arg2[%dma_wait3A_86, %dma_wait3A_87] : memref<10000x144xf32, #tpu.memory_space<hbm>> -> memref<10000x144xf32, #tpu.memory_space<hbm>>
      tpu.wait_indirect_dma semaphore(%arg18 : memref<!tpu.dma_semaphore, #tpu.memory_space<semaphore_mem>>) src(%dma_wait3A_88 : memref<10000x144xf32, #tpu.memory_space<hbm>>) dst(%arg16 : memref<64x144xf32, #tpu.memory_space<vmem>>)
      %gt3A = arith.constant 0 : i32
      %gt3A_89 = arith.cmpi sgt, %add3A_85, %gt3A : i32
      %convert_element_type3A = arith.extui %gt3A_89 : i1 to i32
      %cond3A = arith.constant 0 : i32
      %cond3A_90 = arith.cmpi ne, %convert_element_type3A, %cond3A : i32
      scf.if %cond3A_90 {
        %dma_wait3A_408 = arith.constant 0 : i32
        %dma_wait3A_409 = arith.constant 0 : i32
        %dma_wait3A_410 = tpu.memref_slice %arg7[%dma_wait3A_408, %dma_wait3A_409] : memref<10000x144xf32, #tpu.memory_space<vmem_shared>> -> memref<10000x144xf32, #tpu.memory_space<vmem_shared>>
        tpu.wait_indirect_dma semaphore(%arg19 : memref<!tpu.dma_semaphore, #tpu.memory_space<semaphore_mem>>) src(%arg17 : memref<64x144xf32, #tpu.memory_space<vmem>>) dst(%dma_wait3A_410 : memref<10000x144xf32, #tpu.memory_space<vmem_shared>>)
      } else {
      }
      %add3A_91 = arith.constant 1 : i32
      %add3A_92 = arith.addi %add3A_85, %add3A_91 : i32
      %lt3A = arith.constant 158 : i32
      %lt3A_93 = arith.cmpi slt, %add3A_92, %lt3A : i32
      %convert_element_type3A_94 = arith.extui %lt3A_93 : i1 to i32
      %cond3A_95 = arith.constant 0 : i32
      %cond3A_96 = arith.cmpi ne, %convert_element_type3A_94, %cond3A_95 : i32
      scf.if %cond3A_96 {
        %add3A_408 = arith.constant 1 : i32
        %add3A_409 = arith.addi %add3A_85, %add3A_408 : i32
        %mul3A_410 = arith.constant 64 : i32
        %mul3A_411 = arith.muli %add3A_409, %mul3A_410 : i32
        %add3A_412 = arith.constant 0 : i32
        %add3A_413 = arith.addi %mul3A_411, %add3A_412 : i32
        %get3A_414 = arith.index_cast %add3A_413 : i32 to index
        %get3A_415 = tpu.vector_load %arg10[%get3A_414] {strides = array<i32>} : memref<10112xi32, #tpu.memory_space<vmem>>, vector<16xi32>,
        %and3A_416 = arith.constant 65535 : i32
        %and3A_417 = vector.broadcast %and3A_416 : i32 to vector<16xi32>
        %and3A_418 = arith.andi %get3A_415, %and3A_417 : vector<16xi32>
        %swap3A_419 = arith.constant 0 : index
        %swap3A_420 = tpu.vector_load %arg12[%swap3A_419] {strides = array<i32>} : memref<64xi32, #tpu.memory_space<vmem>>, vector<16xi32>,
        tpu.vector_store %arg12[%swap3A_419], %and3A_418 {strides = array<i32>} : memref<64xi32, #tpu.memory_space<vmem>>, vector<16xi32>,
        %shift_right_logical3A_421 = arith.constant 16 : i32
        %shift_right_logical3A_422 = vector.broadcast %shift_right_logical3A_421 : i32 to vector<16xi32>
        %shift_right_logical3A_423 = arith.shrui %get3A_415, %shift_right_logical3A_422 : vector<16xi32>
        %swap3A_424 = arith.constant 0 : index
        %swap3A_425 = tpu.vector_load %arg14[%swap3A_424] {strides = array<i32>} : memref<64xi32, #tpu.memory_space<vmem>>, vector<16xi32>,
        tpu.vector_store %arg14[%swap3A_424], %shift_right_logical3A_423 {strides = array<i32>} : memref<64xi32, #tpu.memory_space<vmem>>, vector<16xi32>,
        %mul3A_426 = arith.constant 64 : i32
        %mul3A_427 = arith.muli %add3A_409, %mul3A_426 : i32
        %add3A_428 = arith.constant 16 : i32
        %add3A_429 = arith.addi %mul3A_427, %add3A_428 : i32
        %get3A_430 = arith.index_cast %add3A_429 : i32 to index
        %get3A_431 = tpu.vector_load %arg10[%get3A_430] {strides = array<i32>} : memref<10112xi32, #tpu.memory_space<vmem>>, vector<16xi32>,
        %and3A_432 = arith.constant 65535 : i32
        %and3A_433 = vector.broadcast %and3A_432 : i32 to vector<16xi32>
        %and3A_434 = arith.andi %get3A_431, %and3A_433 : vector<16xi32>
        %swap3A_435 = arith.constant 16 : index
        %swap3A_436 = tpu.vector_load %arg12[%swap3A_435] {strides = array<i32>} : memref<64xi32, #tpu.memory_space<vmem>>, vector<16xi32>,
        tpu.vector_store %arg12[%swap3A_435], %and3A_434 {strides = array<i32>} : memref<64xi32, #tpu.memory_space<vmem>>, vector<16xi32>,
        %shift_right_logical3A_437 = arith.constant 16 : i32
        %shift_right_logical3A_438 = vector.broadcast %shift_right_logical3A_437 : i32 to vector<16xi32>
        %shift_right_logical3A_439 = arith.shrui %get3A_431, %shift_right_logical3A_438 : vector<16xi32>
        %swap3A_440 = arith.constant 16 : index
        %swap3A_441 = tpu.vector_load %arg14[%swap3A_440] {strides = array<i32>} : memref<64xi32, #tpu.memory_space<vmem>>, vector<16xi32>,
        tpu.vector_store %arg14[%swap3A_440], %shift_right_logical3A_439 {strides = array<i32>} : memref<64xi32, #tpu.memory_space<vmem>>, vector<16xi32>,
        %mul3A_442 = arith.constant 64 : i32
        %mul3A_443 = arith.muli %add3A_409, %mul3A_442 : i32
        %add3A_444 = arith.constant 32 : i32
        %add3A_445 = arith.addi %mul3A_443, %add3A_444 : i32
        %get3A_446 = arith.index_cast %add3A_445 : i32 to index
        %get3A_447 = tpu.vector_load %arg10[%get3A_446] {strides = array<i32>} : memref<10112xi32, #tpu.memory_space<vmem>>, vector<16xi32>,
        %and3A_448 = arith.constant 65535 : i32
        %and3A_449 = vector.broadcast %and3A_448 : i32 to vector<16xi32>
        %and3A_450 = arith.andi %get3A_447, %and3A_449 : vector<16xi32>
        %swap3A_451 = arith.constant 32 : index
        %swap3A_452 = tpu.vector_load %arg12[%swap3A_451] {strides = array<i32>} : memref<64xi32, #tpu.memory_space<vmem>>, vector<16xi32>,
        tpu.vector_store %arg12[%swap3A_451], %and3A_450 {strides = array<i32>} : memref<64xi32, #tpu.memory_space<vmem>>, vector<16xi32>,
        %shift_right_logical3A_453 = arith.constant 16 : i32
        %shift_right_logical3A_454 = vector.broadcast %shift_right_logical3A_453 : i32 to vector<16xi32>
        %shift_right_logical3A_455 = arith.shrui %get3A_447, %shift_right_logical3A_454 : vector<16xi32>
        %swap3A_456 = arith.constant 32 : index
        %swap3A_457 = tpu.vector_load %arg14[%swap3A_456] {strides = array<i32>} : memref<64xi32, #tpu.memory_space<vmem>>, vector<16xi32>,
        tpu.vector_store %arg14[%swap3A_456], %shift_right_logical3A_455 {strides = array<i32>} : memref<64xi32, #tpu.memory_space<vmem>>, vector<16xi32>,
        %mul3A_458 = arith.constant 64 : i32
        %mul3A_459 = arith.muli %add3A_409, %mul3A_458 : i32
        %add3A_460 = arith.constant 48 : i32
        %add3A_461 = arith.addi %mul3A_459, %add3A_460 : i32
        %get3A_462 = arith.index_cast %add3A_461 : i32 to index
        %get3A_463 = tpu.vector_load %arg10[%get3A_462] {strides = array<i32>} : memref<10112xi32, #tpu.memory_space<vmem>>, vector<16xi32>,
        %and3A_464 = arith.constant 65535 : i32
        %and3A_465 = vector.broadcast %and3A_464 : i32 to vector<16xi32>
        %and3A_466 = arith.andi %get3A_463, %and3A_465 : vector<16xi32>
        %swap3A_467 = arith.constant 48 : index
        %swap3A_468 = tpu.vector_load %arg12[%swap3A_467] {strides = array<i32>} : memref<64xi32, #tpu.memory_space<vmem>>, vector<16xi32>,
        tpu.vector_store %arg12[%swap3A_467], %and3A_466 {strides = array<i32>} : memref<64xi32, #tpu.memory_space<vmem>>, vector<16xi32>,
        %shift_right_logical3A_469 = arith.constant 16 : i32
        %shift_right_logical3A_470 = vector.broadcast %shift_right_logical3A_469 : i32 to vector<16xi32>
        %shift_right_logical3A_471 = arith.shrui %get3A_463, %shift_right_logical3A_470 : vector<16xi32>
        %swap3A_472 = arith.constant 48 : index
        %swap3A_473 = tpu.vector_load %arg14[%swap3A_472] {strides = array<i32>} : memref<64xi32, #tpu.memory_space<vmem>>, vector<16xi32>,
        tpu.vector_store %arg14[%swap3A_472], %shift_right_logical3A_471 {strides = array<i32>} : memref<64xi32, #tpu.memory_space<vmem>>, vector<16xi32>,
        %dma_start3A_474 = arith.constant 0 : i32
        %dma_start3A_475 = arith.constant 0 : i32
        %dma_start3A_476 = tpu.memref_slice %arg2[%dma_start3A_474, %dma_start3A_475] : memref<10000x144xf32, #tpu.memory_space<hbm>> -> memref<10000x144xf32, #tpu.memory_space<hbm>>
        tpu.enqueue_indirect_dma source(%dma_start3A_476 : memref<10000x144xf32, #tpu.memory_space<hbm>>) target(%arg17 : memref<64x144xf32, #tpu.memory_space<vmem>>) offsets(%arg12 : memref<64xi32, #tpu.memory_space<vmem>>) semaphore(%arg18 : memref<!tpu.dma_semaphore, #tpu.memory_space<semaphore_mem>>)
      } else {
      }
      %iota3A = tpu.iota {dimensions = array<i32: 0>} : vector<16xi32>
      %add3A_97 = arith.constant 0 : i32
      %add3A_98 = vector.broadcast %add3A_97 : i32 to vector<16xi32>
      %add3A_99 = arith.addi %iota3A, %add3A_98 : vector<16xi32>
      %broadcast_in_dim3A = arith.constant 129 : i32
      %broadcast_in_dim3A_100 = vector.broadcast %broadcast_in_dim3A : i32 to vector<16xi32>
      %gather3A = tpu.vector_load_idx %arg16[%add3A_99, %broadcast_in_dim3A_100] : memref<64x144xf32, #tpu.memory_space<vmem>>[vector<16xi32>, vector<16xi32>], vector<16xf32>,
      %get3A_101 = arith.constant 0 : index
      %get3A_102 = tpu.vector_load %arg13[%get3A_101] {strides = array<i32>} : memref<64xi32, #tpu.memory_space<vmem>>, vector<16xi32>,
      %gather3A_103 = tpu.vector_load_idx %arg8[%get3A_102] : memref<10000xf32, #tpu.memory_space<vmem>>[vector<16xi32>], vector<16xf32>,
      %add3A_104 = arith.addf %gather3A, %gather3A_103 : vector<16xf32>
      %mul3A_105 = arith.constant 2.000000e-01 : f32
      %mul3A_106 = vector.broadcast %mul3A_105 : f32 to vector<16xf32>
      %mul3A_107 = arith.mulf %mul3A_106, %add3A_104 : vector<16xf32>
      %max3A = arith.maximumf %add3A_104, %mul3A_107 : vector<16xf32>
      %add3A_108 = arith.addf %get3A_25, %gather3A_103 : vector<16xf32>
      %mul3A_109 = arith.constant 2.000000e-01 : f32
      %mul3A_110 = vector.broadcast %mul3A_109 : f32 to vector<16xf32>
      %mul3A_111 = arith.mulf %mul3A_110, %add3A_108 : vector<16xf32>
      %max3A_112 = arith.maximumf %add3A_108, %mul3A_111 : vector<16xf32>
      %sub3A = arith.subf %max3A, %max3A_112 : vector<16xf32>
      %exp3A = math.exp %sub3A : vector<16xf32>
      %mul3A_113 = arith.constant 64 : i32
      %mul3A_114 = arith.muli %add3A_85, %mul3A_113 : i32
      %add3A_115 = arith.constant 0 : i32
      %add3A_116 = arith.addi %mul3A_114, %add3A_115 : i32
      %add3A_117 = vector.broadcast %add3A_116 : i32 to vector<16xi32>
      %add3A_118 = arith.addi %add3A_117, %iota3A : vector<16xi32>
      %lt3A_119 = arith.constant 10000 : i32
      %lt3A_120 = vector.broadcast %lt3A_119 : i32 to vector<16xi32>
      %lt3A_121 = arith.cmpi slt, %add3A_118, %lt3A_120 : vector<16xi32>
      %jit3A = arith.constant 0.000000e+00 : f32
      %broadcast_in_dim3A_122 = vector.broadcast %jit3A : f32 to vector<16xf32>
      %select_n3A = arith.select %lt3A_121, %exp3A, %broadcast_in_dim3A_122 : vector<16xi1>, vector<16xf32>
      %swap3A_123 = arith.constant 0 : index
      %swap3A_124 = tpu.vector_load %arg15[%swap3A_123] {strides = array<i32>} : memref<64xf32, #tpu.memory_space<vmem>>, vector<16xf32>,
      tpu.vector_store %arg15[%swap3A_123], %select_n3A {strides = array<i32>} : memref<64xf32, #tpu.memory_space<vmem>>, vector<16xf32>,
      %iota3A_125 = tpu.iota {dimensions = array<i32: 0>} : vector<16xi32>
      %add3A_126 = arith.constant 16 : i32
      %add3A_127 = vector.broadcast %add3A_126 : i32 to vector<16xi32>
      %add3A_128 = arith.addi %iota3A_125, %add3A_127 : vector<16xi32>
      %broadcast_in_dim3A_129 = arith.constant 129 : i32
      %broadcast_in_dim3A_130 = vector.broadcast %broadcast_in_dim3A_129 : i32 to vector<16xi32>
      %gather3A_131 = tpu.vector_load_idx %arg16[%add3A_128, %broadcast_in_dim3A_130] : memref<64x144xf32, #tpu.memory_space<vmem>>[vector<16xi32>, vector<16xi32>], vector<16xf32>,
      %get3A_132 = arith.constant 16 : index
      %get3A_133 = tpu.vector_load %arg13[%get3A_132] {strides = array<i32>} : memref<64xi32, #tpu.memory_space<vmem>>, vector<16xi32>,
      %gather3A_134 = tpu.vector_load_idx %arg8[%get3A_133] : memref<10000xf32, #tpu.memory_space<vmem>>[vector<16xi32>], vector<16xf32>,
      %add3A_135 = arith.addf %gather3A_131, %gather3A_134 : vector<16xf32>
      %mul3A_136 = arith.constant 2.000000e-01 : f32
      %mul3A_137 = vector.broadcast %mul3A_136 : f32 to vector<16xf32>
      %mul3A_138 = arith.mulf %mul3A_137, %add3A_135 : vector<16xf32>
      %max3A_139 = arith.maximumf %add3A_135, %mul3A_138 : vector<16xf32>
      %add3A_140 = arith.addf %get3A_25, %gather3A_134 : vector<16xf32>
      %mul3A_141 = arith.constant 2.000000e-01 : f32
      %mul3A_142 = vector.broadcast %mul3A_141 : f32 to vector<16xf32>
      %mul3A_143 = arith.mulf %mul3A_142, %add3A_140 : vector<16xf32>
      %max3A_144 = arith.maximumf %add3A_140, %mul3A_143 : vector<16xf32>
      %sub3A_145 = arith.subf %max3A_139, %max3A_144 : vector<16xf32>
      %exp3A_146 = math.exp %sub3A_145 : vector<16xf32>
      %mul3A_147 = arith.constant 64 : i32
      %mul3A_148 = arith.muli %add3A_85, %mul3A_147 : i32
      %add3A_149 = arith.constant 16 : i32
      %add3A_150 = arith.addi %mul3A_148, %add3A_149 : i32
      %add3A_151 = vector.broadcast %add3A_150 : i32 to vector<16xi32>
      %add3A_152 = arith.addi %add3A_151, %iota3A_125 : vector<16xi32>
      %lt3A_153 = arith.constant 10000 : i32
      %lt3A_154 = vector.broadcast %lt3A_153 : i32 to vector<16xi32>
      %lt3A_155 = arith.cmpi slt, %add3A_152, %lt3A_154 : vector<16xi32>
      %jit3A_156 = arith.constant 0.000000e+00 : f32
      %broadcast_in_dim3A_157 = vector.broadcast %jit3A_156 : f32 to vector<16xf32>
      %select_n3A_158 = arith.select %lt3A_155, %exp3A_146, %broadcast_in_dim3A_157 : vector<16xi1>, vector<16xf32>
      %swap3A_159 = arith.constant 16 : index
      %swap3A_160 = tpu.vector_load %arg15[%swap3A_159] {strides = array<i32>} : memref<64xf32, #tpu.memory_space<vmem>>, vector<16xf32>,
      tpu.vector_store %arg15[%swap3A_159], %select_n3A_158 {strides = array<i32>} : memref<64xf32, #tpu.memory_space<vmem>>, vector<16xf32>,
      %iota3A_161 = tpu.iota {dimensions = array<i32: 0>} : vector<16xi32>
      %add3A_162 = arith.constant 32 : i32
      %add3A_163 = vector.broadcast %add3A_162 : i32 to vector<16xi32>
      %add3A_164 = arith.addi %iota3A_161, %add3A_163 : vector<16xi32>
      %broadcast_in_dim3A_165 = arith.constant 129 : i32
      %broadcast_in_dim3A_166 = vector.broadcast %broadcast_in_dim3A_165 : i32 to vector<16xi32>
      %gather3A_167 = tpu.vector_load_idx %arg16[%add3A_164, %broadcast_in_dim3A_166] : memref<64x144xf32, #tpu.memory_space<vmem>>[vector<16xi32>, vector<16xi32>], vector<16xf32>,
      %get3A_168 = arith.constant 32 : index
      %get3A_169 = tpu.vector_load %arg13[%get3A_168] {strides = array<i32>} : memref<64xi32, #tpu.memory_space<vmem>>, vector<16xi32>,
      %gather3A_170 = tpu.vector_load_idx %arg8[%get3A_169] : memref<10000xf32, #tpu.memory_space<vmem>>[vector<16xi32>], vector<16xf32>,
      %add3A_171 = arith.addf %gather3A_167, %gather3A_170 : vector<16xf32>
      %mul3A_172 = arith.constant 2.000000e-01 : f32
      %mul3A_173 = vector.broadcast %mul3A_172 : f32 to vector<16xf32>
      %mul3A_174 = arith.mulf %mul3A_173, %add3A_171 : vector<16xf32>
      %max3A_175 = arith.maximumf %add3A_171, %mul3A_174 : vector<16xf32>
      %add3A_176 = arith.addf %get3A_25, %gather3A_170 : vector<16xf32>
      %mul3A_177 = arith.constant 2.000000e-01 : f32
      %mul3A_178 = vector.broadcast %mul3A_177 : f32 to vector<16xf32>
      %mul3A_179 = arith.mulf %mul3A_178, %add3A_176 : vector<16xf32>
      %max3A_180 = arith.maximumf %add3A_176, %mul3A_179 : vector<16xf32>
      %sub3A_181 = arith.subf %max3A_175, %max3A_180 : vector<16xf32>
      %exp3A_182 = math.exp %sub3A_181 : vector<16xf32>
      %mul3A_183 = arith.constant 64 : i32
      %mul3A_184 = arith.muli %add3A_85, %mul3A_183 : i32
      %add3A_185 = arith.constant 32 : i32
      %add3A_186 = arith.addi %mul3A_184, %add3A_185 : i32
      %add3A_187 = vector.broadcast %add3A_186 : i32 to vector<16xi32>
      %add3A_188 = arith.addi %add3A_187, %iota3A_161 : vector<16xi32>
      %lt3A_189 = arith.constant 10000 : i32
      %lt3A_190 = vector.broadcast %lt3A_189 : i32 to vector<16xi32>
      %lt3A_191 = arith.cmpi slt, %add3A_188, %lt3A_190 : vector<16xi32>
      %jit3A_192 = arith.constant 0.000000e+00 : f32
      %broadcast_in_dim3A_193 = vector.broadcast %jit3A_192 : f32 to vector<16xf32>
      %select_n3A_194 = arith.select %lt3A_191, %exp3A_182, %broadcast_in_dim3A_193 : vector<16xi1>, vector<16xf32>
      %swap3A_195 = arith.constant 32 : index
      %swap3A_196 = tpu.vector_load %arg15[%swap3A_195] {strides = array<i32>} : memref<64xf32, #tpu.memory_space<vmem>>, vector<16xf32>,
      tpu.vector_store %arg15[%swap3A_195], %select_n3A_194 {strides = array<i32>} : memref<64xf32, #tpu.memory_space<vmem>>, vector<16xf32>,
      %iota3A_197 = tpu.iota {dimensions = array<i32: 0>} : vector<16xi32>
      %add3A_198 = arith.constant 48 : i32
      %add3A_199 = vector.broadcast %add3A_198 : i32 to vector<16xi32>
      %add3A_200 = arith.addi %iota3A_197, %add3A_199 : vector<16xi32>
      %broadcast_in_dim3A_201 = arith.constant 129 : i32
      %broadcast_in_dim3A_202 = vector.broadcast %broadcast_in_dim3A_201 : i32 to vector<16xi32>
      %gather3A_203 = tpu.vector_load_idx %arg16[%add3A_200, %broadcast_in_dim3A_202] : memref<64x144xf32, #tpu.memory_space<vmem>>[vector<16xi32>, vector<16xi32>], vector<16xf32>,
      %get3A_204 = arith.constant 48 : index
      %get3A_205 = tpu.vector_load %arg13[%get3A_204] {strides = array<i32>} : memref<64xi32, #tpu.memory_space<vmem>>, vector<16xi32>,
      %gather3A_206 = tpu.vector_load_idx %arg8[%get3A_205] : memref<10000xf32, #tpu.memory_space<vmem>>[vector<16xi32>], vector<16xf32>,
      %add3A_207 = arith.addf %gather3A_203, %gather3A_206 : vector<16xf32>
      %mul3A_208 = arith.constant 2.000000e-01 : f32
      %mul3A_209 = vector.broadcast %mul3A_208 : f32 to vector<16xf32>
      %mul3A_210 = arith.mulf %mul3A_209, %add3A_207 : vector<16xf32>
      %max3A_211 = arith.maximumf %add3A_207, %mul3A_210 : vector<16xf32>
      %add3A_212 = arith.addf %get3A_25, %gather3A_206 : vector<16xf32>
      %mul3A_213 = arith.constant 2.000000e-01 : f32
      %mul3A_214 = vector.broadcast %mul3A_213 : f32 to vector<16xf32>
      %mul3A_215 = arith.mulf %mul3A_214, %add3A_212 : vector<16xf32>
      %max3A_216 = arith.maximumf %add3A_212, %mul3A_215 : vector<16xf32>
      %sub3A_217 = arith.subf %max3A_211, %max3A_216 : vector<16xf32>
      %exp3A_218 = math.exp %sub3A_217 : vector<16xf32>
      %mul3A_219 = arith.constant 64 : i32
      %mul3A_220 = arith.muli %add3A_85, %mul3A_219 : i32
      %add3A_221 = arith.constant 48 : i32
      %add3A_222 = arith.addi %mul3A_220, %add3A_221 : i32
      %add3A_223 = vector.broadcast %add3A_222 : i32 to vector<16xi32>
      %add3A_224 = arith.addi %add3A_223, %iota3A_197 : vector<16xi32>
      %lt3A_225 = arith.constant 10000 : i32
      %lt3A_226 = vector.broadcast %lt3A_225 : i32 to vector<16xi32>
      %lt3A_227 = arith.cmpi slt, %add3A_224, %lt3A_226 : vector<16xi32>
      %jit3A_228 = arith.constant 0.000000e+00 : f32
      %broadcast_in_dim3A_229 = vector.broadcast %jit3A_228 : f32 to vector<16xf32>
      %select_n3A_230 = arith.select %lt3A_227, %exp3A_218, %broadcast_in_dim3A_229 : vector<16xi1>, vector<16xf32>
      %swap3A_231 = arith.constant 48 : index
      %swap3A_232 = tpu.vector_load %arg15[%swap3A_231] {strides = array<i32>} : memref<64xf32, #tpu.memory_space<vmem>>, vector<16xf32>,
      tpu.vector_store %arg15[%swap3A_231], %select_n3A_230 {strides = array<i32>} : memref<64xf32, #tpu.memory_space<vmem>>, vector<16xf32>,
      %parallel_loop3A_233 = arith.constant 0 : i32
      %parallel_loop3A_234 = arith.constant 64 : i32
      %parallel_loop3A_235 = arith.constant 1 : i32
      scf.for %parallel_loop3A_408 = %parallel_loop3A_233 to %parallel_loop3A_234 step %parallel_loop3A_235  : i32 {
        %parallel_loop3A_409 = vector.broadcast %parallel_loop3A_408 : i32 to vector<16xi32>
        %parallel_loop3A_410 = tpu.vector_load_idx %arg15[%parallel_loop3A_409] : memref<64xf32, #tpu.memory_space<vmem>>[vector<16xi32>], vector<16xf32>,
        %parallel_loop3A_411 = arith.index_cast %parallel_loop3A_408 : i32 to index
        %parallel_loop3A_412 = arith.constant 0 : index
        %parallel_loop3A_413 = tpu.vector_load %arg16[%parallel_loop3A_411, %parallel_loop3A_412] {strides = array<i32>} : memref<64x144xf32, #tpu.memory_space<vmem>>, vector<16xf32>,
        %parallel_loop3A_414 = arith.mulf %parallel_loop3A_413, %parallel_loop3A_410 : vector<16xf32>
        %parallel_loop3A_415 = arith.index_cast %parallel_loop3A_408 : i32 to index
        %parallel_loop3A_416 = arith.constant 0 : index
        %parallel_loop3A_417 = tpu.vector_load %arg16[%parallel_loop3A_415, %parallel_loop3A_416] {strides = array<i32>} : memref<64x144xf32, #tpu.memory_space<vmem>>, vector<16xf32>,
        tpu.vector_store %arg16[%parallel_loop3A_415, %parallel_loop3A_416], %parallel_loop3A_414 {strides = array<i32>} : memref<64x144xf32, #tpu.memory_space<vmem>>, vector<16xf32>,
        %parallel_loop3A_418 = arith.index_cast %parallel_loop3A_408 : i32 to index
        %parallel_loop3A_419 = arith.constant 16 : index
        %parallel_loop3A_420 = tpu.vector_load %arg16[%parallel_loop3A_418, %parallel_loop3A_419] {strides = array<i32>} : memref<64x144xf32, #tpu.memory_space<vmem>>, vector<16xf32>,
        %parallel_loop3A_421 = arith.mulf %parallel_loop3A_420, %parallel_loop3A_410 : vector<16xf32>
        %parallel_loop3A_422 = arith.index_cast %parallel_loop3A_408 : i32 to index
        %parallel_loop3A_423 = arith.constant 16 : index
        %parallel_loop3A_424 = tpu.vector_load %arg16[%parallel_loop3A_422, %parallel_loop3A_423] {strides = array<i32>} : memref<64x144xf32, #tpu.memory_space<vmem>>, vector<16xf32>,
        tpu.vector_store %arg16[%parallel_loop3A_422, %parallel_loop3A_423], %parallel_loop3A_421 {strides = array<i32>} : memref<64x144xf32, #tpu.memory_space<vmem>>, vector<16xf32>,
        %parallel_loop3A_425 = arith.index_cast %parallel_loop3A_408 : i32 to index
        %parallel_loop3A_426 = arith.constant 32 : index
        %parallel_loop3A_427 = tpu.vector_load %arg16[%parallel_loop3A_425, %parallel_loop3A_426] {strides = array<i32>} : memref<64x144xf32, #tpu.memory_space<vmem>>, vector<16xf32>,
        %parallel_loop3A_428 = arith.mulf %parallel_loop3A_427, %parallel_loop3A_410 : vector<16xf32>
        %parallel_loop3A_429 = arith.index_cast %parallel_loop3A_408 : i32 to index
        %parallel_loop3A_430 = arith.constant 32 : index
        %parallel_loop3A_431 = tpu.vector_load %arg16[%parallel_loop3A_429, %parallel_loop3A_430] {strides = array<i32>} : memref<64x144xf32, #tpu.memory_space<vmem>>, vector<16xf32>,
        tpu.vector_store %arg16[%parallel_loop3A_429, %parallel_loop3A_430], %parallel_loop3A_428 {strides = array<i32>} : memref<64x144xf32, #tpu.memory_space<vmem>>, vector<16xf32>,
        %parallel_loop3A_432 = arith.index_cast %parallel_loop3A_408 : i32 to index
        %parallel_loop3A_433 = arith.constant 48 : index
        %parallel_loop3A_434 = tpu.vector_load %arg16[%parallel_loop3A_432, %parallel_loop3A_433] {strides = array<i32>} : memref<64x144xf32, #tpu.memory_space<vmem>>, vector<16xf32>,
        %parallel_loop3A_435 = arith.mulf %parallel_loop3A_434, %parallel_loop3A_410 : vector<16xf32>
        %parallel_loop3A_436 = arith.index_cast %parallel_loop3A_408 : i32 to index
        %parallel_loop3A_437 = arith.constant 48 : index
        %parallel_loop3A_438 = tpu.vector_load %arg16[%parallel_loop3A_436, %parallel_loop3A_437] {strides = array<i32>} : memref<64x144xf32, #tpu.memory_space<vmem>>, vector<16xf32>,
        tpu.vector_store %arg16[%parallel_loop3A_436, %parallel_loop3A_437], %parallel_loop3A_435 {strides = array<i32>} : memref<64x144xf32, #tpu.memory_space<vmem>>, vector<16xf32>,
        %parallel_loop3A_439 = arith.index_cast %parallel_loop3A_408 : i32 to index
        %parallel_loop3A_440 = arith.constant 64 : index
        %parallel_loop3A_441 = tpu.vector_load %arg16[%parallel_loop3A_439, %parallel_loop3A_440] {strides = array<i32>} : memref<64x144xf32, #tpu.memory_space<vmem>>, vector<16xf32>,
        %parallel_loop3A_442 = arith.mulf %parallel_loop3A_441, %parallel_loop3A_410 : vector<16xf32>
        %parallel_loop3A_443 = arith.index_cast %parallel_loop3A_408 : i32 to index
        %parallel_loop3A_444 = arith.constant 64 : index
        %parallel_loop3A_445 = tpu.vector_load %arg16[%parallel_loop3A_443, %parallel_loop3A_444] {strides = array<i32>} : memref<64x144xf32, #tpu.memory_space<vmem>>, vector<16xf32>,
        tpu.vector_store %arg16[%parallel_loop3A_443, %parallel_loop3A_444], %parallel_loop3A_442 {strides = array<i32>} : memref<64x144xf32, #tpu.memory_space<vmem>>, vector<16xf32>,
        %parallel_loop3A_446 = arith.index_cast %parallel_loop3A_408 : i32 to index
        %parallel_loop3A_447 = arith.constant 80 : index
        %parallel_loop3A_448 = tpu.vector_load %arg16[%parallel_loop3A_446, %parallel_loop3A_447] {strides = array<i32>} : memref<64x144xf32, #tpu.memory_space<vmem>>, vector<16xf32>,
        %parallel_loop3A_449 = arith.mulf %parallel_loop3A_448, %parallel_loop3A_410 : vector<16xf32>
        %parallel_loop3A_450 = arith.index_cast %parallel_loop3A_408 : i32 to index
        %parallel_loop3A_451 = arith.constant 80 : index
        %parallel_loop3A_452 = tpu.vector_load %arg16[%parallel_loop3A_450, %parallel_loop3A_451] {strides = array<i32>} : memref<64x144xf32, #tpu.memory_space<vmem>>, vector<16xf32>,
        tpu.vector_store %arg16[%parallel_loop3A_450, %parallel_loop3A_451], %parallel_loop3A_449 {strides = array<i32>} : memref<64x144xf32, #tpu.memory_space<vmem>>, vector<16xf32>,
        %parallel_loop3A_453 = arith.index_cast %parallel_loop3A_408 : i32 to index
        %parallel_loop3A_454 = arith.constant 96 : index
        %parallel_loop3A_455 = tpu.vector_load %arg16[%parallel_loop3A_453, %parallel_loop3A_454] {strides = array<i32>} : memref<64x144xf32, #tpu.memory_space<vmem>>, vector<16xf32>,
        %parallel_loop3A_456 = arith.mulf %parallel_loop3A_455, %parallel_loop3A_410 : vector<16xf32>
        %parallel_loop3A_457 = arith.index_cast %parallel_loop3A_408 : i32 to index
        %parallel_loop3A_458 = arith.constant 96 : index
        %parallel_loop3A_459 = tpu.vector_load %arg16[%parallel_loop3A_457, %parallel_loop3A_458] {strides = array<i32>} : memref<64x144xf32, #tpu.memory_space<vmem>>, vector<16xf32>,
        tpu.vector_store %arg16[%parallel_loop3A_457, %parallel_loop3A_458], %parallel_loop3A_456 {strides = array<i32>} : memref<64x144xf32, #tpu.memory_space<vmem>>, vector<16xf32>,
        %parallel_loop3A_460 = arith.index_cast %parallel_loop3A_408 : i32 to index
        %parallel_loop3A_461 = arith.constant 112 : index
        %parallel_loop3A_462 = tpu.vector_load %arg16[%parallel_loop3A_460, %parallel_loop3A_461] {strides = array<i32>} : memref<64x144xf32, #tpu.memory_space<vmem>>, vector<16xf32>,
        %parallel_loop3A_463 = arith.mulf %parallel_loop3A_462, %parallel_loop3A_410 : vector<16xf32>
        %parallel_loop3A_464 = arith.index_cast %parallel_loop3A_408 : i32 to index
        %parallel_loop3A_465 = arith.constant 112 : index
        %parallel_loop3A_466 = tpu.vector_load %arg16[%parallel_loop3A_464, %parallel_loop3A_465] {strides = array<i32>} : memref<64x144xf32, #tpu.memory_space<vmem>>, vector<16xf32>,
        tpu.vector_store %arg16[%parallel_loop3A_464, %parallel_loop3A_465], %parallel_loop3A_463 {strides = array<i32>} : memref<64x144xf32, #tpu.memory_space<vmem>>, vector<16xf32>,
        %parallel_loop3A_467 = arith.index_cast %parallel_loop3A_408 : i32 to index
        %parallel_loop3A_468 = arith.constant 128 : index
        %parallel_loop3A_469 = tpu.vector_load %arg16[%parallel_loop3A_467, %parallel_loop3A_468] {strides = array<i32>} : memref<64x144xf32, #tpu.memory_space<vmem>>, vector<16xf32>,
        %parallel_loop3A_470 = arith.mulf %parallel_loop3A_469, %parallel_loop3A_410 : vector<16xf32>
        %parallel_loop3A_471 = arith.index_cast %parallel_loop3A_408 : i32 to index
        %parallel_loop3A_472 = arith.constant 128 : index
        %parallel_loop3A_473 = tpu.vector_load %arg16[%parallel_loop3A_471, %parallel_loop3A_472] {strides = array<i32>} : memref<64x144xf32, #tpu.memory_space<vmem>>, vector<16xf32>,
        tpu.vector_store %arg16[%parallel_loop3A_471, %parallel_loop3A_472], %parallel_loop3A_470 {strides = array<i32>} : memref<64x144xf32, #tpu.memory_space<vmem>>, vector<16xf32>,
      } {sc.loop_unroll_factor = 4 : i64, sc.parallel_access}
      %dma_start3A_236 = arith.constant 0 : i32
      %dma_start3A_237 = arith.constant 0 : i32
      %dma_start3A_238 = tpu.memref_slice %arg7[%dma_start3A_236, %dma_start3A_237] : memref<10000x144xf32, #tpu.memory_space<vmem_shared>> -> memref<10000x144xf32, #tpu.memory_space<vmem_shared>>
      tpu.enqueue_indirect_dma source(%arg16 : memref<64x144xf32, #tpu.memory_space<vmem>>) target(%dma_start3A_238 : memref<10000x144xf32, #tpu.memory_space<vmem_shared>>) offsets(%arg13 : memref<64xi32, #tpu.memory_space<vmem>>) semaphore(%arg19 : memref<!tpu.dma_semaphore, #tpu.memory_space<semaphore_mem>>) {add = true}
      %mul3A_239 = arith.constant 2 : i32
      %mul3A_240 = arith.muli %mul3A_239, %scan3A_81 : i32
      %add3A_241 = arith.constant 1 : i32
      %add3A_242 = arith.addi %mul3A_240, %add3A_241 : i32
      %dma_wait3A_243 = arith.constant 0 : i32
      %dma_wait3A_244 = arith.constant 0 : i32
      %dma_wait3A_245 = tpu.memref_slice %arg2[%dma_wait3A_243, %dma_wait3A_244] : memref<10000x144xf32, #tpu.memory_space<hbm>> -> memref<10000x144xf32, #tpu.memory_space<hbm>>
      tpu.wait_indirect_dma semaphore(%arg18 : memref<!tpu.dma_semaphore, #tpu.memory_space<semaphore_mem>>) src(%dma_wait3A_245 : memref<10000x144xf32, #tpu.memory_space<hbm>>) dst(%arg17 : memref<64x144xf32, #tpu.memory_space<vmem>>)
      %gt3A_246 = arith.constant 0 : i32
      %gt3A_247 = arith.cmpi sgt, %add3A_242, %gt3A_246 : i32
      %convert_element_type3A_248 = arith.extui %gt3A_247 : i1 to i32
      %cond3A_249 = arith.constant 0 : i32
      %cond3A_250 = arith.cmpi ne, %convert_element_type3A_248, %cond3A_249 : i32
      scf.if %cond3A_250 {
        %dma_wait3A_408 = arith.constant 0 : i32
        %dma_wait3A_409 = arith.constant 0 : i32
        %dma_wait3A_410 = tpu.memref_slice %arg7[%dma_wait3A_408, %dma_wait3A_409] : memref<10000x144xf32, #tpu.memory_space<vmem_shared>> -> memref<10000x144xf32, #tpu.memory_space<vmem_shared>>
        tpu.wait_indirect_dma semaphore(%arg19 : memref<!tpu.dma_semaphore, #tpu.memory_space<semaphore_mem>>) src(%arg16 : memref<64x144xf32, #tpu.memory_space<vmem>>) dst(%dma_wait3A_410 : memref<10000x144xf32, #tpu.memory_space<vmem_shared>>)
      } else {
      }
      %add3A_251 = arith.constant 1 : i32
      %add3A_252 = arith.addi %add3A_242, %add3A_251 : i32
      %lt3A_253 = arith.constant 158 : i32
      %lt3A_254 = arith.cmpi slt, %add3A_252, %lt3A_253 : i32
      %convert_element_type3A_255 = arith.extui %lt3A_254 : i1 to i32
      %cond3A_256 = arith.constant 0 : i32
      %cond3A_257 = arith.cmpi ne, %convert_element_type3A_255, %cond3A_256 : i32
      scf.if %cond3A_257 {
        %add3A_408 = arith.constant 1 : i32
        %add3A_409 = arith.addi %add3A_242, %add3A_408 : i32
        %mul3A_410 = arith.constant 64 : i32
        %mul3A_411 = arith.muli %add3A_409, %mul3A_410 : i32
        %add3A_412 = arith.constant 0 : i32
        %add3A_413 = arith.addi %mul3A_411, %add3A_412 : i32
        %get3A_414 = arith.index_cast %add3A_413 : i32 to index
        %get3A_415 = tpu.vector_load %arg10[%get3A_414] {strides = array<i32>} : memref<10112xi32, #tpu.memory_space<vmem>>, vector<16xi32>,
        %and3A_416 = arith.constant 65535 : i32
        %and3A_417 = vector.broadcast %and3A_416 : i32 to vector<16xi32>
        %and3A_418 = arith.andi %get3A_415, %and3A_417 : vector<16xi32>
        %swap3A_419 = arith.constant 0 : index
        %swap3A_420 = tpu.vector_load %arg11[%swap3A_419] {strides = array<i32>} : memref<64xi32, #tpu.memory_space<vmem>>, vector<16xi32>,
        tpu.vector_store %arg11[%swap3A_419], %and3A_418 {strides = array<i32>} : memref<64xi32, #tpu.memory_space<vmem>>, vector<16xi32>,
        %shift_right_logical3A_421 = arith.constant 16 : i32
        %shift_right_logical3A_422 = vector.broadcast %shift_right_logical3A_421 : i32 to vector<16xi32>
        %shift_right_logical3A_423 = arith.shrui %get3A_415, %shift_right_logical3A_422 : vector<16xi32>
        %swap3A_424 = arith.constant 0 : index
        %swap3A_425 = tpu.vector_load %arg13[%swap3A_424] {strides = array<i32>} : memref<64xi32, #tpu.memory_space<vmem>>, vector<16xi32>,
        tpu.vector_store %arg13[%swap3A_424], %shift_right_logical3A_423 {strides = array<i32>} : memref<64xi32, #tpu.memory_space<vmem>>, vector<16xi32>,
        %mul3A_426 = arith.constant 64 : i32
        %mul3A_427 = arith.muli %add3A_409, %mul3A_426 : i32
        %add3A_428 = arith.constant 16 : i32
        %add3A_429 = arith.addi %mul3A_427, %add3A_428 : i32
        %get3A_430 = arith.index_cast %add3A_429 : i32 to index
        %get3A_431 = tpu.vector_load %arg10[%get3A_430] {strides = array<i32>} : memref<10112xi32, #tpu.memory_space<vmem>>, vector<16xi32>,
        %and3A_432 = arith.constant 65535 : i32
        %and3A_433 = vector.broadcast %and3A_432 : i32 to vector<16xi32>
        %and3A_434 = arith.andi %get3A_431, %and3A_433 : vector<16xi32>
        %swap3A_435 = arith.constant 16 : index
        %swap3A_436 = tpu.vector_load %arg11[%swap3A_435] {strides = array<i32>} : memref<64xi32, #tpu.memory_space<vmem>>, vector<16xi32>,
        tpu.vector_store %arg11[%swap3A_435], %and3A_434 {strides = array<i32>} : memref<64xi32, #tpu.memory_space<vmem>>, vector<16xi32>,
        %shift_right_logical3A_437 = arith.constant 16 : i32
        %shift_right_logical3A_438 = vector.broadcast %shift_right_logical3A_437 : i32 to vector<16xi32>
        %shift_right_logical3A_439 = arith.shrui %get3A_431, %shift_right_logical3A_438 : vector<16xi32>
        %swap3A_440 = arith.constant 16 : index
        %swap3A_441 = tpu.vector_load %arg13[%swap3A_440] {strides = array<i32>} : memref<64xi32, #tpu.memory_space<vmem>>, vector<16xi32>,
        tpu.vector_store %arg13[%swap3A_440], %shift_right_logical3A_439 {strides = array<i32>} : memref<64xi32, #tpu.memory_space<vmem>>, vector<16xi32>,
        %mul3A_442 = arith.constant 64 : i32
        %mul3A_443 = arith.muli %add3A_409, %mul3A_442 : i32
        %add3A_444 = arith.constant 32 : i32
        %add3A_445 = arith.addi %mul3A_443, %add3A_444 : i32
        %get3A_446 = arith.index_cast %add3A_445 : i32 to index
        %get3A_447 = tpu.vector_load %arg10[%get3A_446] {strides = array<i32>} : memref<10112xi32, #tpu.memory_space<vmem>>, vector<16xi32>,
        %and3A_448 = arith.constant 65535 : i32
        %and3A_449 = vector.broadcast %and3A_448 : i32 to vector<16xi32>
        %and3A_450 = arith.andi %get3A_447, %and3A_449 : vector<16xi32>
        %swap3A_451 = arith.constant 32 : index
        %swap3A_452 = tpu.vector_load %arg11[%swap3A_451] {strides = array<i32>} : memref<64xi32, #tpu.memory_space<vmem>>, vector<16xi32>,
        tpu.vector_store %arg11[%swap3A_451], %and3A_450 {strides = array<i32>} : memref<64xi32, #tpu.memory_space<vmem>>, vector<16xi32>,
        %shift_right_logical3A_453 = arith.constant 16 : i32
        %shift_right_logical3A_454 = vector.broadcast %shift_right_logical3A_453 : i32 to vector<16xi32>
        %shift_right_logical3A_455 = arith.shrui %get3A_447, %shift_right_logical3A_454 : vector<16xi32>
        %swap3A_456 = arith.constant 32 : index
        %swap3A_457 = tpu.vector_load %arg13[%swap3A_456] {strides = array<i32>} : memref<64xi32, #tpu.memory_space<vmem>>, vector<16xi32>,
        tpu.vector_store %arg13[%swap3A_456], %shift_right_logical3A_455 {strides = array<i32>} : memref<64xi32, #tpu.memory_space<vmem>>, vector<16xi32>,
        %mul3A_458 = arith.constant 64 : i32
        %mul3A_459 = arith.muli %add3A_409, %mul3A_458 : i32
        %add3A_460 = arith.constant 48 : i32
        %add3A_461 = arith.addi %mul3A_459, %add3A_460 : i32
        %get3A_462 = arith.index_cast %add3A_461 : i32 to index
        %get3A_463 = tpu.vector_load %arg10[%get3A_462] {strides = array<i32>} : memref<10112xi32, #tpu.memory_space<vmem>>, vector<16xi32>,
        %and3A_464 = arith.constant 65535 : i32
        %and3A_465 = vector.broadcast %and3A_464 : i32 to vector<16xi32>
        %and3A_466 = arith.andi %get3A_463, %and3A_465 : vector<16xi32>
        %swap3A_467 = arith.constant 48 : index
        %swap3A_468 = tpu.vector_load %arg11[%swap3A_467] {strides = array<i32>} : memref<64xi32, #tpu.memory_space<vmem>>, vector<16xi32>,
        tpu.vector_store %arg11[%swap3A_467], %and3A_466 {strides = array<i32>} : memref<64xi32, #tpu.memory_space<vmem>>, vector<16xi32>,
        %shift_right_logical3A_469 = arith.constant 16 : i32
        %shift_right_logical3A_470 = vector.broadcast %shift_right_logical3A_469 : i32 to vector<16xi32>
        %shift_right_logical3A_471 = arith.shrui %get3A_463, %shift_right_logical3A_470 : vector<16xi32>
        %swap3A_472 = arith.constant 48 : index
        %swap3A_473 = tpu.vector_load %arg13[%swap3A_472] {strides = array<i32>} : memref<64xi32, #tpu.memory_space<vmem>>, vector<16xi32>,
        tpu.vector_store %arg13[%swap3A_472], %shift_right_logical3A_471 {strides = array<i32>} : memref<64xi32, #tpu.memory_space<vmem>>, vector<16xi32>,
        %dma_start3A_474 = arith.constant 0 : i32
        %dma_start3A_475 = arith.constant 0 : i32
        %dma_start3A_476 = tpu.memref_slice %arg2[%dma_start3A_474, %dma_start3A_475] : memref<10000x144xf32, #tpu.memory_space<hbm>> -> memref<10000x144xf32, #tpu.memory_space<hbm>>
        tpu.enqueue_indirect_dma source(%dma_start3A_476 : memref<10000x144xf32, #tpu.memory_space<hbm>>) target(%arg16 : memref<64x144xf32, #tpu.memory_space<vmem>>) offsets(%arg11 : memref<64xi32, #tpu.memory_space<vmem>>) semaphore(%arg18 : memref<!tpu.dma_semaphore, #tpu.memory_space<semaphore_mem>>)
      } else {
      }
      %iota3A_258 = tpu.iota {dimensions = array<i32: 0>} : vector<16xi32>
      %add3A_259 = arith.constant 0 : i32
      %add3A_260 = vector.broadcast %add3A_259 : i32 to vector<16xi32>
      %add3A_261 = arith.addi %iota3A_258, %add3A_260 : vector<16xi32>
      %broadcast_in_dim3A_262 = arith.constant 129 : i32
      %broadcast_in_dim3A_263 = vector.broadcast %broadcast_in_dim3A_262 : i32 to vector<16xi32>
      %gather3A_264 = tpu.vector_load_idx %arg17[%add3A_261, %broadcast_in_dim3A_263] : memref<64x144xf32, #tpu.memory_space<vmem>>[vector<16xi32>, vector<16xi32>], vector<16xf32>,
      %get3A_265 = arith.constant 0 : index
      %get3A_266 = tpu.vector_load %arg14[%get3A_265] {strides = array<i32>} : memref<64xi32, #tpu.memory_space<vmem>>, vector<16xi32>,
      %gather3A_267 = tpu.vector_load_idx %arg8[%get3A_266] : memref<10000xf32, #tpu.memory_space<vmem>>[vector<16xi32>], vector<16xf32>,
      %add3A_268 = arith.addf %gather3A_264, %gather3A_267 : vector<16xf32>
      %mul3A_269 = arith.constant 2.000000e-01 : f32
      %mul3A_270 = vector.broadcast %mul3A_269 : f32 to vector<16xf32>
      %mul3A_271 = arith.mulf %mul3A_270, %add3A_268 : vector<16xf32>
      %max3A_272 = arith.maximumf %add3A_268, %mul3A_271 : vector<16xf32>
      %add3A_273 = arith.addf %get3A_25, %gather3A_267 : vector<16xf32>
      %mul3A_274 = arith.constant 2.000000e-01 : f32
      %mul3A_275 = vector.broadcast %mul3A_274 : f32 to vector<16xf32>
      %mul3A_276 = arith.mulf %mul3A_275, %add3A_273 : vector<16xf32>
      %max3A_277 = arith.maximumf %add3A_273, %mul3A_276 : vector<16xf32>
      %sub3A_278 = arith.subf %max3A_272, %max3A_277 : vector<16xf32>
      %exp3A_279 = math.exp %sub3A_278 : vector<16xf32>
      %mul3A_280 = arith.constant 64 : i32
      %mul3A_281 = arith.muli %add3A_242, %mul3A_280 : i32
      %add3A_282 = arith.constant 0 : i32
      %add3A_283 = arith.addi %mul3A_281, %add3A_282 : i32
      %add3A_284 = vector.broadcast %add3A_283 : i32 to vector<16xi32>
      %add3A_285 = arith.addi %add3A_284, %iota3A_258 : vector<16xi32>
      %lt3A_286 = arith.constant 10000 : i32
      %lt3A_287 = vector.broadcast %lt3A_286 : i32 to vector<16xi32>
      %lt3A_288 = arith.cmpi slt, %add3A_285, %lt3A_287 : vector<16xi32>
      %jit3A_289 = arith.constant 0.000000e+00 : f32
      %broadcast_in_dim3A_290 = vector.broadcast %jit3A_289 : f32 to vector<16xf32>
      %select_n3A_291 = arith.select %lt3A_288, %exp3A_279, %broadcast_in_dim3A_290 : vector<16xi1>, vector<16xf32>
      %swap3A_292 = arith.constant 0 : index
      %swap3A_293 = tpu.vector_load %arg15[%swap3A_292] {strides = array<i32>} : memref<64xf32, #tpu.memory_space<vmem>>, vector<16xf32>,
      tpu.vector_store %arg15[%swap3A_292], %select_n3A_291 {strides = array<i32>} : memref<64xf32, #tpu.memory_space<vmem>>, vector<16xf32>,
      %iota3A_294 = tpu.iota {dimensions = array<i32: 0>} : vector<16xi32>
      %add3A_295 = arith.constant 16 : i32
      %add3A_296 = vector.broadcast %add3A_295 : i32 to vector<16xi32>
      %add3A_297 = arith.addi %iota3A_294, %add3A_296 : vector<16xi32>
      %broadcast_in_dim3A_298 = arith.constant 129 : i32
      %broadcast_in_dim3A_299 = vector.broadcast %broadcast_in_dim3A_298 : i32 to vector<16xi32>
      %gather3A_300 = tpu.vector_load_idx %arg17[%add3A_297, %broadcast_in_dim3A_299] : memref<64x144xf32, #tpu.memory_space<vmem>>[vector<16xi32>, vector<16xi32>], vector<16xf32>,
      %get3A_301 = arith.constant 16 : index
      %get3A_302 = tpu.vector_load %arg14[%get3A_301] {strides = array<i32>} : memref<64xi32, #tpu.memory_space<vmem>>, vector<16xi32>,
      %gather3A_303 = tpu.vector_load_idx %arg8[%get3A_302] : memref<10000xf32, #tpu.memory_space<vmem>>[vector<16xi32>], vector<16xf32>,
      %add3A_304 = arith.addf %gather3A_300, %gather3A_303 : vector<16xf32>
      %mul3A_305 = arith.constant 2.000000e-01 : f32
      %mul3A_306 = vector.broadcast %mul3A_305 : f32 to vector<16xf32>
      %mul3A_307 = arith.mulf %mul3A_306, %add3A_304 : vector<16xf32>
      %max3A_308 = arith.maximumf %add3A_304, %mul3A_307 : vector<16xf32>
      %add3A_309 = arith.addf %get3A_25, %gather3A_303 : vector<16xf32>
      %mul3A_310 = arith.constant 2.000000e-01 : f32
      %mul3A_311 = vector.broadcast %mul3A_310 : f32 to vector<16xf32>
      %mul3A_312 = arith.mulf %mul3A_311, %add3A_309 : vector<16xf32>
      %max3A_313 = arith.maximumf %add3A_309, %mul3A_312 : vector<16xf32>
      %sub3A_314 = arith.subf %max3A_308, %max3A_313 : vector<16xf32>
      %exp3A_315 = math.exp %sub3A_314 : vector<16xf32>
      %mul3A_316 = arith.constant 64 : i32
      %mul3A_317 = arith.muli %add3A_242, %mul3A_316 : i32
      %add3A_318 = arith.constant 16 : i32
      %add3A_319 = arith.addi %mul3A_317, %add3A_318 : i32
      %add3A_320 = vector.broadcast %add3A_319 : i32 to vector<16xi32>
      %add3A_321 = arith.addi %add3A_320, %iota3A_294 : vector<16xi32>
      %lt3A_322 = arith.constant 10000 : i32
      %lt3A_323 = vector.broadcast %lt3A_322 : i32 to vector<16xi32>
      %lt3A_324 = arith.cmpi slt, %add3A_321, %lt3A_323 : vector<16xi32>
      %jit3A_325 = arith.constant 0.000000e+00 : f32
      %broadcast_in_dim3A_326 = vector.broadcast %jit3A_325 : f32 to vector<16xf32>
      %select_n3A_327 = arith.select %lt3A_324, %exp3A_315, %broadcast_in_dim3A_326 : vector<16xi1>, vector<16xf32>
      %swap3A_328 = arith.constant 16 : index
      %swap3A_329 = tpu.vector_load %arg15[%swap3A_328] {strides = array<i32>} : memref<64xf32, #tpu.memory_space<vmem>>, vector<16xf32>,
      tpu.vector_store %arg15[%swap3A_328], %select_n3A_327 {strides = array<i32>} : memref<64xf32, #tpu.memory_space<vmem>>, vector<16xf32>,
      %iota3A_330 = tpu.iota {dimensions = array<i32: 0>} : vector<16xi32>
      %add3A_331 = arith.constant 32 : i32
      %add3A_332 = vector.broadcast %add3A_331 : i32 to vector<16xi32>
      %add3A_333 = arith.addi %iota3A_330, %add3A_332 : vector<16xi32>
      %broadcast_in_dim3A_334 = arith.constant 129 : i32
      %broadcast_in_dim3A_335 = vector.broadcast %broadcast_in_dim3A_334 : i32 to vector<16xi32>
      %gather3A_336 = tpu.vector_load_idx %arg17[%add3A_333, %broadcast_in_dim3A_335] : memref<64x144xf32, #tpu.memory_space<vmem>>[vector<16xi32>, vector<16xi32>], vector<16xf32>,
      %get3A_337 = arith.constant 32 : index
      %get3A_338 = tpu.vector_load %arg14[%get3A_337] {strides = array<i32>} : memref<64xi32, #tpu.memory_space<vmem>>, vector<16xi32>,
      %gather3A_339 = tpu.vector_load_idx %arg8[%get3A_338] : memref<10000xf32, #tpu.memory_space<vmem>>[vector<16xi32>], vector<16xf32>,
      %add3A_340 = arith.addf %gather3A_336, %gather3A_339 : vector<16xf32>
      %mul3A_341 = arith.constant 2.000000e-01 : f32
      %mul3A_342 = vector.broadcast %mul3A_341 : f32 to vector<16xf32>
      %mul3A_343 = arith.mulf %mul3A_342, %add3A_340 : vector<16xf32>
      %max3A_344 = arith.maximumf %add3A_340, %mul3A_343 : vector<16xf32>
      %add3A_345 = arith.addf %get3A_25, %gather3A_339 : vector<16xf32>
      %mul3A_346 = arith.constant 2.000000e-01 : f32
      %mul3A_347 = vector.broadcast %mul3A_346 : f32 to vector<16xf32>
      %mul3A_348 = arith.mulf %mul3A_347, %add3A_345 : vector<16xf32>
      %max3A_349 = arith.maximumf %add3A_345, %mul3A_348 : vector<16xf32>
      %sub3A_350 = arith.subf %max3A_344, %max3A_349 : vector<16xf32>
      %exp3A_351 = math.exp %sub3A_350 : vector<16xf32>
      %mul3A_352 = arith.constant 64 : i32
      %mul3A_353 = arith.muli %add3A_242, %mul3A_352 : i32
      %add3A_354 = arith.constant 32 : i32
      %add3A_355 = arith.addi %mul3A_353, %add3A_354 : i32
      %add3A_356 = vector.broadcast %add3A_355 : i32 to vector<16xi32>
      %add3A_357 = arith.addi %add3A_356, %iota3A_330 : vector<16xi32>
      %lt3A_358 = arith.constant 10000 : i32
      %lt3A_359 = vector.broadcast %lt3A_358 : i32 to vector<16xi32>
      %lt3A_360 = arith.cmpi slt, %add3A_357, %lt3A_359 : vector<16xi32>
      %jit3A_361 = arith.constant 0.000000e+00 : f32
      %broadcast_in_dim3A_362 = vector.broadcast %jit3A_361 : f32 to vector<16xf32>
      %select_n3A_363 = arith.select %lt3A_360, %exp3A_351, %broadcast_in_dim3A_362 : vector<16xi1>, vector<16xf32>
      %swap3A_364 = arith.constant 32 : index
      %swap3A_365 = tpu.vector_load %arg15[%swap3A_364] {strides = array<i32>} : memref<64xf32, #tpu.memory_space<vmem>>, vector<16xf32>,
      tpu.vector_store %arg15[%swap3A_364], %select_n3A_363 {strides = array<i32>} : memref<64xf32, #tpu.memory_space<vmem>>, vector<16xf32>,
      %iota3A_366 = tpu.iota {dimensions = array<i32: 0>} : vector<16xi32>
      %add3A_367 = arith.constant 48 : i32
      %add3A_368 = vector.broadcast %add3A_367 : i32 to vector<16xi32>
      %add3A_369 = arith.addi %iota3A_366, %add3A_368 : vector<16xi32>
      %broadcast_in_dim3A_370 = arith.constant 129 : i32
      %broadcast_in_dim3A_371 = vector.broadcast %broadcast_in_dim3A_370 : i32 to vector<16xi32>
      %gather3A_372 = tpu.vector_load_idx %arg17[%add3A_369, %broadcast_in_dim3A_371] : memref<64x144xf32, #tpu.memory_space<vmem>>[vector<16xi32>, vector<16xi32>], vector<16xf32>,
      %get3A_373 = arith.constant 48 : index
      %get3A_374 = tpu.vector_load %arg14[%get3A_373] {strides = array<i32>} : memref<64xi32, #tpu.memory_space<vmem>>, vector<16xi32>,
      %gather3A_375 = tpu.vector_load_idx %arg8[%get3A_374] : memref<10000xf32, #tpu.memory_space<vmem>>[vector<16xi32>], vector<16xf32>,
      %add3A_376 = arith.addf %gather3A_372, %gather3A_375 : vector<16xf32>
      %mul3A_377 = arith.constant 2.000000e-01 : f32
      %mul3A_378 = vector.broadcast %mul3A_377 : f32 to vector<16xf32>
      %mul3A_379 = arith.mulf %mul3A_378, %add3A_376 : vector<16xf32>
      %max3A_380 = arith.maximumf %add3A_376, %mul3A_379 : vector<16xf32>
      %add3A_381 = arith.addf %get3A_25, %gather3A_375 : vector<16xf32>
      %mul3A_382 = arith.constant 2.000000e-01 : f32
      %mul3A_383 = vector.broadcast %mul3A_382 : f32 to vector<16xf32>
      %mul3A_384 = arith.mulf %mul3A_383, %add3A_381 : vector<16xf32>
      %max3A_385 = arith.maximumf %add3A_381, %mul3A_384 : vector<16xf32>
      %sub3A_386 = arith.subf %max3A_380, %max3A_385 : vector<16xf32>
      %exp3A_387 = math.exp %sub3A_386 : vector<16xf32>
      %mul3A_388 = arith.constant 64 : i32
      %mul3A_389 = arith.muli %add3A_242, %mul3A_388 : i32
      %add3A_390 = arith.constant 48 : i32
      %add3A_391 = arith.addi %mul3A_389, %add3A_390 : i32
      %add3A_392 = vector.broadcast %add3A_391 : i32 to vector<16xi32>
      %add3A_393 = arith.addi %add3A_392, %iota3A_366 : vector<16xi32>
      %lt3A_394 = arith.constant 10000 : i32
      %lt3A_395 = vector.broadcast %lt3A_394 : i32 to vector<16xi32>
      %lt3A_396 = arith.cmpi slt, %add3A_393, %lt3A_395 : vector<16xi32>
      %jit3A_397 = arith.constant 0.000000e+00 : f32
      %broadcast_in_dim3A_398 = vector.broadcast %jit3A_397 : f32 to vector<16xf32>
      %select_n3A_399 = arith.select %lt3A_396, %exp3A_387, %broadcast_in_dim3A_398 : vector<16xi1>, vector<16xf32>
      %swap3A_400 = arith.constant 48 : index
      %swap3A_401 = tpu.vector_load %arg15[%swap3A_400] {strides = array<i32>} : memref<64xf32, #tpu.memory_space<vmem>>, vector<16xf32>,
      tpu.vector_store %arg15[%swap3A_400], %select_n3A_399 {strides = array<i32>} : memref<64xf32, #tpu.memory_space<vmem>>, vector<16xf32>,
      %parallel_loop3A_402 = arith.constant 0 : i32
      %parallel_loop3A_403 = arith.constant 64 : i32
      %parallel_loop3A_404 = arith.constant 1 : i32
      scf.for %parallel_loop3A_408 = %parallel_loop3A_402 to %parallel_loop3A_403 step %parallel_loop3A_404  : i32 {
        %parallel_loop3A_409 = vector.broadcast %parallel_loop3A_408 : i32 to vector<16xi32>
        %parallel_loop3A_410 = tpu.vector_load_idx %arg15[%parallel_loop3A_409] : memref<64xf32, #tpu.memory_space<vmem>>[vector<16xi32>], vector<16xf32>,
        %parallel_loop3A_411 = arith.index_cast %parallel_loop3A_408 : i32 to index
        %parallel_loop3A_412 = arith.constant 0 : index
        %parallel_loop3A_413 = tpu.vector_load %arg17[%parallel_loop3A_411, %parallel_loop3A_412] {strides = array<i32>} : memref<64x144xf32, #tpu.memory_space<vmem>>, vector<16xf32>,
        %parallel_loop3A_414 = arith.mulf %parallel_loop3A_413, %parallel_loop3A_410 : vector<16xf32>
        %parallel_loop3A_415 = arith.index_cast %parallel_loop3A_408 : i32 to index
        %parallel_loop3A_416 = arith.constant 0 : index
        %parallel_loop3A_417 = tpu.vector_load %arg17[%parallel_loop3A_415, %parallel_loop3A_416] {strides = array<i32>} : memref<64x144xf32, #tpu.memory_space<vmem>>, vector<16xf32>,
        tpu.vector_store %arg17[%parallel_loop3A_415, %parallel_loop3A_416], %parallel_loop3A_414 {strides = array<i32>} : memref<64x144xf32, #tpu.memory_space<vmem>>, vector<16xf32>,
        %parallel_loop3A_418 = arith.index_cast %parallel_loop3A_408 : i32 to index
        %parallel_loop3A_419 = arith.constant 16 : index
        %parallel_loop3A_420 = tpu.vector_load %arg17[%parallel_loop3A_418, %parallel_loop3A_419] {strides = array<i32>} : memref<64x144xf32, #tpu.memory_space<vmem>>, vector<16xf32>,
        %parallel_loop3A_421 = arith.mulf %parallel_loop3A_420, %parallel_loop3A_410 : vector<16xf32>
        %parallel_loop3A_422 = arith.index_cast %parallel_loop3A_408 : i32 to index
        %parallel_loop3A_423 = arith.constant 16 : index
        %parallel_loop3A_424 = tpu.vector_load %arg17[%parallel_loop3A_422, %parallel_loop3A_423] {strides = array<i32>} : memref<64x144xf32, #tpu.memory_space<vmem>>, vector<16xf32>,
        tpu.vector_store %arg17[%parallel_loop3A_422, %parallel_loop3A_423], %parallel_loop3A_421 {strides = array<i32>} : memref<64x144xf32, #tpu.memory_space<vmem>>, vector<16xf32>,
        %parallel_loop3A_425 = arith.index_cast %parallel_loop3A_408 : i32 to index
        %parallel_loop3A_426 = arith.constant 32 : index
        %parallel_loop3A_427 = tpu.vector_load %arg17[%parallel_loop3A_425, %parallel_loop3A_426] {strides = array<i32>} : memref<64x144xf32, #tpu.memory_space<vmem>>, vector<16xf32>,
        %parallel_loop3A_428 = arith.mulf %parallel_loop3A_427, %parallel_loop3A_410 : vector<16xf32>
        %parallel_loop3A_429 = arith.index_cast %parallel_loop3A_408 : i32 to index
        %parallel_loop3A_430 = arith.constant 32 : index
        %parallel_loop3A_431 = tpu.vector_load %arg17[%parallel_loop3A_429, %parallel_loop3A_430] {strides = array<i32>} : memref<64x144xf32, #tpu.memory_space<vmem>>, vector<16xf32>,
        tpu.vector_store %arg17[%parallel_loop3A_429, %parallel_loop3A_430], %parallel_loop3A_428 {strides = array<i32>} : memref<64x144xf32, #tpu.memory_space<vmem>>, vector<16xf32>,
        %parallel_loop3A_432 = arith.index_cast %parallel_loop3A_408 : i32 to index
        %parallel_loop3A_433 = arith.constant 48 : index
        %parallel_loop3A_434 = tpu.vector_load %arg17[%parallel_loop3A_432, %parallel_loop3A_433] {strides = array<i32>} : memref<64x144xf32, #tpu.memory_space<vmem>>, vector<16xf32>,
        %parallel_loop3A_435 = arith.mulf %parallel_loop3A_434, %parallel_loop3A_410 : vector<16xf32>
        %parallel_loop3A_436 = arith.index_cast %parallel_loop3A_408 : i32 to index
        %parallel_loop3A_437 = arith.constant 48 : index
        %parallel_loop3A_438 = tpu.vector_load %arg17[%parallel_loop3A_436, %parallel_loop3A_437] {strides = array<i32>} : memref<64x144xf32, #tpu.memory_space<vmem>>, vector<16xf32>,
        tpu.vector_store %arg17[%parallel_loop3A_436, %parallel_loop3A_437], %parallel_loop3A_435 {strides = array<i32>} : memref<64x144xf32, #tpu.memory_space<vmem>>, vector<16xf32>,
        %parallel_loop3A_439 = arith.index_cast %parallel_loop3A_408 : i32 to index
        %parallel_loop3A_440 = arith.constant 64 : index
        %parallel_loop3A_441 = tpu.vector_load %arg17[%parallel_loop3A_439, %parallel_loop3A_440] {strides = array<i32>} : memref<64x144xf32, #tpu.memory_space<vmem>>, vector<16xf32>,
        %parallel_loop3A_442 = arith.mulf %parallel_loop3A_441, %parallel_loop3A_410 : vector<16xf32>
        %parallel_loop3A_443 = arith.index_cast %parallel_loop3A_408 : i32 to index
        %parallel_loop3A_444 = arith.constant 64 : index
        %parallel_loop3A_445 = tpu.vector_load %arg17[%parallel_loop3A_443, %parallel_loop3A_444] {strides = array<i32>} : memref<64x144xf32, #tpu.memory_space<vmem>>, vector<16xf32>,
        tpu.vector_store %arg17[%parallel_loop3A_443, %parallel_loop3A_444], %parallel_loop3A_442 {strides = array<i32>} : memref<64x144xf32, #tpu.memory_space<vmem>>, vector<16xf32>,
        %parallel_loop3A_446 = arith.index_cast %parallel_loop3A_408 : i32 to index
        %parallel_loop3A_447 = arith.constant 80 : index
        %parallel_loop3A_448 = tpu.vector_load %arg17[%parallel_loop3A_446, %parallel_loop3A_447] {strides = array<i32>} : memref<64x144xf32, #tpu.memory_space<vmem>>, vector<16xf32>,
        %parallel_loop3A_449 = arith.mulf %parallel_loop3A_448, %parallel_loop3A_410 : vector<16xf32>
        %parallel_loop3A_450 = arith.index_cast %parallel_loop3A_408 : i32 to index
        %parallel_loop3A_451 = arith.constant 80 : index
        %parallel_loop3A_452 = tpu.vector_load %arg17[%parallel_loop3A_450, %parallel_loop3A_451] {strides = array<i32>} : memref<64x144xf32, #tpu.memory_space<vmem>>, vector<16xf32>,
        tpu.vector_store %arg17[%parallel_loop3A_450, %parallel_loop3A_451], %parallel_loop3A_449 {strides = array<i32>} : memref<64x144xf32, #tpu.memory_space<vmem>>, vector<16xf32>,
        %parallel_loop3A_453 = arith.index_cast %parallel_loop3A_408 : i32 to index
        %parallel_loop3A_454 = arith.constant 96 : index
        %parallel_loop3A_455 = tpu.vector_load %arg17[%parallel_loop3A_453, %parallel_loop3A_454] {strides = array<i32>} : memref<64x144xf32, #tpu.memory_space<vmem>>, vector<16xf32>,
        %parallel_loop3A_456 = arith.mulf %parallel_loop3A_455, %parallel_loop3A_410 : vector<16xf32>
        %parallel_loop3A_457 = arith.index_cast %parallel_loop3A_408 : i32 to index
        %parallel_loop3A_458 = arith.constant 96 : index
        %parallel_loop3A_459 = tpu.vector_load %arg17[%parallel_loop3A_457, %parallel_loop3A_458] {strides = array<i32>} : memref<64x144xf32, #tpu.memory_space<vmem>>, vector<16xf32>,
        tpu.vector_store %arg17[%parallel_loop3A_457, %parallel_loop3A_458], %parallel_loop3A_456 {strides = array<i32>} : memref<64x144xf32, #tpu.memory_space<vmem>>, vector<16xf32>,
        %parallel_loop3A_460 = arith.index_cast %parallel_loop3A_408 : i32 to index
        %parallel_loop3A_461 = arith.constant 112 : index
        %parallel_loop3A_462 = tpu.vector_load %arg17[%parallel_loop3A_460, %parallel_loop3A_461] {strides = array<i32>} : memref<64x144xf32, #tpu.memory_space<vmem>>, vector<16xf32>,
        %parallel_loop3A_463 = arith.mulf %parallel_loop3A_462, %parallel_loop3A_410 : vector<16xf32>
        %parallel_loop3A_464 = arith.index_cast %parallel_loop3A_408 : i32 to index
        %parallel_loop3A_465 = arith.constant 112 : index
        %parallel_loop3A_466 = tpu.vector_load %arg17[%parallel_loop3A_464, %parallel_loop3A_465] {strides = array<i32>} : memref<64x144xf32, #tpu.memory_space<vmem>>, vector<16xf32>,
        tpu.vector_store %arg17[%parallel_loop3A_464, %parallel_loop3A_465], %parallel_loop3A_463 {strides = array<i32>} : memref<64x144xf32, #tpu.memory_space<vmem>>, vector<16xf32>,
        %parallel_loop3A_467 = arith.index_cast %parallel_loop3A_408 : i32 to index
        %parallel_loop3A_468 = arith.constant 128 : index
        %parallel_loop3A_469 = tpu.vector_load %arg17[%parallel_loop3A_467, %parallel_loop3A_468] {strides = array<i32>} : memref<64x144xf32, #tpu.memory_space<vmem>>, vector<16xf32>,
        %parallel_loop3A_470 = arith.mulf %parallel_loop3A_469, %parallel_loop3A_410 : vector<16xf32>
        %parallel_loop3A_471 = arith.index_cast %parallel_loop3A_408 : i32 to index
        %parallel_loop3A_472 = arith.constant 128 : index
        %parallel_loop3A_473 = tpu.vector_load %arg17[%parallel_loop3A_471, %parallel_loop3A_472] {strides = array<i32>} : memref<64x144xf32, #tpu.memory_space<vmem>>, vector<16xf32>,
        tpu.vector_store %arg17[%parallel_loop3A_471, %parallel_loop3A_472], %parallel_loop3A_470 {strides = array<i32>} : memref<64x144xf32, #tpu.memory_space<vmem>>, vector<16xf32>,
      } {sc.loop_unroll_factor = 4 : i64, sc.parallel_access}
      %dma_start3A_405 = arith.constant 0 : i32
      %dma_start3A_406 = arith.constant 0 : i32
      %dma_start3A_407 = tpu.memref_slice %arg7[%dma_start3A_405, %dma_start3A_406] : memref<10000x144xf32, #tpu.memory_space<vmem_shared>> -> memref<10000x144xf32, #tpu.memory_space<vmem_shared>>
      tpu.enqueue_indirect_dma source(%arg17 : memref<64x144xf32, #tpu.memory_space<vmem>>) target(%dma_start3A_407 : memref<10000x144xf32, #tpu.memory_space<vmem_shared>>) offsets(%arg14 : memref<64xi32, #tpu.memory_space<vmem>>) semaphore(%arg19 : memref<!tpu.dma_semaphore, #tpu.memory_space<semaphore_mem>>) {add = true}
    }
    %scan3A_77 = arith.constant 79 : i32
    %dma_wait3A = arith.constant 0 : i32
    %dma_wait3A_78 = arith.constant 0 : i32
    %dma_wait3A_79 = tpu.memref_slice %arg7[%dma_wait3A, %dma_wait3A_78] : memref<10000x144xf32, #tpu.memory_space<vmem_shared>> -> memref<10000x144xf32, #tpu.memory_space<vmem_shared>>
    tpu.wait_indirect_dma semaphore(%arg19 : memref<!tpu.dma_semaphore, #tpu.memory_space<semaphore_mem>>) src(%arg17 : memref<64x144xf32, #tpu.memory_space<vmem>>) dst(%dma_wait3A_79 : memref<10000x144xf32, #tpu.memory_space<vmem_shared>>)
    %barrier3A_80 = arith.constant 0 : index
    tpu.barrier barrier_id(%barrier3A_80)
    "tpu.region"() ({
      %run_scoped3A = tpu.sem_alloc : memref<!tpu.dma_semaphore, #tpu.memory_space<semaphore_mem>>
      %dma_start3A_81 = arith.constant 0 : i32
      %dma_start3A_82 = tpu.memref_slice %arg6[%arg0, %mul3A_2, %dma_start3A_81] : memref<2x10000x144xf32, #tpu.memory_space<hbm>> -> memref<1x625x144xf32, #tpu.memory_space<hbm>>
      %dma_start3A_83 = tpu.memref_squeeze %dma_start3A_82 : memref<1x625x144xf32, #tpu.memory_space<hbm>> -> memref<625x144xf32, #tpu.memory_space<hbm>>
      %dma_start3A_84 = arith.constant 0 : i32
      %dma_start3A_85 = tpu.memref_slice %arg7[%mul3A_2, %dma_start3A_84] : memref<10000x144xf32, #tpu.memory_space<vmem_shared>> -> memref<625x144xf32, #tpu.memory_space<vmem_shared>>
      tpu.enqueue_dma source(%dma_start3A_85 : memref<625x144xf32, #tpu.memory_space<vmem_shared>>) target(%dma_start3A_83 : memref<625x144xf32, #tpu.memory_space<hbm>>) target_semaphore(%run_scoped3A : memref<!tpu.dma_semaphore, #tpu.memory_space<semaphore_mem>>)
      %dma_wait3A_86 = arith.constant 0 : i32
      %dma_wait3A_87 = tpu.memref_slice %arg6[%arg0, %mul3A_2, %dma_wait3A_86] : memref<2x10000x144xf32, #tpu.memory_space<hbm>> -> memref<1x625x144xf32, #tpu.memory_space<hbm>>
      %dma_wait3A_88 = tpu.memref_squeeze %dma_wait3A_87 : memref<1x625x144xf32, #tpu.memory_space<hbm>> -> memref<625x144xf32, #tpu.memory_space<hbm>>
      %dma_wait3A_89 = arith.constant 0 : i32
      %dma_wait3A_90 = tpu.memref_slice %arg7[%mul3A_2, %dma_wait3A_89] : memref<10000x144xf32, #tpu.memory_space<vmem_shared>> -> memref<625x144xf32, #tpu.memory_space<vmem_shared>>
      tpu.wait_dma2 semaphore(%run_scoped3A : memref<!tpu.dma_semaphore, #tpu.memory_space<semaphore_mem>>) src(%dma_wait3A_90 : memref<625x144xf32, #tpu.memory_space<vmem_shared>>) dst(%dma_wait3A_88 : memref<625x144xf32, #tpu.memory_space<hbm>>)
      tpu.yield
    }) : () -> ()
    return
  }
}

#map = affine_map<(d0, d1) -> (0, 0)>
#map1 = affine_map<(d0, d1) -> (0)>
#map2 = affine_map<(d0, d1) -> (0, 0, 0)>
module attributes {stable_mosaic.version = 14 : i64} {
  func.func @_edge_body(%arg0: i32, %arg1: i32, %arg2: memref<10000x144xf32, #tpu.memory_space<hbm>>, %arg3: memref<32x10112xi32, #tpu.memory_space<hbm>>, %arg4: memref<10000xf32, #tpu.memory_space<hbm>>, %arg5: memref<128xf32, #tpu.memory_space<hbm>>, %arg6: memref<2x10000x144xf32, #tpu.memory_space<hbm>>, %arg7: memref<10000x144xf32, #tpu.memory_space<vmem_shared>>, %arg8: memref<10000xf32, #tpu.memory_space<vmem>>, %arg9: memref<16xf32, #tpu.memory_space<vmem>>, %arg10: memref<10112xi32, #tpu.memory_space<vmem>>, %arg11: memref<64xi32, #tpu.memory_space<vmem>>, %arg12: memref<64xi32, #tpu.memory_space<vmem>>, %arg13: memref<64xi32, #tpu.memory_space<vmem>>, %arg14: memref<64xi32, #tpu.memory_space<vmem>>, %arg15: memref<64xf32, #tpu.memory_space<vmem>>, %arg16: memref<64x144xf32, #tpu.memory_space<vmem>>, %arg17: memref<64x144xf32, #tpu.memory_space<vmem>>, %arg18: memref<!tpu.dma_semaphore, #tpu.memory_space<semaphore_mem>>, %arg19: memref<!tpu.dma_semaphore, #tpu.memory_space<semaphore_mem>>) attributes {dimension_semantics = [#tpu.dimension_semantics<core_parallel>, #tpu.dimension_semantics<subcore_parallel>], iteration_bounds = array<i64: 2, 16>, scalar_prefetch = 0 : i64, scratch_operands = 13 : i64, tpu.core_type = #tpu.core_type<sc_vector_subcore>, window_params = [{transform_indices = #map}, {transform_indices = #map}, {transform_indices = #map1}, {transform_indices = #map1}, {transform_indices = #map2}]} {
    %mul3A = arith.constant 2 : i32
    %mul3A_0 = arith.muli %arg1, %mul3A : i32
    %add3A = arith.addi %mul3A_0, %arg0 : i32
    %mul3A_1 = arith.constant 625 : i32
    %mul3A_2 = arith.muli %arg1, %mul3A_1 : i32
    "tpu.region"() ({
      %run_scoped3A = tpu.sem_alloc : memref<!tpu.dma_semaphore, #tpu.memory_space<semaphore_mem>>
      tpu.enqueue_dma source(%arg4 : memref<10000xf32, #tpu.memory_space<hbm>>) target(%arg8 : memref<10000xf32, #tpu.memory_space<vmem>>) target_semaphore(%run_scoped3A : memref<!tpu.dma_semaphore, #tpu.memory_space<semaphore_mem>>)
      tpu.wait_dma2 semaphore(%run_scoped3A : memref<!tpu.dma_semaphore, #tpu.memory_space<semaphore_mem>>) src(%arg4 : memref<10000xf32, #tpu.memory_space<hbm>>) dst(%arg8 : memref<10000xf32, #tpu.memory_space<vmem>>)
      tpu.yield
    }) : () -> ()
    "tpu.region"() ({
      %run_scoped3A = tpu.sem_alloc : memref<!tpu.dma_semaphore, #tpu.memory_space<semaphore_mem>>
      %dma_start3A_81 = arith.constant 0 : i32
      %dma_start3A_82 = tpu.memref_slice %arg5[%dma_start3A_81] : memref<128xf32, #tpu.memory_space<hbm>> -> memref<16xf32, #tpu.memory_space<hbm>>
      %dma_start3A_83 = arith.constant 0 : i32
      %dma_start3A_84 = tpu.memref_slice %arg5[%dma_start3A_83] : memref<128xf32, #tpu.memory_space<hbm>> -> memref<16xf32, #tpu.memory_space<hbm>>
      tpu.enqueue_dma source(%dma_start3A_84 : memref<16xf32, #tpu.memory_space<hbm>>) target(%arg9 : memref<16xf32, #tpu.memory_space<vmem>>) target_semaphore(%run_scoped3A : memref<!tpu.dma_semaphore, #tpu.memory_space<semaphore_mem>>)
      %dma_wait3A_85 = arith.constant 0 : i32
      %dma_wait3A_86 = tpu.memref_slice %arg5[%dma_wait3A_85] : memref<128xf32, #tpu.memory_space<hbm>> -> memref<16xf32, #tpu.memory_space<hbm>>
      %dma_wait3A_87 = arith.constant 0 : i32
      %dma_wait3A_88 = tpu.memref_slice %arg5[%dma_wait3A_87] : memref<128xf32, #tpu.memory_space<hbm>> -> memref<16xf32, #tpu.memory_space<hbm>>
      tpu.wait_dma2 semaphore(%run_scoped3A : memref<!tpu.dma_semaphore, #tpu.memory_space<semaphore_mem>>) src(%dma_wait3A_88 : memref<16xf32, #tpu.memory_space<hbm>>) dst(%arg9 : memref<16xf32, #tpu.memory_space<vmem>>)
      tpu.yield
    }) : () -> ()
    "tpu.region"() ({
      %run_scoped3A = tpu.sem_alloc : memref<!tpu.dma_semaphore, #tpu.memory_space<semaphore_mem>>
      %dma_start3A_81 = arith.constant 0 : i32
      %dma_start3A_82 = tpu.memref_slice %arg3[%add3A, %dma_start3A_81] : memref<32x10112xi32, #tpu.memory_space<hbm>> -> memref<1x10112xi32, #tpu.memory_space<hbm>>
      %dma_start3A_83 = tpu.memref_squeeze %dma_start3A_82 : memref<1x10112xi32, #tpu.memory_space<hbm>> -> memref<10112xi32, #tpu.memory_space<hbm>>
      %dma_start3A_84 = arith.constant 0 : i32
      %dma_start3A_85 = tpu.memref_slice %arg3[%add3A, %dma_start3A_84] : memref<32x10112xi32, #tpu.memory_space<hbm>> -> memref<1x10112xi32, #tpu.memory_space<hbm>>
      %dma_start3A_86 = tpu.memref_squeeze %dma_start3A_85 : memref<1x10112xi32, #tpu.memory_space<hbm>> -> memref<10112xi32, #tpu.memory_space<hbm>>
      tpu.enqueue_dma source(%dma_start3A_86 : memref<10112xi32, #tpu.memory_space<hbm>>) target(%arg10 : memref<10112xi32, #tpu.memory_space<vmem>>) target_semaphore(%run_scoped3A : memref<!tpu.dma_semaphore, #tpu.memory_space<semaphore_mem>>)
      %dma_wait3A_87 = arith.constant 0 : i32
      %dma_wait3A_88 = tpu.memref_slice %arg3[%add3A, %dma_wait3A_87] : memref<32x10112xi32, #tpu.memory_space<hbm>> -> memref<1x10112xi32, #tpu.memory_space<hbm>>
      %dma_wait3A_89 = tpu.memref_squeeze %dma_wait3A_88 : memref<1x10112xi32, #tpu.memory_space<hbm>> -> memref<10112xi32, #tpu.memory_space<hbm>>
      %dma_wait3A_90 = arith.constant 0 : i32
      %dma_wait3A_91 = tpu.memref_slice %arg3[%add3A, %dma_wait3A_90] : memref<32x10112xi32, #tpu.memory_space<hbm>> -> memref<1x10112xi32, #tpu.memory_space<hbm>>
      %dma_wait3A_92 = tpu.memref_squeeze %dma_wait3A_91 : memref<1x10112xi32, #tpu.memory_space<hbm>> -> memref<10112xi32, #tpu.memory_space<hbm>>
      tpu.wait_dma2 semaphore(%run_scoped3A : memref<!tpu.dma_semaphore, #tpu.memory_space<semaphore_mem>>) src(%dma_wait3A_92 : memref<10112xi32, #tpu.memory_space<hbm>>) dst(%arg10 : memref<10112xi32, #tpu.memory_space<vmem>>)
      tpu.yield
    }) : () -> ()
    %parallel_loop3A = arith.constant 0 : i32
    %parallel_loop3A_3 = arith.constant 64 : i32
    %parallel_loop3A_4 = arith.constant 1 : i32
    scf.for %parallel_loop3A_81 = %parallel_loop3A to %parallel_loop3A_3 step %parallel_loop3A_4  : i32 {
      %parallel_loop3A_82 = arith.constant 0.000000e+00 : f32
      %parallel_loop3A_83 = vector.broadcast %parallel_loop3A_82 : f32 to vector<16xf32>
      %parallel_loop3A_84 = arith.index_cast %parallel_loop3A_81 : i32 to index
      %parallel_loop3A_85 = arith.constant 0 : index
      %parallel_loop3A_86 = tpu.vector_load %arg16[%parallel_loop3A_84, %parallel_loop3A_85] {strides = array<i32>} : memref<64x144xf32, #tpu.memory_space<vmem>>, vector<16xf32>,
      tpu.vector_store %arg16[%parallel_loop3A_84, %parallel_loop3A_85], %parallel_loop3A_83 {strides = array<i32>} : memref<64x144xf32, #tpu.memory_space<vmem>>, vector<16xf32>,
      %parallel_loop3A_87 = arith.constant 0.000000e+00 : f32
      %parallel_loop3A_88 = vector.broadcast %parallel_loop3A_87 : f32 to vector<16xf32>
      %parallel_loop3A_89 = arith.index_cast %parallel_loop3A_81 : i32 to index
      %parallel_loop3A_90 = arith.constant 16 : index
      %parallel_loop3A_91 = tpu.vector_load %arg16[%parallel_loop3A_89, %parallel_loop3A_90] {strides = array<i32>} : memref<64x144xf32, #tpu.memory_space<vmem>>, vector<16xf32>,
      tpu.vector_store %arg16[%parallel_loop3A_89, %parallel_loop3A_90], %parallel_loop3A_88 {strides = array<i32>} : memref<64x144xf32, #tpu.memory_space<vmem>>, vector<16xf32>,
      %parallel_loop3A_92 = arith.constant 0.000000e+00 : f32
      %parallel_loop3A_93 = vector.broadcast %parallel_loop3A_92 : f32 to vector<16xf32>
      %parallel_loop3A_94 = arith.index_cast %parallel_loop3A_81 : i32 to index
      %parallel_loop3A_95 = arith.constant 32 : index
      %parallel_loop3A_96 = tpu.vector_load %arg16[%parallel_loop3A_94, %parallel_loop3A_95] {strides = array<i32>} : memref<64x144xf32, #tpu.memory_space<vmem>>, vector<16xf32>,
      tpu.vector_store %arg16[%parallel_loop3A_94, %parallel_loop3A_95], %parallel_loop3A_93 {strides = array<i32>} : memref<64x144xf32, #tpu.memory_space<vmem>>, vector<16xf32>,
      %parallel_loop3A_97 = arith.constant 0.000000e+00 : f32
      %parallel_loop3A_98 = vector.broadcast %parallel_loop3A_97 : f32 to vector<16xf32>
      %parallel_loop3A_99 = arith.index_cast %parallel_loop3A_81 : i32 to index
      %parallel_loop3A_100 = arith.constant 48 : index
      %parallel_loop3A_101 = tpu.vector_load %arg16[%parallel_loop3A_99, %parallel_loop3A_100] {strides = array<i32>} : memref<64x144xf32, #tpu.memory_space<vmem>>, vector<16xf32>,
      tpu.vector_store %arg16[%parallel_loop3A_99, %parallel_loop3A_100], %parallel_loop3A_98 {strides = array<i32>} : memref<64x144xf32, #tpu.memory_space<vmem>>, vector<16xf32>,
      %parallel_loop3A_102 = arith.constant 0.000000e+00 : f32
      %parallel_loop3A_103 = vector.broadcast %parallel_loop3A_102 : f32 to vector<16xf32>
      %parallel_loop3A_104 = arith.index_cast %parallel_loop3A_81 : i32 to index
      %parallel_loop3A_105 = arith.constant 64 : index
      %parallel_loop3A_106 = tpu.vector_load %arg16[%parallel_loop3A_104, %parallel_loop3A_105] {strides = array<i32>} : memref<64x144xf32, #tpu.memory_space<vmem>>, vector<16xf32>,
      tpu.vector_store %arg16[%parallel_loop3A_104, %parallel_loop3A_105], %parallel_loop3A_103 {strides = array<i32>} : memref<64x144xf32, #tpu.memory_space<vmem>>, vector<16xf32>,
      %parallel_loop3A_107 = arith.constant 0.000000e+00 : f32
      %parallel_loop3A_108 = vector.broadcast %parallel_loop3A_107 : f32 to vector<16xf32>
      %parallel_loop3A_109 = arith.index_cast %parallel_loop3A_81 : i32 to index
      %parallel_loop3A_110 = arith.constant 80 : index
      %parallel_loop3A_111 = tpu.vector_load %arg16[%parallel_loop3A_109, %parallel_loop3A_110] {strides = array<i32>} : memref<64x144xf32, #tpu.memory_space<vmem>>, vector<16xf32>,
      tpu.vector_store %arg16[%parallel_loop3A_109, %parallel_loop3A_110], %parallel_loop3A_108 {strides = array<i32>} : memref<64x144xf32, #tpu.memory_space<vmem>>, vector<16xf32>,
      %parallel_loop3A_112 = arith.constant 0.000000e+00 : f32
      %parallel_loop3A_113 = vector.broadcast %parallel_loop3A_112 : f32 to vector<16xf32>
      %parallel_loop3A_114 = arith.index_cast %parallel_loop3A_81 : i32 to index
      %parallel_loop3A_115 = arith.constant 96 : index
      %parallel_loop3A_116 = tpu.vector_load %arg16[%parallel_loop3A_114, %parallel_loop3A_115] {strides = array<i32>} : memref<64x144xf32, #tpu.memory_space<vmem>>, vector<16xf32>,
      tpu.vector_store %arg16[%parallel_loop3A_114, %parallel_loop3A_115], %parallel_loop3A_113 {strides = array<i32>} : memref<64x144xf32, #tpu.memory_space<vmem>>, vector<16xf32>,
      %parallel_loop3A_117 = arith.constant 0.000000e+00 : f32
      %parallel_loop3A_118 = vector.broadcast %parallel_loop3A_117 : f32 to vector<16xf32>
      %parallel_loop3A_119 = arith.index_cast %parallel_loop3A_81 : i32 to index
      %parallel_loop3A_120 = arith.constant 112 : index
      %parallel_loop3A_121 = tpu.vector_load %arg16[%parallel_loop3A_119, %parallel_loop3A_120] {strides = array<i32>} : memref<64x144xf32, #tpu.memory_space<vmem>>, vector<16xf32>,
      tpu.vector_store %arg16[%parallel_loop3A_119, %parallel_loop3A_120], %parallel_loop3A_118 {strides = array<i32>} : memref<64x144xf32, #tpu.memory_space<vmem>>, vector<16xf32>,
      %parallel_loop3A_122 = arith.constant 0.000000e+00 : f32
      %parallel_loop3A_123 = vector.broadcast %parallel_loop3A_122 : f32 to vector<16xf32>
      %parallel_loop3A_124 = arith.index_cast %parallel_loop3A_81 : i32 to index
      %parallel_loop3A_125 = arith.constant 128 : index
      %parallel_loop3A_126 = tpu.vector_load %arg16[%parallel_loop3A_124, %parallel_loop3A_125] {strides = array<i32>} : memref<64x144xf32, #tpu.memory_space<vmem>>, vector<16xf32>,
      tpu.vector_store %arg16[%parallel_loop3A_124, %parallel_loop3A_125], %parallel_loop3A_123 {strides = array<i32>} : memref<64x144xf32, #tpu.memory_space<vmem>>, vector<16xf32>,
    } {sc.loop_unroll_factor = 4 : i64, sc.parallel_access}
    %add3A_5 = arith.constant 0 : i32
    %add3A_6 = arith.addi %mul3A_2, %add3A_5 : i32
    "tpu.region"() ({
      %run_scoped3A = tpu.sem_alloc : memref<!tpu.dma_semaphore, #tpu.memory_space<semaphore_mem>>
      %dma_start3A_81 = arith.constant 0 : i32
      %dma_start3A_82 = tpu.memref_slice %arg7[%add3A_6, %dma_start3A_81] : memref<10000x144xf32, #tpu.memory_space<vmem_shared>> -> memref<64x144xf32, #tpu.memory_space<vmem_shared>>
      %dma_start3A_83 = arith.constant 0 : i32
      %dma_start3A_84 = tpu.memref_slice %arg7[%add3A_6, %dma_start3A_83] : memref<10000x144xf32, #tpu.memory_space<vmem_shared>> -> memref<64x144xf32, #tpu.memory_space<vmem_shared>>
      tpu.enqueue_dma source(%arg16 : memref<64x144xf32, #tpu.memory_space<vmem>>) target(%dma_start3A_84 : memref<64x144xf32, #tpu.memory_space<vmem_shared>>) target_semaphore(%run_scoped3A : memref<!tpu.dma_semaphore, #tpu.memory_space<semaphore_mem>>)
      %dma_wait3A_85 = arith.constant 0 : i32
      %dma_wait3A_86 = tpu.memref_slice %arg7[%add3A_6, %dma_wait3A_85] : memref<10000x144xf32, #tpu.memory_space<vmem_shared>> -> memref<64x144xf32, #tpu.memory_space<vmem_shared>>
      %dma_wait3A_87 = arith.constant 0 : i32
      %dma_wait3A_88 = tpu.memref_slice %arg7[%add3A_6, %dma_wait3A_87] : memref<10000x144xf32, #tpu.memory_space<vmem_shared>> -> memref<64x144xf32, #tpu.memory_space<vmem_shared>>
      tpu.wait_dma2 semaphore(%run_scoped3A : memref<!tpu.dma_semaphore, #tpu.memory_space<semaphore_mem>>) src(%arg16 : memref<64x144xf32, #tpu.memory_space<vmem>>) dst(%dma_wait3A_88 : memref<64x144xf32, #tpu.memory_space<vmem_shared>>)
      tpu.yield
    }) : () -> ()
    %add3A_7 = arith.constant 64 : i32
    %add3A_8 = arith.addi %mul3A_2, %add3A_7 : i32
    "tpu.region"() ({
      %run_scoped3A = tpu.sem_alloc : memref<!tpu.dma_semaphore, #tpu.memory_space<semaphore_mem>>
      %dma_start3A_81 = arith.constant 0 : i32
      %dma_start3A_82 = tpu.memref_slice %arg7[%add3A_8, %dma_start3A_81] : memref<10000x144xf32, #tpu.memory_space<vmem_shared>> -> memref<64x144xf32, #tpu.memory_space<vmem_shared>>
      %dma_start3A_83 = arith.constant 0 : i32
      %dma_start3A_84 = tpu.memref_slice %arg7[%add3A_8, %dma_start3A_83] : memref<10000x144xf32, #tpu.memory_space<vmem_shared>> -> memref<64x144xf32, #tpu.memory_space<vmem_shared>>
      tpu.enqueue_dma source(%arg16 : memref<64x144xf32, #tpu.memory_space<vmem>>) target(%dma_start3A_84 : memref<64x144xf32, #tpu.memory_space<vmem_shared>>) target_semaphore(%run_scoped3A : memref<!tpu.dma_semaphore, #tpu.memory_space<semaphore_mem>>)
      %dma_wait3A_85 = arith.constant 0 : i32
      %dma_wait3A_86 = tpu.memref_slice %arg7[%add3A_8, %dma_wait3A_85] : memref<10000x144xf32, #tpu.memory_space<vmem_shared>> -> memref<64x144xf32, #tpu.memory_space<vmem_shared>>
      %dma_wait3A_87 = arith.constant 0 : i32
      %dma_wait3A_88 = tpu.memref_slice %arg7[%add3A_8, %dma_wait3A_87] : memref<10000x144xf32, #tpu.memory_space<vmem_shared>> -> memref<64x144xf32, #tpu.memory_space<vmem_shared>>
      tpu.wait_dma2 semaphore(%run_scoped3A : memref<!tpu.dma_semaphore, #tpu.memory_space<semaphore_mem>>) src(%arg16 : memref<64x144xf32, #tpu.memory_space<vmem>>) dst(%dma_wait3A_88 : memref<64x144xf32, #tpu.memory_space<vmem_shared>>)
      tpu.yield
    }) : () -> ()
    %add3A_9 = arith.constant 128 : i32
    %add3A_10 = arith.addi %mul3A_2, %add3A_9 : i32
    "tpu.region"() ({
      %run_scoped3A = tpu.sem_alloc : memref<!tpu.dma_semaphore, #tpu.memory_space<semaphore_mem>>
      %dma_start3A_81 = arith.constant 0 : i32
      %dma_start3A_82 = tpu.memref_slice %arg7[%add3A_10, %dma_start3A_81] : memref<10000x144xf32, #tpu.memory_space<vmem_shared>> -> memref<64x144xf32, #tpu.memory_space<vmem_shared>>
      %dma_start3A_83 = arith.constant 0 : i32
      %dma_start3A_84 = tpu.memref_slice %arg7[%add3A_10, %dma_start3A_83] : memref<10000x144xf32, #tpu.memory_space<vmem_shared>> -> memref<64x144xf32, #tpu.memory_space<vmem_shared>>
      tpu.enqueue_dma source(%arg16 : memref<64x144xf32, #tpu.memory_space<vmem>>) target(%dma_start3A_84 : memref<64x144xf32, #tpu.memory_space<vmem_shared>>) target_semaphore(%run_scoped3A : memref<!tpu.dma_semaphore, #tpu.memory_space<semaphore_mem>>)
      %dma_wait3A_85 = arith.constant 0 : i32
      %dma_wait3A_86 = tpu.memref_slice %arg7[%add3A_10, %dma_wait3A_85] : memref<10000x144xf32, #tpu.memory_space<vmem_shared>> -> memref<64x144xf32, #tpu.memory_space<vmem_shared>>
      %dma_wait3A_87 = arith.constant 0 : i32
      %dma_wait3A_88 = tpu.memref_slice %arg7[%add3A_10, %dma_wait3A_87] : memref<10000x144xf32, #tpu.memory_space<vmem_shared>> -> memref<64x144xf32, #tpu.memory_space<vmem_shared>>
      tpu.wait_dma2 semaphore(%run_scoped3A : memref<!tpu.dma_semaphore, #tpu.memory_space<semaphore_mem>>) src(%arg16 : memref<64x144xf32, #tpu.memory_space<vmem>>) dst(%dma_wait3A_88 : memref<64x144xf32, #tpu.memory_space<vmem_shared>>)
      tpu.yield
    }) : () -> ()
    %add3A_11 = arith.constant 192 : i32
    %add3A_12 = arith.addi %mul3A_2, %add3A_11 : i32
    "tpu.region"() ({
      %run_scoped3A = tpu.sem_alloc : memref<!tpu.dma_semaphore, #tpu.memory_space<semaphore_mem>>
      %dma_start3A_81 = arith.constant 0 : i32
      %dma_start3A_82 = tpu.memref_slice %arg7[%add3A_12, %dma_start3A_81] : memref<10000x144xf32, #tpu.memory_space<vmem_shared>> -> memref<64x144xf32, #tpu.memory_space<vmem_shared>>
      %dma_start3A_83 = arith.constant 0 : i32
      %dma_start3A_84 = tpu.memref_slice %arg7[%add3A_12, %dma_start3A_83] : memref<10000x144xf32, #tpu.memory_space<vmem_shared>> -> memref<64x144xf32, #tpu.memory_space<vmem_shared>>
      tpu.enqueue_dma source(%arg16 : memref<64x144xf32, #tpu.memory_space<vmem>>) target(%dma_start3A_84 : memref<64x144xf32, #tpu.memory_space<vmem_shared>>) target_semaphore(%run_scoped3A : memref<!tpu.dma_semaphore, #tpu.memory_space<semaphore_mem>>)
      %dma_wait3A_85 = arith.constant 0 : i32
      %dma_wait3A_86 = tpu.memref_slice %arg7[%add3A_12, %dma_wait3A_85] : memref<10000x144xf32, #tpu.memory_space<vmem_shared>> -> memref<64x144xf32, #tpu.memory_space<vmem_shared>>
      %dma_wait3A_87 = arith.constant 0 : i32
      %dma_wait3A_88 = tpu.memref_slice %arg7[%add3A_12, %dma_wait3A_87] : memref<10000x144xf32, #tpu.memory_space<vmem_shared>> -> memref<64x144xf32, #tpu.memory_space<vmem_shared>>
      tpu.wait_dma2 semaphore(%run_scoped3A : memref<!tpu.dma_semaphore, #tpu.memory_space<semaphore_mem>>) src(%arg16 : memref<64x144xf32, #tpu.memory_space<vmem>>) dst(%dma_wait3A_88 : memref<64x144xf32, #tpu.memory_space<vmem_shared>>)
      tpu.yield
    }) : () -> ()
    %add3A_13 = arith.constant 256 : i32
    %add3A_14 = arith.addi %mul3A_2, %add3A_13 : i32
    "tpu.region"() ({
      %run_scoped3A = tpu.sem_alloc : memref<!tpu.dma_semaphore, #tpu.memory_space<semaphore_mem>>
      %dma_start3A_81 = arith.constant 0 : i32
      %dma_start3A_82 = tpu.memref_slice %arg7[%add3A_14, %dma_start3A_81] : memref<10000x144xf32, #tpu.memory_space<vmem_shared>> -> memref<64x144xf32, #tpu.memory_space<vmem_shared>>
      %dma_start3A_83 = arith.constant 0 : i32
      %dma_start3A_84 = tpu.memref_slice %arg7[%add3A_14, %dma_start3A_83] : memref<10000x144xf32, #tpu.memory_space<vmem_shared>> -> memref<64x144xf32, #tpu.memory_space<vmem_shared>>
      tpu.enqueue_dma source(%arg16 : memref<64x144xf32, #tpu.memory_space<vmem>>) target(%dma_start3A_84 : memref<64x144xf32, #tpu.memory_space<vmem_shared>>) target_semaphore(%run_scoped3A : memref<!tpu.dma_semaphore, #tpu.memory_space<semaphore_mem>>)
      %dma_wait3A_85 = arith.constant 0 : i32
      %dma_wait3A_86 = tpu.memref_slice %arg7[%add3A_14, %dma_wait3A_85] : memref<10000x144xf32, #tpu.memory_space<vmem_shared>> -> memref<64x144xf32, #tpu.memory_space<vmem_shared>>
      %dma_wait3A_87 = arith.constant 0 : i32
      %dma_wait3A_88 = tpu.memref_slice %arg7[%add3A_14, %dma_wait3A_87] : memref<10000x144xf32, #tpu.memory_space<vmem_shared>> -> memref<64x144xf32, #tpu.memory_space<vmem_shared>>
      tpu.wait_dma2 semaphore(%run_scoped3A : memref<!tpu.dma_semaphore, #tpu.memory_space<semaphore_mem>>) src(%arg16 : memref<64x144xf32, #tpu.memory_space<vmem>>) dst(%dma_wait3A_88 : memref<64x144xf32, #tpu.memory_space<vmem_shared>>)
      tpu.yield
    }) : () -> ()
    %add3A_15 = arith.constant 320 : i32
    %add3A_16 = arith.addi %mul3A_2, %add3A_15 : i32
    "tpu.region"() ({
      %run_scoped3A = tpu.sem_alloc : memref<!tpu.dma_semaphore, #tpu.memory_space<semaphore_mem>>
      %dma_start3A_81 = arith.constant 0 : i32
      %dma_start3A_82 = tpu.memref_slice %arg7[%add3A_16, %dma_start3A_81] : memref<10000x144xf32, #tpu.memory_space<vmem_shared>> -> memref<64x144xf32, #tpu.memory_space<vmem_shared>>
      %dma_start3A_83 = arith.constant 0 : i32
      %dma_start3A_84 = tpu.memref_slice %arg7[%add3A_16, %dma_start3A_83] : memref<10000x144xf32, #tpu.memory_space<vmem_shared>> -> memref<64x144xf32, #tpu.memory_space<vmem_shared>>
      tpu.enqueue_dma source(%arg16 : memref<64x144xf32, #tpu.memory_space<vmem>>) target(%dma_start3A_84 : memref<64x144xf32, #tpu.memory_space<vmem_shared>>) target_semaphore(%run_scoped3A : memref<!tpu.dma_semaphore, #tpu.memory_space<semaphore_mem>>)
      %dma_wait3A_85 = arith.constant 0 : i32
      %dma_wait3A_86 = tpu.memref_slice %arg7[%add3A_16, %dma_wait3A_85] : memref<10000x144xf32, #tpu.memory_space<vmem_shared>> -> memref<64x144xf32, #tpu.memory_space<vmem_shared>>
      %dma_wait3A_87 = arith.constant 0 : i32
      %dma_wait3A_88 = tpu.memref_slice %arg7[%add3A_16, %dma_wait3A_87] : memref<10000x144xf32, #tpu.memory_space<vmem_shared>> -> memref<64x144xf32, #tpu.memory_space<vmem_shared>>
      tpu.wait_dma2 semaphore(%run_scoped3A : memref<!tpu.dma_semaphore, #tpu.memory_space<semaphore_mem>>) src(%arg16 : memref<64x144xf32, #tpu.memory_space<vmem>>) dst(%dma_wait3A_88 : memref<64x144xf32, #tpu.memory_space<vmem_shared>>)
      tpu.yield
    }) : () -> ()
    %add3A_17 = arith.constant 384 : i32
    %add3A_18 = arith.addi %mul3A_2, %add3A_17 : i32
    "tpu.region"() ({
      %run_scoped3A = tpu.sem_alloc : memref<!tpu.dma_semaphore, #tpu.memory_space<semaphore_mem>>
      %dma_start3A_81 = arith.constant 0 : i32
      %dma_start3A_82 = tpu.memref_slice %arg7[%add3A_18, %dma_start3A_81] : memref<10000x144xf32, #tpu.memory_space<vmem_shared>> -> memref<64x144xf32, #tpu.memory_space<vmem_shared>>
      %dma_start3A_83 = arith.constant 0 : i32
      %dma_start3A_84 = tpu.memref_slice %arg7[%add3A_18, %dma_start3A_83] : memref<10000x144xf32, #tpu.memory_space<vmem_shared>> -> memref<64x144xf32, #tpu.memory_space<vmem_shared>>
      tpu.enqueue_dma source(%arg16 : memref<64x144xf32, #tpu.memory_space<vmem>>) target(%dma_start3A_84 : memref<64x144xf32, #tpu.memory_space<vmem_shared>>) target_semaphore(%run_scoped3A : memref<!tpu.dma_semaphore, #tpu.memory_space<semaphore_mem>>)
      %dma_wait3A_85 = arith.constant 0 : i32
      %dma_wait3A_86 = tpu.memref_slice %arg7[%add3A_18, %dma_wait3A_85] : memref<10000x144xf32, #tpu.memory_space<vmem_shared>> -> memref<64x144xf32, #tpu.memory_space<vmem_shared>>
      %dma_wait3A_87 = arith.constant 0 : i32
      %dma_wait3A_88 = tpu.memref_slice %arg7[%add3A_18, %dma_wait3A_87] : memref<10000x144xf32, #tpu.memory_space<vmem_shared>> -> memref<64x144xf32, #tpu.memory_space<vmem_shared>>
      tpu.wait_dma2 semaphore(%run_scoped3A : memref<!tpu.dma_semaphore, #tpu.memory_space<semaphore_mem>>) src(%arg16 : memref<64x144xf32, #tpu.memory_space<vmem>>) dst(%dma_wait3A_88 : memref<64x144xf32, #tpu.memory_space<vmem_shared>>)
      tpu.yield
    }) : () -> ()
    %add3A_19 = arith.constant 448 : i32
    %add3A_20 = arith.addi %mul3A_2, %add3A_19 : i32
    "tpu.region"() ({
      %run_scoped3A = tpu.sem_alloc : memref<!tpu.dma_semaphore, #tpu.memory_space<semaphore_mem>>
      %dma_start3A_81 = arith.constant 0 : i32
      %dma_start3A_82 = tpu.memref_slice %arg7[%add3A_20, %dma_start3A_81] : memref<10000x144xf32, #tpu.memory_space<vmem_shared>> -> memref<64x144xf32, #tpu.memory_space<vmem_shared>>
      %dma_start3A_83 = arith.constant 0 : i32
      %dma_start3A_84 = tpu.memref_slice %arg7[%add3A_20, %dma_start3A_83] : memref<10000x144xf32, #tpu.memory_space<vmem_shared>> -> memref<64x144xf32, #tpu.memory_space<vmem_shared>>
      tpu.enqueue_dma source(%arg16 : memref<64x144xf32, #tpu.memory_space<vmem>>) target(%dma_start3A_84 : memref<64x144xf32, #tpu.memory_space<vmem_shared>>) target_semaphore(%run_scoped3A : memref<!tpu.dma_semaphore, #tpu.memory_space<semaphore_mem>>)
      %dma_wait3A_85 = arith.constant 0 : i32
      %dma_wait3A_86 = tpu.memref_slice %arg7[%add3A_20, %dma_wait3A_85] : memref<10000x144xf32, #tpu.memory_space<vmem_shared>> -> memref<64x144xf32, #tpu.memory_space<vmem_shared>>
      %dma_wait3A_87 = arith.constant 0 : i32
      %dma_wait3A_88 = tpu.memref_slice %arg7[%add3A_20, %dma_wait3A_87] : memref<10000x144xf32, #tpu.memory_space<vmem_shared>> -> memref<64x144xf32, #tpu.memory_space<vmem_shared>>
      tpu.wait_dma2 semaphore(%run_scoped3A : memref<!tpu.dma_semaphore, #tpu.memory_space<semaphore_mem>>) src(%arg16 : memref<64x144xf32, #tpu.memory_space<vmem>>) dst(%dma_wait3A_88 : memref<64x144xf32, #tpu.memory_space<vmem_shared>>)
      tpu.yield
    }) : () -> ()
    %add3A_21 = arith.constant 512 : i32
    %add3A_22 = arith.addi %mul3A_2, %add3A_21 : i32
    "tpu.region"() ({
      %run_scoped3A = tpu.sem_alloc : memref<!tpu.dma_semaphore, #tpu.memory_space<semaphore_mem>>
      %dma_start3A_81 = arith.constant 0 : i32
      %dma_start3A_82 = tpu.memref_slice %arg7[%add3A_22, %dma_start3A_81] : memref<10000x144xf32, #tpu.memory_space<vmem_shared>> -> memref<64x144xf32, #tpu.memory_space<vmem_shared>>
      %dma_start3A_83 = arith.constant 0 : i32
      %dma_start3A_84 = tpu.memref_slice %arg7[%add3A_22, %dma_start3A_83] : memref<10000x144xf32, #tpu.memory_space<vmem_shared>> -> memref<64x144xf32, #tpu.memory_space<vmem_shared>>
      tpu.enqueue_dma source(%arg16 : memref<64x144xf32, #tpu.memory_space<vmem>>) target(%dma_start3A_84 : memref<64x144xf32, #tpu.memory_space<vmem_shared>>) target_semaphore(%run_scoped3A : memref<!tpu.dma_semaphore, #tpu.memory_space<semaphore_mem>>)
      %dma_wait3A_85 = arith.constant 0 : i32
      %dma_wait3A_86 = tpu.memref_slice %arg7[%add3A_22, %dma_wait3A_85] : memref<10000x144xf32, #tpu.memory_space<vmem_shared>> -> memref<64x144xf32, #tpu.memory_space<vmem_shared>>
      %dma_wait3A_87 = arith.constant 0 : i32
      %dma_wait3A_88 = tpu.memref_slice %arg7[%add3A_22, %dma_wait3A_87] : memref<10000x144xf32, #tpu.memory_space<vmem_shared>> -> memref<64x144xf32, #tpu.memory_space<vmem_shared>>
      tpu.wait_dma2 semaphore(%run_scoped3A : memref<!tpu.dma_semaphore, #tpu.memory_space<semaphore_mem>>) src(%arg16 : memref<64x144xf32, #tpu.memory_space<vmem>>) dst(%dma_wait3A_88 : memref<64x144xf32, #tpu.memory_space<vmem_shared>>)
      tpu.yield
    }) : () -> ()
    %add3A_23 = arith.constant 576 : i32
    %add3A_24 = arith.addi %mul3A_2, %add3A_23 : i32
    "tpu.region"() ({
      %run_scoped3A = tpu.sem_alloc : memref<!tpu.dma_semaphore, #tpu.memory_space<semaphore_mem>>
      %dma_start3A_81 = arith.constant 0 : i32
      %dma_start3A_82 = arith.constant 0 : i32
      %dma_start3A_83 = tpu.memref_slice %arg16[%dma_start3A_81, %dma_start3A_82] : memref<64x144xf32, #tpu.memory_space<vmem>> -> memref<49x144xf32, #tpu.memory_space<vmem>>
      %dma_start3A_84 = arith.constant 0 : i32
      %dma_start3A_85 = tpu.memref_slice %arg7[%add3A_24, %dma_start3A_84] : memref<10000x144xf32, #tpu.memory_space<vmem_shared>> -> memref<49x144xf32, #tpu.memory_space<vmem_shared>>
      %dma_start3A_86 = arith.constant 0 : i32
      %dma_start3A_87 = tpu.memref_slice %arg7[%add3A_24, %dma_start3A_86] : memref<10000x144xf32, #tpu.memory_space<vmem_shared>> -> memref<49x144xf32, #tpu.memory_space<vmem_shared>>
      %dma_start3A_88 = arith.constant 0 : i32
      %dma_start3A_89 = arith.constant 0 : i32
      %dma_start3A_90 = tpu.memref_slice %arg16[%dma_start3A_88, %dma_start3A_89] : memref<64x144xf32, #tpu.memory_space<vmem>> -> memref<49x144xf32, #tpu.memory_space<vmem>>
      tpu.enqueue_dma source(%dma_start3A_90 : memref<49x144xf32, #tpu.memory_space<vmem>>) target(%dma_start3A_87 : memref<49x144xf32, #tpu.memory_space<vmem_shared>>) target_semaphore(%run_scoped3A : memref<!tpu.dma_semaphore, #tpu.memory_space<semaphore_mem>>)
      %dma_wait3A_91 = arith.constant 0 : i32
      %dma_wait3A_92 = arith.constant 0 : i32
      %dma_wait3A_93 = tpu.memref_slice %arg16[%dma_wait3A_91, %dma_wait3A_92] : memref<64x144xf32, #tpu.memory_space<vmem>> -> memref<49x144xf32, #tpu.memory_space<vmem>>
      %dma_wait3A_94 = arith.constant 0 : i32
      %dma_wait3A_95 = tpu.memref_slice %arg7[%add3A_24, %dma_wait3A_94] : memref<10000x144xf32, #tpu.memory_space<vmem_shared>> -> memref<49x144xf32, #tpu.memory_space<vmem_shared>>
      %dma_wait3A_96 = arith.constant 0 : i32
      %dma_wait3A_97 = tpu.memref_slice %arg7[%add3A_24, %dma_wait3A_96] : memref<10000x144xf32, #tpu.memory_space<vmem_shared>> -> memref<49x144xf32, #tpu.memory_space<vmem_shared>>
      %dma_wait3A_98 = arith.constant 0 : i32
      %dma_wait3A_99 = arith.constant 0 : i32
      %dma_wait3A_100 = tpu.memref_slice %arg16[%dma_wait3A_98, %dma_wait3A_99] : memref<64x144xf32, #tpu.memory_space<vmem>> -> memref<49x144xf32, #tpu.memory_space<vmem>>
      tpu.wait_dma2 semaphore(%run_scoped3A : memref<!tpu.dma_semaphore, #tpu.memory_space<semaphore_mem>>) src(%dma_wait3A_100 : memref<49x144xf32, #tpu.memory_space<vmem>>) dst(%dma_wait3A_97 : memref<49x144xf32, #tpu.memory_space<vmem_shared>>)
      tpu.yield
    }) : () -> ()
    %barrier3A = arith.constant 0 : index
    tpu.barrier barrier_id(%barrier3A)
    %get3A = arith.constant 0 : index
    %get3A_25 = tpu.vector_load %arg9[%get3A] {strides = array<i32>} : memref<16xf32, #tpu.memory_space<vmem>>, vector<16xf32>,
    %get3A_26 = arith.constant 0 : index
    %get3A_27 = tpu.vector_load %arg10[%get3A_26] {strides = array<i32>} : memref<10112xi32, #tpu.memory_space<vmem>>, vector<16xi32>,
    %and3A = arith.constant 65535 : i32
    %and3A_28 = vector.broadcast %and3A : i32 to vector<16xi32>
    %and3A_29 = arith.andi %get3A_27, %and3A_28 : vector<16xi32>
    %swap3A = arith.constant 0 : index
    %swap3A_30 = tpu.vector_load %arg11[%swap3A] {strides = array<i32>} : memref<64xi32, #tpu.memory_space<vmem>>, vector<16xi32>,
    tpu.vector_store %arg11[%swap3A], %and3A_29 {strides = array<i32>} : memref<64xi32, #tpu.memory_space<vmem>>, vector<16xi32>,
    %shift_right_logical3A = arith.constant 16 : i32
    %shift_right_logical3A_31 = vector.broadcast %shift_right_logical3A : i32 to vector<16xi32>
    %shift_right_logical3A_32 = arith.shrui %get3A_27, %shift_right_logical3A_31 : vector<16xi32>
    %swap3A_33 = arith.constant 0 : index
    %swap3A_34 = tpu.vector_load %arg13[%swap3A_33] {strides = array<i32>} : memref<64xi32, #tpu.memory_space<vmem>>, vector<16xi32>,
    tpu.vector_store %arg13[%swap3A_33], %shift_right_logical3A_32 {strides = array<i32>} : memref<64xi32, #tpu.memory_space<vmem>>, vector<16xi32>,
    %get3A_35 = arith.constant 16 : index
    %get3A_36 = tpu.vector_load %arg10[%get3A_35] {strides = array<i32>} : memref<10112xi32, #tpu.memory_space<vmem>>, vector<16xi32>,
    %and3A_37 = arith.constant 65535 : i32
    %and3A_38 = vector.broadcast %and3A_37 : i32 to vector<16xi32>
    %and3A_39 = arith.andi %get3A_36, %and3A_38 : vector<16xi32>
    %swap3A_40 = arith.constant 16 : index
    %swap3A_41 = tpu.vector_load %arg11[%swap3A_40] {strides = array<i32>} : memref<64xi32, #tpu.memory_space<vmem>>, vector<16xi32>,
    tpu.vector_store %arg11[%swap3A_40], %and3A_39 {strides = array<i32>} : memref<64xi32, #tpu.memory_space<vmem>>, vector<16xi32>,
    %shift_right_logical3A_42 = arith.constant 16 : i32
    %shift_right_logical3A_43 = vector.broadcast %shift_right_logical3A_42 : i32 to vector<16xi32>
    %shift_right_logical3A_44 = arith.shrui %get3A_36, %shift_right_logical3A_43 : vector<16xi32>
    %swap3A_45 = arith.constant 16 : index
    %swap3A_46 = tpu.vector_load %arg13[%swap3A_45] {strides = array<i32>} : memref<64xi32, #tpu.memory_space<vmem>>, vector<16xi32>,
    tpu.vector_store %arg13[%swap3A_45], %shift_right_logical3A_44 {strides = array<i32>} : memref<64xi32, #tpu.memory_space<vmem>>, vector<16xi32>,
    %get3A_47 = arith.constant 32 : index
    %get3A_48 = tpu.vector_load %arg10[%get3A_47] {strides = array<i32>} : memref<10112xi32, #tpu.memory_space<vmem>>, vector<16xi32>,
    %and3A_49 = arith.constant 65535 : i32
    %and3A_50 = vector.broadcast %and3A_49 : i32 to vector<16xi32>
    %and3A_51 = arith.andi %get3A_48, %and3A_50 : vector<16xi32>
    %swap3A_52 = arith.constant 32 : index
    %swap3A_53 = tpu.vector_load %arg11[%swap3A_52] {strides = array<i32>} : memref<64xi32, #tpu.memory_space<vmem>>, vector<16xi32>,
    tpu.vector_store %arg11[%swap3A_52], %and3A_51 {strides = array<i32>} : memref<64xi32, #tpu.memory_space<vmem>>, vector<16xi32>,
    %shift_right_logical3A_54 = arith.constant 16 : i32
    %shift_right_logical3A_55 = vector.broadcast %shift_right_logical3A_54 : i32 to vector<16xi32>
    %shift_right_logical3A_56 = arith.shrui %get3A_48, %shift_right_logical3A_55 : vector<16xi32>
    %swap3A_57 = arith.constant 32 : index
    %swap3A_58 = tpu.vector_load %arg13[%swap3A_57] {strides = array<i32>} : memref<64xi32, #tpu.memory_space<vmem>>, vector<16xi32>,
    tpu.vector_store %arg13[%swap3A_57], %shift_right_logical3A_56 {strides = array<i32>} : memref<64xi32, #tpu.memory_space<vmem>>, vector<16xi32>,
    %get3A_59 = arith.constant 48 : index
    %get3A_60 = tpu.vector_load %arg10[%get3A_59] {strides = array<i32>} : memref<10112xi32, #tpu.memory_space<vmem>>, vector<16xi32>,
    %and3A_61 = arith.constant 65535 : i32
    %and3A_62 = vector.broadcast %and3A_61 : i32 to vector<16xi32>
    %and3A_63 = arith.andi %get3A_60, %and3A_62 : vector<16xi32>
    %swap3A_64 = arith.constant 48 : index
    %swap3A_65 = tpu.vector_load %arg11[%swap3A_64] {strides = array<i32>} : memref<64xi32, #tpu.memory_space<vmem>>, vector<16xi32>,
    tpu.vector_store %arg11[%swap3A_64], %and3A_63 {strides = array<i32>} : memref<64xi32, #tpu.memory_space<vmem>>, vector<16xi32>,
    %shift_right_logical3A_66 = arith.constant 16 : i32
    %shift_right_logical3A_67 = vector.broadcast %shift_right_logical3A_66 : i32 to vector<16xi32>
    %shift_right_logical3A_68 = arith.shrui %get3A_60, %shift_right_logical3A_67 : vector<16xi32>
    %swap3A_69 = arith.constant 48 : index
    %swap3A_70 = tpu.vector_load %arg13[%swap3A_69] {strides = array<i32>} : memref<64xi32, #tpu.memory_space<vmem>>, vector<16xi32>,
    tpu.vector_store %arg13[%swap3A_69], %shift_right_logical3A_68 {strides = array<i32>} : memref<64xi32, #tpu.memory_space<vmem>>, vector<16xi32>,
    %dma_start3A = arith.constant 0 : i32
    %dma_start3A_71 = arith.constant 0 : i32
    %dma_start3A_72 = tpu.memref_slice %arg2[%dma_start3A, %dma_start3A_71] : memref<10000x144xf32, #tpu.memory_space<hbm>> -> memref<10000x144xf32, #tpu.memory_space<hbm>>
    tpu.enqueue_indirect_dma source(%dma_start3A_72 : memref<10000x144xf32, #tpu.memory_space<hbm>>) target(%arg16 : memref<64x144xf32, #tpu.memory_space<vmem>>) offsets(%arg11 : memref<64xi32, #tpu.memory_space<vmem>>) semaphore(%arg18 : memref<!tpu.dma_semaphore, #tpu.memory_space<semaphore_mem>>)
    %scan3A = arith.constant 0 : i32
    %scan3A_73 = arith.constant 0 : i32
    %scan3A_74 = arith.constant 79 : i32
    %scan3A_75 = arith.addi %scan3A_73, %scan3A_74 : i32
    %scan3A_76 = arith.constant 1 : i32
    scf.for %scan3A_81 = %scan3A_73 to %scan3A_75 step %scan3A_76  : i32 {
      %mul3A_82 = arith.constant 2 : i32
      %mul3A_83 = arith.muli %mul3A_82, %scan3A_81 : i32
      %add3A_84 = arith.constant 0 : i32
      %add3A_85 = arith.addi %mul3A_83, %add3A_84 : i32
      %dma_wait3A_86 = arith.constant 0 : i32
      %dma_wait3A_87 = arith.constant 0 : i32
      %dma_wait3A_88 = tpu.memref_slice %arg2[%dma_wait3A_86, %dma_wait3A_87] : memref<10000x144xf32, #tpu.memory_space<hbm>> -> memref<10000x144xf32, #tpu.memory_space<hbm>>
      tpu.wait_indirect_dma semaphore(%arg18 : memref<!tpu.dma_semaphore, #tpu.memory_space<semaphore_mem>>) src(%dma_wait3A_88 : memref<10000x144xf32, #tpu.memory_space<hbm>>) dst(%arg16 : memref<64x144xf32, #tpu.memory_space<vmem>>)
      %gt3A = arith.constant 0 : i32
      %gt3A_89 = arith.cmpi sgt, %add3A_85, %gt3A : i32
      %convert_element_type3A = arith.extui %gt3A_89 : i1 to i32
      %cond3A = arith.constant 0 : i32
      %cond3A_90 = arith.cmpi ne, %convert_element_type3A, %cond3A : i32
      scf.if %cond3A_90 {
        %dma_wait3A_408 = arith.constant 0 : i32
        %dma_wait3A_409 = arith.constant 0 : i32
        %dma_wait3A_410 = tpu.memref_slice %arg7[%dma_wait3A_408, %dma_wait3A_409] : memref<10000x144xf32, #tpu.memory_space<vmem_shared>> -> memref<10000x144xf32, #tpu.memory_space<vmem_shared>>
        tpu.wait_indirect_dma semaphore(%arg19 : memref<!tpu.dma_semaphore, #tpu.memory_space<semaphore_mem>>) src(%arg17 : memref<64x144xf32, #tpu.memory_space<vmem>>) dst(%dma_wait3A_410 : memref<10000x144xf32, #tpu.memory_space<vmem_shared>>)
      } else {
      }
      %add3A_91 = arith.constant 1 : i32
      %add3A_92 = arith.addi %add3A_85, %add3A_91 : i32
      %lt3A = arith.constant 158 : i32
      %lt3A_93 = arith.cmpi slt, %add3A_92, %lt3A : i32
      %convert_element_type3A_94 = arith.extui %lt3A_93 : i1 to i32
      %cond3A_95 = arith.constant 0 : i32
      %cond3A_96 = arith.cmpi ne, %convert_element_type3A_94, %cond3A_95 : i32
      scf.if %cond3A_96 {
        %add3A_408 = arith.constant 1 : i32
        %add3A_409 = arith.addi %add3A_85, %add3A_408 : i32
        %mul3A_410 = arith.constant 64 : i32
        %mul3A_411 = arith.muli %add3A_409, %mul3A_410 : i32
        %add3A_412 = arith.constant 0 : i32
        %add3A_413 = arith.addi %mul3A_411, %add3A_412 : i32
        %get3A_414 = arith.index_cast %add3A_413 : i32 to index
        %get3A_415 = tpu.vector_load %arg10[%get3A_414] {strides = array<i32>} : memref<10112xi32, #tpu.memory_space<vmem>>, vector<16xi32>,
        %and3A_416 = arith.constant 65535 : i32
        %and3A_417 = vector.broadcast %and3A_416 : i32 to vector<16xi32>
        %and3A_418 = arith.andi %get3A_415, %and3A_417 : vector<16xi32>
        %swap3A_419 = arith.constant 0 : index
        %swap3A_420 = tpu.vector_load %arg12[%swap3A_419] {strides = array<i32>} : memref<64xi32, #tpu.memory_space<vmem>>, vector<16xi32>,
        tpu.vector_store %arg12[%swap3A_419], %and3A_418 {strides = array<i32>} : memref<64xi32, #tpu.memory_space<vmem>>, vector<16xi32>,
        %shift_right_logical3A_421 = arith.constant 16 : i32
        %shift_right_logical3A_422 = vector.broadcast %shift_right_logical3A_421 : i32 to vector<16xi32>
        %shift_right_logical3A_423 = arith.shrui %get3A_415, %shift_right_logical3A_422 : vector<16xi32>
        %swap3A_424 = arith.constant 0 : index
        %swap3A_425 = tpu.vector_load %arg14[%swap3A_424] {strides = array<i32>} : memref<64xi32, #tpu.memory_space<vmem>>, vector<16xi32>,
        tpu.vector_store %arg14[%swap3A_424], %shift_right_logical3A_423 {strides = array<i32>} : memref<64xi32, #tpu.memory_space<vmem>>, vector<16xi32>,
        %mul3A_426 = arith.constant 64 : i32
        %mul3A_427 = arith.muli %add3A_409, %mul3A_426 : i32
        %add3A_428 = arith.constant 16 : i32
        %add3A_429 = arith.addi %mul3A_427, %add3A_428 : i32
        %get3A_430 = arith.index_cast %add3A_429 : i32 to index
        %get3A_431 = tpu.vector_load %arg10[%get3A_430] {strides = array<i32>} : memref<10112xi32, #tpu.memory_space<vmem>>, vector<16xi32>,
        %and3A_432 = arith.constant 65535 : i32
        %and3A_433 = vector.broadcast %and3A_432 : i32 to vector<16xi32>
        %and3A_434 = arith.andi %get3A_431, %and3A_433 : vector<16xi32>
        %swap3A_435 = arith.constant 16 : index
        %swap3A_436 = tpu.vector_load %arg12[%swap3A_435] {strides = array<i32>} : memref<64xi32, #tpu.memory_space<vmem>>, vector<16xi32>,
        tpu.vector_store %arg12[%swap3A_435], %and3A_434 {strides = array<i32>} : memref<64xi32, #tpu.memory_space<vmem>>, vector<16xi32>,
        %shift_right_logical3A_437 = arith.constant 16 : i32
        %shift_right_logical3A_438 = vector.broadcast %shift_right_logical3A_437 : i32 to vector<16xi32>
        %shift_right_logical3A_439 = arith.shrui %get3A_431, %shift_right_logical3A_438 : vector<16xi32>
        %swap3A_440 = arith.constant 16 : index
        %swap3A_441 = tpu.vector_load %arg14[%swap3A_440] {strides = array<i32>} : memref<64xi32, #tpu.memory_space<vmem>>, vector<16xi32>,
        tpu.vector_store %arg14[%swap3A_440], %shift_right_logical3A_439 {strides = array<i32>} : memref<64xi32, #tpu.memory_space<vmem>>, vector<16xi32>,
        %mul3A_442 = arith.constant 64 : i32
        %mul3A_443 = arith.muli %add3A_409, %mul3A_442 : i32
        %add3A_444 = arith.constant 32 : i32
        %add3A_445 = arith.addi %mul3A_443, %add3A_444 : i32
        %get3A_446 = arith.index_cast %add3A_445 : i32 to index
        %get3A_447 = tpu.vector_load %arg10[%get3A_446] {strides = array<i32>} : memref<10112xi32, #tpu.memory_space<vmem>>, vector<16xi32>,
        %and3A_448 = arith.constant 65535 : i32
        %and3A_449 = vector.broadcast %and3A_448 : i32 to vector<16xi32>
        %and3A_450 = arith.andi %get3A_447, %and3A_449 : vector<16xi32>
        %swap3A_451 = arith.constant 32 : index
        %swap3A_452 = tpu.vector_load %arg12[%swap3A_451] {strides = array<i32>} : memref<64xi32, #tpu.memory_space<vmem>>, vector<16xi32>,
        tpu.vector_store %arg12[%swap3A_451], %and3A_450 {strides = array<i32>} : memref<64xi32, #tpu.memory_space<vmem>>, vector<16xi32>,
        %shift_right_logical3A_453 = arith.constant 16 : i32
        %shift_right_logical3A_454 = vector.broadcast %shift_right_logical3A_453 : i32 to vector<16xi32>
        %shift_right_logical3A_455 = arith.shrui %get3A_447, %shift_right_logical3A_454 : vector<16xi32>
        %swap3A_456 = arith.constant 32 : index
        %swap3A_457 = tpu.vector_load %arg14[%swap3A_456] {strides = array<i32>} : memref<64xi32, #tpu.memory_space<vmem>>, vector<16xi32>,
        tpu.vector_store %arg14[%swap3A_456], %shift_right_logical3A_455 {strides = array<i32>} : memref<64xi32, #tpu.memory_space<vmem>>, vector<16xi32>,
        %mul3A_458 = arith.constant 64 : i32
        %mul3A_459 = arith.muli %add3A_409, %mul3A_458 : i32
        %add3A_460 = arith.constant 48 : i32
        %add3A_461 = arith.addi %mul3A_459, %add3A_460 : i32
        %get3A_462 = arith.index_cast %add3A_461 : i32 to index
        %get3A_463 = tpu.vector_load %arg10[%get3A_462] {strides = array<i32>} : memref<10112xi32, #tpu.memory_space<vmem>>, vector<16xi32>,
        %and3A_464 = arith.constant 65535 : i32
        %and3A_465 = vector.broadcast %and3A_464 : i32 to vector<16xi32>
        %and3A_466 = arith.andi %get3A_463, %and3A_465 : vector<16xi32>
        %swap3A_467 = arith.constant 48 : index
        %swap3A_468 = tpu.vector_load %arg12[%swap3A_467] {strides = array<i32>} : memref<64xi32, #tpu.memory_space<vmem>>, vector<16xi32>,
        tpu.vector_store %arg12[%swap3A_467], %and3A_466 {strides = array<i32>} : memref<64xi32, #tpu.memory_space<vmem>>, vector<16xi32>,
        %shift_right_logical3A_469 = arith.constant 16 : i32
        %shift_right_logical3A_470 = vector.broadcast %shift_right_logical3A_469 : i32 to vector<16xi32>
        %shift_right_logical3A_471 = arith.shrui %get3A_463, %shift_right_logical3A_470 : vector<16xi32>
        %swap3A_472 = arith.constant 48 : index
        %swap3A_473 = tpu.vector_load %arg14[%swap3A_472] {strides = array<i32>} : memref<64xi32, #tpu.memory_space<vmem>>, vector<16xi32>,
        tpu.vector_store %arg14[%swap3A_472], %shift_right_logical3A_471 {strides = array<i32>} : memref<64xi32, #tpu.memory_space<vmem>>, vector<16xi32>,
        %dma_start3A_474 = arith.constant 0 : i32
        %dma_start3A_475 = arith.constant 0 : i32
        %dma_start3A_476 = tpu.memref_slice %arg2[%dma_start3A_474, %dma_start3A_475] : memref<10000x144xf32, #tpu.memory_space<hbm>> -> memref<10000x144xf32, #tpu.memory_space<hbm>>
        tpu.enqueue_indirect_dma source(%dma_start3A_476 : memref<10000x144xf32, #tpu.memory_space<hbm>>) target(%arg17 : memref<64x144xf32, #tpu.memory_space<vmem>>) offsets(%arg12 : memref<64xi32, #tpu.memory_space<vmem>>) semaphore(%arg18 : memref<!tpu.dma_semaphore, #tpu.memory_space<semaphore_mem>>)
      } else {
      }
      %iota3A = tpu.iota {dimensions = array<i32: 0>} : vector<16xi32>
      %add3A_97 = arith.constant 0 : i32
      %add3A_98 = vector.broadcast %add3A_97 : i32 to vector<16xi32>
      %add3A_99 = arith.addi %iota3A, %add3A_98 : vector<16xi32>
      %broadcast_in_dim3A = arith.constant 129 : i32
      %broadcast_in_dim3A_100 = vector.broadcast %broadcast_in_dim3A : i32 to vector<16xi32>
      %gather3A = tpu.vector_load_idx %arg16[%add3A_99, %broadcast_in_dim3A_100] : memref<64x144xf32, #tpu.memory_space<vmem>>[vector<16xi32>, vector<16xi32>], vector<16xf32>,
      %get3A_101 = arith.constant 0 : index
      %get3A_102 = tpu.vector_load %arg13[%get3A_101] {strides = array<i32>} : memref<64xi32, #tpu.memory_space<vmem>>, vector<16xi32>,
      %gather3A_103 = tpu.vector_load_idx %arg8[%get3A_102] : memref<10000xf32, #tpu.memory_space<vmem>>[vector<16xi32>], vector<16xf32>,
      %add3A_104 = arith.addf %gather3A, %gather3A_103 : vector<16xf32>
      %mul3A_105 = arith.constant 2.000000e-01 : f32
      %mul3A_106 = vector.broadcast %mul3A_105 : f32 to vector<16xf32>
      %mul3A_107 = arith.mulf %mul3A_106, %add3A_104 : vector<16xf32>
      %max3A = arith.maximumf %add3A_104, %mul3A_107 : vector<16xf32>
      %add3A_108 = arith.addf %get3A_25, %gather3A_103 : vector<16xf32>
      %mul3A_109 = arith.constant 2.000000e-01 : f32
      %mul3A_110 = vector.broadcast %mul3A_109 : f32 to vector<16xf32>
      %mul3A_111 = arith.mulf %mul3A_110, %add3A_108 : vector<16xf32>
      %max3A_112 = arith.maximumf %add3A_108, %mul3A_111 : vector<16xf32>
      %sub3A = arith.subf %max3A, %max3A_112 : vector<16xf32>
      %exp3A = math.exp %sub3A : vector<16xf32>
      %mul3A_113 = arith.constant 64 : i32
      %mul3A_114 = arith.muli %add3A_85, %mul3A_113 : i32
      %add3A_115 = arith.constant 0 : i32
      %add3A_116 = arith.addi %mul3A_114, %add3A_115 : i32
      %add3A_117 = vector.broadcast %add3A_116 : i32 to vector<16xi32>
      %add3A_118 = arith.addi %add3A_117, %iota3A : vector<16xi32>
      %lt3A_119 = arith.constant 10000 : i32
      %lt3A_120 = vector.broadcast %lt3A_119 : i32 to vector<16xi32>
      %lt3A_121 = arith.cmpi slt, %add3A_118, %lt3A_120 : vector<16xi32>
      %jit3A = arith.constant 0.000000e+00 : f32
      %broadcast_in_dim3A_122 = vector.broadcast %jit3A : f32 to vector<16xf32>
      %select_n3A = arith.select %lt3A_121, %exp3A, %broadcast_in_dim3A_122 : vector<16xi1>, vector<16xf32>
      %swap3A_123 = arith.constant 0 : index
      %swap3A_124 = tpu.vector_load %arg15[%swap3A_123] {strides = array<i32>} : memref<64xf32, #tpu.memory_space<vmem>>, vector<16xf32>,
      tpu.vector_store %arg15[%swap3A_123], %select_n3A {strides = array<i32>} : memref<64xf32, #tpu.memory_space<vmem>>, vector<16xf32>,
      %iota3A_125 = tpu.iota {dimensions = array<i32: 0>} : vector<16xi32>
      %add3A_126 = arith.constant 16 : i32
      %add3A_127 = vector.broadcast %add3A_126 : i32 to vector<16xi32>
      %add3A_128 = arith.addi %iota3A_125, %add3A_127 : vector<16xi32>
      %broadcast_in_dim3A_129 = arith.constant 129 : i32
      %broadcast_in_dim3A_130 = vector.broadcast %broadcast_in_dim3A_129 : i32 to vector<16xi32>
      %gather3A_131 = tpu.vector_load_idx %arg16[%add3A_128, %broadcast_in_dim3A_130] : memref<64x144xf32, #tpu.memory_space<vmem>>[vector<16xi32>, vector<16xi32>], vector<16xf32>,
      %get3A_132 = arith.constant 16 : index
      %get3A_133 = tpu.vector_load %arg13[%get3A_132] {strides = array<i32>} : memref<64xi32, #tpu.memory_space<vmem>>, vector<16xi32>,
      %gather3A_134 = tpu.vector_load_idx %arg8[%get3A_133] : memref<10000xf32, #tpu.memory_space<vmem>>[vector<16xi32>], vector<16xf32>,
      %add3A_135 = arith.addf %gather3A_131, %gather3A_134 : vector<16xf32>
      %mul3A_136 = arith.constant 2.000000e-01 : f32
      %mul3A_137 = vector.broadcast %mul3A_136 : f32 to vector<16xf32>
      %mul3A_138 = arith.mulf %mul3A_137, %add3A_135 : vector<16xf32>
      %max3A_139 = arith.maximumf %add3A_135, %mul3A_138 : vector<16xf32>
      %add3A_140 = arith.addf %get3A_25, %gather3A_134 : vector<16xf32>
      %mul3A_141 = arith.constant 2.000000e-01 : f32
      %mul3A_142 = vector.broadcast %mul3A_141 : f32 to vector<16xf32>
      %mul3A_143 = arith.mulf %mul3A_142, %add3A_140 : vector<16xf32>
      %max3A_144 = arith.maximumf %add3A_140, %mul3A_143 : vector<16xf32>
      %sub3A_145 = arith.subf %max3A_139, %max3A_144 : vector<16xf32>
      %exp3A_146 = math.exp %sub3A_145 : vector<16xf32>
      %mul3A_147 = arith.constant 64 : i32
      %mul3A_148 = arith.muli %add3A_85, %mul3A_147 : i32
      %add3A_149 = arith.constant 16 : i32
      %add3A_150 = arith.addi %mul3A_148, %add3A_149 : i32
      %add3A_151 = vector.broadcast %add3A_150 : i32 to vector<16xi32>
      %add3A_152 = arith.addi %add3A_151, %iota3A_125 : vector<16xi32>
      %lt3A_153 = arith.constant 10000 : i32
      %lt3A_154 = vector.broadcast %lt3A_153 : i32 to vector<16xi32>
      %lt3A_155 = arith.cmpi slt, %add3A_152, %lt3A_154 : vector<16xi32>
      %jit3A_156 = arith.constant 0.000000e+00 : f32
      %broadcast_in_dim3A_157 = vector.broadcast %jit3A_156 : f32 to vector<16xf32>
      %select_n3A_158 = arith.select %lt3A_155, %exp3A_146, %broadcast_in_dim3A_157 : vector<16xi1>, vector<16xf32>
      %swap3A_159 = arith.constant 16 : index
      %swap3A_160 = tpu.vector_load %arg15[%swap3A_159] {strides = array<i32>} : memref<64xf32, #tpu.memory_space<vmem>>, vector<16xf32>,
      tpu.vector_store %arg15[%swap3A_159], %select_n3A_158 {strides = array<i32>} : memref<64xf32, #tpu.memory_space<vmem>>, vector<16xf32>,
      %iota3A_161 = tpu.iota {dimensions = array<i32: 0>} : vector<16xi32>
      %add3A_162 = arith.constant 32 : i32
      %add3A_163 = vector.broadcast %add3A_162 : i32 to vector<16xi32>
      %add3A_164 = arith.addi %iota3A_161, %add3A_163 : vector<16xi32>
      %broadcast_in_dim3A_165 = arith.constant 129 : i32
      %broadcast_in_dim3A_166 = vector.broadcast %broadcast_in_dim3A_165 : i32 to vector<16xi32>
      %gather3A_167 = tpu.vector_load_idx %arg16[%add3A_164, %broadcast_in_dim3A_166] : memref<64x144xf32, #tpu.memory_space<vmem>>[vector<16xi32>, vector<16xi32>], vector<16xf32>,
      %get3A_168 = arith.constant 32 : index
      %get3A_169 = tpu.vector_load %arg13[%get3A_168] {strides = array<i32>} : memref<64xi32, #tpu.memory_space<vmem>>, vector<16xi32>,
      %gather3A_170 = tpu.vector_load_idx %arg8[%get3A_169] : memref<10000xf32, #tpu.memory_space<vmem>>[vector<16xi32>], vector<16xf32>,
      %add3A_171 = arith.addf %gather3A_167, %gather3A_170 : vector<16xf32>
      %mul3A_172 = arith.constant 2.000000e-01 : f32
      %mul3A_173 = vector.broadcast %mul3A_172 : f32 to vector<16xf32>
      %mul3A_174 = arith.mulf %mul3A_173, %add3A_171 : vector<16xf32>
      %max3A_175 = arith.maximumf %add3A_171, %mul3A_174 : vector<16xf32>
      %add3A_176 = arith.addf %get3A_25, %gather3A_170 : vector<16xf32>
      %mul3A_177 = arith.constant 2.000000e-01 : f32
      %mul3A_178 = vector.broadcast %mul3A_177 : f32 to vector<16xf32>
      %mul3A_179 = arith.mulf %mul3A_178, %add3A_176 : vector<16xf32>
      %max3A_180 = arith.maximumf %add3A_176, %mul3A_179 : vector<16xf32>
      %sub3A_181 = arith.subf %max3A_175, %max3A_180 : vector<16xf32>
      %exp3A_182 = math.exp %sub3A_181 : vector<16xf32>
      %mul3A_183 = arith.constant 64 : i32
      %mul3A_184 = arith.muli %add3A_85, %mul3A_183 : i32
      %add3A_185 = arith.constant 32 : i32
      %add3A_186 = arith.addi %mul3A_184, %add3A_185 : i32
      %add3A_187 = vector.broadcast %add3A_186 : i32 to vector<16xi32>
      %add3A_188 = arith.addi %add3A_187, %iota3A_161 : vector<16xi32>
      %lt3A_189 = arith.constant 10000 : i32
      %lt3A_190 = vector.broadcast %lt3A_189 : i32 to vector<16xi32>
      %lt3A_191 = arith.cmpi slt, %add3A_188, %lt3A_190 : vector<16xi32>
      %jit3A_192 = arith.constant 0.000000e+00 : f32
      %broadcast_in_dim3A_193 = vector.broadcast %jit3A_192 : f32 to vector<16xf32>
      %select_n3A_194 = arith.select %lt3A_191, %exp3A_182, %broadcast_in_dim3A_193 : vector<16xi1>, vector<16xf32>
      %swap3A_195 = arith.constant 32 : index
      %swap3A_196 = tpu.vector_load %arg15[%swap3A_195] {strides = array<i32>} : memref<64xf32, #tpu.memory_space<vmem>>, vector<16xf32>,
      tpu.vector_store %arg15[%swap3A_195], %select_n3A_194 {strides = array<i32>} : memref<64xf32, #tpu.memory_space<vmem>>, vector<16xf32>,
      %iota3A_197 = tpu.iota {dimensions = array<i32: 0>} : vector<16xi32>
      %add3A_198 = arith.constant 48 : i32
      %add3A_199 = vector.broadcast %add3A_198 : i32 to vector<16xi32>
      %add3A_200 = arith.addi %iota3A_197, %add3A_199 : vector<16xi32>
      %broadcast_in_dim3A_201 = arith.constant 129 : i32
      %broadcast_in_dim3A_202 = vector.broadcast %broadcast_in_dim3A_201 : i32 to vector<16xi32>
      %gather3A_203 = tpu.vector_load_idx %arg16[%add3A_200, %broadcast_in_dim3A_202] : memref<64x144xf32, #tpu.memory_space<vmem>>[vector<16xi32>, vector<16xi32>], vector<16xf32>,
      %get3A_204 = arith.constant 48 : index
      %get3A_205 = tpu.vector_load %arg13[%get3A_204] {strides = array<i32>} : memref<64xi32, #tpu.memory_space<vmem>>, vector<16xi32>,
      %gather3A_206 = tpu.vector_load_idx %arg8[%get3A_205] : memref<10000xf32, #tpu.memory_space<vmem>>[vector<16xi32>], vector<16xf32>,
      %add3A_207 = arith.addf %gather3A_203, %gather3A_206 : vector<16xf32>
      %mul3A_208 = arith.constant 2.000000e-01 : f32
      %mul3A_209 = vector.broadcast %mul3A_208 : f32 to vector<16xf32>
      %mul3A_210 = arith.mulf %mul3A_209, %add3A_207 : vector<16xf32>
      %max3A_211 = arith.maximumf %add3A_207, %mul3A_210 : vector<16xf32>
      %add3A_212 = arith.addf %get3A_25, %gather3A_206 : vector<16xf32>
      %mul3A_213 = arith.constant 2.000000e-01 : f32
      %mul3A_214 = vector.broadcast %mul3A_213 : f32 to vector<16xf32>
      %mul3A_215 = arith.mulf %mul3A_214, %add3A_212 : vector<16xf32>
      %max3A_216 = arith.maximumf %add3A_212, %mul3A_215 : vector<16xf32>
      %sub3A_217 = arith.subf %max3A_211, %max3A_216 : vector<16xf32>
      %exp3A_218 = math.exp %sub3A_217 : vector<16xf32>
      %mul3A_219 = arith.constant 64 : i32
      %mul3A_220 = arith.muli %add3A_85, %mul3A_219 : i32
      %add3A_221 = arith.constant 48 : i32
      %add3A_222 = arith.addi %mul3A_220, %add3A_221 : i32
      %add3A_223 = vector.broadcast %add3A_222 : i32 to vector<16xi32>
      %add3A_224 = arith.addi %add3A_223, %iota3A_197 : vector<16xi32>
      %lt3A_225 = arith.constant 10000 : i32
      %lt3A_226 = vector.broadcast %lt3A_225 : i32 to vector<16xi32>
      %lt3A_227 = arith.cmpi slt, %add3A_224, %lt3A_226 : vector<16xi32>
      %jit3A_228 = arith.constant 0.000000e+00 : f32
      %broadcast_in_dim3A_229 = vector.broadcast %jit3A_228 : f32 to vector<16xf32>
      %select_n3A_230 = arith.select %lt3A_227, %exp3A_218, %broadcast_in_dim3A_229 : vector<16xi1>, vector<16xf32>
      %swap3A_231 = arith.constant 48 : index
      %swap3A_232 = tpu.vector_load %arg15[%swap3A_231] {strides = array<i32>} : memref<64xf32, #tpu.memory_space<vmem>>, vector<16xf32>,
      tpu.vector_store %arg15[%swap3A_231], %select_n3A_230 {strides = array<i32>} : memref<64xf32, #tpu.memory_space<vmem>>, vector<16xf32>,
      %parallel_loop3A_233 = arith.constant 0 : i32
      %parallel_loop3A_234 = arith.constant 64 : i32
      %parallel_loop3A_235 = arith.constant 1 : i32
      scf.for %parallel_loop3A_408 = %parallel_loop3A_233 to %parallel_loop3A_234 step %parallel_loop3A_235  : i32 {
        %parallel_loop3A_409 = vector.broadcast %parallel_loop3A_408 : i32 to vector<16xi32>
        %parallel_loop3A_410 = tpu.vector_load_idx %arg15[%parallel_loop3A_409] : memref<64xf32, #tpu.memory_space<vmem>>[vector<16xi32>], vector<16xf32>,
        %parallel_loop3A_411 = arith.index_cast %parallel_loop3A_408 : i32 to index
        %parallel_loop3A_412 = arith.constant 0 : index
        %parallel_loop3A_413 = tpu.vector_load %arg16[%parallel_loop3A_411, %parallel_loop3A_412] {strides = array<i32>} : memref<64x144xf32, #tpu.memory_space<vmem>>, vector<16xf32>,
        %parallel_loop3A_414 = arith.mulf %parallel_loop3A_413, %parallel_loop3A_410 : vector<16xf32>
        %parallel_loop3A_415 = arith.index_cast %parallel_loop3A_408 : i32 to index
        %parallel_loop3A_416 = arith.constant 0 : index
        %parallel_loop3A_417 = tpu.vector_load %arg16[%parallel_loop3A_415, %parallel_loop3A_416] {strides = array<i32>} : memref<64x144xf32, #tpu.memory_space<vmem>>, vector<16xf32>,
        tpu.vector_store %arg16[%parallel_loop3A_415, %parallel_loop3A_416], %parallel_loop3A_414 {strides = array<i32>} : memref<64x144xf32, #tpu.memory_space<vmem>>, vector<16xf32>,
        %parallel_loop3A_418 = arith.index_cast %parallel_loop3A_408 : i32 to index
        %parallel_loop3A_419 = arith.constant 16 : index
        %parallel_loop3A_420 = tpu.vector_load %arg16[%parallel_loop3A_418, %parallel_loop3A_419] {strides = array<i32>} : memref<64x144xf32, #tpu.memory_space<vmem>>, vector<16xf32>,
        %parallel_loop3A_421 = arith.mulf %parallel_loop3A_420, %parallel_loop3A_410 : vector<16xf32>
        %parallel_loop3A_422 = arith.index_cast %parallel_loop3A_408 : i32 to index
        %parallel_loop3A_423 = arith.constant 16 : index
        %parallel_loop3A_424 = tpu.vector_load %arg16[%parallel_loop3A_422, %parallel_loop3A_423] {strides = array<i32>} : memref<64x144xf32, #tpu.memory_space<vmem>>, vector<16xf32>,
        tpu.vector_store %arg16[%parallel_loop3A_422, %parallel_loop3A_423], %parallel_loop3A_421 {strides = array<i32>} : memref<64x144xf32, #tpu.memory_space<vmem>>, vector<16xf32>,
        %parallel_loop3A_425 = arith.index_cast %parallel_loop3A_408 : i32 to index
        %parallel_loop3A_426 = arith.constant 32 : index
        %parallel_loop3A_427 = tpu.vector_load %arg16[%parallel_loop3A_425, %parallel_loop3A_426] {strides = array<i32>} : memref<64x144xf32, #tpu.memory_space<vmem>>, vector<16xf32>,
        %parallel_loop3A_428 = arith.mulf %parallel_loop3A_427, %parallel_loop3A_410 : vector<16xf32>
        %parallel_loop3A_429 = arith.index_cast %parallel_loop3A_408 : i32 to index
        %parallel_loop3A_430 = arith.constant 32 : index
        %parallel_loop3A_431 = tpu.vector_load %arg16[%parallel_loop3A_429, %parallel_loop3A_430] {strides = array<i32>} : memref<64x144xf32, #tpu.memory_space<vmem>>, vector<16xf32>,
        tpu.vector_store %arg16[%parallel_loop3A_429, %parallel_loop3A_430], %parallel_loop3A_428 {strides = array<i32>} : memref<64x144xf32, #tpu.memory_space<vmem>>, vector<16xf32>,
        %parallel_loop3A_432 = arith.index_cast %parallel_loop3A_408 : i32 to index
        %parallel_loop3A_433 = arith.constant 48 : index
        %parallel_loop3A_434 = tpu.vector_load %arg16[%parallel_loop3A_432, %parallel_loop3A_433] {strides = array<i32>} : memref<64x144xf32, #tpu.memory_space<vmem>>, vector<16xf32>,
        %parallel_loop3A_435 = arith.mulf %parallel_loop3A_434, %parallel_loop3A_410 : vector<16xf32>
        %parallel_loop3A_436 = arith.index_cast %parallel_loop3A_408 : i32 to index
        %parallel_loop3A_437 = arith.constant 48 : index
        %parallel_loop3A_438 = tpu.vector_load %arg16[%parallel_loop3A_436, %parallel_loop3A_437] {strides = array<i32>} : memref<64x144xf32, #tpu.memory_space<vmem>>, vector<16xf32>,
        tpu.vector_store %arg16[%parallel_loop3A_436, %parallel_loop3A_437], %parallel_loop3A_435 {strides = array<i32>} : memref<64x144xf32, #tpu.memory_space<vmem>>, vector<16xf32>,
        %parallel_loop3A_439 = arith.index_cast %parallel_loop3A_408 : i32 to index
        %parallel_loop3A_440 = arith.constant 64 : index
        %parallel_loop3A_441 = tpu.vector_load %arg16[%parallel_loop3A_439, %parallel_loop3A_440] {strides = array<i32>} : memref<64x144xf32, #tpu.memory_space<vmem>>, vector<16xf32>,
        %parallel_loop3A_442 = arith.mulf %parallel_loop3A_441, %parallel_loop3A_410 : vector<16xf32>
        %parallel_loop3A_443 = arith.index_cast %parallel_loop3A_408 : i32 to index
        %parallel_loop3A_444 = arith.constant 64 : index
        %parallel_loop3A_445 = tpu.vector_load %arg16[%parallel_loop3A_443, %parallel_loop3A_444] {strides = array<i32>} : memref<64x144xf32, #tpu.memory_space<vmem>>, vector<16xf32>,
        tpu.vector_store %arg16[%parallel_loop3A_443, %parallel_loop3A_444], %parallel_loop3A_442 {strides = array<i32>} : memref<64x144xf32, #tpu.memory_space<vmem>>, vector<16xf32>,
        %parallel_loop3A_446 = arith.index_cast %parallel_loop3A_408 : i32 to index
        %parallel_loop3A_447 = arith.constant 80 : index
        %parallel_loop3A_448 = tpu.vector_load %arg16[%parallel_loop3A_446, %parallel_loop3A_447] {strides = array<i32>} : memref<64x144xf32, #tpu.memory_space<vmem>>, vector<16xf32>,
        %parallel_loop3A_449 = arith.mulf %parallel_loop3A_448, %parallel_loop3A_410 : vector<16xf32>
        %parallel_loop3A_450 = arith.index_cast %parallel_loop3A_408 : i32 to index
        %parallel_loop3A_451 = arith.constant 80 : index
        %parallel_loop3A_452 = tpu.vector_load %arg16[%parallel_loop3A_450, %parallel_loop3A_451] {strides = array<i32>} : memref<64x144xf32, #tpu.memory_space<vmem>>, vector<16xf32>,
        tpu.vector_store %arg16[%parallel_loop3A_450, %parallel_loop3A_451], %parallel_loop3A_449 {strides = array<i32>} : memref<64x144xf32, #tpu.memory_space<vmem>>, vector<16xf32>,
        %parallel_loop3A_453 = arith.index_cast %parallel_loop3A_408 : i32 to index
        %parallel_loop3A_454 = arith.constant 96 : index
        %parallel_loop3A_455 = tpu.vector_load %arg16[%parallel_loop3A_453, %parallel_loop3A_454] {strides = array<i32>} : memref<64x144xf32, #tpu.memory_space<vmem>>, vector<16xf32>,
        %parallel_loop3A_456 = arith.mulf %parallel_loop3A_455, %parallel_loop3A_410 : vector<16xf32>
        %parallel_loop3A_457 = arith.index_cast %parallel_loop3A_408 : i32 to index
        %parallel_loop3A_458 = arith.constant 96 : index
        %parallel_loop3A_459 = tpu.vector_load %arg16[%parallel_loop3A_457, %parallel_loop3A_458] {strides = array<i32>} : memref<64x144xf32, #tpu.memory_space<vmem>>, vector<16xf32>,
        tpu.vector_store %arg16[%parallel_loop3A_457, %parallel_loop3A_458], %parallel_loop3A_456 {strides = array<i32>} : memref<64x144xf32, #tpu.memory_space<vmem>>, vector<16xf32>,
        %parallel_loop3A_460 = arith.index_cast %parallel_loop3A_408 : i32 to index
        %parallel_loop3A_461 = arith.constant 112 : index
        %parallel_loop3A_462 = tpu.vector_load %arg16[%parallel_loop3A_460, %parallel_loop3A_461] {strides = array<i32>} : memref<64x144xf32, #tpu.memory_space<vmem>>, vector<16xf32>,
        %parallel_loop3A_463 = arith.mulf %parallel_loop3A_462, %parallel_loop3A_410 : vector<16xf32>
        %parallel_loop3A_464 = arith.index_cast %parallel_loop3A_408 : i32 to index
        %parallel_loop3A_465 = arith.constant 112 : index
        %parallel_loop3A_466 = tpu.vector_load %arg16[%parallel_loop3A_464, %parallel_loop3A_465] {strides = array<i32>} : memref<64x144xf32, #tpu.memory_space<vmem>>, vector<16xf32>,
        tpu.vector_store %arg16[%parallel_loop3A_464, %parallel_loop3A_465], %parallel_loop3A_463 {strides = array<i32>} : memref<64x144xf32, #tpu.memory_space<vmem>>, vector<16xf32>,
        %parallel_loop3A_467 = arith.index_cast %parallel_loop3A_408 : i32 to index
        %parallel_loop3A_468 = arith.constant 128 : index
        %parallel_loop3A_469 = tpu.vector_load %arg16[%parallel_loop3A_467, %parallel_loop3A_468] {strides = array<i32>} : memref<64x144xf32, #tpu.memory_space<vmem>>, vector<16xf32>,
        %parallel_loop3A_470 = arith.mulf %parallel_loop3A_469, %parallel_loop3A_410 : vector<16xf32>
        %parallel_loop3A_471 = arith.index_cast %parallel_loop3A_408 : i32 to index
        %parallel_loop3A_472 = arith.constant 128 : index
        %parallel_loop3A_473 = tpu.vector_load %arg16[%parallel_loop3A_471, %parallel_loop3A_472] {strides = array<i32>} : memref<64x144xf32, #tpu.memory_space<vmem>>, vector<16xf32>,
        tpu.vector_store %arg16[%parallel_loop3A_471, %parallel_loop3A_472], %parallel_loop3A_470 {strides = array<i32>} : memref<64x144xf32, #tpu.memory_space<vmem>>, vector<16xf32>,
      } {sc.loop_unroll_factor = 4 : i64, sc.parallel_access}
      %dma_start3A_236 = arith.constant 0 : i32
      %dma_start3A_237 = arith.constant 0 : i32
      %dma_start3A_238 = tpu.memref_slice %arg7[%dma_start3A_236, %dma_start3A_237] : memref<10000x144xf32, #tpu.memory_space<vmem_shared>> -> memref<10000x144xf32, #tpu.memory_space<vmem_shared>>
      tpu.enqueue_indirect_dma source(%arg16 : memref<64x144xf32, #tpu.memory_space<vmem>>) target(%dma_start3A_238 : memref<10000x144xf32, #tpu.memory_space<vmem_shared>>) offsets(%arg13 : memref<64xi32, #tpu.memory_space<vmem>>) semaphore(%arg19 : memref<!tpu.dma_semaphore, #tpu.memory_space<semaphore_mem>>) {add = true}
      %mul3A_239 = arith.constant 2 : i32
      %mul3A_240 = arith.muli %mul3A_239, %scan3A_81 : i32
      %add3A_241 = arith.constant 1 : i32
      %add3A_242 = arith.addi %mul3A_240, %add3A_241 : i32
      %dma_wait3A_243 = arith.constant 0 : i32
      %dma_wait3A_244 = arith.constant 0 : i32
      %dma_wait3A_245 = tpu.memref_slice %arg2[%dma_wait3A_243, %dma_wait3A_244] : memref<10000x144xf32, #tpu.memory_space<hbm>> -> memref<10000x144xf32, #tpu.memory_space<hbm>>
      tpu.wait_indirect_dma semaphore(%arg18 : memref<!tpu.dma_semaphore, #tpu.memory_space<semaphore_mem>>) src(%dma_wait3A_245 : memref<10000x144xf32, #tpu.memory_space<hbm>>) dst(%arg17 : memref<64x144xf32, #tpu.memory_space<vmem>>)
      %gt3A_246 = arith.constant 0 : i32
      %gt3A_247 = arith.cmpi sgt, %add3A_242, %gt3A_246 : i32
      %convert_element_type3A_248 = arith.extui %gt3A_247 : i1 to i32
      %cond3A_249 = arith.constant 0 : i32
      %cond3A_250 = arith.cmpi ne, %convert_element_type3A_248, %cond3A_249 : i32
      scf.if %cond3A_250 {
        %dma_wait3A_408 = arith.constant 0 : i32
        %dma_wait3A_409 = arith.constant 0 : i32
        %dma_wait3A_410 = tpu.memref_slice %arg7[%dma_wait3A_408, %dma_wait3A_409] : memref<10000x144xf32, #tpu.memory_space<vmem_shared>> -> memref<10000x144xf32, #tpu.memory_space<vmem_shared>>
        tpu.wait_indirect_dma semaphore(%arg19 : memref<!tpu.dma_semaphore, #tpu.memory_space<semaphore_mem>>) src(%arg16 : memref<64x144xf32, #tpu.memory_space<vmem>>) dst(%dma_wait3A_410 : memref<10000x144xf32, #tpu.memory_space<vmem_shared>>)
      } else {
      }
      %add3A_251 = arith.constant 1 : i32
      %add3A_252 = arith.addi %add3A_242, %add3A_251 : i32
      %lt3A_253 = arith.constant 158 : i32
      %lt3A_254 = arith.cmpi slt, %add3A_252, %lt3A_253 : i32
      %convert_element_type3A_255 = arith.extui %lt3A_254 : i1 to i32
      %cond3A_256 = arith.constant 0 : i32
      %cond3A_257 = arith.cmpi ne, %convert_element_type3A_255, %cond3A_256 : i32
      scf.if %cond3A_257 {
        %add3A_408 = arith.constant 1 : i32
        %add3A_409 = arith.addi %add3A_242, %add3A_408 : i32
        %mul3A_410 = arith.constant 64 : i32
        %mul3A_411 = arith.muli %add3A_409, %mul3A_410 : i32
        %add3A_412 = arith.constant 0 : i32
        %add3A_413 = arith.addi %mul3A_411, %add3A_412 : i32
        %get3A_414 = arith.index_cast %add3A_413 : i32 to index
        %get3A_415 = tpu.vector_load %arg10[%get3A_414] {strides = array<i32>} : memref<10112xi32, #tpu.memory_space<vmem>>, vector<16xi32>,
        %and3A_416 = arith.constant 65535 : i32
        %and3A_417 = vector.broadcast %and3A_416 : i32 to vector<16xi32>
        %and3A_418 = arith.andi %get3A_415, %and3A_417 : vector<16xi32>
        %swap3A_419 = arith.constant 0 : index
        %swap3A_420 = tpu.vector_load %arg11[%swap3A_419] {strides = array<i32>} : memref<64xi32, #tpu.memory_space<vmem>>, vector<16xi32>,
        tpu.vector_store %arg11[%swap3A_419], %and3A_418 {strides = array<i32>} : memref<64xi32, #tpu.memory_space<vmem>>, vector<16xi32>,
        %shift_right_logical3A_421 = arith.constant 16 : i32
        %shift_right_logical3A_422 = vector.broadcast %shift_right_logical3A_421 : i32 to vector<16xi32>
        %shift_right_logical3A_423 = arith.shrui %get3A_415, %shift_right_logical3A_422 : vector<16xi32>
        %swap3A_424 = arith.constant 0 : index
        %swap3A_425 = tpu.vector_load %arg13[%swap3A_424] {strides = array<i32>} : memref<64xi32, #tpu.memory_space<vmem>>, vector<16xi32>,
        tpu.vector_store %arg13[%swap3A_424], %shift_right_logical3A_423 {strides = array<i32>} : memref<64xi32, #tpu.memory_space<vmem>>, vector<16xi32>,
        %mul3A_426 = arith.constant 64 : i32
        %mul3A_427 = arith.muli %add3A_409, %mul3A_426 : i32
        %add3A_428 = arith.constant 16 : i32
        %add3A_429 = arith.addi %mul3A_427, %add3A_428 : i32
        %get3A_430 = arith.index_cast %add3A_429 : i32 to index
        %get3A_431 = tpu.vector_load %arg10[%get3A_430] {strides = array<i32>} : memref<10112xi32, #tpu.memory_space<vmem>>, vector<16xi32>,
        %and3A_432 = arith.constant 65535 : i32
        %and3A_433 = vector.broadcast %and3A_432 : i32 to vector<16xi32>
        %and3A_434 = arith.andi %get3A_431, %and3A_433 : vector<16xi32>
        %swap3A_435 = arith.constant 16 : index
        %swap3A_436 = tpu.vector_load %arg11[%swap3A_435] {strides = array<i32>} : memref<64xi32, #tpu.memory_space<vmem>>, vector<16xi32>,
        tpu.vector_store %arg11[%swap3A_435], %and3A_434 {strides = array<i32>} : memref<64xi32, #tpu.memory_space<vmem>>, vector<16xi32>,
        %shift_right_logical3A_437 = arith.constant 16 : i32
        %shift_right_logical3A_438 = vector.broadcast %shift_right_logical3A_437 : i32 to vector<16xi32>
        %shift_right_logical3A_439 = arith.shrui %get3A_431, %shift_right_logical3A_438 : vector<16xi32>
        %swap3A_440 = arith.constant 16 : index
        %swap3A_441 = tpu.vector_load %arg13[%swap3A_440] {strides = array<i32>} : memref<64xi32, #tpu.memory_space<vmem>>, vector<16xi32>,
        tpu.vector_store %arg13[%swap3A_440], %shift_right_logical3A_439 {strides = array<i32>} : memref<64xi32, #tpu.memory_space<vmem>>, vector<16xi32>,
        %mul3A_442 = arith.constant 64 : i32
        %mul3A_443 = arith.muli %add3A_409, %mul3A_442 : i32
        %add3A_444 = arith.constant 32 : i32
        %add3A_445 = arith.addi %mul3A_443, %add3A_444 : i32
        %get3A_446 = arith.index_cast %add3A_445 : i32 to index
        %get3A_447 = tpu.vector_load %arg10[%get3A_446] {strides = array<i32>} : memref<10112xi32, #tpu.memory_space<vmem>>, vector<16xi32>,
        %and3A_448 = arith.constant 65535 : i32
        %and3A_449 = vector.broadcast %and3A_448 : i32 to vector<16xi32>
        %and3A_450 = arith.andi %get3A_447, %and3A_449 : vector<16xi32>
        %swap3A_451 = arith.constant 32 : index
        %swap3A_452 = tpu.vector_load %arg11[%swap3A_451] {strides = array<i32>} : memref<64xi32, #tpu.memory_space<vmem>>, vector<16xi32>,
        tpu.vector_store %arg11[%swap3A_451], %and3A_450 {strides = array<i32>} : memref<64xi32, #tpu.memory_space<vmem>>, vector<16xi32>,
        %shift_right_logical3A_453 = arith.constant 16 : i32
        %shift_right_logical3A_454 = vector.broadcast %shift_right_logical3A_453 : i32 to vector<16xi32>
        %shift_right_logical3A_455 = arith.shrui %get3A_447, %shift_right_logical3A_454 : vector<16xi32>
        %swap3A_456 = arith.constant 32 : index
        %swap3A_457 = tpu.vector_load %arg13[%swap3A_456] {strides = array<i32>} : memref<64xi32, #tpu.memory_space<vmem>>, vector<16xi32>,
        tpu.vector_store %arg13[%swap3A_456], %shift_right_logical3A_455 {strides = array<i32>} : memref<64xi32, #tpu.memory_space<vmem>>, vector<16xi32>,
        %mul3A_458 = arith.constant 64 : i32
        %mul3A_459 = arith.muli %add3A_409, %mul3A_458 : i32
        %add3A_460 = arith.constant 48 : i32
        %add3A_461 = arith.addi %mul3A_459, %add3A_460 : i32
        %get3A_462 = arith.index_cast %add3A_461 : i32 to index
        %get3A_463 = tpu.vector_load %arg10[%get3A_462] {strides = array<i32>} : memref<10112xi32, #tpu.memory_space<vmem>>, vector<16xi32>,
        %and3A_464 = arith.constant 65535 : i32
        %and3A_465 = vector.broadcast %and3A_464 : i32 to vector<16xi32>
        %and3A_466 = arith.andi %get3A_463, %and3A_465 : vector<16xi32>
        %swap3A_467 = arith.constant 48 : index
        %swap3A_468 = tpu.vector_load %arg11[%swap3A_467] {strides = array<i32>} : memref<64xi32, #tpu.memory_space<vmem>>, vector<16xi32>,
        tpu.vector_store %arg11[%swap3A_467], %and3A_466 {strides = array<i32>} : memref<64xi32, #tpu.memory_space<vmem>>, vector<16xi32>,
        %shift_right_logical3A_469 = arith.constant 16 : i32
        %shift_right_logical3A_470 = vector.broadcast %shift_right_logical3A_469 : i32 to vector<16xi32>
        %shift_right_logical3A_471 = arith.shrui %get3A_463, %shift_right_logical3A_470 : vector<16xi32>
        %swap3A_472 = arith.constant 48 : index
        %swap3A_473 = tpu.vector_load %arg13[%swap3A_472] {strides = array<i32>} : memref<64xi32, #tpu.memory_space<vmem>>, vector<16xi32>,
        tpu.vector_store %arg13[%swap3A_472], %shift_right_logical3A_471 {strides = array<i32>} : memref<64xi32, #tpu.memory_space<vmem>>, vector<16xi32>,
        %dma_start3A_474 = arith.constant 0 : i32
        %dma_start3A_475 = arith.constant 0 : i32
        %dma_start3A_476 = tpu.memref_slice %arg2[%dma_start3A_474, %dma_start3A_475] : memref<10000x144xf32, #tpu.memory_space<hbm>> -> memref<10000x144xf32, #tpu.memory_space<hbm>>
        tpu.enqueue_indirect_dma source(%dma_start3A_476 : memref<10000x144xf32, #tpu.memory_space<hbm>>) target(%arg16 : memref<64x144xf32, #tpu.memory_space<vmem>>) offsets(%arg11 : memref<64xi32, #tpu.memory_space<vmem>>) semaphore(%arg18 : memref<!tpu.dma_semaphore, #tpu.memory_space<semaphore_mem>>)
      } else {
      }
      %iota3A_258 = tpu.iota {dimensions = array<i32: 0>} : vector<16xi32>
      %add3A_259 = arith.constant 0 : i32
      %add3A_260 = vector.broadcast %add3A_259 : i32 to vector<16xi32>
      %add3A_261 = arith.addi %iota3A_258, %add3A_260 : vector<16xi32>
      %broadcast_in_dim3A_262 = arith.constant 129 : i32
      %broadcast_in_dim3A_263 = vector.broadcast %broadcast_in_dim3A_262 : i32 to vector<16xi32>
      %gather3A_264 = tpu.vector_load_idx %arg17[%add3A_261, %broadcast_in_dim3A_263] : memref<64x144xf32, #tpu.memory_space<vmem>>[vector<16xi32>, vector<16xi32>], vector<16xf32>,
      %get3A_265 = arith.constant 0 : index
      %get3A_266 = tpu.vector_load %arg14[%get3A_265] {strides = array<i32>} : memref<64xi32, #tpu.memory_space<vmem>>, vector<16xi32>,
      %gather3A_267 = tpu.vector_load_idx %arg8[%get3A_266] : memref<10000xf32, #tpu.memory_space<vmem>>[vector<16xi32>], vector<16xf32>,
      %add3A_268 = arith.addf %gather3A_264, %gather3A_267 : vector<16xf32>
      %mul3A_269 = arith.constant 2.000000e-01 : f32
      %mul3A_270 = vector.broadcast %mul3A_269 : f32 to vector<16xf32>
      %mul3A_271 = arith.mulf %mul3A_270, %add3A_268 : vector<16xf32>
      %max3A_272 = arith.maximumf %add3A_268, %mul3A_271 : vector<16xf32>
      %add3A_273 = arith.addf %get3A_25, %gather3A_267 : vector<16xf32>
      %mul3A_274 = arith.constant 2.000000e-01 : f32
      %mul3A_275 = vector.broadcast %mul3A_274 : f32 to vector<16xf32>
      %mul3A_276 = arith.mulf %mul3A_275, %add3A_273 : vector<16xf32>
      %max3A_277 = arith.maximumf %add3A_273, %mul3A_276 : vector<16xf32>
      %sub3A_278 = arith.subf %max3A_272, %max3A_277 : vector<16xf32>
      %exp3A_279 = math.exp %sub3A_278 : vector<16xf32>
      %mul3A_280 = arith.constant 64 : i32
      %mul3A_281 = arith.muli %add3A_242, %mul3A_280 : i32
      %add3A_282 = arith.constant 0 : i32
      %add3A_283 = arith.addi %mul3A_281, %add3A_282 : i32
      %add3A_284 = vector.broadcast %add3A_283 : i32 to vector<16xi32>
      %add3A_285 = arith.addi %add3A_284, %iota3A_258 : vector<16xi32>
      %lt3A_286 = arith.constant 10000 : i32
      %lt3A_287 = vector.broadcast %lt3A_286 : i32 to vector<16xi32>
      %lt3A_288 = arith.cmpi slt, %add3A_285, %lt3A_287 : vector<16xi32>
      %jit3A_289 = arith.constant 0.000000e+00 : f32
      %broadcast_in_dim3A_290 = vector.broadcast %jit3A_289 : f32 to vector<16xf32>
      %select_n3A_291 = arith.select %lt3A_288, %exp3A_279, %broadcast_in_dim3A_290 : vector<16xi1>, vector<16xf32>
      %swap3A_292 = arith.constant 0 : index
      %swap3A_293 = tpu.vector_load %arg15[%swap3A_292] {strides = array<i32>} : memref<64xf32, #tpu.memory_space<vmem>>, vector<16xf32>,
      tpu.vector_store %arg15[%swap3A_292], %select_n3A_291 {strides = array<i32>} : memref<64xf32, #tpu.memory_space<vmem>>, vector<16xf32>,
      %iota3A_294 = tpu.iota {dimensions = array<i32: 0>} : vector<16xi32>
      %add3A_295 = arith.constant 16 : i32
      %add3A_296 = vector.broadcast %add3A_295 : i32 to vector<16xi32>
      %add3A_297 = arith.addi %iota3A_294, %add3A_296 : vector<16xi32>
      %broadcast_in_dim3A_298 = arith.constant 129 : i32
      %broadcast_in_dim3A_299 = vector.broadcast %broadcast_in_dim3A_298 : i32 to vector<16xi32>
      %gather3A_300 = tpu.vector_load_idx %arg17[%add3A_297, %broadcast_in_dim3A_299] : memref<64x144xf32, #tpu.memory_space<vmem>>[vector<16xi32>, vector<16xi32>], vector<16xf32>,
      %get3A_301 = arith.constant 16 : index
      %get3A_302 = tpu.vector_load %arg14[%get3A_301] {strides = array<i32>} : memref<64xi32, #tpu.memory_space<vmem>>, vector<16xi32>,
      %gather3A_303 = tpu.vector_load_idx %arg8[%get3A_302] : memref<10000xf32, #tpu.memory_space<vmem>>[vector<16xi32>], vector<16xf32>,
      %add3A_304 = arith.addf %gather3A_300, %gather3A_303 : vector<16xf32>
      %mul3A_305 = arith.constant 2.000000e-01 : f32
      %mul3A_306 = vector.broadcast %mul3A_305 : f32 to vector<16xf32>
      %mul3A_307 = arith.mulf %mul3A_306, %add3A_304 : vector<16xf32>
      %max3A_308 = arith.maximumf %add3A_304, %mul3A_307 : vector<16xf32>
      %add3A_309 = arith.addf %get3A_25, %gather3A_303 : vector<16xf32>
      %mul3A_310 = arith.constant 2.000000e-01 : f32
      %mul3A_311 = vector.broadcast %mul3A_310 : f32 to vector<16xf32>
      %mul3A_312 = arith.mulf %mul3A_311, %add3A_309 : vector<16xf32>
      %max3A_313 = arith.maximumf %add3A_309, %mul3A_312 : vector<16xf32>
      %sub3A_314 = arith.subf %max3A_308, %max3A_313 : vector<16xf32>
      %exp3A_315 = math.exp %sub3A_314 : vector<16xf32>
      %mul3A_316 = arith.constant 64 : i32
      %mul3A_317 = arith.muli %add3A_242, %mul3A_316 : i32
      %add3A_318 = arith.constant 16 : i32
      %add3A_319 = arith.addi %mul3A_317, %add3A_318 : i32
      %add3A_320 = vector.broadcast %add3A_319 : i32 to vector<16xi32>
      %add3A_321 = arith.addi %add3A_320, %iota3A_294 : vector<16xi32>
      %lt3A_322 = arith.constant 10000 : i32
      %lt3A_323 = vector.broadcast %lt3A_322 : i32 to vector<16xi32>
      %lt3A_324 = arith.cmpi slt, %add3A_321, %lt3A_323 : vector<16xi32>
      %jit3A_325 = arith.constant 0.000000e+00 : f32
      %broadcast_in_dim3A_326 = vector.broadcast %jit3A_325 : f32 to vector<16xf32>
      %select_n3A_327 = arith.select %lt3A_324, %exp3A_315, %broadcast_in_dim3A_326 : vector<16xi1>, vector<16xf32>
      %swap3A_328 = arith.constant 16 : index
      %swap3A_329 = tpu.vector_load %arg15[%swap3A_328] {strides = array<i32>} : memref<64xf32, #tpu.memory_space<vmem>>, vector<16xf32>,
      tpu.vector_store %arg15[%swap3A_328], %select_n3A_327 {strides = array<i32>} : memref<64xf32, #tpu.memory_space<vmem>>, vector<16xf32>,
      %iota3A_330 = tpu.iota {dimensions = array<i32: 0>} : vector<16xi32>
      %add3A_331 = arith.constant 32 : i32
      %add3A_332 = vector.broadcast %add3A_331 : i32 to vector<16xi32>
      %add3A_333 = arith.addi %iota3A_330, %add3A_332 : vector<16xi32>
      %broadcast_in_dim3A_334 = arith.constant 129 : i32
      %broadcast_in_dim3A_335 = vector.broadcast %broadcast_in_dim3A_334 : i32 to vector<16xi32>
      %gather3A_336 = tpu.vector_load_idx %arg17[%add3A_333, %broadcast_in_dim3A_335] : memref<64x144xf32, #tpu.memory_space<vmem>>[vector<16xi32>, vector<16xi32>], vector<16xf32>,
      %get3A_337 = arith.constant 32 : index
      %get3A_338 = tpu.vector_load %arg14[%get3A_337] {strides = array<i32>} : memref<64xi32, #tpu.memory_space<vmem>>, vector<16xi32>,
      %gather3A_339 = tpu.vector_load_idx %arg8[%get3A_338] : memref<10000xf32, #tpu.memory_space<vmem>>[vector<16xi32>], vector<16xf32>,
      %add3A_340 = arith.addf %gather3A_336, %gather3A_339 : vector<16xf32>
      %mul3A_341 = arith.constant 2.000000e-01 : f32
      %mul3A_342 = vector.broadcast %mul3A_341 : f32 to vector<16xf32>
      %mul3A_343 = arith.mulf %mul3A_342, %add3A_340 : vector<16xf32>
      %max3A_344 = arith.maximumf %add3A_340, %mul3A_343 : vector<16xf32>
      %add3A_345 = arith.addf %get3A_25, %gather3A_339 : vector<16xf32>
      %mul3A_346 = arith.constant 2.000000e-01 : f32
      %mul3A_347 = vector.broadcast %mul3A_346 : f32 to vector<16xf32>
      %mul3A_348 = arith.mulf %mul3A_347, %add3A_345 : vector<16xf32>
      %max3A_349 = arith.maximumf %add3A_345, %mul3A_348 : vector<16xf32>
      %sub3A_350 = arith.subf %max3A_344, %max3A_349 : vector<16xf32>
      %exp3A_351 = math.exp %sub3A_350 : vector<16xf32>
      %mul3A_352 = arith.constant 64 : i32
      %mul3A_353 = arith.muli %add3A_242, %mul3A_352 : i32
      %add3A_354 = arith.constant 32 : i32
      %add3A_355 = arith.addi %mul3A_353, %add3A_354 : i32
      %add3A_356 = vector.broadcast %add3A_355 : i32 to vector<16xi32>
      %add3A_357 = arith.addi %add3A_356, %iota3A_330 : vector<16xi32>
      %lt3A_358 = arith.constant 10000 : i32
      %lt3A_359 = vector.broadcast %lt3A_358 : i32 to vector<16xi32>
      %lt3A_360 = arith.cmpi slt, %add3A_357, %lt3A_359 : vector<16xi32>
      %jit3A_361 = arith.constant 0.000000e+00 : f32
      %broadcast_in_dim3A_362 = vector.broadcast %jit3A_361 : f32 to vector<16xf32>
      %select_n3A_363 = arith.select %lt3A_360, %exp3A_351, %broadcast_in_dim3A_362 : vector<16xi1>, vector<16xf32>
      %swap3A_364 = arith.constant 32 : index
      %swap3A_365 = tpu.vector_load %arg15[%swap3A_364] {strides = array<i32>} : memref<64xf32, #tpu.memory_space<vmem>>, vector<16xf32>,
      tpu.vector_store %arg15[%swap3A_364], %select_n3A_363 {strides = array<i32>} : memref<64xf32, #tpu.memory_space<vmem>>, vector<16xf32>,
      %iota3A_366 = tpu.iota {dimensions = array<i32: 0>} : vector<16xi32>
      %add3A_367 = arith.constant 48 : i32
      %add3A_368 = vector.broadcast %add3A_367 : i32 to vector<16xi32>
      %add3A_369 = arith.addi %iota3A_366, %add3A_368 : vector<16xi32>
      %broadcast_in_dim3A_370 = arith.constant 129 : i32
      %broadcast_in_dim3A_371 = vector.broadcast %broadcast_in_dim3A_370 : i32 to vector<16xi32>
      %gather3A_372 = tpu.vector_load_idx %arg17[%add3A_369, %broadcast_in_dim3A_371] : memref<64x144xf32, #tpu.memory_space<vmem>>[vector<16xi32>, vector<16xi32>], vector<16xf32>,
      %get3A_373 = arith.constant 48 : index
      %get3A_374 = tpu.vector_load %arg14[%get3A_373] {strides = array<i32>} : memref<64xi32, #tpu.memory_space<vmem>>, vector<16xi32>,
      %gather3A_375 = tpu.vector_load_idx %arg8[%get3A_374] : memref<10000xf32, #tpu.memory_space<vmem>>[vector<16xi32>], vector<16xf32>,
      %add3A_376 = arith.addf %gather3A_372, %gather3A_375 : vector<16xf32>
      %mul3A_377 = arith.constant 2.000000e-01 : f32
      %mul3A_378 = vector.broadcast %mul3A_377 : f32 to vector<16xf32>
      %mul3A_379 = arith.mulf %mul3A_378, %add3A_376 : vector<16xf32>
      %max3A_380 = arith.maximumf %add3A_376, %mul3A_379 : vector<16xf32>
      %add3A_381 = arith.addf %get3A_25, %gather3A_375 : vector<16xf32>
      %mul3A_382 = arith.constant 2.000000e-01 : f32
      %mul3A_383 = vector.broadcast %mul3A_382 : f32 to vector<16xf32>
      %mul3A_384 = arith.mulf %mul3A_383, %add3A_381 : vector<16xf32>
      %max3A_385 = arith.maximumf %add3A_381, %mul3A_384 : vector<16xf32>
      %sub3A_386 = arith.subf %max3A_380, %max3A_385 : vector<16xf32>
      %exp3A_387 = math.exp %sub3A_386 : vector<16xf32>
      %mul3A_388 = arith.constant 64 : i32
      %mul3A_389 = arith.muli %add3A_242, %mul3A_388 : i32
      %add3A_390 = arith.constant 48 : i32
      %add3A_391 = arith.addi %mul3A_389, %add3A_390 : i32
      %add3A_392 = vector.broadcast %add3A_391 : i32 to vector<16xi32>
      %add3A_393 = arith.addi %add3A_392, %iota3A_366 : vector<16xi32>
      %lt3A_394 = arith.constant 10000 : i32
      %lt3A_395 = vector.broadcast %lt3A_394 : i32 to vector<16xi32>
      %lt3A_396 = arith.cmpi slt, %add3A_393, %lt3A_395 : vector<16xi32>
      %jit3A_397 = arith.constant 0.000000e+00 : f32
      %broadcast_in_dim3A_398 = vector.broadcast %jit3A_397 : f32 to vector<16xf32>
      %select_n3A_399 = arith.select %lt3A_396, %exp3A_387, %broadcast_in_dim3A_398 : vector<16xi1>, vector<16xf32>
      %swap3A_400 = arith.constant 48 : index
      %swap3A_401 = tpu.vector_load %arg15[%swap3A_400] {strides = array<i32>} : memref<64xf32, #tpu.memory_space<vmem>>, vector<16xf32>,
      tpu.vector_store %arg15[%swap3A_400], %select_n3A_399 {strides = array<i32>} : memref<64xf32, #tpu.memory_space<vmem>>, vector<16xf32>,
      %parallel_loop3A_402 = arith.constant 0 : i32
      %parallel_loop3A_403 = arith.constant 64 : i32
      %parallel_loop3A_404 = arith.constant 1 : i32
      scf.for %parallel_loop3A_408 = %parallel_loop3A_402 to %parallel_loop3A_403 step %parallel_loop3A_404  : i32 {
        %parallel_loop3A_409 = vector.broadcast %parallel_loop3A_408 : i32 to vector<16xi32>
        %parallel_loop3A_410 = tpu.vector_load_idx %arg15[%parallel_loop3A_409] : memref<64xf32, #tpu.memory_space<vmem>>[vector<16xi32>], vector<16xf32>,
        %parallel_loop3A_411 = arith.index_cast %parallel_loop3A_408 : i32 to index
        %parallel_loop3A_412 = arith.constant 0 : index
        %parallel_loop3A_413 = tpu.vector_load %arg17[%parallel_loop3A_411, %parallel_loop3A_412] {strides = array<i32>} : memref<64x144xf32, #tpu.memory_space<vmem>>, vector<16xf32>,
        %parallel_loop3A_414 = arith.mulf %parallel_loop3A_413, %parallel_loop3A_410 : vector<16xf32>
        %parallel_loop3A_415 = arith.index_cast %parallel_loop3A_408 : i32 to index
        %parallel_loop3A_416 = arith.constant 0 : index
        %parallel_loop3A_417 = tpu.vector_load %arg17[%parallel_loop3A_415, %parallel_loop3A_416] {strides = array<i32>} : memref<64x144xf32, #tpu.memory_space<vmem>>, vector<16xf32>,
        tpu.vector_store %arg17[%parallel_loop3A_415, %parallel_loop3A_416], %parallel_loop3A_414 {strides = array<i32>} : memref<64x144xf32, #tpu.memory_space<vmem>>, vector<16xf32>,
        %parallel_loop3A_418 = arith.index_cast %parallel_loop3A_408 : i32 to index
        %parallel_loop3A_419 = arith.constant 16 : index
        %parallel_loop3A_420 = tpu.vector_load %arg17[%parallel_loop3A_418, %parallel_loop3A_419] {strides = array<i32>} : memref<64x144xf32, #tpu.memory_space<vmem>>, vector<16xf32>,
        %parallel_loop3A_421 = arith.mulf %parallel_loop3A_420, %parallel_loop3A_410 : vector<16xf32>
        %parallel_loop3A_422 = arith.index_cast %parallel_loop3A_408 : i32 to index
        %parallel_loop3A_423 = arith.constant 16 : index
        %parallel_loop3A_424 = tpu.vector_load %arg17[%parallel_loop3A_422, %parallel_loop3A_423] {strides = array<i32>} : memref<64x144xf32, #tpu.memory_space<vmem>>, vector<16xf32>,
        tpu.vector_store %arg17[%parallel_loop3A_422, %parallel_loop3A_423], %parallel_loop3A_421 {strides = array<i32>} : memref<64x144xf32, #tpu.memory_space<vmem>>, vector<16xf32>,
        %parallel_loop3A_425 = arith.index_cast %parallel_loop3A_408 : i32 to index
        %parallel_loop3A_426 = arith.constant 32 : index
        %parallel_loop3A_427 = tpu.vector_load %arg17[%parallel_loop3A_425, %parallel_loop3A_426] {strides = array<i32>} : memref<64x144xf32, #tpu.memory_space<vmem>>, vector<16xf32>,
        %parallel_loop3A_428 = arith.mulf %parallel_loop3A_427, %parallel_loop3A_410 : vector<16xf32>
        %parallel_loop3A_429 = arith.index_cast %parallel_loop3A_408 : i32 to index
        %parallel_loop3A_430 = arith.constant 32 : index
        %parallel_loop3A_431 = tpu.vector_load %arg17[%parallel_loop3A_429, %parallel_loop3A_430] {strides = array<i32>} : memref<64x144xf32, #tpu.memory_space<vmem>>, vector<16xf32>,
        tpu.vector_store %arg17[%parallel_loop3A_429, %parallel_loop3A_430], %parallel_loop3A_428 {strides = array<i32>} : memref<64x144xf32, #tpu.memory_space<vmem>>, vector<16xf32>,
        %parallel_loop3A_432 = arith.index_cast %parallel_loop3A_408 : i32 to index
        %parallel_loop3A_433 = arith.constant 48 : index
        %parallel_loop3A_434 = tpu.vector_load %arg17[%parallel_loop3A_432, %parallel_loop3A_433] {strides = array<i32>} : memref<64x144xf32, #tpu.memory_space<vmem>>, vector<16xf32>,
        %parallel_loop3A_435 = arith.mulf %parallel_loop3A_434, %parallel_loop3A_410 : vector<16xf32>
        %parallel_loop3A_436 = arith.index_cast %parallel_loop3A_408 : i32 to index
        %parallel_loop3A_437 = arith.constant 48 : index
        %parallel_loop3A_438 = tpu.vector_load %arg17[%parallel_loop3A_436, %parallel_loop3A_437] {strides = array<i32>} : memref<64x144xf32, #tpu.memory_space<vmem>>, vector<16xf32>,
        tpu.vector_store %arg17[%parallel_loop3A_436, %parallel_loop3A_437], %parallel_loop3A_435 {strides = array<i32>} : memref<64x144xf32, #tpu.memory_space<vmem>>, vector<16xf32>,
        %parallel_loop3A_439 = arith.index_cast %parallel_loop3A_408 : i32 to index
        %parallel_loop3A_440 = arith.constant 64 : index
        %parallel_loop3A_441 = tpu.vector_load %arg17[%parallel_loop3A_439, %parallel_loop3A_440] {strides = array<i32>} : memref<64x144xf32, #tpu.memory_space<vmem>>, vector<16xf32>,
        %parallel_loop3A_442 = arith.mulf %parallel_loop3A_441, %parallel_loop3A_410 : vector<16xf32>
        %parallel_loop3A_443 = arith.index_cast %parallel_loop3A_408 : i32 to index
        %parallel_loop3A_444 = arith.constant 64 : index
        %parallel_loop3A_445 = tpu.vector_load %arg17[%parallel_loop3A_443, %parallel_loop3A_444] {strides = array<i32>} : memref<64x144xf32, #tpu.memory_space<vmem>>, vector<16xf32>,
        tpu.vector_store %arg17[%parallel_loop3A_443, %parallel_loop3A_444], %parallel_loop3A_442 {strides = array<i32>} : memref<64x144xf32, #tpu.memory_space<vmem>>, vector<16xf32>,
        %parallel_loop3A_446 = arith.index_cast %parallel_loop3A_408 : i32 to index
        %parallel_loop3A_447 = arith.constant 80 : index
        %parallel_loop3A_448 = tpu.vector_load %arg17[%parallel_loop3A_446, %parallel_loop3A_447] {strides = array<i32>} : memref<64x144xf32, #tpu.memory_space<vmem>>, vector<16xf32>,
        %parallel_loop3A_449 = arith.mulf %parallel_loop3A_448, %parallel_loop3A_410 : vector<16xf32>
        %parallel_loop3A_450 = arith.index_cast %parallel_loop3A_408 : i32 to index
        %parallel_loop3A_451 = arith.constant 80 : index
        %parallel_loop3A_452 = tpu.vector_load %arg17[%parallel_loop3A_450, %parallel_loop3A_451] {strides = array<i32>} : memref<64x144xf32, #tpu.memory_space<vmem>>, vector<16xf32>,
        tpu.vector_store %arg17[%parallel_loop3A_450, %parallel_loop3A_451], %parallel_loop3A_449 {strides = array<i32>} : memref<64x144xf32, #tpu.memory_space<vmem>>, vector<16xf32>,
        %parallel_loop3A_453 = arith.index_cast %parallel_loop3A_408 : i32 to index
        %parallel_loop3A_454 = arith.constant 96 : index
        %parallel_loop3A_455 = tpu.vector_load %arg17[%parallel_loop3A_453, %parallel_loop3A_454] {strides = array<i32>} : memref<64x144xf32, #tpu.memory_space<vmem>>, vector<16xf32>,
        %parallel_loop3A_456 = arith.mulf %parallel_loop3A_455, %parallel_loop3A_410 : vector<16xf32>
        %parallel_loop3A_457 = arith.index_cast %parallel_loop3A_408 : i32 to index
        %parallel_loop3A_458 = arith.constant 96 : index
        %parallel_loop3A_459 = tpu.vector_load %arg17[%parallel_loop3A_457, %parallel_loop3A_458] {strides = array<i32>} : memref<64x144xf32, #tpu.memory_space<vmem>>, vector<16xf32>,
        tpu.vector_store %arg17[%parallel_loop3A_457, %parallel_loop3A_458], %parallel_loop3A_456 {strides = array<i32>} : memref<64x144xf32, #tpu.memory_space<vmem>>, vector<16xf32>,
        %parallel_loop3A_460 = arith.index_cast %parallel_loop3A_408 : i32 to index
        %parallel_loop3A_461 = arith.constant 112 : index
        %parallel_loop3A_462 = tpu.vector_load %arg17[%parallel_loop3A_460, %parallel_loop3A_461] {strides = array<i32>} : memref<64x144xf32, #tpu.memory_space<vmem>>, vector<16xf32>,
        %parallel_loop3A_463 = arith.mulf %parallel_loop3A_462, %parallel_loop3A_410 : vector<16xf32>
        %parallel_loop3A_464 = arith.index_cast %parallel_loop3A_408 : i32 to index
        %parallel_loop3A_465 = arith.constant 112 : index
        %parallel_loop3A_466 = tpu.vector_load %arg17[%parallel_loop3A_464, %parallel_loop3A_465] {strides = array<i32>} : memref<64x144xf32, #tpu.memory_space<vmem>>, vector<16xf32>,
        tpu.vector_store %arg17[%parallel_loop3A_464, %parallel_loop3A_465], %parallel_loop3A_463 {strides = array<i32>} : memref<64x144xf32, #tpu.memory_space<vmem>>, vector<16xf32>,
        %parallel_loop3A_467 = arith.index_cast %parallel_loop3A_408 : i32 to index
        %parallel_loop3A_468 = arith.constant 128 : index
        %parallel_loop3A_469 = tpu.vector_load %arg17[%parallel_loop3A_467, %parallel_loop3A_468] {strides = array<i32>} : memref<64x144xf32, #tpu.memory_space<vmem>>, vector<16xf32>,
        %parallel_loop3A_470 = arith.mulf %parallel_loop3A_469, %parallel_loop3A_410 : vector<16xf32>
        %parallel_loop3A_471 = arith.index_cast %parallel_loop3A_408 : i32 to index
        %parallel_loop3A_472 = arith.constant 128 : index
        %parallel_loop3A_473 = tpu.vector_load %arg17[%parallel_loop3A_471, %parallel_loop3A_472] {strides = array<i32>} : memref<64x144xf32, #tpu.memory_space<vmem>>, vector<16xf32>,
        tpu.vector_store %arg17[%parallel_loop3A_471, %parallel_loop3A_472], %parallel_loop3A_470 {strides = array<i32>} : memref<64x144xf32, #tpu.memory_space<vmem>>, vector<16xf32>,
      } {sc.loop_unroll_factor = 4 : i64, sc.parallel_access}
      %dma_start3A_405 = arith.constant 0 : i32
      %dma_start3A_406 = arith.constant 0 : i32
      %dma_start3A_407 = tpu.memref_slice %arg7[%dma_start3A_405, %dma_start3A_406] : memref<10000x144xf32, #tpu.memory_space<vmem_shared>> -> memref<10000x144xf32, #tpu.memory_space<vmem_shared>>
      tpu.enqueue_indirect_dma source(%arg17 : memref<64x144xf32, #tpu.memory_space<vmem>>) target(%dma_start3A_407 : memref<10000x144xf32, #tpu.memory_space<vmem_shared>>) offsets(%arg14 : memref<64xi32, #tpu.memory_space<vmem>>) semaphore(%arg19 : memref<!tpu.dma_semaphore, #tpu.memory_space<semaphore_mem>>) {add = true}
    }
    %scan3A_77 = arith.constant 79 : i32
    %dma_wait3A = arith.constant 0 : i32
    %dma_wait3A_78 = arith.constant 0 : i32
    %dma_wait3A_79 = tpu.memref_slice %arg7[%dma_wait3A, %dma_wait3A_78] : memref<10000x144xf32, #tpu.memory_space<vmem_shared>> -> memref<10000x144xf32, #tpu.memory_space<vmem_shared>>
    tpu.wait_indirect_dma semaphore(%arg19 : memref<!tpu.dma_semaphore, #tpu.memory_space<semaphore_mem>>) src(%arg17 : memref<64x144xf32, #tpu.memory_space<vmem>>) dst(%dma_wait3A_79 : memref<10000x144xf32, #tpu.memory_space<vmem_shared>>)
    %barrier3A_80 = arith.constant 0 : index
    tpu.barrier barrier_id(%barrier3A_80)
    "tpu.region"() ({
      %run_scoped3A = tpu.sem_alloc : memref<!tpu.dma_semaphore, #tpu.memory_space<semaphore_mem>>
      %dma_start3A_81 = arith.constant 0 : i32
      %dma_start3A_82 = tpu.memref_slice %arg6[%arg0, %mul3A_2, %dma_start3A_81] : memref<2x10000x144xf32, #tpu.memory_space<hbm>> -> memref<1x625x144xf32, #tpu.memory_space<hbm>>
      %dma_start3A_83 = tpu.memref_squeeze %dma_start3A_82 : memref<1x625x144xf32, #tpu.memory_space<hbm>> -> memref<625x144xf32, #tpu.memory_space<hbm>>
      %dma_start3A_84 = arith.constant 0 : i32
      %dma_start3A_85 = tpu.memref_slice %arg7[%mul3A_2, %dma_start3A_84] : memref<10000x144xf32, #tpu.memory_space<vmem_shared>> -> memref<625x144xf32, #tpu.memory_space<vmem_shared>>
      tpu.enqueue_dma source(%dma_start3A_85 : memref<625x144xf32, #tpu.memory_space<vmem_shared>>) target(%dma_start3A_83 : memref<625x144xf32, #tpu.memory_space<hbm>>) target_semaphore(%run_scoped3A : memref<!tpu.dma_semaphore, #tpu.memory_space<semaphore_mem>>)
      %dma_wait3A_86 = arith.constant 0 : i32
      %dma_wait3A_87 = tpu.memref_slice %arg6[%arg0, %mul3A_2, %dma_wait3A_86] : memref<2x10000x144xf32, #tpu.memory_space<hbm>> -> memref<1x625x144xf32, #tpu.memory_space<hbm>>
      %dma_wait3A_88 = tpu.memref_squeeze %dma_wait3A_87 : memref<1x625x144xf32, #tpu.memory_space<hbm>> -> memref<625x144xf32, #tpu.memory_space<hbm>>
      %dma_wait3A_89 = arith.constant 0 : i32
      %dma_wait3A_90 = tpu.memref_slice %arg7[%mul3A_2, %dma_wait3A_89] : memref<10000x144xf32, #tpu.memory_space<vmem_shared>> -> memref<625x144xf32, #tpu.memory_space<vmem_shared>>
      tpu.wait_dma2 semaphore(%run_scoped3A : memref<!tpu.dma_semaphore, #tpu.memory_space<semaphore_mem>>) src(%dma_wait3A_90 : memref<625x144xf32, #tpu.memory_space<vmem_shared>>) dst(%dma_wait3A_88 : memref<625x144xf32, #tpu.memory_space<hbm>>)
      tpu.yield
    }) : () -> ()
    return
  }
}

module attributes {stable_mosaic.version = 14 : i64} {
  func.func @_prep1_body(%arg0: memref<10000x128xf32, #tpu.memory_space<vmem>>, %arg1: memref<128x128xf32, #tpu.memory_space<vmem>>, %arg2: memref<128xf32, #tpu.memory_space<vmem>>, %arg3: memref<128xf32, #tpu.memory_space<vmem>>, %arg4: memref<10000x144xf32, #tpu.memory_space<vmem>>, %arg5: memref<10000xf32, #tpu.memory_space<vmem>>, %arg6: memref<128xf32, #tpu.memory_space<vmem>>) attributes {dimension_semantics = [], scalar_prefetch = 0 : i64, scratch_operands = 0 : i64, tpu.core_type = #tpu.core_type<tc>} {
    %get3A = arith.constant 0 : index
    %get3A_0 = arith.constant 0 : index
    %get3A_1 = vector.load %arg0[%get3A, %get3A_0] : memref<10000x128xf32, #tpu.memory_space<vmem>>, vector<10000x128xf32>
    %get3A_2 = arith.constant 0 : index
    %get3A_3 = arith.constant 0 : index
    %get3A_4 = vector.load %arg1[%get3A_2, %get3A_3] : memref<128x128xf32, #tpu.memory_space<vmem>>, vector<128x128xf32>
    %dot_general3A = arith.constant dense<0.000000e+00> : vector<10000x128xf32>
    %dot_general3A_5 = tpu.matmul %get3A_1, %get3A_4, %dot_general3A {dimension_numbers = #tpu.dot_dimension_numbers<[1], [0], [0], [1], [0, 0, 1, 1], [], []>, transpose_lhs_hint = false} : vector<10000x128xf32>, vector<128x128xf32>, vector<10000x128xf32> -> vector<10000x128xf32>
    %get3A_6 = arith.constant 0 : index
    %get3A_7 = vector.load %arg2[%get3A_6] : memref<128xf32, #tpu.memory_space<vmem>>, vector<128xf32>
    %get3A_8 = arith.constant 0 : index
    %get3A_9 = vector.load %arg3[%get3A_8] : memref<128xf32, #tpu.memory_space<vmem>>, vector<128xf32>
    %dot_general3A_10 = arith.constant dense<0.000000e+00> : vector<10000xf32>
    %dot_general3A_11 = tpu.matmul %dot_general3A_5, %get3A_7, %dot_general3A_10 {dimension_numbers = #tpu.dot_dimension_numbers<[1], [0], [0], [], [0, 0], [], []>, transpose_lhs_hint = false} : vector<10000x128xf32>, vector<128xf32>, vector<10000xf32> -> vector<10000xf32>
    %dot_general3A_12 = arith.constant dense<0.000000e+00> : vector<10000xf32>
    %dot_general3A_13 = tpu.matmul %dot_general3A_5, %get3A_9, %dot_general3A_12 {dimension_numbers = #tpu.dot_dimension_numbers<[1], [0], [0], [], [0, 0], [], []>, transpose_lhs_hint = false} : vector<10000x128xf32>, vector<128xf32>, vector<10000xf32> -> vector<10000xf32>
    %iota3A = tpu.iota {dimensions = array<i32: 1>} : vector<10000x16xi32>
    %eq3A = arith.constant 0 : i32
    %eq3A_14 = vector.broadcast %eq3A : i32 to vector<10000x16xi32>
    %eq3A_15 = arith.cmpi eq, %iota3A, %eq3A_14 : vector<10000x16xi32>
    %eq3A_16 = arith.constant 1 : i32
    %eq3A_17 = vector.broadcast %eq3A_16 : i32 to vector<10000x16xi32>
    %eq3A_18 = arith.cmpi eq, %iota3A, %eq3A_17 : vector<10000x16xi32>
    %broadcast_in_dim3A = vector.shape_cast %dot_general3A_11 : vector<10000xf32> to vector<10000x1xf32>
    %jit3A = arith.constant 0.000000e+00 : f32
    %broadcast_in_dim3A_19 = vector.shape_cast %broadcast_in_dim3A : vector<10000x1xf32> to vector<10000x1xf32>
    %broadcast_in_dim3A_20 = vector.broadcast %broadcast_in_dim3A_19 : vector<10000x1xf32> to vector<10000x16xf32>
    %broadcast_in_dim3A_21 = vector.broadcast %jit3A : f32 to vector<10000x16xf32>
    %select_n3A = arith.select %eq3A_18, %broadcast_in_dim3A_20, %broadcast_in_dim3A_21 : vector<10000x16xi1>, vector<10000x16xf32>
    %jit3A_22 = arith.constant 1.000000e+00 : f32
    %broadcast_in_dim3A_23 = vector.broadcast %jit3A_22 : f32 to vector<10000x16xf32>
    %select_n3A_24 = arith.select %eq3A_15, %broadcast_in_dim3A_23, %select_n3A : vector<10000x16xi1>, vector<10000x16xf32>
    %swap3A = arith.constant 0 : index
    %swap3A_25 = arith.constant 0 : index
    %swap3A_26 = vector.load %arg4[%swap3A, %swap3A_25] : memref<10000x144xf32, #tpu.memory_space<vmem>>, vector<10000x128xf32>
    tpu.vector_store %arg4[%swap3A, %swap3A_25], %dot_general3A_5 {strides = array<i32>} : memref<10000x144xf32, #tpu.memory_space<vmem>>, vector<10000x128xf32>,
    %swap3A_27 = arith.constant 0 : index
    %swap3A_28 = arith.constant 128 : index
    %swap3A_29 = vector.load %arg4[%swap3A_27, %swap3A_28] : memref<10000x144xf32, #tpu.memory_space<vmem>>, vector<10000x16xf32>
    tpu.vector_store %arg4[%swap3A_27, %swap3A_28], %select_n3A_24 {strides = array<i32>} : memref<10000x144xf32, #tpu.memory_space<vmem>>, vector<10000x16xf32>,
    %swap3A_30 = arith.constant 0 : index
    %swap3A_31 = vector.load %arg5[%swap3A_30] : memref<10000xf32, #tpu.memory_space<vmem>>, vector<10000xf32>
    tpu.vector_store %arg5[%swap3A_30], %dot_general3A_13 {strides = array<i32>} : memref<10000xf32, #tpu.memory_space<vmem>>, vector<10000xf32>,
    %reduce_max3A = vector.shape_cast %dot_general3A_11 : vector<10000xf32> to vector<1x10000xf32>
    %reduce_max3A_32 = arith.constant dense<0xFF800000> : vector<1xf32>
    %reduce_max3A_33 = vector.multi_reduction <maximumf>, %reduce_max3A, %reduce_max3A_32 [1] : vector<1x10000xf32> to vector<1xf32>
    %reduce_max3A_34 = vector.shape_cast %reduce_max3A_33 : vector<1xf32> to vector<1x1xf32>
    %reduce_max3A_35 = vector.extract %reduce_max3A_34[0, 0] : f32 from vector<1x1xf32>
    %broadcast_in_dim3A_36 = vector.broadcast %reduce_max3A_35 : f32 to vector<128xf32>
    %swap3A_37 = arith.constant 0 : index
    %swap3A_38 = vector.load %arg6[%swap3A_37] : memref<128xf32, #tpu.memory_space<vmem>>, vector<128xf32>
    tpu.vector_store %arg6[%swap3A_37], %broadcast_in_dim3A_36 {strides = array<i32>} : memref<128xf32, #tpu.memory_space<vmem>>, vector<128xf32>,
    return
  }
}

module attributes {stable_mosaic.version = 14 : i64} {
  func.func @_prep2_body(%arg0: memref<2x10000x144xf32, #tpu.memory_space<vmem>>, %arg1: memref<128xf32, #tpu.memory_space<vmem>>, %arg2: memref<128x128xf32, #tpu.memory_space<vmem>>, %arg3: memref<128xf32, #tpu.memory_space<vmem>>, %arg4: memref<128xf32, #tpu.memory_space<vmem>>, %arg5: memref<10000x144xf32, #tpu.memory_space<vmem>>, %arg6: memref<10000xf32, #tpu.memory_space<vmem>>, %arg7: memref<128xf32, #tpu.memory_space<vmem>>) attributes {dimension_semantics = [], scalar_prefetch = 0 : i64, scratch_operands = 0 : i64, tpu.core_type = #tpu.core_type<tc>} {
    %get3A = arith.constant 0 : index
    %get3A_0 = arith.constant 0 : index
    %get3A_1 = arith.constant 0 : index
    %get3A_2 = vector.load %arg0[%get3A, %get3A_0, %get3A_1] : memref<2x10000x144xf32, #tpu.memory_space<vmem>>, vector<1x10000x144xf32>
    %get3A_3 = vector.shape_cast %get3A_2 : vector<1x10000x144xf32> to vector<10000x144xf32>
    %get3A_4 = arith.constant 1 : index
    %get3A_5 = arith.constant 0 : index
    %get3A_6 = arith.constant 0 : index
    %get3A_7 = vector.load %arg0[%get3A_4, %get3A_5, %get3A_6] : memref<2x10000x144xf32, #tpu.memory_space<vmem>>, vector<1x10000x144xf32>
    %get3A_8 = vector.shape_cast %get3A_7 : vector<1x10000x144xf32> to vector<10000x144xf32>
    %add3A = arith.addf %get3A_3, %get3A_8 : vector<10000x144xf32>
    %slice3A = vector.extract_strided_slice %add3A {offsets = [0, 0], sizes = [10000, 128], strides = [1, 1]} : vector<10000x144xf32> to vector<10000x128xf32>
    %iota3A = tpu.iota {dimensions = array<i32: 1>} : vector<10000x16xi32>
    %eq3A = arith.constant 0 : i32
    %eq3A_9 = vector.broadcast %eq3A : i32 to vector<10000x16xi32>
    %eq3A_10 = arith.cmpi eq, %iota3A, %eq3A_9 : vector<10000x16xi32>
    %slice3A_11 = vector.extract_strided_slice %add3A {offsets = [0, 128], sizes = [10000, 16], strides = [1, 1]} : vector<10000x144xf32> to vector<10000x16xf32>
    %jit3A = arith.constant 0.000000e+00 : f32
    %broadcast_in_dim3A = vector.broadcast %jit3A : f32 to vector<10000x16xf32>
    %select_n3A = arith.select %eq3A_10, %slice3A_11, %broadcast_in_dim3A : vector<10000x16xi1>, vector<10000x16xf32>
    %reduce_sum3A = arith.constant dense<0.000000e+00> : vector<10000xf32>
    %reduce_sum3A_12 = vector.multi_reduction <add>, %select_n3A, %reduce_sum3A [1] : vector<10000x16xf32> to vector<10000xf32>
    %broadcast_in_dim3A_13 = vector.shape_cast %reduce_sum3A_12 : vector<10000xf32> to vector<10000x1xf32>
    %add3A_14 = arith.constant 1.000000e-16 : f32
    %add3A_15 = vector.broadcast %add3A_14 : f32 to vector<10000x1xf32>
    %add3A_16 = arith.addf %broadcast_in_dim3A_13, %add3A_15 : vector<10000x1xf32>
    %div3A = vector.broadcast %add3A_16 : vector<10000x1xf32> to vector<10000x128xf32>
    %div3A_17 = arith.divf %slice3A, %div3A : vector<10000x128xf32>
    %get3A_18 = arith.constant 0 : index
    %get3A_19 = vector.load %arg1[%get3A_18] : memref<128xf32, #tpu.memory_space<vmem>>, vector<128xf32>
    %broadcast_in_dim3A_20 = vector.shape_cast %get3A_19 : vector<128xf32> to vector<1x128xf32>
    %add3A_21 = vector.broadcast %broadcast_in_dim3A_20 : vector<1x128xf32> to vector<10000x128xf32>
    %add3A_22 = arith.addf %div3A_17, %add3A_21 : vector<10000x128xf32>
    %max3A = arith.constant 0.000000e+00 : f32
    %max3A_23 = vector.broadcast %max3A : f32 to vector<10000x128xf32>
    %max3A_24 = arith.maximumf %add3A_22, %max3A_23 : vector<10000x128xf32>
    %get3A_25 = arith.constant 0 : index
    %get3A_26 = arith.constant 0 : index
    %get3A_27 = vector.load %arg2[%get3A_25, %get3A_26] : memref<128x128xf32, #tpu.memory_space<vmem>>, vector<128x128xf32>
    %dot_general3A = arith.constant dense<0.000000e+00> : vector<10000x128xf32>
    %dot_general3A_28 = tpu.matmul %max3A_24, %get3A_27, %dot_general3A {dimension_numbers = #tpu.dot_dimension_numbers<[1], [0], [0], [1], [0, 0, 1, 1], [], []>, transpose_lhs_hint = false} : vector<10000x128xf32>, vector<128x128xf32>, vector<10000x128xf32> -> vector<10000x128xf32>
    %get3A_29 = arith.constant 0 : index
    %get3A_30 = vector.load %arg3[%get3A_29] : memref<128xf32, #tpu.memory_space<vmem>>, vector<128xf32>
    %get3A_31 = arith.constant 0 : index
    %get3A_32 = vector.load %arg4[%get3A_31] : memref<128xf32, #tpu.memory_space<vmem>>, vector<128xf32>
    %dot_general3A_33 = arith.constant dense<0.000000e+00> : vector<10000xf32>
    %dot_general3A_34 = tpu.matmul %dot_general3A_28, %get3A_30, %dot_general3A_33 {dimension_numbers = #tpu.dot_dimension_numbers<[1], [0], [0], [], [0, 0], [], []>, transpose_lhs_hint = false} : vector<10000x128xf32>, vector<128xf32>, vector<10000xf32> -> vector<10000xf32>
    %dot_general3A_35 = arith.constant dense<0.000000e+00> : vector<10000xf32>
    %dot_general3A_36 = tpu.matmul %dot_general3A_28, %get3A_32, %dot_general3A_35 {dimension_numbers = #tpu.dot_dimension_numbers<[1], [0], [0], [], [0, 0], [], []>, transpose_lhs_hint = false} : vector<10000x128xf32>, vector<128xf32>, vector<10000xf32> -> vector<10000xf32>
    %iota3A_37 = tpu.iota {dimensions = array<i32: 1>} : vector<10000x16xi32>
    %eq3A_38 = arith.constant 0 : i32
    %eq3A_39 = vector.broadcast %eq3A_38 : i32 to vector<10000x16xi32>
    %eq3A_40 = arith.cmpi eq, %iota3A_37, %eq3A_39 : vector<10000x16xi32>
    %eq3A_41 = arith.constant 1 : i32
    %eq3A_42 = vector.broadcast %eq3A_41 : i32 to vector<10000x16xi32>
    %eq3A_43 = arith.cmpi eq, %iota3A_37, %eq3A_42 : vector<10000x16xi32>
    %broadcast_in_dim3A_44 = vector.shape_cast %dot_general3A_34 : vector<10000xf32> to vector<10000x1xf32>
    %jit3A_45 = arith.constant 0.000000e+00 : f32
    %broadcast_in_dim3A_46 = vector.shape_cast %broadcast_in_dim3A_44 : vector<10000x1xf32> to vector<10000x1xf32>
    %broadcast_in_dim3A_47 = vector.broadcast %broadcast_in_dim3A_46 : vector<10000x1xf32> to vector<10000x16xf32>
    %broadcast_in_dim3A_48 = vector.broadcast %jit3A_45 : f32 to vector<10000x16xf32>
    %select_n3A_49 = arith.select %eq3A_43, %broadcast_in_dim3A_47, %broadcast_in_dim3A_48 : vector<10000x16xi1>, vector<10000x16xf32>
    %jit3A_50 = arith.constant 1.000000e+00 : f32
    %broadcast_in_dim3A_51 = vector.broadcast %jit3A_50 : f32 to vector<10000x16xf32>
    %select_n3A_52 = arith.select %eq3A_40, %broadcast_in_dim3A_51, %select_n3A_49 : vector<10000x16xi1>, vector<10000x16xf32>
    %swap3A = arith.constant 0 : index
    %swap3A_53 = arith.constant 0 : index
    %swap3A_54 = vector.load %arg5[%swap3A, %swap3A_53] : memref<10000x144xf32, #tpu.memory_space<vmem>>, vector<10000x128xf32>
    tpu.vector_store %arg5[%swap3A, %swap3A_53], %dot_general3A_28 {strides = array<i32>} : memref<10000x144xf32, #tpu.memory_space<vmem>>, vector<10000x128xf32>,
    %swap3A_55 = arith.constant 0 : index
    %swap3A_56 = arith.constant 128 : index
    %swap3A_57 = vector.load %arg5[%swap3A_55, %swap3A_56] : memref<10000x144xf32, #tpu.memory_space<vmem>>, vector<10000x16xf32>
    tpu.vector_store %arg5[%swap3A_55, %swap3A_56], %select_n3A_52 {strides = array<i32>} : memref<10000x144xf32, #tpu.memory_space<vmem>>, vector<10000x16xf32>,
    %swap3A_58 = arith.constant 0 : index
    %swap3A_59 = vector.load %arg6[%swap3A_58] : memref<10000xf32, #tpu.memory_space<vmem>>, vector<10000xf32>
    tpu.vector_store %arg6[%swap3A_58], %dot_general3A_36 {strides = array<i32>} : memref<10000xf32, #tpu.memory_space<vmem>>, vector<10000xf32>,
    %reduce_max3A = vector.shape_cast %dot_general3A_34 : vector<10000xf32> to vector<1x10000xf32>
    %reduce_max3A_60 = arith.constant dense<0xFF800000> : vector<1xf32>
    %reduce_max3A_61 = vector.multi_reduction <maximumf>, %reduce_max3A, %reduce_max3A_60 [1] : vector<1x10000xf32> to vector<1xf32>
    %reduce_max3A_62 = vector.shape_cast %reduce_max3A_61 : vector<1xf32> to vector<1x1xf32>
    %reduce_max3A_63 = vector.extract %reduce_max3A_62[0, 0] : f32 from vector<1x1xf32>
    %broadcast_in_dim3A_64 = vector.broadcast %reduce_max3A_63 : f32 to vector<128xf32>
    %swap3A_65 = arith.constant 0 : index
    %swap3A_66 = vector.load %arg7[%swap3A_65] : memref<128xf32, #tpu.memory_space<vmem>>, vector<128xf32>
    tpu.vector_store %arg7[%swap3A_65], %broadcast_in_dim3A_64 {strides = array<i32>} : memref<128xf32, #tpu.memory_space<vmem>>, vector<128xf32>,
    return
  }
}

module attributes {stable_mosaic.version = 14 : i64} {
  func.func @_final_body(%arg0: memref<2x10000x144xf32, #tpu.memory_space<vmem>>, %arg1: memref<128xf32, #tpu.memory_space<vmem>>, %arg2: memref<10000x128xf32, #tpu.memory_space<vmem>>) attributes {dimension_semantics = [], scalar_prefetch = 0 : i64, scratch_operands = 0 : i64, tpu.core_type = #tpu.core_type<tc>} {
    %get3A = arith.constant 0 : index
    %get3A_0 = arith.constant 0 : index
    %get3A_1 = arith.constant 0 : index
    %get3A_2 = vector.load %arg0[%get3A, %get3A_0, %get3A_1] : memref<2x10000x144xf32, #tpu.memory_space<vmem>>, vector<1x10000x144xf32>
    %get3A_3 = vector.shape_cast %get3A_2 : vector<1x10000x144xf32> to vector<10000x144xf32>
    %get3A_4 = arith.constant 1 : index
    %get3A_5 = arith.constant 0 : index
    %get3A_6 = arith.constant 0 : index
    %get3A_7 = vector.load %arg0[%get3A_4, %get3A_5, %get3A_6] : memref<2x10000x144xf32, #tpu.memory_space<vmem>>, vector<1x10000x144xf32>
    %get3A_8 = vector.shape_cast %get3A_7 : vector<1x10000x144xf32> to vector<10000x144xf32>
    %add3A = arith.addf %get3A_3, %get3A_8 : vector<10000x144xf32>
    %slice3A = vector.extract_strided_slice %add3A {offsets = [0, 0], sizes = [10000, 128], strides = [1, 1]} : vector<10000x144xf32> to vector<10000x128xf32>
    %iota3A = tpu.iota {dimensions = array<i32: 1>} : vector<10000x16xi32>
    %eq3A = arith.constant 0 : i32
    %eq3A_9 = vector.broadcast %eq3A : i32 to vector<10000x16xi32>
    %eq3A_10 = arith.cmpi eq, %iota3A, %eq3A_9 : vector<10000x16xi32>
    %slice3A_11 = vector.extract_strided_slice %add3A {offsets = [0, 128], sizes = [10000, 16], strides = [1, 1]} : vector<10000x144xf32> to vector<10000x16xf32>
    %jit3A = arith.constant 0.000000e+00 : f32
    %broadcast_in_dim3A = vector.broadcast %jit3A : f32 to vector<10000x16xf32>
    %select_n3A = arith.select %eq3A_10, %slice3A_11, %broadcast_in_dim3A : vector<10000x16xi1>, vector<10000x16xf32>
    %reduce_sum3A = arith.constant dense<0.000000e+00> : vector<10000xf32>
    %reduce_sum3A_12 = vector.multi_reduction <add>, %select_n3A, %reduce_sum3A [1] : vector<10000x16xf32> to vector<10000xf32>
    %broadcast_in_dim3A_13 = vector.shape_cast %reduce_sum3A_12 : vector<10000xf32> to vector<10000x1xf32>
    %add3A_14 = arith.constant 1.000000e-16 : f32
    %add3A_15 = vector.broadcast %add3A_14 : f32 to vector<10000x1xf32>
    %add3A_16 = arith.addf %broadcast_in_dim3A_13, %add3A_15 : vector<10000x1xf32>
    %div3A = vector.broadcast %add3A_16 : vector<10000x1xf32> to vector<10000x128xf32>
    %div3A_17 = arith.divf %slice3A, %div3A : vector<10000x128xf32>
    %get3A_18 = arith.constant 0 : index
    %get3A_19 = vector.load %arg1[%get3A_18] : memref<128xf32, #tpu.memory_space<vmem>>, vector<128xf32>
    %broadcast_in_dim3A_20 = vector.shape_cast %get3A_19 : vector<128xf32> to vector<1x128xf32>
    %add3A_21 = vector.broadcast %broadcast_in_dim3A_20 : vector<1x128xf32> to vector<10000x128xf32>
    %add3A_22 = arith.addf %div3A_17, %add3A_21 : vector<10000x128xf32>
    %swap3A = arith.constant 0 : index
    %swap3A_23 = arith.constant 0 : index
    %swap3A_24 = vector.load %arg2[%swap3A, %swap3A_23] : memref<10000x128xf32, #tpu.memory_space<vmem>>, vector<10000x128xf32>
    tpu.vector_store %arg2[%swap3A, %swap3A_23], %add3A_22 {strides = array<i32>} : memref<10000x128xf32, #tpu.memory_space<vmem>>, vector<10000x128xf32>,
    return
  }
}

</mosaic_0001>

<sc_bundles>
// kernel: kernel.10.cloned.1.call-start
scs
__scs_entry_jumppad:
0x0: {  	(pc) =	sbr.rel $0x88, $3  }
0x1: {  	(tag) =	ssettag $0x0;
	lr =	simm.s32 $0x1  }
0x2: {  	[smem:$0x3F97] =	sst lr;
	_ =	strace $0xD0000000  }
0x3: {  	_ = 	snop  }
0x4: {  	_ = 	snop  }
0x5: {  	_ = 	snop  }
0x6: {  	_ = 	snop  }
0x7: {  	_ = 	snop  }
__scs_overlays_trampoline_lowered:
0x8: {  	[smem:$0x3FA6] =	sst s0  }
0x9: {  	[smem:$0x3FA7] =	sst s1  }
0xa: {  	[smem:$0x3FA8] =	sst s2  }
0xb: {  	[smem:$0x3FA9] =	sst s3  }
0xc: {  	[smem:$0x3FAA] =	sst s4  }
0xd: {  	[smem:$0x3FAB] =	sst s5  }
0xe: {  	[smem:$0x3FAC] =	sst s6  }
0xf: {  	[smem:$0x3FAD] =	sst s7  }
0x10: {  	[smem:$0x3FAE] =	sst s8  }
0x11: {  	[smem:$0x3FAF] =	sst s9;
	s0 =	simm.s32 @!p0 $0x0  }
0x12: {  	s1 =	sld [smem:$0x3F95];
	s0 =	simm.s32 @p0 $0x1  }
0x13: {  	[smem:$0x3FB0] =	sst s0;
	s0 =	simm.s32 @!p1 $0x0  }
0x14: {  	s2 =	sld [smem:$0x3F94];
	s0 =	simm.s32 @p1 $0x1  }
0x15: {  	[smem:$0x3FB1] =	sst s0;
	s0 =	simm.s32 @!p2 $0x0  }
0x16: {  	s3 =	sld [smem:$0x3FDB];
	s0 =	simm.s32 @p2 $0x1  }
0x17: {  	s4 =	simm.s32 $0x1BF5;
	[smem:$0x3FB3] =	sst s0  }
0x18: {  	s0 =	sld [smem:$0x3F96];
	_ =	swait.ge [sflag:s4], $0x0  }
0x19: {  	s7 =	sld [smem:$0x3F97]  }
0x1a: {  	s8 =	sadd.s32 $0xFFFFE003, lr  }
0x1b: {  	s9 =	sadd.s32 $0xFFFFFEF7, lr;
	s5 =	simm.s32 $0xFFFFFFFF;
	p2 =	slt.u32 s8, $0xFFFFF086  }
0x1c: {  	p1 =	slt.u32 s9, $0xF7A;
	s5 =	simm.s32 @!p2 $0x0  }
0x1d: {  	s5 =	simm.s32 @p1 $0x1;
	p0 =	seq.s32 s7, s2  }
0x1e: {  	s7 =	smul.u32 @!p0 $0xF7A, s2;
	p2 =	seq.s32 @!p0 s5, $0x0  }
0x1f: {  	s9 =	smul.u32 $0xF7A, s1;
	s8 =	simm.s32 @!p0 $0x1BF5;
	p2 =	por !p2, p0  }
0x20: {  	[sflag:s8] =	ssyncset.s32 @!p0 $0xFFFFF086;
	s6 =	sadd.s32 @!p0 s3, s7;
	s7 =	simm.s32 @!p0 $0x108  }
0x21: {  	s3 =	sadd.s32 s3, s9;
	s6 =	sadd.s32 @!p0 $0x88, s6;
	s7 =	simm.s32 @p2 $0x1082  }
0x22: {  	[simem:s7], [sflag:s8] =	dma.local @!p0 [hbm:s6], $0xF7A  }
0x23: {  	s9 =	sor.u32 $0xD0000000, s2;
	s6 =	simm.s32 $0x108;
	_ =	swait.ge @!p0 [sflag:s8], $0x0  }
0x24: {  	s3 =	sadd.s32 $0x88, s3;
	s6 =	simm.s32 @!p1 $0x1082;
	[sflag:s4] =	ssyncset.s32 $0xFFFFF086  }
0x25: {  	[simem:s6], [sflag:s4] =	dma.local [hbm:s3], $0xF7A  }
0x26: {  	[smem:$0x3F97] =	sst s1;
	(tag) =	ssettag s2;
	_ =	strace s9  }
0x27: {  	s1 =	sld [smem:$0x3FA7]  }
0x28: {  	s2 =	sld [smem:$0x3FA8]  }
0x29: {  	s4 =	sld [smem:$0x3FAA]  }
0x2a: {  	p0 =	seq.s32 s5, $0x0;
	s5 =	sld [smem:$0x3FAB]  }
0x2b: {  	s6 =	sld [smem:$0x3FAC]  }
0x2c: {  	s7 =	sld [smem:$0x3FAD]  }
0x2d: {  	s3 =	simm.s32 $0x108;
	s8 =	sld [smem:$0x3FAE]  }
0x2e: {  	s3 =	simm.s32 @!p0 $0x1082;
	s9 =	sld [smem:$0x3FAF]  }
0x2f: {  	lr =	sadd.s32 s0, s3;
	s0 =	sld [smem:$0x3FA6]  }
0x30: {  	s3 =	sld [smem:$0x3FA9]  }
0x31: {  	[smem:$0x3FB2] =	sst s10  }
0x32: {  	s10 =	sld [smem:$0x3FB0];
	_ =	sdelay $0x3  }
0x33: {  	p0 =	seq.s32 s10, $0x1;
	s10 =	sld [smem:$0x3FB2];
	_ =	sdelay $0x3  }
0x34: {  	[smem:$0x3FB2] =	sst s10  }
0x35: {  	s10 =	sld [smem:$0x3FB1];
	_ =	sdelay $0x3  }
0x36: {  	p1 =	seq.s32 s10, $0x1;
	s10 =	sld [smem:$0x3FB2];
	_ =	sdelay $0x3  }
0x37: {  	[smem:$0x3FB2] =	sst s10  }
0x38: {  	s10 =	sld [smem:$0x3FB3]  }
0x39: {  	_ = 	snop;
	(pc) =	sbr.ind lr, $3  }
0x3a: {  	_ = 	snop  }
0x3b: {  	_ = 	snop  }
0x3c: {  	p2 =	seq.s32 s10, $0x1;
	s10 =	sld [smem:$0x3FB2]  }
0x3d: {  	_ =	shalt  }
0x3e: {  	_ =	shalt  }
0x3f: {  	_ =	shalt  }
0x40: {  	_ =	shalt  }
0x41: {  	_ =	shalt  }
0x42: {  	_ =	shalt  }
0x43: {  	_ =	shalt  }
0x44: {  	_ =	shalt  }
0x45: {  	_ =	shalt  }
0x46: {  	_ =	shalt  }
0x47: {  	_ =	shalt  }
0x48: {  	_ =	shalt  }
0x49: {  	_ =	shalt  }
0x4a: {  	_ =	shalt  }
0x4b: {  	_ =	shalt  }
0x4c: {  	_ =	shalt  }
0x4d: {  	_ =	shalt  }
0x4e: {  	_ =	shalt  }
0x4f: {  	_ =	shalt  }
0x50: {  	_ =	shalt  }
0x51: {  	_ =	shalt  }
0x52: {  	_ =	shalt  }
0x53: {  	_ =	shalt  }
0x54: {  	_ =	shalt  }
0x55: {  	_ =	shalt  }
0x56: {  	_ =	shalt  }
0x57: {  	_ =	shalt  }
0x58: {  	_ =	shalt  }
0x59: {  	_ =	shalt  }
0x5a: {  	_ =	shalt  }
0x5b: {  	_ =	shalt  }
0x5c: {  	_ =	shalt  }
0x5d: {  	_ =	shalt  }
0x5e: {  	_ =	shalt  }
0x5f: {  	_ =	shalt  }
0x60: {  	_ =	shalt  }
0x61: {  	_ =	shalt  }
0x62: {  	_ =	shalt  }
0x63: {  	_ =	shalt  }
0x64: {  	_ =	shalt  }
0x65: {  	_ =	shalt  }
0x66: {  	_ =	shalt  }
0x67: {  	_ =	shalt  }
0x68: {  	_ =	shalt  }
0x69: {  	_ =	shalt  }
0x6a: {  	_ =	shalt  }
0x6b: {  	_ =	shalt  }
0x6c: {  	_ =	shalt  }
0x6d: {  	_ =	shalt  }
0x6e: {  	_ =	shalt  }
0x6f: {  	_ =	shalt  }
0x70: {  	_ =	shalt  }
0x71: {  	_ =	shalt  }
0x72: {  	_ =	shalt  }
0x73: {  	_ =	shalt  }
0x74: {  	_ =	shalt  }
0x75: {  	_ =	shalt  }
0x76: {  	_ =	shalt  }
0x77: {  	_ =	shalt  }
0x78: {  	_ =	shalt  }
0x79: {  	_ =	shalt  }
0x7a: {  	_ =	shalt  }
0x7b: {  	_ =	shalt  }
0x7c: {  	_ =	shalt  }
0x7d: {  	_ =	shalt  }
0x7e: {  	_ =	shalt  }
0x7f: {  	_ =	shalt  }
0x80: {  	_ =	shalt  }
0x81: {  	_ =	shalt  }
0x82: {  	_ =	shalt  }
0x83: {  	_ =	shalt  }
0x84: {  	_ =	shalt  }
0x85: {  	_ =	shalt  }
0x86: {  	_ =	shalt  }
0x87: {  	_ =	shalt  }
.Lfunc_end0:
.L_simem_size_0:
called_computation.1_lowered:
.L_overlay_start_0:
0x88: {  	s2 =	sld [smem:$0x3FD9]  }
0x89: {  	s3 =	sld [smem:$0x3FFE];
	_ =	sdelay $0x1  }
0x8a: {  	s1 =	srdreg.scid  }
0x8b: {  	s0 =	sand.u32 $0x1, s1  }
0x8c: {  	s17 =	sshll.u32 s0, $0xA;
	s2 =	sadd.s32 s3, s2  }
0x8d: {  	s2 =	sadd.s32 s2, s17  }
0x8e: {  	[smem:$0x3FBE] =	sst s2  }
0x8f: {  	_ = 	snop  }
0x90: {  	s2 =	sld [smem:$0x3FD0];
	(tm) =	ssettm $0x1  }
0x91: {  	s18 =	sld [smem:$0x3FFB];
	_ =	sdelay $0x3  }
0x92: {  	_ =	strace s18  }
0x93: {  	s3 =	sld [smem:$0x3FFC];
	_ =	sdelay $0x3  }
0x94: {  	_ =	strace s3  }
0x95: {  	s3 =	sld [smem:$0x3FFD];
	_ =	sdelay $0x3  }
0x96: {  	_ =	strace s3  }
0x97: {  	_ =	strace $0x8FFFFFFF  }
0x98: {  	s19 =	sld [smem:$0x3FDB];
	_ =	sdelay $0x1  }
0x99: {  	s4 =	simm.s32 $_scs_section_size  }
0x9a: {  	s5 =	simm.s32 $_size__tile_overlayer_lowered;
	s6 =	simm.s32 $_tile_overlayer_lowered  }
0x9b: {  	s22 =	simm.s32 $0x1BFF;
	s21 =	sshll.u32 s6, $0x1;
	s3 =	sadd.s32 s4, s19  }
0x9c: {  	s7 =	simm.s32 $0x0;
	s20 =	sshll.u32 s5, $0x1;
	s5 =	sadd.s32 s21, s3  }
0x9d: {  	[timem:s7], [sflag:s22] =	dma.local [hbm:s5], s20  }
0x9e: {  	_ =	swait.ge [sflag:s22], s20  }
0x9f: {  	s4 =	ssub.s32 $0x0, s20;
	[sflag:s22] =	ssyncset.done $0x0  }
0xa0: {  	[sflag:s22] =	ssyncadd.s32 s4;
	_ =	sdelay $0x1  }
0xa1: {  	s23 =	simm.s32 $0x1B8B  }
0xa2: {  	_ =	swait.ge [sflag:s23], $0x1  }
0xa3: {  	[sflag:s23] =	ssyncset.done $0x0  }
0xa4: {  	s25 =	simm.s32 $0x1B8E;
	s24 =	sld [smem:$0x3FFE];
	[sflag:s23] =	ssyncadd.s32 $0xFFFFFFFF  }
0xa5: {  	s26 =	simm.s32 $execute0_lowered;
	[smem:$0x3FD2] =	sst s25  }
0xa6: {  	s5 =	sshll.u32 s26, $0x1;
	_ =	strace $0x80000049;
	[dreg:$0x1] =	wrdreg $0xFFFFFFFF  }
0xa7: {  	s28 =	simm.s32 $_size_execute0_lowered;
	s3 =	sadd.s32 s3, s5;
	[dreg:$0x0] =	wrdreg $0x0  }
0xa8: {  	s5 =	sshll.u32 s28, $0x1;
	[dreg:$0x2] =	wrdreg s3  }
0xa9: {  	[dreg:$0x3] =	wrdreg s5  }
0xaa: {  	[dreg:$0x4] =	wrdreg $0xC0  }
0xab: {  	_ =	task [dreg:s7], $0x5FFFF  }
0xac: {  	[dreg:$0x1] =	wrdreg $0xFFFFFFFF  }
0xad: {  	[dreg:$0x0] =	wrdreg $0x60  }
0xae: {  	[dreg:$0x2] =	wrdreg s24  }
0xaf: {  	[dreg:$0x3] =	wrdreg s2  }
0xb0: {  	[dreg:$0x4] =	wrdreg $0x0  }
0xb1: {  	[dreg:$0x5] =	wrdreg $0x9  }
0xb2: {  	_ =	task.clear_ibuf [dreg:s7], $0x6FFFF;
	_ =	strace $0x90000049  }
0xb3: {  	s29 =	simm.s32 $0x9;
	_ =	strace $0x8000004B  }
0xb4: {  	_ =	swait.ge [sflag:s29], $0x1  }
0xb5: {  	[sflag:s29] =	ssyncadd.s32 $0xFFFFFFFF  }
0xb6: {  	_ =	strace $0x9000004B  }
0xb7: {  	_ =	sfence  }
0xb8: {  	s30 =	sld [smem:$0x0];
	_ =	sdelay $0x2  }
0xb9: {  	s31 =	sshll.u32 s1, $0xD;
	s1 =	sshrl.u32 s1, $0x2  }
0xba: {  	s3 =	sand.u32 $0x4000, s31;
	s1 =	sadd.s32 s1, s30  }
0xbb: {  	s0 =	sor.u32 s3, s0;
	s1 =	sshll.u32 s1, $0x11  }
0xbc: {  	s0 =	sor.u32 s1, s0  }
0xbd: {  	s0 =	sadd.s32 $0x8F2B, s0  }
0xbe: {  	[sflag:s0] =	ssyncadd.remote.s32 $0x1  }
0xbf: {  	_ =	sfence.sel $0xFFFF  }
0xc0: {  	[dreg:$0x0] =	wrdreg $0xFFFFFFFF;
	(pc) =	sbr.abs _section_cstart, $3  }
0xc1: {  	[dreg:$0x1] =	wrdreg $0xFFFFFFFF  }
0xc2: {  	_ =	task.clear_ibuf [dreg:s7], $0x2FFFF;
	_ =	strace $0x9FFFFFFF  }
0xc3: {  	(tm) =	ssettm $0x7FFFFFFF  }
tec
execute0_lowered:
.L_overlay_start_1:
0x0: {  	(tag) =	ssettag $0x1  }
0x1: {  	s0 =	rddreg [dreg:$0x0]  }
0x2: {  	s2 =	rddreg [dreg:$0x1]  }
0x3: {  	s1 =	rddreg [dreg:$0x2];
	s3 =	simm.s32 $0x0;
	s4 =	srdreg.scid  }
0x4: {  	s9 =	stileid.u32;
	s29 =	simm.s32 $0x1AE70;
	s30 =	simm.s32 $0x1D370  }
0x5: {  	s31 =	simm.s32 $0x1AF30;
	[smem:$0x7FF] =	sst s3;
	s5 =	sand.u32 $0x1, s4  }
0x6: {  	s6 =	smul.u32 $0x15F90, s9;
	s4 =	sadd.s32 $0x3000, s0;
	s8 =	sadd.s32 $0x2800, s0  }
0x7: {  	s18 =	sadd.s32 $0x2E00, s0;
	s19 =	sshll.u32 s9, $0x1;
	s9 =	smul.u32 $0x57E40, s9  }
0x8: {  	s28 =	simm.s32 $0x1;
	_ =	strace $0x8000004A;
	s7 =	smul.u32 $0x15F900, s5  }
0x9: {  	[dreg:$0x4] =	wrdreg s8;
	s8 =	sor.u32 s5, s19;
	s5 =	ssub.s32 $0x2, s5  }
0xa: {  	[dreg:$0x5] =	wrdreg s18;
	s8 =	smul.u32 $0x4F0, s8;
	s20 =	sshrl.u32 s5, $0x1  }
0xb: {  	s9 =	sshrl.u32 s9, $0x2;
	s7 =	sadd.s32 s6, s7;
	s5 =	ssub.s32 s5, s20  }
0xc: {  	s21 =	sadd.s32 s9, s1;
	s20 =	simm.s32 $0x15F90;
	s7 =	sshrl.u32 s7, $0x3  }
0xd: {  	s2 =	sadd.s32 s2, s8;
	s8 =	sadd.s32 s6, s1;
	s22 =	sadd.s32 $0x2400, s21  }
0xe: {  	s23 =	sadd.s32 $0x4800, s21;
	s24 =	sadd.s32 $0x6C00, s21;
	[dreg:$0x6] =	wrdreg s2  }
0xf: {  	s25 =	sadd.s32 $0x9000, s21;
	s26 =	sadd.s32 $0xB400, s21;
	[dreg:$0x7] =	wrdreg s22  }
0x10: {  	s14 =	sadd.s32 $0xD800, s21;
	s15 =	sadd.s32 $0xFC00, s21;
	[dreg:$0x8] =	wrdreg s23  }
0x11: {  	v0 =	vlaneseq.u32;
	s16 =	sadd.s32 $0x12000, s21;
	s17 =	sadd.s32 $0x14400, s21;
	[dreg:$0x9] =	wrdreg s24  }
0x12: {  	v4 =	vmul.u32 $0x90, v0;
	s19 =	smax.u32 s5, $0x1;
	s21 =	simm.s32 $0x3;
	[dreg:$0xa] =	wrdreg s25  }
0x13: {  	s0 =	sadd.s32 s7, s0;
	[dreg:$0xb] =	wrdreg s26;
	s24 =	simm.s32 $0x1AF70  }
0x14: {  	v0 =	vimm.f32 $0.0e+00;
	v1 =	vadd.s32 $0x81, v4;
	s25 =	simm.s32 $0x40;
	s22 =	simm.s32 $0x2;
	s23 =	simm.s32 $0x1AEF0  }
0x15: {  	v2 =	vadd.s32 $0x981, v4;
	v3 =	vadd.s32 $0x1281, v4;
	v4 =	vadd.s32 $0x1B81, v4;
	s26 =	simm.s32 $0x0;
	s18 =	sadd.s32 $0x2F000, s0;
	s0 =	simm.s32 $0x1AEB0  }
.LBB2_1:
0x16: {  	s2 =	rddreg [dreg:$0x4]  }
0x17: {  	[tilespmem:s20], [sflag:$0x3] =	stream.linear.gather [hbm4b:s2+s3], $0x2710, $0x38;
	[tilespmem:$0x1F770] =	vst v63  }
0x18: {  	_ =	swait.ge [sflag:s21], $0x2710  }
0x19: {  	[sflag:s21] =	ssyncset.done $0x0  }
0x1a: {  	s5 =	simm.s32 $0x186A0;
	s11 =	rddreg [dreg:$0x5];
	[sflag:s21] =	ssyncadd.s32 $0xFFFFD8F0  }
0x1b: {  	[tilespmem:s5], [sflag:$0x3] =	stream.linear.gather [hbm4b:s11+s3], $0x10, $0x38;
	[tilespmem:$0x1F770] =	vst v63  }
0x1c: {  	_ =	swait.ge [sflag:s21], $0x10  }
0x1d: {  	[sflag:s21] =	ssyncset.done $0x0  }
0x1e: {  	s13 =	simm.s32 $0x186B0;
	s12 =	rddreg [dreg:$0x6];
	[sflag:s21] =	ssyncadd.s32 $0xFFFFFFF0  }
0x1f: {  	[tilespmem:s13], [sflag:$0x3] =	stream.linear.gather [hbm4b:s12+s3], $0x2780, $0x38;
	[tilespmem:$0x1F770] =	vst v63  }
0x20: {  	_ =	swait.ge [sflag:s21], $0x2780  }
0x21: {  	[sflag:s21] =	ssyncset.done $0x0  }
0x22: {  	s2 =	simm.s32 $0x1B090;
	[sflag:s21] =	ssyncadd.s32 $0xFFFFD880  }
0x23: {  	[tilespmem:s2+$0xFFFFFEE0] =	vst v0  }
0x24: {  	[tilespmem:s2+$0x110] =	vst v0  }
0x25: {  	[tilespmem:s2+$0x100] =	vst v0  }
0x26: {  	[tilespmem:s2+$0xF0] =	vst v0  }
0x27: {  	[tilespmem:s2+$0xE0] =	vst v0  }
0x28: {  	[tilespmem:s2+$0xD0] =	vst v0  }
0x29: {  	[tilespmem:s2+$0xC0] =	vst v0  }
0x2a: {  	[tilespmem:s2+$0xB0] =	vst v0  }
0x2b: {  	[tilespmem:s2+$0xA0] =	vst v0  }
0x2c: {  	[tilespmem:s2+$0x90] =	vst v0  }
0x2d: {  	[tilespmem:s2+$0x80] =	vst v0  }
0x2e: {  	[tilespmem:s2+$0x70] =	vst v0  }
0x2f: {  	[tilespmem:s2+$0x60] =	vst v0  }
0x30: {  	[tilespmem:s2+$0x50] =	vst v0  }
0x31: {  	[tilespmem:s2+$0x40] =	vst v0  }
0x32: {  	[tilespmem:s2+$0x30] =	vst v0  }
0x33: {  	[tilespmem:s2+$0x20] =	vst v0  }
0x34: {  	[tilespmem:s2+$0x10] =	vst v0  }
0x35: {  	[tilespmem:s2+$0x0] =	vst v0  }
0x36: {  	[tilespmem:s2+$0xFFFFFFF0] =	vst v0  }
0x37: {  	[tilespmem:s2+$0xFFFFFFE0] =	vst v0  }
0x38: {  	[tilespmem:s2+$0xFFFFFFD0] =	vst v0  }
0x39: {  	[tilespmem:s2+$0xFFFFFFC0] =	vst v0  }
0x3a: {  	[tilespmem:s2+$0xFFFFFFB0] =	vst v0  }
0x3b: {  	[tilespmem:s2+$0xFFFFFFA0] =	vst v0  }
0x3c: {  	[tilespmem:s2+$0xFFFFFF90] =	vst v0  }
0x3d: {  	[tilespmem:s2+$0xFFFFFF80] =	vst v0  }
0x3e: {  	[tilespmem:s2+$0xFFFFFF70] =	vst v0  }
0x3f: {  	[tilespmem:s2+$0xFFFFFF60] =	vst v0  }
0x40: {  	[tilespmem:s2+$0xFFFFFF50] =	vst v0  }
0x41: {  	[tilespmem:s2+$0xFFFFFF40] =	vst v0  }
0x42: {  	[tilespmem:s2+$0xFFFFFF30] =	vst v0  }
0x43: {  	[tilespmem:s2+$0xFFFFFF20] =	vst v0  }
0x44: {  	[tilespmem:s2+$0xFFFFFF10] =	vst v0  }
0x45: {  	s5 =	simm.s32 $0x0;
	[tilespmem:s2+$0xFFFFFF00] =	vst v0  }
.LBB2_2:
0x46: {  	s5 =	sadd.s32 $0x4, s5;
	[tilespmem:s2+$0xFFFFFEF0] =	vst v0;
	s2 =	sadd.s32 $0x240, s2  }
0x47: {  	[tilespmem:s2+$0xFFFFFEE0] =	vst v0;
	p0 =	slt.u32 s5, $0x3C  }
0x48: {  	[tilespmem:s2+$0x110] =	vst v0  }
0x49: {  	[tilespmem:s2+$0x100] =	vst v0  }
0x4a: {  	[tilespmem:s2+$0xF0] =	vst v0  }
0x4b: {  	[tilespmem:s2+$0xE0] =	vst v0  }
0x4c: {  	[tilespmem:s2+$0xD0] =	vst v0  }
0x4d: {  	[tilespmem:s2+$0xC0] =	vst v0  }
0x4e: {  	[tilespmem:s2+$0xB0] =	vst v0  }
0x4f: {  	[tilespmem:s2+$0xA0] =	vst v0  }
0x50: {  	[tilespmem:s2+$0x90] =	vst v0  }
0x51: {  	[tilespmem:s2+$0x80] =	vst v0  }
0x52: {  	[tilespmem:s2+$0x70] =	vst v0  }
0x53: {  	[tilespmem:s2+$0x60] =	vst v0  }
0x54: {  	[tilespmem:s2+$0x50] =	vst v0  }
0x55: {  	[tilespmem:s2+$0x40] =	vst v0  }
0x56: {  	[tilespmem:s2+$0x30] =	vst v0  }
0x57: {  	[tilespmem:s2+$0x20] =	vst v0  }
0x58: {  	[tilespmem:s2+$0x10] =	vst v0  }
0x59: {  	[tilespmem:s2+$0x0] =	vst v0  }
0x5a: {  	[tilespmem:s2+$0xFFFFFFF0] =	vst v0  }
0x5b: {  	[tilespmem:s2+$0xFFFFFFE0] =	vst v0  }
0x5c: {  	[tilespmem:s2+$0xFFFFFFD0] =	vst v0  }
0x5d: {  	[tilespmem:s2+$0xFFFFFFC0] =	vst v0  }
0x5e: {  	[tilespmem:s2+$0xFFFFFFB0] =	vst v0  }
0x5f: {  	[tilespmem:s2+$0xFFFFFFA0] =	vst v0  }
0x60: {  	[tilespmem:s2+$0xFFFFFF90] =	vst v0  }
0x61: {  	[tilespmem:s2+$0xFFFFFF80] =	vst v0  }
0x62: {  	[tilespmem:s2+$0xFFFFFF70] =	vst v0  }
0x63: {  	[tilespmem:s2+$0xFFFFFF60] =	vst v0  }
0x64: {  	[tilespmem:s2+$0xFFFFFF50] =	vst v0  }
.Ltmp0:
0x65: {  	[tilespmem:s2+$0xFFFFFF40] =	vst v0;
	(pc) =	sbr.rel @p0 .LBB2_2-.Ltmp0, $4  }
0x66: {  	[tilespmem:s2+$0xFFFFFF30] =	vst v0  }
0x67: {  	[tilespmem:s2+$0xFFFFFF20] =	vst v0  }
0x68: {  	[tilespmem:s2+$0xFFFFFF10] =	vst v0  }
0x69: {  	[tilespmem:s2+$0xFFFFFF00] =	vst v0  }
0x6a: {  	[tilespmem:s2+$0xFFFFFEF0] =	vst v0  }
0x6b: {  	[spmem:s8] =	stream.linear.scatter [tilespmem:s24], [sflag:$0x3], $0x2400, $0x38;
	[tilespmem:$0x1F770] =	vst v63  }
0x6c: {  	_ =	swait.ge [sflag:s21], $0x2400  }
0x6d: {  	[sflag:s21] =	ssyncset.done $0x0  }
0x6e: {  	s7 =	rddreg [dreg:$0x7];
	[sflag:s21] =	ssyncadd.s32 $0xFFFFDC00  }
0x6f: {  	[spmem:s7] =	stream.linear.scatter [tilespmem:s24], [sflag:$0x3], $0x2400, $0x38;
	[tilespmem:$0x1F770] =	vst v63  }
0x70: {  	_ =	swait.ge [sflag:s21], $0x2400  }
0x71: {  	[sflag:s21] =	ssyncset.done $0x0  }
0x72: {  	s9 =	rddreg [dreg:$0x8];
	[sflag:s21] =	ssyncadd.s32 $0xFFFFDC00  }
0x73: {  	[spmem:s9] =	stream.linear.scatter [tilespmem:s24], [sflag:$0x3], $0x2400, $0x38;
	[tilespmem:$0x1F770] =	vst v63  }
0x74: {  	_ =	swait.ge [sflag:s21], $0x2400  }
0x75: {  	[sflag:s21] =	ssyncset.done $0x0  }
0x76: {  	s10 =	rddreg [dreg:$0x9];
	[sflag:s21] =	ssyncadd.s32 $0xFFFFDC00  }
0x77: {  	[spmem:s10] =	stream.linear.scatter [tilespmem:s24], [sflag:$0x3], $0x2400, $0x38;
	[tilespmem:$0x1F770] =	vst v63  }
0x78: {  	_ =	swait.ge [sflag:s21], $0x2400  }
0x79: {  	[sflag:s21] =	ssyncset.done $0x0  }
0x7a: {  	s11 =	rddreg [dreg:$0xa];
	[sflag:s21] =	ssyncadd.s32 $0xFFFFDC00  }
0x7b: {  	[spmem:s11] =	stream.linear.scatter [tilespmem:s24], [sflag:$0x3], $0x2400, $0x38;
	[tilespmem:$0x1F770] =	vst v63  }
0x7c: {  	_ =	swait.ge [sflag:s21], $0x2400  }
0x7d: {  	[sflag:s21] =	ssyncset.done $0x0  }
0x7e: {  	s12 =	rddreg [dreg:$0xb];
	[sflag:s21] =	ssyncadd.s32 $0xFFFFDC00  }
0x7f: {  	[spmem:s12] =	stream.linear.scatter [tilespmem:s24], [sflag:$0x3], $0x2400, $0x38;
	[tilespmem:$0x1F770] =	vst v63  }
0x80: {  	_ =	swait.ge [sflag:s21], $0x2400  }
0x81: {  	[sflag:s21] =	ssyncset.done $0x0  }
0x82: {  	[sflag:s21] =	ssyncadd.s32 $0xFFFFDC00  }
0x83: {  	[spmem:s14] =	stream.linear.scatter [tilespmem:s24], [sflag:$0x3], $0x2400, $0x38;
	[tilespmem:$0x1F770] =	vst v63  }
0x84: {  	_ =	swait.ge [sflag:s21], $0x2400  }
0x85: {  	[sflag:s21] =	ssyncset.done $0x0  }
0x86: {  	[sflag:s21] =	ssyncadd.s32 $0xFFFFDC00  }
0x87: {  	[spmem:s15] =	stream.linear.scatter [tilespmem:s24], [sflag:$0x3], $0x2400, $0x38;
	[tilespmem:$0x1F770] =	vst v63  }
0x88: {  	_ =	swait.ge [sflag:s21], $0x2400  }
0x89: {  	[sflag:s21] =	ssyncset.done $0x0  }
0x8a: {  	[sflag:s21] =	ssyncadd.s32 $0xFFFFDC00  }
0x8b: {  	[spmem:s16] =	stream.linear.scatter [tilespmem:s24], [sflag:$0x3], $0x2400, $0x38;
	[tilespmem:$0x1F770] =	vst v63  }
0x8c: {  	_ =	swait.ge [sflag:s21], $0x2400  }
0x8d: {  	[sflag:s21] =	ssyncset.done $0x0  }
0x8e: {  	[sflag:s21] =	ssyncadd.s32 $0xFFFFDC00  }
0x8f: {  	[spmem:s17] =	stream.linear.scatter [tilespmem:s24], [sflag:$0x3], $0x1B90, $0x38;
	[tilespmem:$0x1F770] =	vst v63  }
0x90: {  	_ =	swait.ge [sflag:s21], $0x1B90  }
0x91: {  	[sflag:s21] =	ssyncset.done $0x0  }
0x92: {  	[sflag:s21] =	ssyncadd.s32 $0xFFFFE470  }
0x93: {  	[bflag:$0x0] =	sbarrier.arrive $0xFFFF  }
0x94: {  	v5 =	vld [tilespmem:$0x186B0];
	_ =	sdelay $0x1  }
0x95: {  	v6 =	vld [tilespmem:$0x186C0];
	_ =	sdelay $0x1  }
0x96: {  	v63 =	vld [tilespmem:$0x186E0]  }
0x97: {  	v7 =	vld [tilespmem:$0x186D0];
	v8 =	vand.u32 $0xFFFF, v5  }
0x98: {  	v5 =	vshrl.u32 v5, $0x10;
	[tilespmem:$0x1AE30] =	vst v8  }
0x99: {  	[tilespmem:$0x1AEB0] =	vst v5;
	v5 =	vand.u32 $0xFFFF, v6  }
0x9a: {  	[tilespmem:$0x1AE40] =	vst v5;
	v5 =	vshrl.u32 v6, $0x10  }
0x9b: {  	v6 =	vshrl.u32 v63, $0x10;
	[tilespmem:$0x1AEC0] =	vst v5  }
0x9c: {  	v5 =	vand.u32 $0xFFFF, v7;
	[tilespmem:$0x1AEE0] =	vst v6  }
0x9d: {  	[tilespmem:$0x1AE50] =	vst v5;
	v5 =	vshrl.u32 v7, $0x10  }
0x9e: {  	[tilespmem:$0x1AED0] =	vst v5;
	v5 =	vand.u32 $0xFFFF, v63  }
0x9f: {  	s13 =	simm.s32 $0x1AE30;
	s2 =	simm.s32 $0x0;
	s5 =	simm.s32 $0x0;
	[tilespmem:$0x1AE60] =	vst v5  }
0xa0: {  	v5 =	vld [tilespmem:$0x186A0];
	[tilespmem:s24], [sflag:$0x1] =	stream.indirect.gather [hbm4b:s4+s25], $0x90, s13, s25, $0xb8  }
.LBB2_4:
0xa1: {  	_ =	swait.ge [sflag:s28], $0x2400  }
0xa2: {  	p0 =	seq.s32 s5, $0x0;
	[sflag:s28] =	ssyncset.done $0x0  }
0xa3: {  	s7 =	simm.s32 @!p0 $0x2;
	[sflag:s28] =	ssyncadd.s32 $0xFFFFDC00  }
0xa4: {  	_ =	swait.ge @!p0 [sflag:s7], $0x2400  }
0xa5: {  	[sflag:s7] =	ssyncset.done @!p0 $0x0  }
0xa6: {  	s6 =	sshll.u32 s5, $0x7;
	[sflag:s7] =	ssyncadd.s32 @!p0 $0xFFFFDC00  }
0xa7: {  	v6 =	vld [tilespmem:s6+$0x186F0];
	_ =	sdelay $0x4  }
0xa8: {  	v7 =	vand.u32 $0xFFFF, v6  }
0xa9: {  	v6 =	vshrl.u32 v6, $0x10;
	[tilespmem:$0x1AE70] =	vst v7  }
0xaa: {  	[tilespmem:$0x1AEF0] =	vst v6  }
0xab: {  	v6 =	vld [tilespmem:s6+$0x18700];
	_ =	sdelay $0x4  }
0xac: {  	v7 =	vand.u32 $0xFFFF, v6  }
0xad: {  	v6 =	vshrl.u32 v6, $0x10;
	[tilespmem:$0x1AE80] =	vst v7  }
0xae: {  	[tilespmem:$0x1AF00] =	vst v6  }
0xaf: {  	v6 =	vld [tilespmem:s6+$0x18710];
	_ =	sdelay $0x4  }
0xb0: {  	v7 =	vand.u32 $0xFFFF, v6  }
0xb1: {  	v6 =	vshrl.u32 v6, $0x10;
	[tilespmem:$0x1AE90] =	vst v7  }
0xb2: {  	[tilespmem:$0x1AF10] =	vst v6  }
0xb3: {  	v6 =	vld [tilespmem:s6+$0x18720];
	_ =	sdelay $0x4  }
0xb4: {  	v7 =	vand.u32 $0xFFFF, v6  }
0xb5: {  	v6 =	vshrl.u32 v6, $0x10;
	[tilespmem:$0x1AEA0] =	vst v7  }
0xb6: {  	[tilespmem:$0x1AF20] =	vst v6  }
0xb7: {  	[tilespmem:s30], [sflag:$0x1] =	stream.indirect.gather [hbm4b:s4+s25], $0x90, s29, s25, $0xb8;
	[tilespmem:$0x1F770] =	vst v63  }
0xb8: {  	v6 =	vld [tilespmem:$0x1AEB0];
	_ =	sdelay $0x6  }
0xb9: {  	v7 =	vld.idx.msk [tilespmem:v1+s24+$0x0], $0xffff  }
0xba: {  	v6 =	vld.idx.msk [tilespmem:v6+s20+$0x0], $0xffff;
	_ =	sdelay $0x4  }
0xbb: {  	v7 =	vadd.f32 v6, v7;
	v6 =	vadd.f32 v6, v5;
	_ =	sdelay $0x1  }
0xbc: {  	v8 =	vmul.f32 $2.000000030e-01, v7;
	v9 =	vmul.f32 $2.000000030e-01, v6;
	_ =	sdelay $0x1  }
0xbd: {  	v7 =	vmax.f32 v7, v8;
	v6 =	vmax.f32 v6, v9  }
0xbe: {  	v6 =	vsub.f32 v7, v6;
	_ =	sdelay $0x1  }
0xbf: {  	v6 =	vmul.f32 $1.442695020e+00, v6;
	_ =	sdelay $0x1  }
0xc0: {  	(erf) = vpow2.f32 v6;
	_ =	sdelay $0x3  }
0xc1: {  	v6 =	vld [tilespmem:$0x1AEC0];
	_ =	sdelay $0x4  }
0xc2: {  	v7 =	vpop (erf)  }
0xc3: {  	[tilespmem:$0x1AF30] =	vst v7  }
0xc4: {  	v7 =	vld.idx.msk [tilespmem:v2+s24+$0x0], $0xffff  }
0xc5: {  	v6 =	vld.idx.msk [tilespmem:v6+s20+$0x0], $0xffff;
	_ =	sdelay $0x4  }
0xc6: {  	v7 =	vadd.f32 v6, v7;
	v6 =	vadd.f32 v6, v5;
	_ =	sdelay $0x1  }
0xc7: {  	v8 =	vmul.f32 $2.000000030e-01, v7;
	v9 =	vmul.f32 $2.000000030e-01, v6;
	_ =	sdelay $0x1  }
0xc8: {  	v7 =	vmax.f32 v7, v8;
	v6 =	vmax.f32 v6, v9  }
0xc9: {  	v6 =	vsub.f32 v7, v6;
	_ =	sdelay $0x1  }
0xca: {  	v6 =	vmul.f32 $1.442695020e+00, v6;
	_ =	sdelay $0x1  }
0xcb: {  	(erf) = vpow2.f32 v6;
	_ =	sdelay $0x4  }
0xcc: {  	v6 =	vld [tilespmem:$0x1AED0];
	_ =	sdelay $0x2  }
0xcd: {  	s12 =	sor.u32 $0x10, s6  }
0xce: {  	p4 =	slt.u32 s12, $0x2710;
	v7 =	vpop (erf)  }
0xcf: {  	v7 =	vpsel !p4, $0x0, v7  }
0xd0: {  	[tilespmem:$0x1AF40] =	vst v7  }
0xd1: {  	v7 =	vld.idx.msk [tilespmem:v3+s24+$0x0], $0xffff  }
0xd2: {  	v6 =	vld.idx.msk [tilespmem:v6+s20+$0x0], $0xffff;
	_ =	sdelay $0x4  }
0xd3: {  	v7 =	vadd.f32 v6, v7;
	v6 =	vadd.f32 v6, v5;
	_ =	sdelay $0x1  }
0xd4: {  	v8 =	vmul.f32 $2.000000030e-01, v7;
	v9 =	vmul.f32 $2.000000030e-01, v6;
	_ =	sdelay $0x1  }
0xd5: {  	v7 =	vmax.f32 v7, v8;
	v6 =	vmax.f32 v6, v9  }
0xd6: {  	v6 =	vsub.f32 v7, v6;
	_ =	sdelay $0x1  }
0xd7: {  	v6 =	vmul.f32 $1.442695020e+00, v6;
	_ =	sdelay $0x1  }
0xd8: {  	(erf) = vpow2.f32 v6;
	_ =	sdelay $0x4  }
0xd9: {  	v6 =	vld [tilespmem:$0x1AEE0];
	_ =	sdelay $0x2  }
0xda: {  	s13 =	sor.u32 $0x20, s6  }
0xdb: {  	p5 =	slt.u32 s13, $0x2710;
	v7 =	vpop (erf)  }
0xdc: {  	v7 =	vpsel !p5, $0x0, v7  }
0xdd: {  	[tilespmem:$0x1AF50] =	vst v7  }
0xde: {  	v7 =	vld.idx.msk [tilespmem:v4+s24+$0x0], $0xffff  }
0xdf: {  	v6 =	vld.idx.msk [tilespmem:v6+s20+$0x0], $0xffff;
	_ =	sdelay $0x4  }
0xe0: {  	v7 =	vadd.f32 v6, v7;
	v6 =	vadd.f32 v6, v5;
	_ =	sdelay $0x1  }
0xe1: {  	v8 =	vmul.f32 $2.000000030e-01, v7;
	v9 =	vmul.f32 $2.000000030e-01, v6;
	_ =	sdelay $0x1  }
0xe2: {  	v7 =	vmax.f32 v7, v8;
	v6 =	vmax.f32 v6, v9  }
0xe3: {  	v6 =	vsub.f32 v7, v6;
	_ =	sdelay $0x1  }
0xe4: {  	v6 =	vmul.f32 $1.442695020e+00, v6;
	_ =	sdelay $0x1  }
0xe5: {  	(erf) = vpow2.f32 v6;
	_ =	sdelay $0x3  }
0xe6: {  	s9 =	simm.s32 $0x2;
	v6 =	vmov s2  }
0xe7: {  	v7 =	vmov s9;
	v6 =	vand.u32 $0xFFFFFFFC, v6  }
0xe8: {  	v7 =	vand.u32 $0xFFFFFFFE, v7;
	v6 =	vbroadcast v6, $0x0  }
0xe9: {  	v7 =	vbroadcast v7, $0x0  }
0xea: {  	s10 =	sor.u32 $0x30, s6  }
0xeb: {  	p6 =	slt.u32 s10, $0x2710;
	v8 =	vpop (erf)  }
0xec: {  	v8 =	vpsel !p6, $0x0, v8  }
0xed: {  	[tilespmem:$0x1AF60] =	vst v8  }
0xee: {  	v8 =	vld.idx.msk [tilespmem:v6+s31+$0x0], $0xffff  }
0xef: {  	s11 =	simm.s32 $0x1;
	s9 =	simm.s32 $0x1B090;
	v6 =	vld.idx.msk [tilespmem:v7+s31+$0x0], $0xffff  }
0xf0: {  	v10 =	vmov s11;
	v7 =	vld [tilespmem:s9+$0x80]  }
0xf1: {  	v10 =	vand.u32 $0xFFFFFFFD, v10;
	v9 =	vld [tilespmem:s9+$0xFFFFFEE0]  }
0xf2: {  	v10 =	vbroadcast v10, $0x0;
	v11 =	vld [tilespmem:s9+$0xFFFFFEF0]  }
0xf3: {  	v12 =	vld [tilespmem:s9+$0xFFFFFF00]  }
0xf4: {  	v13 =	vld [tilespmem:s9+$0xFFFFFF10]  }
0xf5: {  	v14 =	vld [tilespmem:s9+$0xFFFFFF20]  }
0xf6: {  	v16 =	vld [tilespmem:s9+$0xFFFFFF40]  }
0xf7: {  	v15 =	vld [tilespmem:s9+$0xFFFFFF30];
	v9 =	vmul.f32 v9, v8  }
0xf8: {  	v10 =	vld.idx.msk [tilespmem:v10+s31+$0x0], $0xffff;
	v11 =	vmul.f32 v11, v8  }
0xf9: {  	v17 =	vld [tilespmem:s9+$0xFFFFFF70];
	v7 =	vmul.f32 v7, v6;
	[tilespmem:s9+$0xFFFFFEE0] =	vst v9  }
0xfa: {  	v18 =	vld [tilespmem:s9+$0xFFFFFF80];
	v12 =	vmul.f32 v12, v8;
	[tilespmem:s9+$0xFFFFFEF0] =	vst v11  }
0xfb: {  	v16 =	vmul.f32 v16, v8;
	v9 =	vld [tilespmem:s9+$0xFFFFFF50];
	[tilespmem:s9+$0x80] =	vst v7  }
0xfc: {  	v11 =	vld [tilespmem:s9+$0xFFFFFF60];
	[tilespmem:s9+$0xFFFFFF00] =	vst v12;
	v12 =	vmul.f32 v14, v8  }
0xfd: {  	v7 =	vmul.f32 v13, v8;
	v13 =	vld [tilespmem:s9+$0xFFFFFF90];
	[tilespmem:s9+$0xFFFFFF40] =	vst v16  }
0xfe: {  	v14 =	vld [tilespmem:s9+$0xFFFFFFA0];
	[tilespmem:s9+$0xFFFFFF20] =	vst v12;
	v12 =	vmul.f32 v17, v10  }
0xff: {  	v16 =	vld [tilespmem:s9+$0xFFFFFFE0];
	[tilespmem:s9+$0xFFFFFF10] =	vst v7;
	v7 =	vmul.f32 v15, v8  }
0x100: {  	v15 =	vld [tilespmem:s9+$0xFFFFFFB0];
	[tilespmem:s9+$0xFFFFFF70] =	vst v12;
	v12 =	vmul.f32 v18, v10  }
0x101: {  	v17 =	vld [tilespmem:s9+$0xFFFFFFC0];
	[tilespmem:s9+$0xFFFFFF30] =	vst v7;
	v9 =	vmul.f32 v9, v8  }
0x102: {  	v7 =	vld [tilespmem:s9+$0xFFFFFFD0];
	v8 =	vmul.f32 v11, v8;
	[tilespmem:s9+$0xFFFFFF80] =	vst v12  }
0x103: {  	v18 =	vld [tilespmem:s9+$0x60];
	[tilespmem:s9+$0xFFFFFF50] =	vst v9;
	v9 =	vmul.f32 v13, v10  }
0x104: {  	v12 =	vld [tilespmem:s9+$0x0];
	[tilespmem:s9+$0xFFFFFF60] =	vst v8;
	v8 =	vmul.f32 v14, v10  }
0x105: {  	s12 =	simm.s32 $0x3;
	v11 =	vld [tilespmem:s9+$0xFFFFFFF0];
	[tilespmem:s9+$0xFFFFFF90] =	vst v9;
	v9 =	vmul.f32 v15, v10  }
0x106: {  	v13 =	vld [tilespmem:s9+$0x10];
	v14 =	vmov s12;
	[tilespmem:s9+$0xFFFFFFA0] =	vst v8;
	v8 =	vmul.f32 v17, v10  }
0x107: {  	v15 =	vld [tilespmem:s9+$0x20];
	v7 =	vmul.f32 v7, v10;
	[tilespmem:s9+$0xFFFFFFB0] =	vst v9  }
0x108: {  	v9 =	vld [tilespmem:s9+$0x30];
	[tilespmem:s9+$0xFFFFFFC0] =	vst v8;
	v8 =	vmul.f32 v16, v10  }
0x109: {  	v16 =	vld [tilespmem:s9+$0x40];
	[tilespmem:s9+$0xFFFFFFD0] =	vst v7;
	v12 =	vmul.f32 v12, v6  }
0x10a: {  	v17 =	vld [tilespmem:s9+$0x50];
	v10 =	vmul.f32 v11, v10;
	[tilespmem:s9+$0xFFFFFFE0] =	vst v8  }
0x10b: {  	v7 =	vld.idx.msk [tilespmem:v14+s31+$0x0], $0xffff;
	v11 =	vmul.f32 v13, v6;
	[tilespmem:s9+$0x0] =	vst v12  }
0x10c: {  	[tilespmem:s9+$0xFFFFFFF0] =	vst v10;
	v8 =	vld [tilespmem:s9+$0x70];
	v10 =	vmul.f32 v15, v6  }
0x10d: {  	s13 =	simm.s32 $0x4;
	v13 =	vld [tilespmem:s9+$0x90];
	[tilespmem:s9+$0x10] =	vst v11;
	v11 =	vmul.f32 v9, v6  }
0x10e: {  	s11 =	simm.s32 $0x5;
	v12 =	vld [tilespmem:s9+$0xA0];
	v9 =	vmov s13;
	[tilespmem:s9+$0x20] =	vst v10;
	v14 =	vmul.f32 v16, v6  }
0x10f: {  	s10 =	simm.s32 $0x7;
	s7 =	sor.u32 $0x40, s6;
	v15 =	vmul.f32 v17, v6;
	v17 =	vmov s11;
	v10 =	vand.u32 $0xFFFFFFFC, v9;
	[tilespmem:s9+$0x30] =	vst v11;
	v11 =	vld [tilespmem:s9+$0xB0]  }
0x110: {  	s12 =	simm.s32 $0x6;
	s11 =	simm.s32 $0x8;
	v16 =	vmul.f32 v18, v6;
	v9 =	vmov s10;
	s10 =	simm.s32 $0x1B090;
	v10 =	vbroadcast v10, $0x0;
	[tilespmem:s9+$0x40] =	vst v14;
	v14 =	vld [tilespmem:s9+$0xC0]  }
.LBB2_5:
0x111: {  	p0 =	slt.u32 s11, $0x3C;
	v17 =	vand.u32 $0xFFFFFFFD, v17;
	v18 =	vmov s12;
	[tilespmem:s9+$0x50] =	vst v15;
	v6 =	vmul.f32 v8, v6;
	v8 =	vld [tilespmem:s9+$0xD0]  }
0x112: {  	v15 =	vbroadcast v17, $0x0;
	v17 =	vand.u32 $0xFFFFFFFE, v18;
	[tilespmem:s9+$0x60] =	vst v16;
	v13 =	vmul.f32 v13, v7;
	v16 =	vld [tilespmem:s9+$0xE0]  }
0x113: {  	v17 =	vbroadcast v17, $0x0;
	[tilespmem:s9+$0x70] =	vst v6;
	v6 =	vmul.f32 v12, v7;
	v12 =	vld [tilespmem:s9+$0xF0]  }
0x114: {  	[tilespmem:s9+$0x90] =	vst v13;
	v11 =	vmul.f32 v11, v7;
	v13 =	vld [tilespmem:s9+$0x100]  }
0x115: {  	[tilespmem:s9+$0xA0] =	vst v6;
	v6 =	vmul.f32 v14, v7;
	v14 =	vld [tilespmem:s9+$0x110]  }
0x116: {  	v9 =	vld.idx.msk [tilespmem:v9+s31+$0x0], $0xffff;
	[tilespmem:s9+$0xB0] =	vst v11;
	v8 =	vmul.f32 v8, v7  }
0x117: {  	v10 =	vld.idx.msk [tilespmem:v10+s31+$0x0], $0xffff;
	[tilespmem:s9+$0xC0] =	vst v6;
	v11 =	vmul.f32 v16, v7  }
0x118: {  	v15 =	vld.idx.msk [tilespmem:v15+s31+$0x0], $0xffff;
	[tilespmem:s9+$0xD0] =	vst v8;
	v8 =	vmul.f32 v12, v7  }
0x119: {  	s9 =	sadd.s32 $0x240, s9;
	v6 =	vld.idx.msk [tilespmem:v17+s31+$0x0], $0xffff;
	[tilespmem:s10+$0xE0] =	vst v11;
	v11 =	vmul.f32 v13, v7  }
0x11a: {  	v12 =	vld [tilespmem:s9+$0x80];
	[tilespmem:s10+$0xF0] =	vst v8;
	v13 =	vmul.f32 v14, v7  }
0x11b: {  	v8 =	vld [tilespmem:s9+$0xFFFFFEE0];
	[tilespmem:s10+$0x100] =	vst v11  }
0x11c: {  	v7 =	vmov v9;
	v11 =	vld [tilespmem:s9+$0xFFFFFEF0];
	[tilespmem:s10+$0x110] =	vst v13;
	s10 =	smov.u32 s9  }
0x11d: {  	v9 =	vld [tilespmem:s9+$0xFFFFFF00]  }
0x11e: {  	v13 =	vld [tilespmem:s9+$0xFFFFFF10]  }
0x11f: {  	v14 =	vld [tilespmem:s9+$0xFFFFFF20];
	v12 =	vmul.f32 v12, v6  }
0x120: {  	v8 =	vmul.f32 v8, v10;
	v16 =	vld [tilespmem:s9+$0xFFFFFF30]  }
0x121: {  	v11 =	vmul.f32 v11, v10;
	v17 =	vld [tilespmem:s9+$0xFFFFFF40];
	[tilespmem:s9+$0x80] =	vst v12  }
0x122: {  	[tilespmem:s9+$0xFFFFFEE0] =	vst v8;
	v8 =	vmul.f32 v9, v10;
	v9 =	vld [tilespmem:s9+$0xFFFFFF50]  }
0x123: {  	[tilespmem:s9+$0xFFFFFEF0] =	vst v11;
	v11 =	vmul.f32 v13, v10;
	v12 =	vld [tilespmem:s9+$0xFFFFFF60]  }
0x124: {  	[tilespmem:s9+$0xFFFFFF00] =	vst v8;
	v8 =	vmul.f32 v14, v10;
	v13 =	vld [tilespmem:s9+$0xFFFFFF70]  }
0x125: {  	[tilespmem:s9+$0xFFFFFF10] =	vst v11;
	v11 =	vmul.f32 v16, v10;
	v14 =	vld [tilespmem:s9+$0xFFFFFF80]  }
0x126: {  	[tilespmem:s9+$0xFFFFFF20] =	vst v8;
	v8 =	vmul.f32 v17, v10;
	v16 =	vld [tilespmem:s9+$0xFFFFFF90]  }
0x127: {  	[tilespmem:s9+$0xFFFFFF30] =	vst v11;
	v9 =	vmul.f32 v9, v10;
	v11 =	vld [tilespmem:s9+$0xFFFFFFA0]  }
0x128: {  	[tilespmem:s9+$0xFFFFFF40] =	vst v8;
	v8 =	vmul.f32 v12, v10;
	v10 =	vld [tilespmem:s9+$0xFFFFFFB0]  }
0x129: {  	[tilespmem:s9+$0xFFFFFF50] =	vst v9;
	v9 =	vmul.f32 v13, v15;
	v12 =	vld [tilespmem:s9+$0xFFFFFFC0]  }
0x12a: {  	[tilespmem:s9+$0xFFFFFF60] =	vst v8;
	v8 =	vmul.f32 v14, v15;
	v13 =	vld [tilespmem:s9+$0xFFFFFFD0]  }
0x12b: {  	[tilespmem:s9+$0xFFFFFF70] =	vst v9;
	v9 =	vmul.f32 v16, v15;
	v14 =	vld [tilespmem:s9+$0xFFFFFFE0]  }
0x12c: {  	[tilespmem:s9+$0xFFFFFF80] =	vst v8;
	v8 =	vmul.f32 v11, v15;
	v11 =	vld [tilespmem:s9+$0xFFFFFFF0]  }
0x12d: {  	[tilespmem:s9+$0xFFFFFF90] =	vst v9;
	v9 =	vmul.f32 v10, v15;
	v10 =	vld [tilespmem:s9+$0x0]  }
0x12e: {  	[tilespmem:s9+$0xFFFFFFA0] =	vst v8;
	v8 =	vmul.f32 v12, v15;
	v12 =	vld [tilespmem:s9+$0x10]  }
0x12f: {  	[tilespmem:s9+$0xFFFFFFB0] =	vst v9;
	v9 =	vmul.f32 v13, v15;
	v13 =	vld [tilespmem:s9+$0x20]  }
0x130: {  	[tilespmem:s9+$0xFFFFFFC0] =	vst v8;
	v8 =	vmul.f32 v14, v15;
	v14 =	vld [tilespmem:s9+$0x30]  }
0x131: {  	[tilespmem:s9+$0xFFFFFFD0] =	vst v9;
	v9 =	vmul.f32 v11, v15;
	v11 =	vld [tilespmem:s9+$0x40]  }
0x132: {  	[tilespmem:s9+$0xFFFFFFE0] =	vst v8;
	v8 =	vmul.f32 v10, v6;
	v10 =	vld [tilespmem:s9+$0x50]  }
0x133: {  	[tilespmem:s9+$0xFFFFFFF0] =	vst v9;
	v9 =	vmul.f32 v12, v6;
	v16 =	vld [tilespmem:s9+$0x60]  }
.Ltmp1:
0x134: {  	[tilespmem:s9+$0x0] =	vst v8;
	v12 =	vmul.f32 v13, v6;
	v8 =	vld [tilespmem:s9+$0x70];
	(pc) =	sbr.rel @p0 .LBB2_5-.Ltmp1, $4  }
0x135: {  	[tilespmem:s9+$0x10] =	vst v9;
	v14 =	vmul.f32 v14, v6;
	v13 =	vld [tilespmem:s9+$0x90]  }
0x136: {  	s12 =	sadd.s32 $0x3, s11;
	v9 =	vmov s11;
	[tilespmem:s9+$0x20] =	vst v12;
	v18 =	vmul.f32 v11, v6;
	v12 =	vld [tilespmem:s9+$0xA0]  }
0x137: {  	s13 =	sadd.s32 $0x1, s11;
	v17 =	vand.u32 $0xFFFFFFFC, v9;
	v9 =	vmov s12;
	[tilespmem:s9+$0x30] =	vst v14;
	v15 =	vmul.f32 v10, v6;
	v11 =	vld [tilespmem:s9+$0xB0]  }
0x138: {  	s12 =	sadd.s32 $0x2, s11;
	s11 =	sadd.s32 $0x4, s11;
	v10 =	vbroadcast v17, $0x0;
	v17 =	vmov s13;
	[tilespmem:s9+$0x40] =	vst v18;
	v16 =	vmul.f32 v16, v6;
	v14 =	vld [tilespmem:s9+$0xC0]  }
0x139: {  	v18 =	vld [tilespmem:s9+$0xD0]  }
0x13a: {  	v19 =	vld [tilespmem:s9+$0xE0]  }
0x13b: {  	v20 =	vmov s12;
	v21 =	vld [tilespmem:s9+$0xF0];
	v13 =	vmul.f32 v13, v7  }
0x13c: {  	v63 =	vld [tilespmem:s9+$0x100];
	[tilespmem:s9+$0x50] =	vst v15;
	v20 =	vand.u32 $0xFFFFFFFE, v20  }
0x13d: {  	v17 =	vand.u32 $0xFFFFFFFD, v17;
	v9 =	vld.idx.msk [tilespmem:v9+s31+$0x0], $0xffff;
	v6 =	vmul.f32 v8, v6;
	[tilespmem:s9+$0x90] =	vst v13;
	v13 =	vbroadcast v20, $0x0  }
0x13e: {  	s11 =	sadd.s32 $0x240, s9;
	v17 =	vbroadcast v17, $0x0;
	v8 =	vld.idx.msk [tilespmem:v10+s31+$0x0], $0xffff;
	[tilespmem:s9+$0x60] =	vst v16;
	v12 =	vmul.f32 v12, v7  }
0x13f: {  	v15 =	vld [tilespmem:s11+$0xFFFFFEE0];
	[tilespmem:s9+$0x70] =	vst v6;
	v10 =	vmul.f32 v11, v7  }
0x140: {  	[tilespmem:s9+$0xA0] =	vst v12;
	v12 =	vld [tilespmem:s9+$0x110];
	v6 =	vmul.f32 v14, v7  }
0x141: {  	v16 =	vld [tilespmem:s11+$0xFFFFFEF0];
	[tilespmem:s9+$0xB0] =	vst v10;
	v10 =	vmul.f32 v18, v7  }
0x142: {  	v14 =	vld [tilespmem:s11+$0x80];
	[tilespmem:s9+$0xC0] =	vst v6;
	v6 =	vmul.f32 v19, v7  }
0x143: {  	[tilespmem:s9+$0xD0] =	vst v10;
	v10 =	vmul.f32 v21, v7;
	v13 =	vld.idx.msk [tilespmem:v13+s31+$0x0], $0xffff  }
0x144: {  	v11 =	vld.idx.msk [tilespmem:v17+s31+$0x0], $0xffff;
	[tilespmem:s10+$0xE0] =	vst v6;
	v6 =	vmul.f32 v63, v7  }
0x145: {  	v17 =	vld [tilespmem:s11+$0xFFFFFF00];
	[tilespmem:s10+$0xF0] =	vst v10;
	v7 =	vmul.f32 v12, v7  }
0x146: {  	v10 =	vld [tilespmem:s11+$0xFFFFFF10];
	[tilespmem:s10+$0x100] =	vst v6  }
0x147: {  	v6 =	vld [tilespmem:s11+$0xFFFFFF20];
	[tilespmem:s10+$0x110] =	vst v7;
	v7 =	vmul.f32 v15, v8  }
0x148: {  	v12 =	vmul.f32 v14, v13;
	v14 =	vld [tilespmem:s11+$0xFFFFFF30]  }
0x149: {  	v15 =	vmul.f32 v16, v8;
	v16 =	vld [tilespmem:s11+$0xFFFFFF40];
	[tilespmem:s11+$0xFFFFFEE0] =	vst v7  }
0x14a: {  	v7 =	vmul.f32 v17, v8;
	[tilespmem:s11+$0x80] =	vst v12;
	v12 =	vld [tilespmem:s11+$0xFFFFFF50]  }
0x14b: {  	[tilespmem:s11+$0xFFFFFEF0] =	vst v15;
	v15 =	vld [tilespmem:s11+$0xFFFFFF60];
	v10 =	vmul.f32 v10, v8  }
0x14c: {  	[tilespmem:s11+$0xFFFFFF00] =	vst v7;
	v6 =	vmul.f32 v6, v8;
	v7 =	vld [tilespmem:s11+$0xFFFFFF70]  }
0x14d: {  	[tilespmem:s11+$0xFFFFFF10] =	vst v10;
	v10 =	vmul.f32 v14, v8;
	v14 =	vld [tilespmem:s11+$0xFFFFFF80]  }
0x14e: {  	[tilespmem:s11+$0xFFFFFF20] =	vst v6;
	v6 =	vmul.f32 v16, v8;
	v16 =	vld [tilespmem:s11+$0xFFFFFF90]  }
0x14f: {  	[tilespmem:s11+$0xFFFFFF30] =	vst v10;
	v10 =	vmul.f32 v12, v8;
	v12 =	vld [tilespmem:s11+$0xFFFFFFA0]  }
0x150: {  	[tilespmem:s11+$0xFFFFFF40] =	vst v6;
	v6 =	vmul.f32 v15, v8;
	v8 =	vld [tilespmem:s11+$0xFFFFFFB0]  }
0x151: {  	v7 =	vmul.f32 v7, v11;
	[tilespmem:s11+$0xFFFFFF50] =	vst v10;
	v10 =	vld [tilespmem:s11+$0xFFFFFFC0]  }
0x152: {  	[tilespmem:s11+$0xFFFFFF60] =	vst v6;
	v6 =	vmul.f32 v14, v11;
	v14 =	vld [tilespmem:s11+$0xFFFFFFD0]  }
0x153: {  	v15 =	vld [tilespmem:s11+$0xFFFFFFE0];
	[tilespmem:s11+$0xFFFFFF70] =	vst v7;
	v7 =	vmul.f32 v16, v11  }
0x154: {  	[tilespmem:s11+$0xFFFFFF80] =	vst v6;
	v6 =	vmul.f32 v12, v11;
	v12 =	vld [tilespmem:s11+$0xFFFFFFF0]  }
0x155: {  	[tilespmem:s11+$0xFFFFFF90] =	vst v7;
	v7 =	vmul.f32 v8, v11;
	v8 =	vld [tilespmem:s11+$0x0]  }
0x156: {  	[tilespmem:s11+$0xFFFFFFA0] =	vst v6;
	v6 =	vmul.f32 v10, v11;
	v10 =	vld [tilespmem:s11+$0x10]  }
0x157: {  	[tilespmem:s11+$0xFFFFFFB0] =	vst v7;
	v7 =	vmul.f32 v14, v11;
	v14 =	vld [tilespmem:s11+$0x20]  }
0x158: {  	[tilespmem:s11+$0xFFFFFFC0] =	vst v6;
	v6 =	vmul.f32 v15, v11;
	v15 =	vld [tilespmem:s11+$0x30]  }
0x159: {  	[tilespmem:s11+$0xFFFFFFD0] =	vst v7;
	v7 =	vmul.f32 v12, v11;
	v11 =	vld [tilespmem:s11+$0x40]  }
0x15a: {  	[tilespmem:s11+$0xFFFFFFE0] =	vst v6;
	v6 =	vmul.f32 v8, v13;
	v8 =	vld [tilespmem:s11+$0x50]  }
0x15b: {  	[tilespmem:s11+$0xFFFFFFF0] =	vst v7;
	v7 =	vmul.f32 v10, v13;
	v10 =	vld [tilespmem:s11+$0x60]  }
0x15c: {  	v12 =	vld [tilespmem:s11+$0x70];
	[tilespmem:s11+$0x0] =	vst v6;
	v6 =	vmul.f32 v14, v13  }
0x15d: {  	v14 =	vld [tilespmem:s11+$0x90];
	[tilespmem:s11+$0x10] =	vst v7;
	v7 =	vmul.f32 v15, v13  }
0x15e: {  	[tilespmem:s11+$0x20] =	vst v6;
	v6 =	vmul.f32 v11, v13;
	v11 =	vld [tilespmem:s11+$0xA0]  }
0x15f: {  	[tilespmem:s11+$0x30] =	vst v7;
	v7 =	vmul.f32 v8, v13;
	v8 =	vld [tilespmem:s11+$0xB0]  }
0x160: {  	[tilespmem:s11+$0x40] =	vst v6;
	v6 =	vmul.f32 v10, v13;
	v10 =	vld [tilespmem:s11+$0xC0]  }
0x161: {  	[tilespmem:s11+$0x50] =	vst v7;
	v7 =	vmul.f32 v12, v13;
	v12 =	vld [tilespmem:s11+$0xD0]  }
0x162: {  	v13 =	vld [tilespmem:s11+$0xE0];
	[tilespmem:s11+$0x60] =	vst v6;
	v6 =	vmul.f32 v14, v9  }
0x163: {  	[tilespmem:s11+$0x70] =	vst v7;
	v7 =	vmul.f32 v11, v9;
	v11 =	vld [tilespmem:s11+$0xF0]  }
0x164: {  	[tilespmem:s11+$0x90] =	vst v6;
	v6 =	vmul.f32 v8, v9;
	v8 =	vld [tilespmem:s11+$0x100]  }
0x165: {  	[tilespmem:s11+$0xA0] =	vst v7;
	v7 =	vmul.f32 v10, v9;
	v10 =	vld [tilespmem:s11+$0x110]  }
0x166: {  	[tilespmem:s11+$0xB0] =	vst v6;
	v6 =	vmul.f32 v12, v9  }
0x167: {  	[tilespmem:s11+$0xC0] =	vst v7;
	v7 =	vmul.f32 v13, v9  }
0x168: {  	[tilespmem:s11+$0xD0] =	vst v6;
	v6 =	vmul.f32 v11, v9  }
0x169: {  	[tilespmem:s11+$0xE0] =	vst v7;
	v7 =	vmul.f32 v8, v9  }
0x16a: {  	[tilespmem:s11+$0xF0] =	vst v6;
	v6 =	vmul.f32 v10, v9  }
0x16b: {  	[tilespmem:s11+$0x100] =	vst v7  }
0x16c: {  	[tilespmem:s11+$0x110] =	vst v6  }
0x16d: {  	[spmem:s1] =	stream.indirect.scatter.add.f32 [tilespmem:s24], [sflag:$0x2], $0x90, s0, s25, $0xb8;
	[tilespmem:$0x1F770] =	vst v63  }
0x16e: {  	_ =	swait.ge [sflag:s28], $0x2400  }
0x16f: {  	[sflag:s28] =	ssyncset.done $0x0  }
0x170: {  	[sflag:s28] =	ssyncadd.s32 $0xFFFFDC00  }
0x171: {  	_ =	swait.ge [sflag:s22], $0x2400  }
0x172: {  	[sflag:s22] =	ssyncset.done $0x0  }
0x173: {  	p0 =	seq.s32 s5, $0x4E;
	[sflag:s22] =	ssyncadd.s32 $0xFFFFDC00  }
0x174: {  	v6 =	vld @!p0 [tilespmem:s6+$0x18730];
	_ =	sdelay $0x4  }
0x175: {  	v7 =	vand.u32 @!p0 $0xFFFF, v6  }
0x176: {  	v6 =	vshrl.u32 @!p0 v6, $0x10;
	[tilespmem:$0x1AE30] =	vst @!p0 v7  }
0x177: {  	[tilespmem:$0x1AEB0] =	vst @!p0 v6  }
0x178: {  	v6 =	vld @!p0 [tilespmem:s6+$0x18740];
	_ =	sdelay $0x4  }
0x179: {  	v7 =	vand.u32 @!p0 $0xFFFF, v6  }
0x17a: {  	v6 =	vshrl.u32 @!p0 v6, $0x10;
	[tilespmem:$0x1AE40] =	vst @!p0 v7  }
0x17b: {  	[tilespmem:$0x1AEC0] =	vst @!p0 v6  }
0x17c: {  	v6 =	vld @!p0 [tilespmem:s6+$0x18750];
	_ =	sdelay $0x4  }
0x17d: {  	v7 =	vand.u32 @!p0 $0xFFFF, v6  }
0x17e: {  	v6 =	vshrl.u32 @!p0 v6, $0x10;
	[tilespmem:$0x1AE50] =	vst @!p0 v7  }
0x17f: {  	[tilespmem:$0x1AED0] =	vst @!p0 v6  }
0x180: {  	v6 =	vld @!p0 [tilespmem:s6+$0x18760];
	_ =	sdelay $0x4  }
0x181: {  	v7 =	vand.u32 @!p0 $0xFFFF, v6  }
0x182: {  	v6 =	vshrl.u32 @!p0 v6, $0x10;
	[tilespmem:$0x1AE60] =	vst @!p0 v7  }
0x183: {  	s9 =	simm.s32 @!p0 $0x40;
	s10 =	simm.s32 @!p0 $0x1AE30;
	s11 =	simm.s32 @!p0 $0x1AF70;
	[tilespmem:$0x1AEE0] =	vst @!p0 v6  }
0x184: {  	[tilespmem:s11], [sflag:$0x1] =	stream.indirect.gather @!p0 [hbm4b:s4+s9], $0x90, s10, s9, $0xb8;
	[tilespmem:$0x1F770] =	vst v63  }
0x185: {  	v6 =	vld [tilespmem:$0x1AEF0];
	_ =	sdelay $0x6  }
0x186: {  	v7 =	vld.idx.msk [tilespmem:v1+s30+$0x0], $0xffff  }
0x187: {  	v6 =	vld.idx.msk [tilespmem:v6+s20+$0x0], $0xffff;
	_ =	sdelay $0x4  }
0x188: {  	v7 =	vadd.f32 v6, v7;
	v6 =	vadd.f32 v6, v5;
	_ =	sdelay $0x1  }
0x189: {  	v8 =	vmul.f32 $2.000000030e-01, v7;
	v9 =	vmul.f32 $2.000000030e-01, v6;
	_ =	sdelay $0x1  }
0x18a: {  	v7 =	vmax.f32 v7, v8;
	v6 =	vmax.f32 v6, v9  }
0x18b: {  	v6 =	vsub.f32 v7, v6;
	_ =	sdelay $0x1  }
0x18c: {  	v6 =	vmul.f32 $1.442695020e+00, v6;
	_ =	sdelay $0x1  }
0x18d: {  	(erf) = vpow2.f32 v6;
	_ =	sdelay $0x4  }
0x18e: {  	v6 =	vld [tilespmem:$0x1AF00];
	_ =	sdelay $0x3  }
0x18f: {  	p3 =	slt.u32 s7, $0x2710;
	v7 =	vpop (erf)  }
0x190: {  	v7 =	vpsel !p3, $0x0, v7  }
0x191: {  	[tilespmem:$0x1AF30] =	vst v7  }
0x192: {  	v7 =	vld.idx.msk [tilespmem:v2+s30+$0x0], $0xffff  }
0x193: {  	v6 =	vld.idx.msk [tilespmem:v6+s20+$0x0], $0xffff;
	_ =	sdelay $0x4  }
0x194: {  	v7 =	vadd.f32 v6, v7;
	v6 =	vadd.f32 v6, v5;
	_ =	sdelay $0x1  }
0x195: {  	v8 =	vmul.f32 $2.000000030e-01, v7;
	v9 =	vmul.f32 $2.000000030e-01, v6;
	_ =	sdelay $0x1  }
0x196: {  	v7 =	vmax.f32 v7, v8;
	v6 =	vmax.f32 v6, v9  }
0x197: {  	v6 =	vsub.f32 v7, v6;
	_ =	sdelay $0x1  }
0x198: {  	v6 =	vmul.f32 $1.442695020e+00, v6;
	_ =	sdelay $0x1  }
0x199: {  	(erf) = vpow2.f32 v6;
	_ =	sdelay $0x4  }
0x19a: {  	v6 =	vld [tilespmem:$0x1AF10];
	_ =	sdelay $0x2  }
0x19b: {  	s10 =	sor.u32 $0x50, s6  }
0x19c: {  	p4 =	slt.u32 s10, $0x2710;
	v7 =	vpop (erf)  }
0x19d: {  	v7 =	vpsel !p4, $0x0, v7  }
0x19e: {  	[tilespmem:$0x1AF40] =	vst v7  }
0x19f: {  	v7 =	vld.idx.msk [tilespmem:v3+s30+$0x0], $0xffff  }
0x1a0: {  	v6 =	vld.idx.msk [tilespmem:v6+s20+$0x0], $0xffff;
	_ =	sdelay $0x4  }
0x1a1: {  	v7 =	vadd.f32 v6, v7;
	v6 =	vadd.f32 v6, v5;
	_ =	sdelay $0x1  }
0x1a2: {  	v8 =	vmul.f32 $2.000000030e-01, v7;
	v9 =	vmul.f32 $2.000000030e-01, v6;
	_ =	sdelay $0x1  }
0x1a3: {  	v7 =	vmax.f32 v7, v8;
	v6 =	vmax.f32 v6, v9  }
0x1a4: {  	v6 =	vsub.f32 v7, v6;
	_ =	sdelay $0x1  }
0x1a5: {  	v6 =	vmul.f32 $1.442695020e+00, v6;
	_ =	sdelay $0x1  }
0x1a6: {  	(erf) = vpow2.f32 v6;
	_ =	sdelay $0x4  }
0x1a7: {  	v6 =	vld [tilespmem:$0x1AF20];
	_ =	sdelay $0x2  }
0x1a8: {  	s11 =	sor.u32 $0x60, s6  }
0x1a9: {  	p5 =	slt.u32 s11, $0x2710;
	v7 =	vpop (erf)  }
0x1aa: {  	v7 =	vpsel !p5, $0x0, v7  }
0x1ab: {  	[tilespmem:$0x1AF50] =	vst v7  }
0x1ac: {  	v7 =	vld.idx.msk [tilespmem:v4+s30+$0x0], $0xffff  }
0x1ad: {  	v6 =	vld.idx.msk [tilespmem:v6+s20+$0x0], $0xffff;
	_ =	sdelay $0x4  }
0x1ae: {  	v7 =	vadd.f32 v6, v7;
	v6 =	vadd.f32 v6, v5;
	_ =	sdelay $0x1  }
0x1af: {  	v8 =	vmul.f32 $2.000000030e-01, v7;
	v9 =	vmul.f32 $2.000000030e-01, v6;
	_ =	sdelay $0x1  }
0x1b0: {  	v7 =	vmax.f32 v7, v8;
	v6 =	vmax.f32 v6, v9  }
0x1b1: {  	v6 =	vsub.f32 v7, v6;
	_ =	sdelay $0x1  }
0x1b2: {  	v6 =	vmul.f32 $1.442695020e+00, v6;
	_ =	sdelay $0x1  }
0x1b3: {  	(erf) = vpow2.f32 v6;
	_ =	sdelay $0x2  }
0x1b4: {  	s12 =	simm.s32 $0x0  }
0x1b5: {  	s13 =	simm.s32 $0x2;
	v6 =	vmov s12  }
0x1b6: {  	v7 =	vmov s13;
	v6 =	vand.u32 $0xFFFFFFFC, v6  }
0x1b7: {  	v7 =	vand.u32 $0xFFFFFFFE, v7;
	v6 =	vbroadcast v6, $0x0  }
0x1b8: {  	v7 =	vbroadcast v7, $0x0  }
0x1b9: {  	s7 =	sor.u32 $0x70, s6  }
0x1ba: {  	p6 =	slt.u32 s7, $0x2710;
	v8 =	vpop (erf)  }
0x1bb: {  	v8 =	vpsel !p6, $0x0, v8  }
0x1bc: {  	s9 =	simm.s32 $0x1;
	[tilespmem:$0x1AF60] =	vst v8  }
0x1bd: {  	v10 =	vmov s9;
	v8 =	vld.idx.msk [tilespmem:v6+s31+$0x0], $0xffff  }
0x1be: {  	s6 =	simm.s32 $0x1D490;
	v10 =	vand.u32 $0xFFFFFFFD, v10;
	v6 =	vld.idx.msk [tilespmem:v7+s31+$0x0], $0xffff  }
0x1bf: {  	v10 =	vbroadcast v10, $0x0;
	v7 =	vld [tilespmem:s6+$0x80]  }
0x1c0: {  	v9 =	vld [tilespmem:s6+$0xFFFFFEE0]  }
0x1c1: {  	v11 =	vld [tilespmem:s6+$0xFFFFFEF0]  }
0x1c2: {  	v12 =	vld [tilespmem:s6+$0xFFFFFF00]  }
0x1c3: {  	v13 =	vld [tilespmem:s6+$0xFFFFFF10]  }
0x1c4: {  	v16 =	vld [tilespmem:s6+$0xFFFFFF40]  }
0x1c5: {  	v10 =	vld.idx.msk [tilespmem:v10+s31+$0x0], $0xffff  }
0x1c6: {  	v18 =	vld [tilespmem:s6+$0xFFFFFF80];
	v9 =	vmul.f32 v9, v8  }
0x1c7: {  	v14 =	vld [tilespmem:s6+$0xFFFFFF20];
	v11 =	vmul.f32 v11, v8  }
0x1c8: {  	v15 =	vld [tilespmem:s6+$0xFFFFFF30];
	v7 =	vmul.f32 v7, v6;
	[tilespmem:s6+$0xFFFFFEE0] =	vst v9  }
0x1c9: {  	v17 =	vld [tilespmem:s6+$0xFFFFFF70];
	v12 =	vmul.f32 v12, v8;
	[tilespmem:s6+$0xFFFFFEF0] =	vst v11  }
0x1ca: {  	v16 =	vmul.f32 v16, v8;
	v9 =	vld [tilespmem:s6+$0xFFFFFF50];
	[tilespmem:s6+$0x80] =	vst v7  }
0x1cb: {  	v18 =	vmul.f32 v18, v10;
	v11 =	vld [tilespmem:s6+$0xFFFFFF60];
	[tilespmem:s6+$0xFFFFFF00] =	vst v12  }
0x1cc: {  	v7 =	vmul.f32 v13, v8;
	v13 =	vld [tilespmem:s6+$0xFFFFFF90];
	[tilespmem:s6+$0xFFFFFF40] =	vst v16  }
0x1cd: {  	v12 =	vmul.f32 v14, v8;
	v14 =	vld [tilespmem:s6+$0xFFFFFFA0];
	[tilespmem:s6+$0xFFFFFF80] =	vst v18  }
0x1ce: {  	v16 =	vld [tilespmem:s6+$0x20];
	[tilespmem:s6+$0xFFFFFF10] =	vst v7;
	v7 =	vmul.f32 v15, v8  }
0x1cf: {  	v15 =	vld [tilespmem:s6+$0xFFFFFFB0];
	[tilespmem:s6+$0xFFFFFF20] =	vst v12;
	v12 =	vmul.f32 v17, v10  }
0x1d0: {  	v17 =	vld [tilespmem:s6+$0xFFFFFFC0];
	[tilespmem:s6+$0xFFFFFF30] =	vst v7;
	v9 =	vmul.f32 v9, v8  }
0x1d1: {  	v7 =	vld [tilespmem:s6+$0xFFFFFFD0];
	[tilespmem:s6+$0xFFFFFF70] =	vst v12;
	v8 =	vmul.f32 v11, v8  }
0x1d2: {  	v12 =	vld [tilespmem:s6+$0xFFFFFFE0];
	[tilespmem:s6+$0xFFFFFF50] =	vst v9;
	v9 =	vmul.f32 v13, v10  }
0x1d3: {  	v11 =	vld [tilespmem:s6+$0xFFFFFFF0];
	[tilespmem:s6+$0xFFFFFF60] =	vst v8;
	v8 =	vmul.f32 v14, v10  }
0x1d4: {  	v13 =	vld [tilespmem:s6+$0x0];
	[tilespmem:s6+$0xFFFFFF90] =	vst v9;
	v9 =	vmul.f32 v15, v10  }
0x1d5: {  	s10 =	simm.s32 $0x3;
	v14 =	vld [tilespmem:s6+$0x10];
	[tilespmem:s6+$0xFFFFFFA0] =	vst v8;
	v8 =	vmul.f32 v17, v10  }
0x1d6: {  	v18 =	vld [tilespmem:s6+$0x60];
	v15 =	vmov s10;
	v7 =	vmul.f32 v7, v10;
	[tilespmem:s6+$0xFFFFFFB0] =	vst v9  }
0x1d7: {  	v9 =	vld [tilespmem:s6+$0x30];
	[tilespmem:s6+$0xFFFFFFC0] =	vst v8;
	v8 =	vmul.f32 v12, v10  }
0x1d8: {  	v12 =	vld [tilespmem:s6+$0x40];
	[tilespmem:s6+$0xFFFFFFD0] =	vst v7;
	v10 =	vmul.f32 v11, v10  }
0x1d9: {  	v17 =	vld [tilespmem:s6+$0x50];
	v13 =	vmul.f32 v13, v6;
	[tilespmem:s6+$0xFFFFFFE0] =	vst v8  }
0x1da: {  	v11 =	vmul.f32 v14, v6;
	[tilespmem:s6+$0xFFFFFFF0] =	vst v10;
	v8 =	vld [tilespmem:s6+$0x70]  }
0x1db: {  	v10 =	vmul.f32 v16, v6;
	v7 =	vld.idx.msk [tilespmem:v15+s31+$0x0], $0xffff;
	[tilespmem:s6+$0x0] =	vst v13  }
0x1dc: {  	s11 =	simm.s32 $0x4;
	[tilespmem:s6+$0x10] =	vst v11;
	v13 =	vld [tilespmem:s6+$0x90];
	v11 =	vmul.f32 v9, v6  }
0x1dd: {  	[tilespmem:s6+$0x20] =	vst v10;
	v9 =	vmov s11;
	v14 =	vmul.f32 v12, v6;
	v12 =	vld [tilespmem:s6+$0xA0]  }
0x1de: {  	s13 =	simm.s32 $0x5;
	s12 =	simm.s32 $0x7;
	v16 =	vmul.f32 v18, v6;
	v15 =	vmul.f32 v17, v6;
	v10 =	vand.u32 $0xFFFFFFFC, v9;
	[tilespmem:s6+$0x30] =	vst v11;
	v11 =	vld [tilespmem:s6+$0xB0]  }
0x1df: {  	s7 =	simm.s32 $0x1D490;
	s9 =	simm.s32 $0x8;
	s10 =	simm.s32 $0x6;
	v17 =	vmov s13;
	v9 =	vmov s12;
	v10 =	vbroadcast v10, $0x0;
	[tilespmem:s6+$0x40] =	vst v14;
	v14 =	vld [tilespmem:s6+$0xC0]  }
.LBB2_7:
0x1e0: {  	p0 =	slt.u32 s9, $0x3C;
	v17 =	vand.u32 $0xFFFFFFFD, v17;
	v18 =	vmov s10;
	[tilespmem:s6+$0x50] =	vst v15;
	v6 =	vmul.f32 v8, v6;
	v8 =	vld [tilespmem:s6+$0xD0]  }
0x1e1: {  	v15 =	vbroadcast v17, $0x0;
	v17 =	vand.u32 $0xFFFFFFFE, v18;
	[tilespmem:s6+$0x60] =	vst v16;
	v13 =	vmul.f32 v13, v7;
	v16 =	vld [tilespmem:s6+$0xE0]  }
0x1e2: {  	v17 =	vbroadcast v17, $0x0;
	[tilespmem:s6+$0x70] =	vst v6;
	v6 =	vmul.f32 v12, v7;
	v12 =	vld [tilespmem:s6+$0xF0]  }
0x1e3: {  	[tilespmem:s6+$0x90] =	vst v13;
	v11 =	vmul.f32 v11, v7;
	v13 =	vld [tilespmem:s6+$0x100]  }
0x1e4: {  	[tilespmem:s6+$0xA0] =	vst v6;
	v6 =	vmul.f32 v14, v7;
	v14 =	vld [tilespmem:s6+$0x110]  }
0x1e5: {  	v9 =	vld.idx.msk [tilespmem:v9+s31+$0x0], $0xffff;
	[tilespmem:s6+$0xB0] =	vst v11;
	v8 =	vmul.f32 v8, v7  }
0x1e6: {  	v10 =	vld.idx.msk [tilespmem:v10+s31+$0x0], $0xffff;
	[tilespmem:s6+$0xC0] =	vst v6;
	v11 =	vmul.f32 v16, v7  }
0x1e7: {  	v15 =	vld.idx.msk [tilespmem:v15+s31+$0x0], $0xffff;
	[tilespmem:s6+$0xD0] =	vst v8;
	v8 =	vmul.f32 v12, v7  }
0x1e8: {  	s6 =	sadd.s32 $0x240, s6;
	v6 =	vld.idx.msk [tilespmem:v17+s31+$0x0], $0xffff;
	[tilespmem:s7+$0xE0] =	vst v11;
	v11 =	vmul.f32 v13, v7  }
0x1e9: {  	v12 =	vld [tilespmem:s6+$0x80];
	[tilespmem:s7+$0xF0] =	vst v8;
	v13 =	vmul.f32 v14, v7  }
0x1ea: {  	v8 =	vld [tilespmem:s6+$0xFFFFFEE0];
	[tilespmem:s7+$0x100] =	vst v11  }
0x1eb: {  	v7 =	vmov v9;
	v11 =	vld [tilespmem:s6+$0xFFFFFEF0];
	[tilespmem:s7+$0x110] =	vst v13;
	s7 =	smov.u32 s6  }
0x1ec: {  	v9 =	vld [tilespmem:s6+$0xFFFFFF00]  }
0x1ed: {  	v13 =	vld [tilespmem:s6+$0xFFFFFF10]  }
0x1ee: {  	v14 =	vld [tilespmem:s6+$0xFFFFFF20];
	v12 =	vmul.f32 v12, v6  }
0x1ef: {  	v8 =	vmul.f32 v8, v10;
	v16 =	vld [tilespmem:s6+$0xFFFFFF30]  }
0x1f0: {  	v11 =	vmul.f32 v11, v10;
	v17 =	vld [tilespmem:s6+$0xFFFFFF40];
	[tilespmem:s6+$0x80] =	vst v12  }
0x1f1: {  	[tilespmem:s6+$0xFFFFFEE0] =	vst v8;
	v8 =	vmul.f32 v9, v10;
	v9 =	vld [tilespmem:s6+$0xFFFFFF50]  }
0x1f2: {  	[tilespmem:s6+$0xFFFFFEF0] =	vst v11;
	v11 =	vmul.f32 v13, v10;
	v12 =	vld [tilespmem:s6+$0xFFFFFF60]  }
0x1f3: {  	[tilespmem:s6+$0xFFFFFF00] =	vst v8;
	v8 =	vmul.f32 v14, v10;
	v13 =	vld [tilespmem:s6+$0xFFFFFF70]  }
0x1f4: {  	[tilespmem:s6+$0xFFFFFF10] =	vst v11;
	v11 =	vmul.f32 v16, v10;
	v14 =	vld [tilespmem:s6+$0xFFFFFF80]  }
0x1f5: {  	[tilespmem:s6+$0xFFFFFF20] =	vst v8;
	v8 =	vmul.f32 v17, v10;
	v16 =	vld [tilespmem:s6+$0xFFFFFF90]  }
0x1f6: {  	[tilespmem:s6+$0xFFFFFF30] =	vst v11;
	v9 =	vmul.f32 v9, v10;
	v11 =	vld [tilespmem:s6+$0xFFFFFFA0]  }
0x1f7: {  	[tilespmem:s6+$0xFFFFFF40] =	vst v8;
	v8 =	vmul.f32 v12, v10;
	v10 =	vld [tilespmem:s6+$0xFFFFFFB0]  }
0x1f8: {  	[tilespmem:s6+$0xFFFFFF50] =	vst v9;
	v9 =	vmul.f32 v13, v15;
	v12 =	vld [tilespmem:s6+$0xFFFFFFC0]  }
0x1f9: {  	[tilespmem:s6+$0xFFFFFF60] =	vst v8;
	v8 =	vmul.f32 v14, v15;
	v13 =	vld [tilespmem:s6+$0xFFFFFFD0]  }
0x1fa: {  	[tilespmem:s6+$0xFFFFFF70] =	vst v9;
	v9 =	vmul.f32 v16, v15;
	v14 =	vld [tilespmem:s6+$0xFFFFFFE0]  }
0x1fb: {  	[tilespmem:s6+$0xFFFFFF80] =	vst v8;
	v8 =	vmul.f32 v11, v15;
	v11 =	vld [tilespmem:s6+$0xFFFFFFF0]  }
0x1fc: {  	[tilespmem:s6+$0xFFFFFF90] =	vst v9;
	v9 =	vmul.f32 v10, v15;
	v10 =	vld [tilespmem:s6+$0x0]  }
0x1fd: {  	[tilespmem:s6+$0xFFFFFFA0] =	vst v8;
	v8 =	vmul.f32 v12, v15;
	v12 =	vld [tilespmem:s6+$0x10]  }
0x1fe: {  	[tilespmem:s6+$0xFFFFFFB0] =	vst v9;
	v9 =	vmul.f32 v13, v15;
	v13 =	vld [tilespmem:s6+$0x20]  }
0x1ff: {  	[tilespmem:s6+$0xFFFFFFC0] =	vst v8;
	v8 =	vmul.f32 v14, v15;
	v14 =	vld [tilespmem:s6+$0x30]  }
0x200: {  	[tilespmem:s6+$0xFFFFFFD0] =	vst v9;
	v9 =	vmul.f32 v11, v15;
	v11 =	vld [tilespmem:s6+$0x40]  }
0x201: {  	[tilespmem:s6+$0xFFFFFFE0] =	vst v8;
	v8 =	vmul.f32 v10, v6;
	v10 =	vld [tilespmem:s6+$0x50]  }
0x202: {  	[tilespmem:s6+$0xFFFFFFF0] =	vst v9;
	v9 =	vmul.f32 v12, v6;
	v16 =	vld [tilespmem:s6+$0x60]  }
.Ltmp2:
0x203: {  	[tilespmem:s6+$0x0] =	vst v8;
	v12 =	vmul.f32 v13, v6;
	v8 =	vld [tilespmem:s6+$0x70];
	(pc) =	sbr.rel @p0 .LBB2_7-.Ltmp2, $4  }
0x204: {  	[tilespmem:s6+$0x10] =	vst v9;
	v14 =	vmul.f32 v14, v6;
	v13 =	vld [tilespmem:s6+$0x90]  }
0x205: {  	s10 =	sadd.s32 $0x3, s9;
	v9 =	vmov s9;
	[tilespmem:s6+$0x20] =	vst v12;
	v18 =	vmul.f32 v11, v6;
	v12 =	vld [tilespmem:s6+$0xA0]  }
0x206: {  	s11 =	sadd.s32 $0x1, s9;
	v17 =	vand.u32 $0xFFFFFFFC, v9;
	v9 =	vmov s10;
	[tilespmem:s6+$0x30] =	vst v14;
	v15 =	vmul.f32 v10, v6;
	v11 =	vld [tilespmem:s6+$0xB0]  }
0x207: {  	s10 =	sadd.s32 $0x2, s9;
	s9 =	sadd.s32 $0x4, s9;
	v10 =	vbroadcast v17, $0x0;
	v17 =	vmov s11;
	[tilespmem:s6+$0x40] =	vst v18;
	v16 =	vmul.f32 v16, v6;
	v14 =	vld [tilespmem:s6+$0xC0]  }
0x208: {  	v18 =	vld [tilespmem:s6+$0xD0]  }
0x209: {  	v19 =	vld [tilespmem:s6+$0xE0]  }
0x20a: {  	v21 =	vld [tilespmem:s6+$0xF0]  }
0x20b: {  	v61 =	vld [tilespmem:s6+$0x100]  }
0x20c: {  	v62 =	vld [tilespmem:s6+$0x110];
	[tilespmem:s6+$0x50] =	vst v15;
	v6 =	vmul.f32 v8, v6  }
0x20d: {  	v9 =	vld.idx.msk [tilespmem:v9+s31+$0x0], $0xffff;
	v13 =	vmul.f32 v13, v7;
	[tilespmem:s6+$0x60] =	vst v16  }
0x20e: {  	s9 =	sadd.s32 $0x240, s6;
	v63 =	vld.idx.msk [tilespmem:v10+s31+$0x0], $0xffff;
	v12 =	vmul.f32 v12, v7;
	[tilespmem:s6+$0x70] =	vst v6  }
0x20f: {  	v25 =	vld [tilespmem:s9+$0x80];
	[tilespmem:s6+$0x90] =	vst v13;
	v22 =	vmul.f32 v11, v7  }
0x210: {  	v26 =	vld [tilespmem:s9+$0xFFFFFEE0];
	[tilespmem:s6+$0xA0] =	vst v12;
	v6 =	vmul.f32 v14, v7  }
0x211: {  	v20 =	vmov s10;
	v28 =	vld [tilespmem:s9+$0xFFFFFEF0];
	[tilespmem:s6+$0xB0] =	vst v22;
	v24 =	vmul.f32 v18, v7  }
0x212: {  	v20 =	vand.u32 $0xFFFFFFFE, v20;
	v29 =	vld [tilespmem:s9+$0xFFFFFF00];
	[tilespmem:s6+$0xC0] =	vst v6;
	v6 =	vmul.f32 v19, v7  }
0x213: {  	v17 =	vand.u32 $0xFFFFFFFD, v17;
	v30 =	vld [tilespmem:s9+$0xFFFFFF10];
	v60 =	vbroadcast v20, $0x0;
	v27 =	vmul.f32 v21, v7;
	[tilespmem:s6+$0xD0] =	vst v24  }
0x214: {  	v17 =	vbroadcast v17, $0x0;
	v32 =	vld [tilespmem:s9+$0xFFFFFF30];
	[tilespmem:s7+$0xE0] =	vst v6;
	v6 =	vmul.f32 v61, v7  }
0x215: {  	v34 =	vld [tilespmem:s9+$0xFFFFFF40];
	[tilespmem:s7+$0xF0] =	vst v27;
	v7 =	vmul.f32 v62, v7  }
0x216: {  	v33 =	vmul.f32 v28, v63;
	[tilespmem:s7+$0x100] =	vst v6;
	v6 =	vld [tilespmem:s9+$0xFFFFFF20]  }
0x217: {  	v35 =	vld [tilespmem:s9+$0xFFFFFF50];
	[tilespmem:s7+$0x110] =	vst v7;
	v7 =	vmul.f32 v26, v63  }
0x218: {  	v36 =	vld [tilespmem:s9+$0xFFFFFF60];
	v10 =	vmul.f32 v30, v63;
	[tilespmem:s9+$0xFFFFFEF0] =	vst v33  }
0x219: {  	v13 =	vld.idx.msk [tilespmem:v60+s31+$0x0], $0xffff;
	[tilespmem:s9+$0xFFFFFEE0] =	vst v7;
	v7 =	vmul.f32 v29, v63  }
0x21a: {  	v37 =	vmul.f32 v32, v63;
	v23 =	vld.idx.msk [tilespmem:v17+s31+$0x0], $0xffff;
	[tilespmem:s9+$0xFFFFFF10] =	vst v10  }
0x21b: {  	[tilespmem:s9+$0xFFFFFF00] =	vst v7;
	v7 =	vld [tilespmem:s9+$0xFFFFFF70];
	v6 =	vmul.f32 v6, v63  }
0x21c: {  	v38 =	vld [tilespmem:s9+$0xFFFFFF80];
	v40 =	vmul.f32 v35, v63;
	[tilespmem:s9+$0xFFFFFF30] =	vst v37  }
0x21d: {  	v39 =	vld [tilespmem:s9+$0xFFFFFF90];
	[tilespmem:s9+$0xFFFFFF20] =	vst v6;
	v6 =	vmul.f32 v34, v63  }
0x21e: {  	v41 =	vld [tilespmem:s9+$0xFFFFFFA0];
	[tilespmem:s9+$0xFFFFFF50] =	vst v40;
	v31 =	vmul.f32 v25, v13  }
0x21f: {  	v42 =	vld [tilespmem:s9+$0xFFFFFFB0];
	[tilespmem:s9+$0xFFFFFF40] =	vst v6;
	v6 =	vmul.f32 v36, v63  }
0x220: {  	v43 =	vld [tilespmem:s9+$0xFFFFFFC0];
	[tilespmem:s9+$0x80] =	vst v31;
	v7 =	vmul.f32 v7, v23  }
0x221: {  	v44 =	vld [tilespmem:s9+$0xFFFFFFD0];
	[tilespmem:s9+$0xFFFFFF60] =	vst v6;
	v6 =	vmul.f32 v38, v23  }
0x222: {  	v45 =	vld [tilespmem:s9+$0xFFFFFFE0];
	[tilespmem:s9+$0xFFFFFF70] =	vst v7;
	v7 =	vmul.f32 v39, v23  }
0x223: {  	v46 =	vld [tilespmem:s9+$0xFFFFFFF0];
	[tilespmem:s9+$0xFFFFFF80] =	vst v6;
	v6 =	vmul.f32 v41, v23  }
0x224: {  	v47 =	vld [tilespmem:s9+$0x0];
	[tilespmem:s9+$0xFFFFFF90] =	vst v7;
	v7 =	vmul.f32 v42, v23  }
0x225: {  	v48 =	vld [tilespmem:s9+$0x10];
	[tilespmem:s9+$0xFFFFFFA0] =	vst v6;
	v6 =	vmul.f32 v43, v23  }
0x226: {  	v49 =	vld [tilespmem:s9+$0x20];
	[tilespmem:s9+$0xFFFFFFB0] =	vst v7;
	v7 =	vmul.f32 v44, v23  }
0x227: {  	v50 =	vld [tilespmem:s9+$0x30];
	[tilespmem:s9+$0xFFFFFFC0] =	vst v6;
	v6 =	vmul.f32 v45, v23  }
0x228: {  	v51 =	vld [tilespmem:s9+$0x40];
	[tilespmem:s9+$0xFFFFFFD0] =	vst v7;
	v7 =	vmul.f32 v46, v23  }
0x229: {  	v52 =	vld [tilespmem:s9+$0x50];
	[tilespmem:s9+$0xFFFFFFE0] =	vst v6;
	v6 =	vmul.f32 v47, v13  }
0x22a: {  	v53 =	vld [tilespmem:s9+$0x60];
	[tilespmem:s9+$0xFFFFFFF0] =	vst v7;
	v7 =	vmul.f32 v48, v13  }
0x22b: {  	v54 =	vld [tilespmem:s9+$0x70];
	[tilespmem:s9+$0x0] =	vst v6;
	v6 =	vmul.f32 v49, v13  }
0x22c: {  	v55 =	vld [tilespmem:s9+$0x90];
	[tilespmem:s9+$0x10] =	vst v7;
	v7 =	vmul.f32 v50, v13  }
0x22d: {  	v56 =	vld [tilespmem:s9+$0xA0];
	[tilespmem:s9+$0x20] =	vst v6;
	v6 =	vmul.f32 v51, v13  }
0x22e: {  	v57 =	vld [tilespmem:s9+$0xB0];
	[tilespmem:s9+$0x30] =	vst v7;
	v7 =	vmul.f32 v52, v13  }
0x22f: {  	v58 =	vld [tilespmem:s9+$0xC0];
	[tilespmem:s9+$0x40] =	vst v6;
	v6 =	vmul.f32 v53, v13  }
0x230: {  	v59 =	vld [tilespmem:s9+$0xD0];
	[tilespmem:s9+$0x50] =	vst v7;
	v7 =	vmul.f32 v54, v13  }
0x231: {  	v60 =	vld [tilespmem:s9+$0xE0];
	[tilespmem:s9+$0x60] =	vst v6;
	v6 =	vmul.f32 v55, v9  }
0x232: {  	v61 =	vld [tilespmem:s9+$0xF0];
	[tilespmem:s9+$0x70] =	vst v7;
	v7 =	vmul.f32 v56, v9  }
0x233: {  	v62 =	vld [tilespmem:s9+$0x100];
	[tilespmem:s9+$0x90] =	vst v6;
	v6 =	vmul.f32 v57, v9  }
0x234: {  	v63 =	vld [tilespmem:s9+$0x110];
	[tilespmem:s9+$0xA0] =	vst v7;
	v7 =	vmul.f32 v58, v9  }
0x235: {  	[tilespmem:s9+$0xB0] =	vst v6;
	v6 =	vmul.f32 v59, v9  }
0x236: {  	s5 =	sadd.s32 $0x1, s5;
	[tilespmem:s9+$0xC0] =	vst v7;
	v7 =	vmul.f32 v60, v9  }
0x237: {  	p0 =	sne.s32 s5, $0x4F;
	[tilespmem:s9+$0xD0] =	vst v6;
	v6 =	vmul.f32 v61, v9  }
.Ltmp3:
0x238: {  	[tilespmem:s9+$0xE0] =	vst v7;
	v7 =	vmul.f32 v62, v9;
	(pc) =	sbr.rel @p0 .LBB2_4-.Ltmp3, $4  }
0x239: {  	[tilespmem:s9+$0xF0] =	vst v6;
	v6 =	vmul.f32 v63, v9  }
0x23a: {  	[tilespmem:s9+$0x100] =	vst v7  }
0x23b: {  	[tilespmem:s9+$0x110] =	vst v6  }
0x23c: {  	[spmem:s1] =	stream.indirect.scatter.add.f32 [tilespmem:s30], [sflag:$0x2], $0x90, s23, s25, $0xb8;
	[tilespmem:$0x1F770] =	vst v63  }
0x23d: {  	_ =	swait.ge [sflag:s22], $0x2400;
	s2 =	stileid.u32  }
0x23e: {  	s5 =	sshrl.u32 s8, $0x3;
	s26 =	sadd.s32 $0x1, s26;
	[sflag:s22] =	ssyncset.done $0x0  }
0x23f: {  	s2 =	sshll.u32 s2, $0x6;
	p0 =	sne.s32 s26, s19;
	[sflag:s22] =	ssyncadd.s32 $0xFFFFDC00  }
.Ltmp4:
0x240: {  	s2 =	sor.u32 $0x1C03, s2;
	[bflag:$0x0] =	sbarrier.arrive $0xFFFF;
	(pc) =	sbr.rel @p0 .LBB2_1-.Ltmp4, $4  }
0x241: {  	[hbm:s18], [sflag:s2] =	dma.local [spmem:s5], $0x2BF2  }
0x242: {  	_ =	swait.ge [sflag:s21], $0x2BF2  }
0x243: {  	[sflag:s21] =	ssyncset.done $0x0  }
0x244: {  	[sflag:s21] =	ssyncadd.s32 $0xFFFFD40E  }
0x245: {  	_ =	sfence.sel $0x180000  }
0x246: {  	[bflag:$0x0] =	sbarrier.arrive $0xFFFF  }
0x247: {  	_ =	strace $0x9000004A  }
0x248: {  	s0 =	stileid.u32;
	[bflag:$0x2] =	sbarrier.arrive $0xFFFF  }
0x249: {  	p0 =	sne.s32 s0, $0x0;
	s0 =	rddreg [dreg:$0x3]  }
0x24a: {  	s0 =	sadd.s32 @!p0 $0x100000, s0  }
0x24b: {  	[sflag:s0] =	ssyncadd.tile.s32 @!p0 $0x1;
	_ =	shalt  }
.Lfunc_end2:
_tile_overlayer_lowered:
.L_overlay_start_2:
0x24c: {  	(tag) =	ssettag $0x2  }
0x24d: {  	s0 =	rddreg [dreg:$0x0];
	s2 =	stileid.u32  }
0x24e: {  	s1 =	rddreg [dreg:$0x1];
	p0 =	sne.s32 s2, $0x0  }
0x24f: {  	s3 =	rddreg [dreg:$0x2];
	[bflag:$0x3] =	sbarrier.arrive $0xFFFF;
	s2 =	simm.s32 @!p0 $0x1C03  }
0x250: {  	[timem:s3], [sflag:s2] =	dma.local @!p0 [hbm:s0], s1  }
0x251: {  	s0 =	simm.s32 @!p0 $0x3  }
0x252: {  	_ =	swait.ge @!p0 [sflag:s0], s1  }
0x253: {  	s1 =	ssub.s32 @!p0 $0x0, s1;
	[sflag:s0] =	ssyncset.done @!p0 $0x0  }
0x254: {  	[sflag:s0] =	ssyncadd.s32 @!p0 s1  }
0x255: {  	[bflag:$0x3] =	sbarrier.arrive $0xFFFF  }
0x256: {  	_ =	shalt  }

// kernel: kernel.7.cloned.1.call-start
scs
__scs_entry_jumppad:
0x0: {  	(pc) =	sbr.rel $0x88, $3  }
0x1: {  	(tag) =	ssettag $0x0;
	lr =	simm.s32 $0x1  }
0x2: {  	[smem:$0x3F97] =	sst lr;
	_ =	strace $0xD0000000  }
0x3: {  	_ = 	snop  }
0x4: {  	_ = 	snop  }
0x5: {  	_ = 	snop  }
0x6: {  	_ = 	snop  }
0x7: {  	_ = 	snop  }
__scs_overlays_trampoline_lowered:
0x8: {  	[smem:$0x3FA6] =	sst s0  }
0x9: {  	[smem:$0x3FA7] =	sst s1  }
0xa: {  	[smem:$0x3FA8] =	sst s2  }
0xb: {  	[smem:$0x3FA9] =	sst s3  }
0xc: {  	[smem:$0x3FAA] =	sst s4  }
0xd: {  	[smem:$0x3FAB] =	sst s5  }
0xe: {  	[smem:$0x3FAC] =	sst s6  }
0xf: {  	[smem:$0x3FAD] =	sst s7  }
0x10: {  	[smem:$0x3FAE] =	sst s8  }
0x11: {  	[smem:$0x3FAF] =	sst s9;
	s0 =	simm.s32 @!p0 $0x0  }
0x12: {  	s1 =	sld [smem:$0x3F95];
	s0 =	simm.s32 @p0 $0x1  }
0x13: {  	[smem:$0x3FB0] =	sst s0;
	s0 =	simm.s32 @!p1 $0x0  }
0x14: {  	s2 =	sld [smem:$0x3F94];
	s0 =	simm.s32 @p1 $0x1  }
0x15: {  	[smem:$0x3FB1] =	sst s0;
	s0 =	simm.s32 @!p2 $0x0  }
0x16: {  	s3 =	sld [smem:$0x3FDB];
	s0 =	simm.s32 @p2 $0x1  }
0x17: {  	s4 =	simm.s32 $0x1BF5;
	[smem:$0x3FB3] =	sst s0  }
0x18: {  	s0 =	sld [smem:$0x3F96];
	_ =	swait.ge [sflag:s4], $0x0  }
0x19: {  	s7 =	sld [smem:$0x3F97]  }
0x1a: {  	s8 =	sadd.s32 $0xFFFFE003, lr  }
0x1b: {  	s9 =	sadd.s32 $0xFFFFFEF7, lr;
	s5 =	simm.s32 $0xFFFFFFFF;
	p2 =	slt.u32 s8, $0xFFFFF086  }
0x1c: {  	p1 =	slt.u32 s9, $0xF7A;
	s5 =	simm.s32 @!p2 $0x0  }
0x1d: {  	s5 =	simm.s32 @p1 $0x1;
	p0 =	seq.s32 s7, s2  }
0x1e: {  	s7 =	smul.u32 @!p0 $0xF7A, s2;
	p2 =	seq.s32 @!p0 s5, $0x0  }
0x1f: {  	s9 =	smul.u32 $0xF7A, s1;
	s8 =	simm.s32 @!p0 $0x1BF5;
	p2 =	por !p2, p0  }
0x20: {  	[sflag:s8] =	ssyncset.s32 @!p0 $0xFFFFF086;
	s6 =	sadd.s32 @!p0 s3, s7;
	s7 =	simm.s32 @!p0 $0x108  }
0x21: {  	s3 =	sadd.s32 s3, s9;
	s6 =	sadd.s32 @!p0 $0x88, s6;
	s7 =	simm.s32 @p2 $0x1082  }
0x22: {  	[simem:s7], [sflag:s8] =	dma.local @!p0 [hbm:s6], $0xF7A  }
0x23: {  	s9 =	sor.u32 $0xD0000000, s2;
	s6 =	simm.s32 $0x108;
	_ =	swait.ge @!p0 [sflag:s8], $0x0  }
0x24: {  	s3 =	sadd.s32 $0x88, s3;
	s6 =	simm.s32 @!p1 $0x1082;
	[sflag:s4] =	ssyncset.s32 $0xFFFFF086  }
0x25: {  	[simem:s6], [sflag:s4] =	dma.local [hbm:s3], $0xF7A  }
0x26: {  	[smem:$0x3F97] =	sst s1;
	(tag) =	ssettag s2;
	_ =	strace s9  }
0x27: {  	s1 =	sld [smem:$0x3FA7]  }
0x28: {  	s2 =	sld [smem:$0x3FA8]  }
0x29: {  	s4 =	sld [smem:$0x3FAA]  }
0x2a: {  	p0 =	seq.s32 s5, $0x0;
	s5 =	sld [smem:$0x3FAB]  }
0x2b: {  	s6 =	sld [smem:$0x3FAC]  }
0x2c: {  	s7 =	sld [smem:$0x3FAD]  }
0x2d: {  	s3 =	simm.s32 $0x108;
	s8 =	sld [smem:$0x3FAE]  }
0x2e: {  	s3 =	simm.s32 @!p0 $0x1082;
	s9 =	sld [smem:$0x3FAF]  }
0x2f: {  	lr =	sadd.s32 s0, s3;
	s0 =	sld [smem:$0x3FA6]  }
0x30: {  	s3 =	sld [smem:$0x3FA9]  }
0x31: {  	[smem:$0x3FB2] =	sst s10  }
0x32: {  	s10 =	sld [smem:$0x3FB0];
	_ =	sdelay $0x3  }
0x33: {  	p0 =	seq.s32 s10, $0x1;
	s10 =	sld [smem:$0x3FB2];
	_ =	sdelay $0x3  }
0x34: {  	[smem:$0x3FB2] =	sst s10  }
0x35: {  	s10 =	sld [smem:$0x3FB1];
	_ =	sdelay $0x3  }
0x36: {  	p1 =	seq.s32 s10, $0x1;
	s10 =	sld [smem:$0x3FB2];
	_ =	sdelay $0x3  }
0x37: {  	[smem:$0x3FB2] =	sst s10  }
0x38: {  	s10 =	sld [smem:$0x3FB3]  }
0x39: {  	_ = 	snop;
	(pc) =	sbr.ind lr, $3  }
0x3a: {  	_ = 	snop  }
0x3b: {  	_ = 	snop  }
0x3c: {  	p2 =	seq.s32 s10, $0x1;
	s10 =	sld [smem:$0x3FB2]  }
0x3d: {  	_ =	shalt  }
0x3e: {  	_ =	shalt  }
0x3f: {  	_ =	shalt  }
0x40: {  	_ =	shalt  }
0x41: {  	_ =	shalt  }
0x42: {  	_ =	shalt  }
0x43: {  	_ =	shalt  }
0x44: {  	_ =	shalt  }
0x45: {  	_ =	shalt  }
0x46: {  	_ =	shalt  }
0x47: {  	_ =	shalt  }
0x48: {  	_ =	shalt  }
0x49: {  	_ =	shalt  }
0x4a: {  	_ =	shalt  }
0x4b: {  	_ =	shalt  }
0x4c: {  	_ =	shalt  }
0x4d: {  	_ =	shalt  }
0x4e: {  	_ =	shalt  }
0x4f: {  	_ =	shalt  }
0x50: {  	_ =	shalt  }
0x51: {  	_ =	shalt  }
0x52: {  	_ =	shalt  }
0x53: {  	_ =	shalt  }
0x54: {  	_ =	shalt  }
0x55: {  	_ =	shalt  }
0x56: {  	_ =	shalt  }
0x57: {  	_ =	shalt  }
0x58: {  	_ =	shalt  }
0x59: {  	_ =	shalt  }
0x5a: {  	_ =	shalt  }
0x5b: {  	_ =	shalt  }
0x5c: {  	_ =	shalt  }
0x5d: {  	_ =	shalt  }
0x5e: {  	_ =	shalt  }
0x5f: {  	_ =	shalt  }
0x60: {  	_ =	shalt  }
0x61: {  	_ =	shalt  }
0x62: {  	_ =	shalt  }
0x63: {  	_ =	shalt  }
0x64: {  	_ =	shalt  }
0x65: {  	_ =	shalt  }
0x66: {  	_ =	shalt  }
0x67: {  	_ =	shalt  }
0x68: {  	_ =	shalt  }
0x69: {  	_ =	shalt  }
0x6a: {  	_ =	shalt  }
0x6b: {  	_ =	shalt  }
0x6c: {  	_ =	shalt  }
0x6d: {  	_ =	shalt  }
0x6e: {  	_ =	shalt  }
0x6f: {  	_ =	shalt  }
0x70: {  	_ =	shalt  }
0x71: {  	_ =	shalt  }
0x72: {  	_ =	shalt  }
0x73: {  	_ =	shalt  }
0x74: {  	_ =	shalt  }
0x75: {  	_ =	shalt  }
0x76: {  	_ =	shalt  }
0x77: {  	_ =	shalt  }
0x78: {  	_ =	shalt  }
0x79: {  	_ =	shalt  }
0x7a: {  	_ =	shalt  }
0x7b: {  	_ =	shalt  }
0x7c: {  	_ =	shalt  }
0x7d: {  	_ =	shalt  }
0x7e: {  	_ =	shalt  }
0x7f: {  	_ =	shalt  }
0x80: {  	_ =	shalt  }
0x81: {  	_ =	shalt  }
0x82: {  	_ =	shalt  }
0x83: {  	_ =	shalt  }
0x84: {  	_ =	shalt  }
0x85: {  	_ =	shalt  }
0x86: {  	_ =	shalt  }
0x87: {  	_ =	shalt  }
.Lfunc_end0:
.L_simem_size_0:
called_computation_lowered:
.L_overlay_start_0:
0x88: {  	s2 =	sld [smem:$0x3FD9]  }
0x89: {  	s3 =	sld [smem:$0x3FFE];
	_ =	sdelay $0x1  }
0x8a: {  	s1 =	srdreg.scid  }
0x8b: {  	s0 =	sand.u32 $0x1, s1  }
0x8c: {  	s17 =	sshll.u32 s0, $0xA;
	s2 =	sadd.s32 s3, s2  }
0x8d: {  	s2 =	sadd.s32 s2, s17  }
0x8e: {  	[smem:$0x3FBE] =	sst s2  }
0x8f: {  	_ = 	snop  }
0x90: {  	s2 =	sld [smem:$0x3FD0];
	(tm) =	ssettm $0x1  }
0x91: {  	s18 =	sld [smem:$0x3FFB];
	_ =	sdelay $0x3  }
0x92: {  	_ =	strace s18  }
0x93: {  	s3 =	sld [smem:$0x3FFC];
	_ =	sdelay $0x3  }
0x94: {  	_ =	strace s3  }
0x95: {  	s3 =	sld [smem:$0x3FFD];
	_ =	sdelay $0x3  }
0x96: {  	_ =	strace s3  }
0x97: {  	_ =	strace $0x8FFFFFFF  }
0x98: {  	s19 =	sld [smem:$0x3FDB];
	_ =	sdelay $0x1  }
0x99: {  	s4 =	simm.s32 $_scs_section_size  }
0x9a: {  	s5 =	simm.s32 $_size__tile_overlayer_lowered;
	s6 =	simm.s32 $_tile_overlayer_lowered  }
0x9b: {  	s22 =	simm.s32 $0x1BFF;
	s21 =	sshll.u32 s6, $0x1;
	s3 =	sadd.s32 s4, s19  }
0x9c: {  	s7 =	simm.s32 $0x0;
	s20 =	sshll.u32 s5, $0x1;
	s5 =	sadd.s32 s21, s3  }
0x9d: {  	[timem:s7], [sflag:s22] =	dma.local [hbm:s5], s20  }
0x9e: {  	_ =	swait.ge [sflag:s22], s20  }
0x9f: {  	s4 =	ssub.s32 $0x0, s20;
	[sflag:s22] =	ssyncset.done $0x0  }
0xa0: {  	[sflag:s22] =	ssyncadd.s32 s4;
	_ =	sdelay $0x1  }
0xa1: {  	s23 =	simm.s32 $0x1B8B  }
0xa2: {  	_ =	swait.ge [sflag:s23], $0x1  }
0xa3: {  	[sflag:s23] =	ssyncset.done $0x0  }
0xa4: {  	s25 =	simm.s32 $0x1B8E;
	s24 =	sld [smem:$0x3FFE];
	[sflag:s23] =	ssyncadd.s32 $0xFFFFFFFF  }
0xa5: {  	s26 =	simm.s32 $execute0_lowered;
	[smem:$0x3FD2] =	sst s25  }
0xa6: {  	s5 =	sshll.u32 s26, $0x1;
	_ =	strace $0x80000046;
	[dreg:$0x1] =	wrdreg $0xFFFFFFFF  }
0xa7: {  	s28 =	simm.s32 $_size_execute0_lowered;
	s3 =	sadd.s32 s3, s5;
	[dreg:$0x0] =	wrdreg $0x0  }
0xa8: {  	s5 =	sshll.u32 s28, $0x1;
	[dreg:$0x2] =	wrdreg s3  }
0xa9: {  	[dreg:$0x3] =	wrdreg s5  }
0xaa: {  	[dreg:$0x4] =	wrdreg $0xC0  }
0xab: {  	_ =	task [dreg:s7], $0x5FFFF  }
0xac: {  	[dreg:$0x1] =	wrdreg $0xFFFFFFFF  }
0xad: {  	[dreg:$0x0] =	wrdreg $0x60  }
0xae: {  	[dreg:$0x2] =	wrdreg s24  }
0xaf: {  	[dreg:$0x3] =	wrdreg s2  }
0xb0: {  	[dreg:$0x4] =	wrdreg $0x0  }
0xb1: {  	[dreg:$0x5] =	wrdreg $0x9  }
0xb2: {  	_ =	task.clear_ibuf [dreg:s7], $0x6FFFF;
	_ =	strace $0x90000046  }
0xb3: {  	s29 =	simm.s32 $0x9;
	_ =	strace $0x80000048  }
0xb4: {  	_ =	swait.ge [sflag:s29], $0x1  }
0xb5: {  	[sflag:s29] =	ssyncadd.s32 $0xFFFFFFFF  }
0xb6: {  	_ =	strace $0x90000048  }
0xb7: {  	_ =	sfence  }
0xb8: {  	s30 =	sld [smem:$0x0];
	_ =	sdelay $0x2  }
0xb9: {  	s31 =	sshll.u32 s1, $0xD;
	s1 =	sshrl.u32 s1, $0x2  }
0xba: {  	s3 =	sand.u32 $0x4000, s31;
	s1 =	sadd.s32 s1, s30  }
0xbb: {  	s0 =	sor.u32 s3, s0;
	s1 =	sshll.u32 s1, $0x11  }
0xbc: {  	s0 =	sor.u32 s1, s0  }
0xbd: {  	s0 =	sadd.s32 $0x8F2B, s0  }
0xbe: {  	[sflag:s0] =	ssyncadd.remote.s32 $0x1  }
0xbf: {  	_ =	sfence.sel $0xFFFF  }
0xc0: {  	[dreg:$0x0] =	wrdreg $0xFFFFFFFF;
	(pc) =	sbr.abs _section_cstart, $3  }
0xc1: {  	[dreg:$0x1] =	wrdreg $0xFFFFFFFF  }
0xc2: {  	_ =	task.clear_ibuf [dreg:s7], $0x2FFFF;
	_ =	strace $0x9FFFFFFF  }
0xc3: {  	(tm) =	ssettm $0x7FFFFFFF  }
tec
execute0_lowered:
.L_overlay_start_1:
0x0: {  	(tag) =	ssettag $0x1  }
0x1: {  	s0 =	rddreg [dreg:$0x0]  }
0x2: {  	s2 =	rddreg [dreg:$0x1]  }
0x3: {  	s1 =	rddreg [dreg:$0x2];
	s3 =	simm.s32 $0x0;
	s4 =	srdreg.scid  }
0x4: {  	s9 =	stileid.u32;
	s29 =	simm.s32 $0x1AE70;
	s30 =	simm.s32 $0x1D370  }
0x5: {  	s31 =	simm.s32 $0x1AF30;
	[smem:$0x7FF] =	sst s3;
	s5 =	sand.u32 $0x1, s4  }
0x6: {  	s6 =	smul.u32 $0x15F90, s9;
	s4 =	sadd.s32 $0x3000, s0;
	s8 =	sadd.s32 $0x2800, s0  }
0x7: {  	s18 =	sadd.s32 $0x2E00, s0;
	s19 =	sshll.u32 s9, $0x1;
	s9 =	smul.u32 $0x57E40, s9  }
0x8: {  	s28 =	simm.s32 $0x1;
	_ =	strace $0x80000047;
	s7 =	smul.u32 $0x15F900, s5  }
0x9: {  	[dreg:$0x4] =	wrdreg s8;
	s8 =	sor.u32 s5, s19;
	s5 =	ssub.s32 $0x2, s5  }
0xa: {  	[dreg:$0x5] =	wrdreg s18;
	s8 =	smul.u32 $0x4F0, s8;
	s20 =	sshrl.u32 s5, $0x1  }
0xb: {  	s9 =	sshrl.u32 s9, $0x2;
	s7 =	sadd.s32 s6, s7;
	s5 =	ssub.s32 s5, s20  }
0xc: {  	s21 =	sadd.s32 s9, s1;
	s20 =	simm.s32 $0x15F90;
	s7 =	sshrl.u32 s7, $0x3  }
0xd: {  	s2 =	sadd.s32 s2, s8;
	s8 =	sadd.s32 s6, s1;
	s22 =	sadd.s32 $0x2400, s21  }
0xe: {  	s23 =	sadd.s32 $0x4800, s21;
	s24 =	sadd.s32 $0x6C00, s21;
	[dreg:$0x6] =	wrdreg s2  }
0xf: {  	s25 =	sadd.s32 $0x9000, s21;
	s26 =	sadd.s32 $0xB400, s21;
	[dreg:$0x7] =	wrdreg s22  }
0x10: {  	s14 =	sadd.s32 $0xD800, s21;
	s15 =	sadd.s32 $0xFC00, s21;
	[dreg:$0x8] =	wrdreg s23  }
0x11: {  	v0 =	vlaneseq.u32;
	s16 =	sadd.s32 $0x12000, s21;
	s17 =	sadd.s32 $0x14400, s21;
	[dreg:$0x9] =	wrdreg s24  }
0x12: {  	v4 =	vmul.u32 $0x90, v0;
	s19 =	smax.u32 s5, $0x1;
	s21 =	simm.s32 $0x3;
	[dreg:$0xa] =	wrdreg s25  }
0x13: {  	s0 =	sadd.s32 s7, s0;
	[dreg:$0xb] =	wrdreg s26;
	s24 =	simm.s32 $0x1AF70  }
0x14: {  	v0 =	vimm.f32 $0.0e+00;
	v1 =	vadd.s32 $0x81, v4;
	s25 =	simm.s32 $0x40;
	s22 =	simm.s32 $0x2;
	s23 =	simm.s32 $0x1AEF0  }
0x15: {  	v2 =	vadd.s32 $0x981, v4;
	v3 =	vadd.s32 $0x1281, v4;
	v4 =	vadd.s32 $0x1B81, v4;
	s26 =	simm.s32 $0x0;
	s18 =	sadd.s32 $0x2F000, s0;
	s0 =	simm.s32 $0x1AEB0  }
.LBB2_1:
0x16: {  	s2 =	rddreg [dreg:$0x4]  }
0x17: {  	[tilespmem:s20], [sflag:$0x3] =	stream.linear.gather [hbm4b:s2+s3], $0x2710, $0x38;
	[tilespmem:$0x1F770] =	vst v63  }
0x18: {  	_ =	swait.ge [sflag:s21], $0x2710  }
0x19: {  	[sflag:s21] =	ssyncset.done $0x0  }
0x1a: {  	s5 =	simm.s32 $0x186A0;
	s11 =	rddreg [dreg:$0x5];
	[sflag:s21] =	ssyncadd.s32 $0xFFFFD8F0  }
0x1b: {  	[tilespmem:s5], [sflag:$0x3] =	stream.linear.gather [hbm4b:s11+s3], $0x10, $0x38;
	[tilespmem:$0x1F770] =	vst v63  }
0x1c: {  	_ =	swait.ge [sflag:s21], $0x10  }
0x1d: {  	[sflag:s21] =	ssyncset.done $0x0  }
0x1e: {  	s13 =	simm.s32 $0x186B0;
	s12 =	rddreg [dreg:$0x6];
	[sflag:s21] =	ssyncadd.s32 $0xFFFFFFF0  }
0x1f: {  	[tilespmem:s13], [sflag:$0x3] =	stream.linear.gather [hbm4b:s12+s3], $0x2780, $0x38;
	[tilespmem:$0x1F770] =	vst v63  }
0x20: {  	_ =	swait.ge [sflag:s21], $0x2780  }
0x21: {  	[sflag:s21] =	ssyncset.done $0x0  }
0x22: {  	s2 =	simm.s32 $0x1B090;
	[sflag:s21] =	ssyncadd.s32 $0xFFFFD880  }
0x23: {  	[tilespmem:s2+$0xFFFFFEE0] =	vst v0  }
0x24: {  	[tilespmem:s2+$0x110] =	vst v0  }
0x25: {  	[tilespmem:s2+$0x100] =	vst v0  }
0x26: {  	[tilespmem:s2+$0xF0] =	vst v0  }
0x27: {  	[tilespmem:s2+$0xE0] =	vst v0  }
0x28: {  	[tilespmem:s2+$0xD0] =	vst v0  }
0x29: {  	[tilespmem:s2+$0xC0] =	vst v0  }
0x2a: {  	[tilespmem:s2+$0xB0] =	vst v0  }
0x2b: {  	[tilespmem:s2+$0xA0] =	vst v0  }
0x2c: {  	[tilespmem:s2+$0x90] =	vst v0  }
0x2d: {  	[tilespmem:s2+$0x80] =	vst v0  }
0x2e: {  	[tilespmem:s2+$0x70] =	vst v0  }
0x2f: {  	[tilespmem:s2+$0x60] =	vst v0  }
0x30: {  	[tilespmem:s2+$0x50] =	vst v0  }
0x31: {  	[tilespmem:s2+$0x40] =	vst v0  }
0x32: {  	[tilespmem:s2+$0x30] =	vst v0  }
0x33: {  	[tilespmem:s2+$0x20] =	vst v0  }
0x34: {  	[tilespmem:s2+$0x10] =	vst v0  }
0x35: {  	[tilespmem:s2+$0x0] =	vst v0  }
0x36: {  	[tilespmem:s2+$0xFFFFFFF0] =	vst v0  }
0x37: {  	[tilespmem:s2+$0xFFFFFFE0] =	vst v0  }
0x38: {  	[tilespmem:s2+$0xFFFFFFD0] =	vst v0  }
0x39: {  	[tilespmem:s2+$0xFFFFFFC0] =	vst v0  }
0x3a: {  	[tilespmem:s2+$0xFFFFFFB0] =	vst v0  }
0x3b: {  	[tilespmem:s2+$0xFFFFFFA0] =	vst v0  }
0x3c: {  	[tilespmem:s2+$0xFFFFFF90] =	vst v0  }
0x3d: {  	[tilespmem:s2+$0xFFFFFF80] =	vst v0  }
0x3e: {  	[tilespmem:s2+$0xFFFFFF70] =	vst v0  }
0x3f: {  	[tilespmem:s2+$0xFFFFFF60] =	vst v0  }
0x40: {  	[tilespmem:s2+$0xFFFFFF50] =	vst v0  }
0x41: {  	[tilespmem:s2+$0xFFFFFF40] =	vst v0  }
0x42: {  	[tilespmem:s2+$0xFFFFFF30] =	vst v0  }
0x43: {  	[tilespmem:s2+$0xFFFFFF20] =	vst v0  }
0x44: {  	[tilespmem:s2+$0xFFFFFF10] =	vst v0  }
0x45: {  	s5 =	simm.s32 $0x0;
	[tilespmem:s2+$0xFFFFFF00] =	vst v0  }
.LBB2_2:
0x46: {  	s5 =	sadd.s32 $0x4, s5;
	[tilespmem:s2+$0xFFFFFEF0] =	vst v0;
	s2 =	sadd.s32 $0x240, s2  }
0x47: {  	[tilespmem:s2+$0xFFFFFEE0] =	vst v0;
	p0 =	slt.u32 s5, $0x3C  }
0x48: {  	[tilespmem:s2+$0x110] =	vst v0  }
0x49: {  	[tilespmem:s2+$0x100] =	vst v0  }
0x4a: {  	[tilespmem:s2+$0xF0] =	vst v0  }
0x4b: {  	[tilespmem:s2+$0xE0] =	vst v0  }
0x4c: {  	[tilespmem:s2+$0xD0] =	vst v0  }
0x4d: {  	[tilespmem:s2+$0xC0] =	vst v0  }
0x4e: {  	[tilespmem:s2+$0xB0] =	vst v0  }
0x4f: {  	[tilespmem:s2+$0xA0] =	vst v0  }
0x50: {  	[tilespmem:s2+$0x90] =	vst v0  }
0x51: {  	[tilespmem:s2+$0x80] =	vst v0  }
0x52: {  	[tilespmem:s2+$0x70] =	vst v0  }
0x53: {  	[tilespmem:s2+$0x60] =	vst v0  }
0x54: {  	[tilespmem:s2+$0x50] =	vst v0  }
0x55: {  	[tilespmem:s2+$0x40] =	vst v0  }
0x56: {  	[tilespmem:s2+$0x30] =	vst v0  }
0x57: {  	[tilespmem:s2+$0x20] =	vst v0  }
0x58: {  	[tilespmem:s2+$0x10] =	vst v0  }
0x59: {  	[tilespmem:s2+$0x0] =	vst v0  }
0x5a: {  	[tilespmem:s2+$0xFFFFFFF0] =	vst v0  }
0x5b: {  	[tilespmem:s2+$0xFFFFFFE0] =	vst v0  }
0x5c: {  	[tilespmem:s2+$0xFFFFFFD0] =	vst v0  }
0x5d: {  	[tilespmem:s2+$0xFFFFFFC0] =	vst v0  }
0x5e: {  	[tilespmem:s2+$0xFFFFFFB0] =	vst v0  }
0x5f: {  	[tilespmem:s2+$0xFFFFFFA0] =	vst v0  }
0x60: {  	[tilespmem:s2+$0xFFFFFF90] =	vst v0  }
0x61: {  	[tilespmem:s2+$0xFFFFFF80] =	vst v0  }
0x62: {  	[tilespmem:s2+$0xFFFFFF70] =	vst v0  }
0x63: {  	[tilespmem:s2+$0xFFFFFF60] =	vst v0  }
0x64: {  	[tilespmem:s2+$0xFFFFFF50] =	vst v0  }
.Ltmp0:
0x65: {  	[tilespmem:s2+$0xFFFFFF40] =	vst v0;
	(pc) =	sbr.rel @p0 .LBB2_2-.Ltmp0, $4  }
0x66: {  	[tilespmem:s2+$0xFFFFFF30] =	vst v0  }
0x67: {  	[tilespmem:s2+$0xFFFFFF20] =	vst v0  }
0x68: {  	[tilespmem:s2+$0xFFFFFF10] =	vst v0  }
0x69: {  	[tilespmem:s2+$0xFFFFFF00] =	vst v0  }
0x6a: {  	[tilespmem:s2+$0xFFFFFEF0] =	vst v0  }
0x6b: {  	[spmem:s8] =	stream.linear.scatter [tilespmem:s24], [sflag:$0x3], $0x2400, $0x38;
	[tilespmem:$0x1F770] =	vst v63  }
0x6c: {  	_ =	swait.ge [sflag:s21], $0x2400  }
0x6d: {  	[sflag:s21] =	ssyncset.done $0x0  }
0x6e: {  	s7 =	rddreg [dreg:$0x7];
	[sflag:s21] =	ssyncadd.s32 $0xFFFFDC00  }
0x6f: {  	[spmem:s7] =	stream.linear.scatter [tilespmem:s24], [sflag:$0x3], $0x2400, $0x38;
	[tilespmem:$0x1F770] =	vst v63  }
0x70: {  	_ =	swait.ge [sflag:s21], $0x2400  }
0x71: {  	[sflag:s21] =	ssyncset.done $0x0  }
0x72: {  	s9 =	rddreg [dreg:$0x8];
	[sflag:s21] =	ssyncadd.s32 $0xFFFFDC00  }
0x73: {  	[spmem:s9] =	stream.linear.scatter [tilespmem:s24], [sflag:$0x3], $0x2400, $0x38;
	[tilespmem:$0x1F770] =	vst v63  }
0x74: {  	_ =	swait.ge [sflag:s21], $0x2400  }
0x75: {  	[sflag:s21] =	ssyncset.done $0x0  }
0x76: {  	s10 =	rddreg [dreg:$0x9];
	[sflag:s21] =	ssyncadd.s32 $0xFFFFDC00  }
0x77: {  	[spmem:s10] =	stream.linear.scatter [tilespmem:s24], [sflag:$0x3], $0x2400, $0x38;
	[tilespmem:$0x1F770] =	vst v63  }
0x78: {  	_ =	swait.ge [sflag:s21], $0x2400  }
0x79: {  	[sflag:s21] =	ssyncset.done $0x0  }
0x7a: {  	s11 =	rddreg [dreg:$0xa];
	[sflag:s21] =	ssyncadd.s32 $0xFFFFDC00  }
0x7b: {  	[spmem:s11] =	stream.linear.scatter [tilespmem:s24], [sflag:$0x3], $0x2400, $0x38;
	[tilespmem:$0x1F770] =	vst v63  }
0x7c: {  	_ =	swait.ge [sflag:s21], $0x2400  }
0x7d: {  	[sflag:s21] =	ssyncset.done $0x0  }
0x7e: {  	s12 =	rddreg [dreg:$0xb];
	[sflag:s21] =	ssyncadd.s32 $0xFFFFDC00  }
0x7f: {  	[spmem:s12] =	stream.linear.scatter [tilespmem:s24], [sflag:$0x3], $0x2400, $0x38;
	[tilespmem:$0x1F770] =	vst v63  }
0x80: {  	_ =	swait.ge [sflag:s21], $0x2400  }
0x81: {  	[sflag:s21] =	ssyncset.done $0x0  }
0x82: {  	[sflag:s21] =	ssyncadd.s32 $0xFFFFDC00  }
0x83: {  	[spmem:s14] =	stream.linear.scatter [tilespmem:s24], [sflag:$0x3], $0x2400, $0x38;
	[tilespmem:$0x1F770] =	vst v63  }
0x84: {  	_ =	swait.ge [sflag:s21], $0x2400  }
0x85: {  	[sflag:s21] =	ssyncset.done $0x0  }
0x86: {  	[sflag:s21] =	ssyncadd.s32 $0xFFFFDC00  }
0x87: {  	[spmem:s15] =	stream.linear.scatter [tilespmem:s24], [sflag:$0x3], $0x2400, $0x38;
	[tilespmem:$0x1F770] =	vst v63  }
0x88: {  	_ =	swait.ge [sflag:s21], $0x2400  }
0x89: {  	[sflag:s21] =	ssyncset.done $0x0  }
0x8a: {  	[sflag:s21] =	ssyncadd.s32 $0xFFFFDC00  }
0x8b: {  	[spmem:s16] =	stream.linear.scatter [tilespmem:s24], [sflag:$0x3], $0x2400, $0x38;
	[tilespmem:$0x1F770] =	vst v63  }
0x8c: {  	_ =	swait.ge [sflag:s21], $0x2400  }
0x8d: {  	[sflag:s21] =	ssyncset.done $0x0  }
0x8e: {  	[sflag:s21] =	ssyncadd.s32 $0xFFFFDC00  }
0x8f: {  	[spmem:s17] =	stream.linear.scatter [tilespmem:s24], [sflag:$0x3], $0x1B90, $0x38;
	[tilespmem:$0x1F770] =	vst v63  }
0x90: {  	_ =	swait.ge [sflag:s21], $0x1B90  }
0x91: {  	[sflag:s21] =	ssyncset.done $0x0  }
0x92: {  	[sflag:s21] =	ssyncadd.s32 $0xFFFFE470  }
0x93: {  	[bflag:$0x0] =	sbarrier.arrive $0xFFFF  }
0x94: {  	v5 =	vld [tilespmem:$0x186B0];
	_ =	sdelay $0x1  }
0x95: {  	v6 =	vld [tilespmem:$0x186C0];
	_ =	sdelay $0x1  }
0x96: {  	v63 =	vld [tilespmem:$0x186E0]  }
0x97: {  	v7 =	vld [tilespmem:$0x186D0];
	v8 =	vand.u32 $0xFFFF, v5  }
0x98: {  	v5 =	vshrl.u32 v5, $0x10;
	[tilespmem:$0x1AE30] =	vst v8  }
0x99: {  	[tilespmem:$0x1AEB0] =	vst v5;
	v5 =	vand.u32 $0xFFFF, v6  }
0x9a: {  	[tilespmem:$0x1AE40] =	vst v5;
	v5 =	vshrl.u32 v6, $0x10  }
0x9b: {  	v6 =	vshrl.u32 v63, $0x10;
	[tilespmem:$0x1AEC0] =	vst v5  }
0x9c: {  	v5 =	vand.u32 $0xFFFF, v7;
	[tilespmem:$0x1AEE0] =	vst v6  }
0x9d: {  	[tilespmem:$0x1AE50] =	vst v5;
	v5 =	vshrl.u32 v7, $0x10  }
0x9e: {  	[tilespmem:$0x1AED0] =	vst v5;
	v5 =	vand.u32 $0xFFFF, v63  }
0x9f: {  	s13 =	simm.s32 $0x1AE30;
	s2 =	simm.s32 $0x0;
	s5 =	simm.s32 $0x0;
	[tilespmem:$0x1AE60] =	vst v5  }
0xa0: {  	v5 =	vld [tilespmem:$0x186A0];
	[tilespmem:s24], [sflag:$0x1] =	stream.indirect.gather [hbm4b:s4+s25], $0x90, s13, s25, $0xb8  }
.LBB2_4:
0xa1: {  	_ =	swait.ge [sflag:s28], $0x2400  }
0xa2: {  	p0 =	seq.s32 s5, $0x0;
	[sflag:s28] =	ssyncset.done $0x0  }
0xa3: {  	s7 =	simm.s32 @!p0 $0x2;
	[sflag:s28] =	ssyncadd.s32 $0xFFFFDC00  }
0xa4: {  	_ =	swait.ge @!p0 [sflag:s7], $0x2400  }
0xa5: {  	[sflag:s7] =	ssyncset.done @!p0 $0x0  }
0xa6: {  	s6 =	sshll.u32 s5, $0x7;
	[sflag:s7] =	ssyncadd.s32 @!p0 $0xFFFFDC00  }
0xa7: {  	v6 =	vld [tilespmem:s6+$0x186F0];
	_ =	sdelay $0x4  }
0xa8: {  	v7 =	vand.u32 $0xFFFF, v6  }
0xa9: {  	v6 =	vshrl.u32 v6, $0x10;
	[tilespmem:$0x1AE70] =	vst v7  }
0xaa: {  	[tilespmem:$0x1AEF0] =	vst v6  }
0xab: {  	v6 =	vld [tilespmem:s6+$0x18700];
	_ =	sdelay $0x4  }
0xac: {  	v7 =	vand.u32 $0xFFFF, v6  }
0xad: {  	v6 =	vshrl.u32 v6, $0x10;
	[tilespmem:$0x1AE80] =	vst v7  }
0xae: {  	[tilespmem:$0x1AF00] =	vst v6  }
0xaf: {  	v6 =	vld [tilespmem:s6+$0x18710];
	_ =	sdelay $0x4  }
0xb0: {  	v7 =	vand.u32 $0xFFFF, v6  }
0xb1: {  	v6 =	vshrl.u32 v6, $0x10;
	[tilespmem:$0x1AE90] =	vst v7  }
0xb2: {  	[tilespmem:$0x1AF10] =	vst v6  }
0xb3: {  	v6 =	vld [tilespmem:s6+$0x18720];
	_ =	sdelay $0x4  }
0xb4: {  	v7 =	vand.u32 $0xFFFF, v6  }
0xb5: {  	v6 =	vshrl.u32 v6, $0x10;
	[tilespmem:$0x1AEA0] =	vst v7  }
0xb6: {  	[tilespmem:$0x1AF20] =	vst v6  }
0xb7: {  	[tilespmem:s30], [sflag:$0x1] =	stream.indirect.gather [hbm4b:s4+s25], $0x90, s29, s25, $0xb8;
	[tilespmem:$0x1F770] =	vst v63  }
0xb8: {  	v6 =	vld [tilespmem:$0x1AEB0];
	_ =	sdelay $0x6  }
0xb9: {  	v7 =	vld.idx.msk [tilespmem:v1+s24+$0x0], $0xffff  }
0xba: {  	v6 =	vld.idx.msk [tilespmem:v6+s20+$0x0], $0xffff;
	_ =	sdelay $0x4  }
0xbb: {  	v7 =	vadd.f32 v6, v7;
	v6 =	vadd.f32 v6, v5;
	_ =	sdelay $0x1  }
0xbc: {  	v8 =	vmul.f32 $2.000000030e-01, v7;
	v9 =	vmul.f32 $2.000000030e-01, v6;
	_ =	sdelay $0x1  }
0xbd: {  	v7 =	vmax.f32 v7, v8;
	v6 =	vmax.f32 v6, v9  }
0xbe: {  	v6 =	vsub.f32 v7, v6;
	_ =	sdelay $0x1  }
0xbf: {  	v6 =	vmul.f32 $1.442695020e+00, v6;
	_ =	sdelay $0x1  }
0xc0: {  	(erf) = vpow2.f32 v6;
	_ =	sdelay $0x3  }
0xc1: {  	v6 =	vld [tilespmem:$0x1AEC0];
	_ =	sdelay $0x4  }
0xc2: {  	v7 =	vpop (erf)  }
0xc3: {  	[tilespmem:$0x1AF30] =	vst v7  }
0xc4: {  	v7 =	vld.idx.msk [tilespmem:v2+s24+$0x0], $0xffff  }
0xc5: {  	v6 =	vld.idx.msk [tilespmem:v6+s20+$0x0], $0xffff;
	_ =	sdelay $0x4  }
0xc6: {  	v7 =	vadd.f32 v6, v7;
	v6 =	vadd.f32 v6, v5;
	_ =	sdelay $0x1  }
0xc7: {  	v8 =	vmul.f32 $2.000000030e-01, v7;
	v9 =	vmul.f32 $2.000000030e-01, v6;
	_ =	sdelay $0x1  }
0xc8: {  	v7 =	vmax.f32 v7, v8;
	v6 =	vmax.f32 v6, v9  }
0xc9: {  	v6 =	vsub.f32 v7, v6;
	_ =	sdelay $0x1  }
0xca: {  	v6 =	vmul.f32 $1.442695020e+00, v6;
	_ =	sdelay $0x1  }
0xcb: {  	(erf) = vpow2.f32 v6;
	_ =	sdelay $0x4  }
0xcc: {  	v6 =	vld [tilespmem:$0x1AED0];
	_ =	sdelay $0x2  }
0xcd: {  	s12 =	sor.u32 $0x10, s6  }
0xce: {  	p4 =	slt.u32 s12, $0x2710;
	v7 =	vpop (erf)  }
0xcf: {  	v7 =	vpsel !p4, $0x0, v7  }
0xd0: {  	[tilespmem:$0x1AF40] =	vst v7  }
0xd1: {  	v7 =	vld.idx.msk [tilespmem:v3+s24+$0x0], $0xffff  }
0xd2: {  	v6 =	vld.idx.msk [tilespmem:v6+s20+$0x0], $0xffff;
	_ =	sdelay $0x4  }
0xd3: {  	v7 =	vadd.f32 v6, v7;
	v6 =	vadd.f32 v6, v5;
	_ =	sdelay $0x1  }
0xd4: {  	v8 =	vmul.f32 $2.000000030e-01, v7;
	v9 =	vmul.f32 $2.000000030e-01, v6;
	_ =	sdelay $0x1  }
0xd5: {  	v7 =	vmax.f32 v7, v8;
	v6 =	vmax.f32 v6, v9  }
0xd6: {  	v6 =	vsub.f32 v7, v6;
	_ =	sdelay $0x1  }
0xd7: {  	v6 =	vmul.f32 $1.442695020e+00, v6;
	_ =	sdelay $0x1  }
0xd8: {  	(erf) = vpow2.f32 v6;
	_ =	sdelay $0x4  }
0xd9: {  	v6 =	vld [tilespmem:$0x1AEE0];
	_ =	sdelay $0x2  }
0xda: {  	s13 =	sor.u32 $0x20, s6  }
0xdb: {  	p5 =	slt.u32 s13, $0x2710;
	v7 =	vpop (erf)  }
0xdc: {  	v7 =	vpsel !p5, $0x0, v7  }
0xdd: {  	[tilespmem:$0x1AF50] =	vst v7  }
0xde: {  	v7 =	vld.idx.msk [tilespmem:v4+s24+$0x0], $0xffff  }
0xdf: {  	v6 =	vld.idx.msk [tilespmem:v6+s20+$0x0], $0xffff;
	_ =	sdelay $0x4  }
0xe0: {  	v7 =	vadd.f32 v6, v7;
	v6 =	vadd.f32 v6, v5;
	_ =	sdelay $0x1  }
0xe1: {  	v8 =	vmul.f32 $2.000000030e-01, v7;
	v9 =	vmul.f32 $2.000000030e-01, v6;
	_ =	sdelay $0x1  }
0xe2: {  	v7 =	vmax.f32 v7, v8;
	v6 =	vmax.f32 v6, v9  }
0xe3: {  	v6 =	vsub.f32 v7, v6;
	_ =	sdelay $0x1  }
0xe4: {  	v6 =	vmul.f32 $1.442695020e+00, v6;
	_ =	sdelay $0x1  }
0xe5: {  	(erf) = vpow2.f32 v6;
	_ =	sdelay $0x3  }
0xe6: {  	s9 =	simm.s32 $0x2;
	v6 =	vmov s2  }
0xe7: {  	v7 =	vmov s9;
	v6 =	vand.u32 $0xFFFFFFFC, v6  }
0xe8: {  	v7 =	vand.u32 $0xFFFFFFFE, v7;
	v6 =	vbroadcast v6, $0x0  }
0xe9: {  	v7 =	vbroadcast v7, $0x0  }
0xea: {  	s10 =	sor.u32 $0x30, s6  }
0xeb: {  	p6 =	slt.u32 s10, $0x2710;
	v8 =	vpop (erf)  }
0xec: {  	v8 =	vpsel !p6, $0x0, v8  }
0xed: {  	[tilespmem:$0x1AF60] =	vst v8  }
0xee: {  	v8 =	vld.idx.msk [tilespmem:v6+s31+$0x0], $0xffff  }
0xef: {  	s11 =	simm.s32 $0x1;
	s9 =	simm.s32 $0x1B090;
	v6 =	vld.idx.msk [tilespmem:v7+s31+$0x0], $0xffff  }
0xf0: {  	v10 =	vmov s11;
	v7 =	vld [tilespmem:s9+$0x80]  }
0xf1: {  	v10 =	vand.u32 $0xFFFFFFFD, v10;
	v9 =	vld [tilespmem:s9+$0xFFFFFEE0]  }
0xf2: {  	v10 =	vbroadcast v10, $0x0;
	v11 =	vld [tilespmem:s9+$0xFFFFFEF0]  }
0xf3: {  	v12 =	vld [tilespmem:s9+$0xFFFFFF00]  }
0xf4: {  	v13 =	vld [tilespmem:s9+$0xFFFFFF10]  }
0xf5: {  	v14 =	vld [tilespmem:s9+$0xFFFFFF20]  }
0xf6: {  	v16 =	vld [tilespmem:s9+$0xFFFFFF40]  }
0xf7: {  	v15 =	vld [tilespmem:s9+$0xFFFFFF30];
	v9 =	vmul.f32 v9, v8  }
0xf8: {  	v10 =	vld.idx.msk [tilespmem:v10+s31+$0x0], $0xffff;
	v11 =	vmul.f32 v11, v8  }
0xf9: {  	v17 =	vld [tilespmem:s9+$0xFFFFFF70];
	v7 =	vmul.f32 v7, v6;
	[tilespmem:s9+$0xFFFFFEE0] =	vst v9  }
0xfa: {  	v18 =	vld [tilespmem:s9+$0xFFFFFF80];
	v12 =	vmul.f32 v12, v8;
	[tilespmem:s9+$0xFFFFFEF0] =	vst v11  }
0xfb: {  	v16 =	vmul.f32 v16, v8;
	v9 =	vld [tilespmem:s9+$0xFFFFFF50];
	[tilespmem:s9+$0x80] =	vst v7  }
0xfc: {  	v11 =	vld [tilespmem:s9+$0xFFFFFF60];
	[tilespmem:s9+$0xFFFFFF00] =	vst v12;
	v12 =	vmul.f32 v14, v8  }
0xfd: {  	v7 =	vmul.f32 v13, v8;
	v13 =	vld [tilespmem:s9+$0xFFFFFF90];
	[tilespmem:s9+$0xFFFFFF40] =	vst v16  }
0xfe: {  	v14 =	vld [tilespmem:s9+$0xFFFFFFA0];
	[tilespmem:s9+$0xFFFFFF20] =	vst v12;
	v12 =	vmul.f32 v17, v10  }
0xff: {  	v16 =	vld [tilespmem:s9+$0xFFFFFFE0];
	[tilespmem:s9+$0xFFFFFF10] =	vst v7;
	v7 =	vmul.f32 v15, v8  }
0x100: {  	v15 =	vld [tilespmem:s9+$0xFFFFFFB0];
	[tilespmem:s9+$0xFFFFFF70] =	vst v12;
	v12 =	vmul.f32 v18, v10  }
0x101: {  	v17 =	vld [tilespmem:s9+$0xFFFFFFC0];
	[tilespmem:s9+$0xFFFFFF30] =	vst v7;
	v9 =	vmul.f32 v9, v8  }
0x102: {  	v7 =	vld [tilespmem:s9+$0xFFFFFFD0];
	v8 =	vmul.f32 v11, v8;
	[tilespmem:s9+$0xFFFFFF80] =	vst v12  }
0x103: {  	v18 =	vld [tilespmem:s9+$0x60];
	[tilespmem:s9+$0xFFFFFF50] =	vst v9;
	v9 =	vmul.f32 v13, v10  }
0x104: {  	v12 =	vld [tilespmem:s9+$0x0];
	[tilespmem:s9+$0xFFFFFF60] =	vst v8;
	v8 =	vmul.f32 v14, v10  }
0x105: {  	s12 =	simm.s32 $0x3;
	v11 =	vld [tilespmem:s9+$0xFFFFFFF0];
	[tilespmem:s9+$0xFFFFFF90] =	vst v9;
	v9 =	vmul.f32 v15, v10  }
0x106: {  	v13 =	vld [tilespmem:s9+$0x10];
	v14 =	vmov s12;
	[tilespmem:s9+$0xFFFFFFA0] =	vst v8;
	v8 =	vmul.f32 v17, v10  }
0x107: {  	v15 =	vld [tilespmem:s9+$0x20];
	v7 =	vmul.f32 v7, v10;
	[tilespmem:s9+$0xFFFFFFB0] =	vst v9  }
0x108: {  	v9 =	vld [tilespmem:s9+$0x30];
	[tilespmem:s9+$0xFFFFFFC0] =	vst v8;
	v8 =	vmul.f32 v16, v10  }
0x109: {  	v16 =	vld [tilespmem:s9+$0x40];
	[tilespmem:s9+$0xFFFFFFD0] =	vst v7;
	v12 =	vmul.f32 v12, v6  }
0x10a: {  	v17 =	vld [tilespmem:s9+$0x50];
	v10 =	vmul.f32 v11, v10;
	[tilespmem:s9+$0xFFFFFFE0] =	vst v8  }
0x10b: {  	v7 =	vld.idx.msk [tilespmem:v14+s31+$0x0], $0xffff;
	v11 =	vmul.f32 v13, v6;
	[tilespmem:s9+$0x0] =	vst v12  }
0x10c: {  	[tilespmem:s9+$0xFFFFFFF0] =	vst v10;
	v8 =	vld [tilespmem:s9+$0x70];
	v10 =	vmul.f32 v15, v6  }
0x10d: {  	s13 =	simm.s32 $0x4;
	v13 =	vld [tilespmem:s9+$0x90];
	[tilespmem:s9+$0x10] =	vst v11;
	v11 =	vmul.f32 v9, v6  }
0x10e: {  	s11 =	simm.s32 $0x5;
	v12 =	vld [tilespmem:s9+$0xA0];
	v9 =	vmov s13;
	[tilespmem:s9+$0x20] =	vst v10;
	v14 =	vmul.f32 v16, v6  }
0x10f: {  	s10 =	simm.s32 $0x7;
	s7 =	sor.u32 $0x40, s6;
	v15 =	vmul.f32 v17, v6;
	v17 =	vmov s11;
	v10 =	vand.u32 $0xFFFFFFFC, v9;
	[tilespmem:s9+$0x30] =	vst v11;
	v11 =	vld [tilespmem:s9+$0xB0]  }
0x110: {  	s12 =	simm.s32 $0x6;
	s11 =	simm.s32 $0x8;
	v16 =	vmul.f32 v18, v6;
	v9 =	vmov s10;
	s10 =	simm.s32 $0x1B090;
	v10 =	vbroadcast v10, $0x0;
	[tilespmem:s9+$0x40] =	vst v14;
	v14 =	vld [tilespmem:s9+$0xC0]  }
.LBB2_5:
0x111: {  	p0 =	slt.u32 s11, $0x3C;
	v17 =	vand.u32 $0xFFFFFFFD, v17;
	v18 =	vmov s12;
	[tilespmem:s9+$0x50] =	vst v15;
	v6 =	vmul.f32 v8, v6;
	v8 =	vld [tilespmem:s9+$0xD0]  }
0x112: {  	v15 =	vbroadcast v17, $0x0;
	v17 =	vand.u32 $0xFFFFFFFE, v18;
	[tilespmem:s9+$0x60] =	vst v16;
	v13 =	vmul.f32 v13, v7;
	v16 =	vld [tilespmem:s9+$0xE0]  }
0x113: {  	v17 =	vbroadcast v17, $0x0;
	[tilespmem:s9+$0x70] =	vst v6;
	v6 =	vmul.f32 v12, v7;
	v12 =	vld [tilespmem:s9+$0xF0]  }
0x114: {  	[tilespmem:s9+$0x90] =	vst v13;
	v11 =	vmul.f32 v11, v7;
	v13 =	vld [tilespmem:s9+$0x100]  }
0x115: {  	[tilespmem:s9+$0xA0] =	vst v6;
	v6 =	vmul.f32 v14, v7;
	v14 =	vld [tilespmem:s9+$0x110]  }
0x116: {  	v9 =	vld.idx.msk [tilespmem:v9+s31+$0x0], $0xffff;
	[tilespmem:s9+$0xB0] =	vst v11;
	v8 =	vmul.f32 v8, v7  }
0x117: {  	v10 =	vld.idx.msk [tilespmem:v10+s31+$0x0], $0xffff;
	[tilespmem:s9+$0xC0] =	vst v6;
	v11 =	vmul.f32 v16, v7  }
0x118: {  	v15 =	vld.idx.msk [tilespmem:v15+s31+$0x0], $0xffff;
	[tilespmem:s9+$0xD0] =	vst v8;
	v8 =	vmul.f32 v12, v7  }
0x119: {  	s9 =	sadd.s32 $0x240, s9;
	v6 =	vld.idx.msk [tilespmem:v17+s31+$0x0], $0xffff;
	[tilespmem:s10+$0xE0] =	vst v11;
	v11 =	vmul.f32 v13, v7  }
0x11a: {  	v12 =	vld [tilespmem:s9+$0x80];
	[tilespmem:s10+$0xF0] =	vst v8;
	v13 =	vmul.f32 v14, v7  }
0x11b: {  	v8 =	vld [tilespmem:s9+$0xFFFFFEE0];
	[tilespmem:s10+$0x100] =	vst v11  }
0x11c: {  	v7 =	vmov v9;
	v11 =	vld [tilespmem:s9+$0xFFFFFEF0];
	[tilespmem:s10+$0x110] =	vst v13;
	s10 =	smov.u32 s9  }
0x11d: {  	v9 =	vld [tilespmem:s9+$0xFFFFFF00]  }
0x11e: {  	v13 =	vld [tilespmem:s9+$0xFFFFFF10]  }
0x11f: {  	v14 =	vld [tilespmem:s9+$0xFFFFFF20];
	v12 =	vmul.f32 v12, v6  }
0x120: {  	v8 =	vmul.f32 v8, v10;
	v16 =	vld [tilespmem:s9+$0xFFFFFF30]  }
0x121: {  	v11 =	vmul.f32 v11, v10;
	v17 =	vld [tilespmem:s9+$0xFFFFFF40];
	[tilespmem:s9+$0x80] =	vst v12  }
0x122: {  	[tilespmem:s9+$0xFFFFFEE0] =	vst v8;
	v8 =	vmul.f32 v9, v10;
	v9 =	vld [tilespmem:s9+$0xFFFFFF50]  }
0x123: {  	[tilespmem:s9+$0xFFFFFEF0] =	vst v11;
	v11 =	vmul.f32 v13, v10;
	v12 =	vld [tilespmem:s9+$0xFFFFFF60]  }
0x124: {  	[tilespmem:s9+$0xFFFFFF00] =	vst v8;
	v8 =	vmul.f32 v14, v10;
	v13 =	vld [tilespmem:s9+$0xFFFFFF70]  }
0x125: {  	[tilespmem:s9+$0xFFFFFF10] =	vst v11;
	v11 =	vmul.f32 v16, v10;
	v14 =	vld [tilespmem:s9+$0xFFFFFF80]  }
0x126: {  	[tilespmem:s9+$0xFFFFFF20] =	vst v8;
	v8 =	vmul.f32 v17, v10;
	v16 =	vld [tilespmem:s9+$0xFFFFFF90]  }
0x127: {  	[tilespmem:s9+$0xFFFFFF30] =	vst v11;
	v9 =	vmul.f32 v9, v10;
	v11 =	vld [tilespmem:s9+$0xFFFFFFA0]  }
0x128: {  	[tilespmem:s9+$0xFFFFFF40] =	vst v8;
	v8 =	vmul.f32 v12, v10;
	v10 =	vld [tilespmem:s9+$0xFFFFFFB0]  }
0x129: {  	[tilespmem:s9+$0xFFFFFF50] =	vst v9;
	v9 =	vmul.f32 v13, v15;
	v12 =	vld [tilespmem:s9+$0xFFFFFFC0]  }
0x12a: {  	[tilespmem:s9+$0xFFFFFF60] =	vst v8;
	v8 =	vmul.f32 v14, v15;
	v13 =	vld [tilespmem:s9+$0xFFFFFFD0]  }
0x12b: {  	[tilespmem:s9+$0xFFFFFF70] =	vst v9;
	v9 =	vmul.f32 v16, v15;
	v14 =	vld [tilespmem:s9+$0xFFFFFFE0]  }
0x12c: {  	[tilespmem:s9+$0xFFFFFF80] =	vst v8;
	v8 =	vmul.f32 v11, v15;
	v11 =	vld [tilespmem:s9+$0xFFFFFFF0]  }
0x12d: {  	[tilespmem:s9+$0xFFFFFF90] =	vst v9;
	v9 =	vmul.f32 v10, v15;
	v10 =	vld [tilespmem:s9+$0x0]  }
0x12e: {  	[tilespmem:s9+$0xFFFFFFA0] =	vst v8;
	v8 =	vmul.f32 v12, v15;
	v12 =	vld [tilespmem:s9+$0x10]  }
0x12f: {  	[tilespmem:s9+$0xFFFFFFB0] =	vst v9;
	v9 =	vmul.f32 v13, v15;
	v13 =	vld [tilespmem:s9+$0x20]  }
0x130: {  	[tilespmem:s9+$0xFFFFFFC0] =	vst v8;
	v8 =	vmul.f32 v14, v15;
	v14 =	vld [tilespmem:s9+$0x30]  }
0x131: {  	[tilespmem:s9+$0xFFFFFFD0] =	vst v9;
	v9 =	vmul.f32 v11, v15;
	v11 =	vld [tilespmem:s9+$0x40]  }
0x132: {  	[tilespmem:s9+$0xFFFFFFE0] =	vst v8;
	v8 =	vmul.f32 v10, v6;
	v10 =	vld [tilespmem:s9+$0x50]  }
0x133: {  	[tilespmem:s9+$0xFFFFFFF0] =	vst v9;
	v9 =	vmul.f32 v12, v6;
	v16 =	vld [tilespmem:s9+$0x60]  }
.Ltmp1:
0x134: {  	[tilespmem:s9+$0x0] =	vst v8;
	v12 =	vmul.f32 v13, v6;
	v8 =	vld [tilespmem:s9+$0x70];
	(pc) =	sbr.rel @p0 .LBB2_5-.Ltmp1, $4  }
0x135: {  	[tilespmem:s9+$0x10] =	vst v9;
	v14 =	vmul.f32 v14, v6;
	v13 =	vld [tilespmem:s9+$0x90]  }
0x136: {  	s12 =	sadd.s32 $0x3, s11;
	v9 =	vmov s11;
	[tilespmem:s9+$0x20] =	vst v12;
	v18 =	vmul.f32 v11, v6;
	v12 =	vld [tilespmem:s9+$0xA0]  }
0x137: {  	s13 =	sadd.s32 $0x1, s11;
	v17 =	vand.u32 $0xFFFFFFFC, v9;
	v9 =	vmov s12;
	[tilespmem:s9+$0x30] =	vst v14;
	v15 =	vmul.f32 v10, v6;
	v11 =	vld [tilespmem:s9+$0xB0]  }
0x138: {  	s12 =	sadd.s32 $0x2, s11;
	s11 =	sadd.s32 $0x4, s11;
	v10 =	vbroadcast v17, $0x0;
	v17 =	vmov s13;
	[tilespmem:s9+$0x40] =	vst v18;
	v16 =	vmul.f32 v16, v6;
	v14 =	vld [tilespmem:s9+$0xC0]  }
0x139: {  	v18 =	vld [tilespmem:s9+$0xD0]  }
0x13a: {  	v19 =	vld [tilespmem:s9+$0xE0]  }
0x13b: {  	v20 =	vmov s12;
	v21 =	vld [tilespmem:s9+$0xF0];
	v13 =	vmul.f32 v13, v7  }
0x13c: {  	v63 =	vld [tilespmem:s9+$0x100];
	[tilespmem:s9+$0x50] =	vst v15;
	v20 =	vand.u32 $0xFFFFFFFE, v20  }
0x13d: {  	v17 =	vand.u32 $0xFFFFFFFD, v17;
	v9 =	vld.idx.msk [tilespmem:v9+s31+$0x0], $0xffff;
	v6 =	vmul.f32 v8, v6;
	[tilespmem:s9+$0x90] =	vst v13;
	v13 =	vbroadcast v20, $0x0  }
0x13e: {  	s11 =	sadd.s32 $0x240, s9;
	v17 =	vbroadcast v17, $0x0;
	v8 =	vld.idx.msk [tilespmem:v10+s31+$0x0], $0xffff;
	[tilespmem:s9+$0x60] =	vst v16;
	v12 =	vmul.f32 v12, v7  }
0x13f: {  	v15 =	vld [tilespmem:s11+$0xFFFFFEE0];
	[tilespmem:s9+$0x70] =	vst v6;
	v10 =	vmul.f32 v11, v7  }
0x140: {  	[tilespmem:s9+$0xA0] =	vst v12;
	v12 =	vld [tilespmem:s9+$0x110];
	v6 =	vmul.f32 v14, v7  }
0x141: {  	v16 =	vld [tilespmem:s11+$0xFFFFFEF0];
	[tilespmem:s9+$0xB0] =	vst v10;
	v10 =	vmul.f32 v18, v7  }
0x142: {  	v14 =	vld [tilespmem:s11+$0x80];
	[tilespmem:s9+$0xC0] =	vst v6;
	v6 =	vmul.f32 v19, v7  }
0x143: {  	[tilespmem:s9+$0xD0] =	vst v10;
	v10 =	vmul.f32 v21, v7;
	v13 =	vld.idx.msk [tilespmem:v13+s31+$0x0], $0xffff  }
0x144: {  	v11 =	vld.idx.msk [tilespmem:v17+s31+$0x0], $0xffff;
	[tilespmem:s10+$0xE0] =	vst v6;
	v6 =	vmul.f32 v63, v7  }
0x145: {  	v17 =	vld [tilespmem:s11+$0xFFFFFF00];
	[tilespmem:s10+$0xF0] =	vst v10;
	v7 =	vmul.f32 v12, v7  }
0x146: {  	v10 =	vld [tilespmem:s11+$0xFFFFFF10];
	[tilespmem:s10+$0x100] =	vst v6  }
0x147: {  	v6 =	vld [tilespmem:s11+$0xFFFFFF20];
	[tilespmem:s10+$0x110] =	vst v7;
	v7 =	vmul.f32 v15, v8  }
0x148: {  	v12 =	vmul.f32 v14, v13;
	v14 =	vld [tilespmem:s11+$0xFFFFFF30]  }
0x149: {  	v15 =	vmul.f32 v16, v8;
	v16 =	vld [tilespmem:s11+$0xFFFFFF40];
	[tilespmem:s11+$0xFFFFFEE0] =	vst v7  }
0x14a: {  	v7 =	vmul.f32 v17, v8;
	[tilespmem:s11+$0x80] =	vst v12;
	v12 =	vld [tilespmem:s11+$0xFFFFFF50]  }
0x14b: {  	[tilespmem:s11+$0xFFFFFEF0] =	vst v15;
	v15 =	vld [tilespmem:s11+$0xFFFFFF60];
	v10 =	vmul.f32 v10, v8  }
0x14c: {  	[tilespmem:s11+$0xFFFFFF00] =	vst v7;
	v6 =	vmul.f32 v6, v8;
	v7 =	vld [tilespmem:s11+$0xFFFFFF70]  }
0x14d: {  	[tilespmem:s11+$0xFFFFFF10] =	vst v10;
	v10 =	vmul.f32 v14, v8;
	v14 =	vld [tilespmem:s11+$0xFFFFFF80]  }
0x14e: {  	[tilespmem:s11+$0xFFFFFF20] =	vst v6;
	v6 =	vmul.f32 v16, v8;
	v16 =	vld [tilespmem:s11+$0xFFFFFF90]  }
0x14f: {  	[tilespmem:s11+$0xFFFFFF30] =	vst v10;
	v10 =	vmul.f32 v12, v8;
	v12 =	vld [tilespmem:s11+$0xFFFFFFA0]  }
0x150: {  	[tilespmem:s11+$0xFFFFFF40] =	vst v6;
	v6 =	vmul.f32 v15, v8;
	v8 =	vld [tilespmem:s11+$0xFFFFFFB0]  }
0x151: {  	v7 =	vmul.f32 v7, v11;
	[tilespmem:s11+$0xFFFFFF50] =	vst v10;
	v10 =	vld [tilespmem:s11+$0xFFFFFFC0]  }
0x152: {  	[tilespmem:s11+$0xFFFFFF60] =	vst v6;
	v6 =	vmul.f32 v14, v11;
	v14 =	vld [tilespmem:s11+$0xFFFFFFD0]  }
0x153: {  	v15 =	vld [tilespmem:s11+$0xFFFFFFE0];
	[tilespmem:s11+$0xFFFFFF70] =	vst v7;
	v7 =	vmul.f32 v16, v11  }
0x154: {  	[tilespmem:s11+$0xFFFFFF80] =	vst v6;
	v6 =	vmul.f32 v12, v11;
	v12 =	vld [tilespmem:s11+$0xFFFFFFF0]  }
0x155: {  	[tilespmem:s11+$0xFFFFFF90] =	vst v7;
	v7 =	vmul.f32 v8, v11;
	v8 =	vld [tilespmem:s11+$0x0]  }
0x156: {  	[tilespmem:s11+$0xFFFFFFA0] =	vst v6;
	v6 =	vmul.f32 v10, v11;
	v10 =	vld [tilespmem:s11+$0x10]  }
0x157: {  	[tilespmem:s11+$0xFFFFFFB0] =	vst v7;
	v7 =	vmul.f32 v14, v11;
	v14 =	vld [tilespmem:s11+$0x20]  }
0x158: {  	[tilespmem:s11+$0xFFFFFFC0] =	vst v6;
	v6 =	vmul.f32 v15, v11;
	v15 =	vld [tilespmem:s11+$0x30]  }
0x159: {  	[tilespmem:s11+$0xFFFFFFD0] =	vst v7;
	v7 =	vmul.f32 v12, v11;
	v11 =	vld [tilespmem:s11+$0x40]  }
0x15a: {  	[tilespmem:s11+$0xFFFFFFE0] =	vst v6;
	v6 =	vmul.f32 v8, v13;
	v8 =	vld [tilespmem:s11+$0x50]  }
0x15b: {  	[tilespmem:s11+$0xFFFFFFF0] =	vst v7;
	v7 =	vmul.f32 v10, v13;
	v10 =	vld [tilespmem:s11+$0x60]  }
0x15c: {  	v12 =	vld [tilespmem:s11+$0x70];
	[tilespmem:s11+$0x0] =	vst v6;
	v6 =	vmul.f32 v14, v13  }
0x15d: {  	v14 =	vld [tilespmem:s11+$0x90];
	[tilespmem:s11+$0x10] =	vst v7;
	v7 =	vmul.f32 v15, v13  }
0x15e: {  	[tilespmem:s11+$0x20] =	vst v6;
	v6 =	vmul.f32 v11, v13;
	v11 =	vld [tilespmem:s11+$0xA0]  }
0x15f: {  	[tilespmem:s11+$0x30] =	vst v7;
	v7 =	vmul.f32 v8, v13;
	v8 =	vld [tilespmem:s11+$0xB0]  }
0x160: {  	[tilespmem:s11+$0x40] =	vst v6;
	v6 =	vmul.f32 v10, v13;
	v10 =	vld [tilespmem:s11+$0xC0]  }
0x161: {  	[tilespmem:s11+$0x50] =	vst v7;
	v7 =	vmul.f32 v12, v13;
	v12 =	vld [tilespmem:s11+$0xD0]  }
0x162: {  	v13 =	vld [tilespmem:s11+$0xE0];
	[tilespmem:s11+$0x60] =	vst v6;
	v6 =	vmul.f32 v14, v9  }
0x163: {  	[tilespmem:s11+$0x70] =	vst v7;
	v7 =	vmul.f32 v11, v9;
	v11 =	vld [tilespmem:s11+$0xF0]  }
0x164: {  	[tilespmem:s11+$0x90] =	vst v6;
	v6 =	vmul.f32 v8, v9;
	v8 =	vld [tilespmem:s11+$0x100]  }
0x165: {  	[tilespmem:s11+$0xA0] =	vst v7;
	v7 =	vmul.f32 v10, v9;
	v10 =	vld [tilespmem:s11+$0x110]  }
0x166: {  	[tilespmem:s11+$0xB0] =	vst v6;
	v6 =	vmul.f32 v12, v9  }
0x167: {  	[tilespmem:s11+$0xC0] =	vst v7;
	v7 =	vmul.f32 v13, v9  }
0x168: {  	[tilespmem:s11+$0xD0] =	vst v6;
	v6 =	vmul.f32 v11, v9  }
0x169: {  	[tilespmem:s11+$0xE0] =	vst v7;
	v7 =	vmul.f32 v8, v9  }
0x16a: {  	[tilespmem:s11+$0xF0] =	vst v6;
	v6 =	vmul.f32 v10, v9  }
0x16b: {  	[tilespmem:s11+$0x100] =	vst v7  }
0x16c: {  	[tilespmem:s11+$0x110] =	vst v6  }
0x16d: {  	[spmem:s1] =	stream.indirect.scatter.add.f32 [tilespmem:s24], [sflag:$0x2], $0x90, s0, s25, $0xb8;
	[tilespmem:$0x1F770] =	vst v63  }
0x16e: {  	_ =	swait.ge [sflag:s28], $0x2400  }
0x16f: {  	[sflag:s28] =	ssyncset.done $0x0  }
0x170: {  	[sflag:s28] =	ssyncadd.s32 $0xFFFFDC00  }
0x171: {  	_ =	swait.ge [sflag:s22], $0x2400  }
0x172: {  	[sflag:s22] =	ssyncset.done $0x0  }
0x173: {  	p0 =	seq.s32 s5, $0x4E;
	[sflag:s22] =	ssyncadd.s32 $0xFFFFDC00  }
0x174: {  	v6 =	vld @!p0 [tilespmem:s6+$0x18730];
	_ =	sdelay $0x4  }
0x175: {  	v7 =	vand.u32 @!p0 $0xFFFF, v6  }
0x176: {  	v6 =	vshrl.u32 @!p0 v6, $0x10;
	[tilespmem:$0x1AE30] =	vst @!p0 v7  }
0x177: {  	[tilespmem:$0x1AEB0] =	vst @!p0 v6  }
0x178: {  	v6 =	vld @!p0 [tilespmem:s6+$0x18740];
	_ =	sdelay $0x4  }
0x179: {  	v7 =	vand.u32 @!p0 $0xFFFF, v6  }
0x17a: {  	v6 =	vshrl.u32 @!p0 v6, $0x10;
	[tilespmem:$0x1AE40] =	vst @!p0 v7  }
0x17b: {  	[tilespmem:$0x1AEC0] =	vst @!p0 v6  }
0x17c: {  	v6 =	vld @!p0 [tilespmem:s6+$0x18750];
	_ =	sdelay $0x4  }
0x17d: {  	v7 =	vand.u32 @!p0 $0xFFFF, v6  }
0x17e: {  	v6 =	vshrl.u32 @!p0 v6, $0x10;
	[tilespmem:$0x1AE50] =	vst @!p0 v7  }
0x17f: {  	[tilespmem:$0x1AED0] =	vst @!p0 v6  }
0x180: {  	v6 =	vld @!p0 [tilespmem:s6+$0x18760];
	_ =	sdelay $0x4  }
0x181: {  	v7 =	vand.u32 @!p0 $0xFFFF, v6  }
0x182: {  	v6 =	vshrl.u32 @!p0 v6, $0x10;
	[tilespmem:$0x1AE60] =	vst @!p0 v7  }
0x183: {  	s9 =	simm.s32 @!p0 $0x40;
	s10 =	simm.s32 @!p0 $0x1AE30;
	s11 =	simm.s32 @!p0 $0x1AF70;
	[tilespmem:$0x1AEE0] =	vst @!p0 v6  }
0x184: {  	[tilespmem:s11], [sflag:$0x1] =	stream.indirect.gather @!p0 [hbm4b:s4+s9], $0x90, s10, s9, $0xb8;
	[tilespmem:$0x1F770] =	vst v63  }
0x185: {  	v6 =	vld [tilespmem:$0x1AEF0];
	_ =	sdelay $0x6  }
0x186: {  	v7 =	vld.idx.msk [tilespmem:v1+s30+$0x0], $0xffff  }
0x187: {  	v6 =	vld.idx.msk [tilespmem:v6+s20+$0x0], $0xffff;
	_ =	sdelay $0x4  }
0x188: {  	v7 =	vadd.f32 v6, v7;
	v6 =	vadd.f32 v6, v5;
	_ =	sdelay $0x1  }
0x189: {  	v8 =	vmul.f32 $2.000000030e-01, v7;
	v9 =	vmul.f32 $2.000000030e-01, v6;
	_ =	sdelay $0x1  }
0x18a: {  	v7 =	vmax.f32 v7, v8;
	v6 =	vmax.f32 v6, v9  }
0x18b: {  	v6 =	vsub.f32 v7, v6;
	_ =	sdelay $0x1  }
0x18c: {  	v6 =	vmul.f32 $1.442695020e+00, v6;
	_ =	sdelay $0x1  }
0x18d: {  	(erf) = vpow2.f32 v6;
	_ =	sdelay $0x4  }
0x18e: {  	v6 =	vld [tilespmem:$0x1AF00];
	_ =	sdelay $0x3  }
0x18f: {  	p3 =	slt.u32 s7, $0x2710;
	v7 =	vpop (erf)  }
0x190: {  	v7 =	vpsel !p3, $0x0, v7  }
0x191: {  	[tilespmem:$0x1AF30] =	vst v7  }
0x192: {  	v7 =	vld.idx.msk [tilespmem:v2+s30+$0x0], $0xffff  }
0x193: {  	v6 =	vld.idx.msk [tilespmem:v6+s20+$0x0], $0xffff;
	_ =	sdelay $0x4  }
0x194: {  	v7 =	vadd.f32 v6, v7;
	v6 =	vadd.f32 v6, v5;
	_ =	sdelay $0x1  }
0x195: {  	v8 =	vmul.f32 $2.000000030e-01, v7;
	v9 =	vmul.f32 $2.000000030e-01, v6;
	_ =	sdelay $0x1  }
0x196: {  	v7 =	vmax.f32 v7, v8;
	v6 =	vmax.f32 v6, v9  }
0x197: {  	v6 =	vsub.f32 v7, v6;
	_ =	sdelay $0x1  }
0x198: {  	v6 =	vmul.f32 $1.442695020e+00, v6;
	_ =	sdelay $0x1  }
0x199: {  	(erf) = vpow2.f32 v6;
	_ =	sdelay $0x4  }
0x19a: {  	v6 =	vld [tilespmem:$0x1AF10];
	_ =	sdelay $0x2  }
0x19b: {  	s10 =	sor.u32 $0x50, s6  }
0x19c: {  	p4 =	slt.u32 s10, $0x2710;
	v7 =	vpop (erf)  }
0x19d: {  	v7 =	vpsel !p4, $0x0, v7  }
0x19e: {  	[tilespmem:$0x1AF40] =	vst v7  }
0x19f: {  	v7 =	vld.idx.msk [tilespmem:v3+s30+$0x0], $0xffff  }
0x1a0: {  	v6 =	vld.idx.msk [tilespmem:v6+s20+$0x0], $0xffff;
	_ =	sdelay $0x4  }
0x1a1: {  	v7 =	vadd.f32 v6, v7;
	v6 =	vadd.f32 v6, v5;
	_ =	sdelay $0x1  }
0x1a2: {  	v8 =	vmul.f32 $2.000000030e-01, v7;
	v9 =	vmul.f32 $2.000000030e-01, v6;
	_ =	sdelay $0x1  }
0x1a3: {  	v7 =	vmax.f32 v7, v8;
	v6 =	vmax.f32 v6, v9  }
0x1a4: {  	v6 =	vsub.f32 v7, v6;
	_ =	sdelay $0x1  }
0x1a5: {  	v6 =	vmul.f32 $1.442695020e+00, v6;
	_ =	sdelay $0x1  }
0x1a6: {  	(erf) = vpow2.f32 v6;
	_ =	sdelay $0x4  }
0x1a7: {  	v6 =	vld [tilespmem:$0x1AF20];
	_ =	sdelay $0x2  }
0x1a8: {  	s11 =	sor.u32 $0x60, s6  }
0x1a9: {  	p5 =	slt.u32 s11, $0x2710;
	v7 =	vpop (erf)  }
0x1aa: {  	v7 =	vpsel !p5, $0x0, v7  }
0x1ab: {  	[tilespmem:$0x1AF50] =	vst v7  }
0x1ac: {  	v7 =	vld.idx.msk [tilespmem:v4+s30+$0x0], $0xffff  }
0x1ad: {  	v6 =	vld.idx.msk [tilespmem:v6+s20+$0x0], $0xffff;
	_ =	sdelay $0x4  }
0x1ae: {  	v7 =	vadd.f32 v6, v7;
	v6 =	vadd.f32 v6, v5;
	_ =	sdelay $0x1  }
0x1af: {  	v8 =	vmul.f32 $2.000000030e-01, v7;
	v9 =	vmul.f32 $2.000000030e-01, v6;
	_ =	sdelay $0x1  }
0x1b0: {  	v7 =	vmax.f32 v7, v8;
	v6 =	vmax.f32 v6, v9  }
0x1b1: {  	v6 =	vsub.f32 v7, v6;
	_ =	sdelay $0x1  }
0x1b2: {  	v6 =	vmul.f32 $1.442695020e+00, v6;
	_ =	sdelay $0x1  }
0x1b3: {  	(erf) = vpow2.f32 v6;
	_ =	sdelay $0x2  }
0x1b4: {  	s12 =	simm.s32 $0x0  }
0x1b5: {  	s13 =	simm.s32 $0x2;
	v6 =	vmov s12  }
0x1b6: {  	v7 =	vmov s13;
	v6 =	vand.u32 $0xFFFFFFFC, v6  }
0x1b7: {  	v7 =	vand.u32 $0xFFFFFFFE, v7;
	v6 =	vbroadcast v6, $0x0  }
0x1b8: {  	v7 =	vbroadcast v7, $0x0  }
0x1b9: {  	s7 =	sor.u32 $0x70, s6  }
0x1ba: {  	p6 =	slt.u32 s7, $0x2710;
	v8 =	vpop (erf)  }
0x1bb: {  	v8 =	vpsel !p6, $0x0, v8  }
0x1bc: {  	s9 =	simm.s32 $0x1;
	[tilespmem:$0x1AF60] =	vst v8  }
0x1bd: {  	v10 =	vmov s9;
	v8 =	vld.idx.msk [tilespmem:v6+s31+$0x0], $0xffff  }
0x1be: {  	s6 =	simm.s32 $0x1D490;
	v10 =	vand.u32 $0xFFFFFFFD, v10;
	v6 =	vld.idx.msk [tilespmem:v7+s31+$0x0], $0xffff  }
0x1bf: {  	v10 =	vbroadcast v10, $0x0;
	v7 =	vld [tilespmem:s6+$0x80]  }
0x1c0: {  	v9 =	vld [tilespmem:s6+$0xFFFFFEE0]  }
0x1c1: {  	v11 =	vld [tilespmem:s6+$0xFFFFFEF0]  }
0x1c2: {  	v12 =	vld [tilespmem:s6+$0xFFFFFF00]  }
0x1c3: {  	v13 =	vld [tilespmem:s6+$0xFFFFFF10]  }
0x1c4: {  	v16 =	vld [tilespmem:s6+$0xFFFFFF40]  }
0x1c5: {  	v10 =	vld.idx.msk [tilespmem:v10+s31+$0x0], $0xffff  }
0x1c6: {  	v18 =	vld [tilespmem:s6+$0xFFFFFF80];
	v9 =	vmul.f32 v9, v8  }
0x1c7: {  	v14 =	vld [tilespmem:s6+$0xFFFFFF20];
	v11 =	vmul.f32 v11, v8  }
0x1c8: {  	v15 =	vld [tilespmem:s6+$0xFFFFFF30];
	v7 =	vmul.f32 v7, v6;
	[tilespmem:s6+$0xFFFFFEE0] =	vst v9  }
0x1c9: {  	v17 =	vld [tilespmem:s6+$0xFFFFFF70];
	v12 =	vmul.f32 v12, v8;
	[tilespmem:s6+$0xFFFFFEF0] =	vst v11  }
0x1ca: {  	v16 =	vmul.f32 v16, v8;
	v9 =	vld [tilespmem:s6+$0xFFFFFF50];
	[tilespmem:s6+$0x80] =	vst v7  }
0x1cb: {  	v18 =	vmul.f32 v18, v10;
	v11 =	vld [tilespmem:s6+$0xFFFFFF60];
	[tilespmem:s6+$0xFFFFFF00] =	vst v12  }
0x1cc: {  	v7 =	vmul.f32 v13, v8;
	v13 =	vld [tilespmem:s6+$0xFFFFFF90];
	[tilespmem:s6+$0xFFFFFF40] =	vst v16  }
0x1cd: {  	v12 =	vmul.f32 v14, v8;
	v14 =	vld [tilespmem:s6+$0xFFFFFFA0];
	[tilespmem:s6+$0xFFFFFF80] =	vst v18  }
0x1ce: {  	v16 =	vld [tilespmem:s6+$0x20];
	[tilespmem:s6+$0xFFFFFF10] =	vst v7;
	v7 =	vmul.f32 v15, v8  }
0x1cf: {  	v15 =	vld [tilespmem:s6+$0xFFFFFFB0];
	[tilespmem:s6+$0xFFFFFF20] =	vst v12;
	v12 =	vmul.f32 v17, v10  }
0x1d0: {  	v17 =	vld [tilespmem:s6+$0xFFFFFFC0];
	[tilespmem:s6+$0xFFFFFF30] =	vst v7;
	v9 =	vmul.f32 v9, v8  }
0x1d1: {  	v7 =	vld [tilespmem:s6+$0xFFFFFFD0];
	[tilespmem:s6+$0xFFFFFF70] =	vst v12;
	v8 =	vmul.f32 v11, v8  }
0x1d2: {  	v12 =	vld [tilespmem:s6+$0xFFFFFFE0];
	[tilespmem:s6+$0xFFFFFF50] =	vst v9;
	v9 =	vmul.f32 v13, v10  }
0x1d3: {  	v11 =	vld [tilespmem:s6+$0xFFFFFFF0];
	[tilespmem:s6+$0xFFFFFF60] =	vst v8;
	v8 =	vmul.f32 v14, v10  }
0x1d4: {  	v13 =	vld [tilespmem:s6+$0x0];
	[tilespmem:s6+$0xFFFFFF90] =	vst v9;
	v9 =	vmul.f32 v15, v10  }
0x1d5: {  	s10 =	simm.s32 $0x3;
	v14 =	vld [tilespmem:s6+$0x10];
	[tilespmem:s6+$0xFFFFFFA0] =	vst v8;
	v8 =	vmul.f32 v17, v10  }
0x1d6: {  	v18 =	vld [tilespmem:s6+$0x60];
	v15 =	vmov s10;
	v7 =	vmul.f32 v7, v10;
	[tilespmem:s6+$0xFFFFFFB0] =	vst v9  }
0x1d7: {  	v9 =	vld [tilespmem:s6+$0x30];
	[tilespmem:s6+$0xFFFFFFC0] =	vst v8;
	v8 =	vmul.f32 v12, v10  }
0x1d8: {  	v12 =	vld [tilespmem:s6+$0x40];
	[tilespmem:s6+$0xFFFFFFD0] =	vst v7;
	v10 =	vmul.f32 v11, v10  }
0x1d9: {  	v17 =	vld [tilespmem:s6+$0x50];
	v13 =	vmul.f32 v13, v6;
	[tilespmem:s6+$0xFFFFFFE0] =	vst v8  }
0x1da: {  	v11 =	vmul.f32 v14, v6;
	[tilespmem:s6+$0xFFFFFFF0] =	vst v10;
	v8 =	vld [tilespmem:s6+$0x70]  }
0x1db: {  	v10 =	vmul.f32 v16, v6;
	v7 =	vld.idx.msk [tilespmem:v15+s31+$0x0], $0xffff;
	[tilespmem:s6+$0x0] =	vst v13  }
0x1dc: {  	s11 =	simm.s32 $0x4;
	[tilespmem:s6+$0x10] =	vst v11;
	v13 =	vld [tilespmem:s6+$0x90];
	v11 =	vmul.f32 v9, v6  }
0x1dd: {  	[tilespmem:s6+$0x20] =	vst v10;
	v9 =	vmov s11;
	v14 =	vmul.f32 v12, v6;
	v12 =	vld [tilespmem:s6+$0xA0]  }
0x1de: {  	s13 =	simm.s32 $0x5;
	s12 =	simm.s32 $0x7;
	v16 =	vmul.f32 v18, v6;
	v15 =	vmul.f32 v17, v6;
	v10 =	vand.u32 $0xFFFFFFFC, v9;
	[tilespmem:s6+$0x30] =	vst v11;
	v11 =	vld [tilespmem:s6+$0xB0]  }
0x1df: {  	s7 =	simm.s32 $0x1D490;
	s9 =	simm.s32 $0x8;
	s10 =	simm.s32 $0x6;
	v17 =	vmov s13;
	v9 =	vmov s12;
	v10 =	vbroadcast v10, $0x0;
	[tilespmem:s6+$0x40] =	vst v14;
	v14 =	vld [tilespmem:s6+$0xC0]  }
.LBB2_7:
0x1e0: {  	p0 =	slt.u32 s9, $0x3C;
	v17 =	vand.u32 $0xFFFFFFFD, v17;
	v18 =	vmov s10;
	[tilespmem:s6+$0x50] =	vst v15;
	v6 =	vmul.f32 v8, v6;
	v8 =	vld [tilespmem:s6+$0xD0]  }
0x1e1: {  	v15 =	vbroadcast v17, $0x0;
	v17 =	vand.u32 $0xFFFFFFFE, v18;
	[tilespmem:s6+$0x60] =	vst v16;
	v13 =	vmul.f32 v13, v7;
	v16 =	vld [tilespmem:s6+$0xE0]  }
0x1e2: {  	v17 =	vbroadcast v17, $0x0;
	[tilespmem:s6+$0x70] =	vst v6;
	v6 =	vmul.f32 v12, v7;
	v12 =	vld [tilespmem:s6+$0xF0]  }
0x1e3: {  	[tilespmem:s6+$0x90] =	vst v13;
	v11 =	vmul.f32 v11, v7;
	v13 =	vld [tilespmem:s6+$0x100]  }
0x1e4: {  	[tilespmem:s6+$0xA0] =	vst v6;
	v6 =	vmul.f32 v14, v7;
	v14 =	vld [tilespmem:s6+$0x110]  }
0x1e5: {  	v9 =	vld.idx.msk [tilespmem:v9+s31+$0x0], $0xffff;
	[tilespmem:s6+$0xB0] =	vst v11;
	v8 =	vmul.f32 v8, v7  }
0x1e6: {  	v10 =	vld.idx.msk [tilespmem:v10+s31+$0x0], $0xffff;
	[tilespmem:s6+$0xC0] =	vst v6;
	v11 =	vmul.f32 v16, v7  }
0x1e7: {  	v15 =	vld.idx.msk [tilespmem:v15+s31+$0x0], $0xffff;
	[tilespmem:s6+$0xD0] =	vst v8;
	v8 =	vmul.f32 v12, v7  }
0x1e8: {  	s6 =	sadd.s32 $0x240, s6;
	v6 =	vld.idx.msk [tilespmem:v17+s31+$0x0], $0xffff;
	[tilespmem:s7+$0xE0] =	vst v11;
	v11 =	vmul.f32 v13, v7  }
0x1e9: {  	v12 =	vld [tilespmem:s6+$0x80];
	[tilespmem:s7+$0xF0] =	vst v8;
	v13 =	vmul.f32 v14, v7  }
0x1ea: {  	v8 =	vld [tilespmem:s6+$0xFFFFFEE0];
	[tilespmem:s7+$0x100] =	vst v11  }
0x1eb: {  	v7 =	vmov v9;
	v11 =	vld [tilespmem:s6+$0xFFFFFEF0];
	[tilespmem:s7+$0x110] =	vst v13;
	s7 =	smov.u32 s6  }
0x1ec: {  	v9 =	vld [tilespmem:s6+$0xFFFFFF00]  }
0x1ed: {  	v13 =	vld [tilespmem:s6+$0xFFFFFF10]  }
0x1ee: {  	v14 =	vld [tilespmem:s6+$0xFFFFFF20];
	v12 =	vmul.f32 v12, v6  }
0x1ef: {  	v8 =	vmul.f32 v8, v10;
	v16 =	vld [tilespmem:s6+$0xFFFFFF30]  }
0x1f0: {  	v11 =	vmul.f32 v11, v10;
	v17 =	vld [tilespmem:s6+$0xFFFFFF40];
	[tilespmem:s6+$0x80] =	vst v12  }
0x1f1: {  	[tilespmem:s6+$0xFFFFFEE0] =	vst v8;
	v8 =	vmul.f32 v9, v10;
	v9 =	vld [tilespmem:s6+$0xFFFFFF50]  }
0x1f2: {  	[tilespmem:s6+$0xFFFFFEF0] =	vst v11;
	v11 =	vmul.f32 v13, v10;
	v12 =	vld [tilespmem:s6+$0xFFFFFF60]  }
0x1f3: {  	[tilespmem:s6+$0xFFFFFF00] =	vst v8;
	v8 =	vmul.f32 v14, v10;
	v13 =	vld [tilespmem:s6+$0xFFFFFF70]  }
0x1f4: {  	[tilespmem:s6+$0xFFFFFF10] =	vst v11;
	v11 =	vmul.f32 v16, v10;
	v14 =	vld [tilespmem:s6+$0xFFFFFF80]  }
0x1f5: {  	[tilespmem:s6+$0xFFFFFF20] =	vst v8;
	v8 =	vmul.f32 v17, v10;
	v16 =	vld [tilespmem:s6+$0xFFFFFF90]  }
0x1f6: {  	[tilespmem:s6+$0xFFFFFF30] =	vst v11;
	v9 =	vmul.f32 v9, v10;
	v11 =	vld [tilespmem:s6+$0xFFFFFFA0]  }
0x1f7: {  	[tilespmem:s6+$0xFFFFFF40] =	vst v8;
	v8 =	vmul.f32 v12, v10;
	v10 =	vld [tilespmem:s6+$0xFFFFFFB0]  }
0x1f8: {  	[tilespmem:s6+$0xFFFFFF50] =	vst v9;
	v9 =	vmul.f32 v13, v15;
	v12 =	vld [tilespmem:s6+$0xFFFFFFC0]  }
0x1f9: {  	[tilespmem:s6+$0xFFFFFF60] =	vst v8;
	v8 =	vmul.f32 v14, v15;
	v13 =	vld [tilespmem:s6+$0xFFFFFFD0]  }
0x1fa: {  	[tilespmem:s6+$0xFFFFFF70] =	vst v9;
	v9 =	vmul.f32 v16, v15;
	v14 =	vld [tilespmem:s6+$0xFFFFFFE0]  }
0x1fb: {  	[tilespmem:s6+$0xFFFFFF80] =	vst v8;
	v8 =	vmul.f32 v11, v15;
	v11 =	vld [tilespmem:s6+$0xFFFFFFF0]  }
0x1fc: {  	[tilespmem:s6+$0xFFFFFF90] =	vst v9;
	v9 =	vmul.f32 v10, v15;
	v10 =	vld [tilespmem:s6+$0x0]  }
0x1fd: {  	[tilespmem:s6+$0xFFFFFFA0] =	vst v8;
	v8 =	vmul.f32 v12, v15;
	v12 =	vld [tilespmem:s6+$0x10]  }
0x1fe: {  	[tilespmem:s6+$0xFFFFFFB0] =	vst v9;
	v9 =	vmul.f32 v13, v15;
	v13 =	vld [tilespmem:s6+$0x20]  }
0x1ff: {  	[tilespmem:s6+$0xFFFFFFC0] =	vst v8;
	v8 =	vmul.f32 v14, v15;
	v14 =	vld [tilespmem:s6+$0x30]  }
0x200: {  	[tilespmem:s6+$0xFFFFFFD0] =	vst v9;
	v9 =	vmul.f32 v11, v15;
	v11 =	vld [tilespmem:s6+$0x40]  }
0x201: {  	[tilespmem:s6+$0xFFFFFFE0] =	vst v8;
	v8 =	vmul.f32 v10, v6;
	v10 =	vld [tilespmem:s6+$0x50]  }
0x202: {  	[tilespmem:s6+$0xFFFFFFF0] =	vst v9;
	v9 =	vmul.f32 v12, v6;
	v16 =	vld [tilespmem:s6+$0x60]  }
.Ltmp2:
0x203: {  	[tilespmem:s6+$0x0] =	vst v8;
	v12 =	vmul.f32 v13, v6;
	v8 =	vld [tilespmem:s6+$0x70];
	(pc) =	sbr.rel @p0 .LBB2_7-.Ltmp2, $4  }
0x204: {  	[tilespmem:s6+$0x10] =	vst v9;
	v14 =	vmul.f32 v14, v6;
	v13 =	vld [tilespmem:s6+$0x90]  }
0x205: {  	s10 =	sadd.s32 $0x3, s9;
	v9 =	vmov s9;
	[tilespmem:s6+$0x20] =	vst v12;
	v18 =	vmul.f32 v11, v6;
	v12 =	vld [tilespmem:s6+$0xA0]  }
0x206: {  	s11 =	sadd.s32 $0x1, s9;
	v17 =	vand.u32 $0xFFFFFFFC, v9;
	v9 =	vmov s10;
	[tilespmem:s6+$0x30] =	vst v14;
	v15 =	vmul.f32 v10, v6;
	v11 =	vld [tilespmem:s6+$0xB0]  }
0x207: {  	s10 =	sadd.s32 $0x2, s9;
	s9 =	sadd.s32 $0x4, s9;
	v10 =	vbroadcast v17, $0x0;
	v17 =	vmov s11;
	[tilespmem:s6+$0x40] =	vst v18;
	v16 =	vmul.f32 v16, v6;
	v14 =	vld [tilespmem:s6+$0xC0]  }
0x208: {  	v18 =	vld [tilespmem:s6+$0xD0]  }
0x209: {  	v19 =	vld [tilespmem:s6+$0xE0]  }
0x20a: {  	v21 =	vld [tilespmem:s6+$0xF0]  }
0x20b: {  	v61 =	vld [tilespmem:s6+$0x100]  }
0x20c: {  	v62 =	vld [tilespmem:s6+$0x110];
	[tilespmem:s6+$0x50] =	vst v15;
	v6 =	vmul.f32 v8, v6  }
0x20d: {  	v9 =	vld.idx.msk [tilespmem:v9+s31+$0x0], $0xffff;
	v13 =	vmul.f32 v13, v7;
	[tilespmem:s6+$0x60] =	vst v16  }
0x20e: {  	s9 =	sadd.s32 $0x240, s6;
	v63 =	vld.idx.msk [tilespmem:v10+s31+$0x0], $0xffff;
	v12 =	vmul.f32 v12, v7;
	[tilespmem:s6+$0x70] =	vst v6  }
0x20f: {  	v25 =	vld [tilespmem:s9+$0x80];
	[tilespmem:s6+$0x90] =	vst v13;
	v22 =	vmul.f32 v11, v7  }
0x210: {  	v26 =	vld [tilespmem:s9+$0xFFFFFEE0];
	[tilespmem:s6+$0xA0] =	vst v12;
	v6 =	vmul.f32 v14, v7  }
0x211: {  	v20 =	vmov s10;
	v28 =	vld [tilespmem:s9+$0xFFFFFEF0];
	[tilespmem:s6+$0xB0] =	vst v22;
	v24 =	vmul.f32 v18, v7  }
0x212: {  	v20 =	vand.u32 $0xFFFFFFFE, v20;
	v29 =	vld [tilespmem:s9+$0xFFFFFF00];
	[tilespmem:s6+$0xC0] =	vst v6;
	v6 =	vmul.f32 v19, v7  }
0x213: {  	v17 =	vand.u32 $0xFFFFFFFD, v17;
	v30 =	vld [tilespmem:s9+$0xFFFFFF10];
	v60 =	vbroadcast v20, $0x0;
	v27 =	vmul.f32 v21, v7;
	[tilespmem:s6+$0xD0] =	vst v24  }
0x214: {  	v17 =	vbroadcast v17, $0x0;
	v32 =	vld [tilespmem:s9+$0xFFFFFF30];
	[tilespmem:s7+$0xE0] =	vst v6;
	v6 =	vmul.f32 v61, v7  }
0x215: {  	v34 =	vld [tilespmem:s9+$0xFFFFFF40];
	[tilespmem:s7+$0xF0] =	vst v27;
	v7 =	vmul.f32 v62, v7  }
0x216: {  	v33 =	vmul.f32 v28, v63;
	[tilespmem:s7+$0x100] =	vst v6;
	v6 =	vld [tilespmem:s9+$0xFFFFFF20]  }
0x217: {  	v35 =	vld [tilespmem:s9+$0xFFFFFF50];
	[tilespmem:s7+$0x110] =	vst v7;
	v7 =	vmul.f32 v26, v63  }
0x218: {  	v36 =	vld [tilespmem:s9+$0xFFFFFF60];
	v10 =	vmul.f32 v30, v63;
	[tilespmem:s9+$0xFFFFFEF0] =	vst v33  }
0x219: {  	v13 =	vld.idx.msk [tilespmem:v60+s31+$0x0], $0xffff;
	[tilespmem:s9+$0xFFFFFEE0] =	vst v7;
	v7 =	vmul.f32 v29, v63  }
0x21a: {  	v37 =	vmul.f32 v32, v63;
	v23 =	vld.idx.msk [tilespmem:v17+s31+$0x0], $0xffff;
	[tilespmem:s9+$0xFFFFFF10] =	vst v10  }
0x21b: {  	[tilespmem:s9+$0xFFFFFF00] =	vst v7;
	v7 =	vld [tilespmem:s9+$0xFFFFFF70];
	v6 =	vmul.f32 v6, v63  }
0x21c: {  	v38 =	vld [tilespmem:s9+$0xFFFFFF80];
	v40 =	vmul.f32 v35, v63;
	[tilespmem:s9+$0xFFFFFF30] =	vst v37  }
0x21d: {  	v39 =	vld [tilespmem:s9+$0xFFFFFF90];
	[tilespmem:s9+$0xFFFFFF20] =	vst v6;
	v6 =	vmul.f32 v34, v63  }
0x21e: {  	v41 =	vld [tilespmem:s9+$0xFFFFFFA0];
	[tilespmem:s9+$0xFFFFFF50] =	vst v40;
	v31 =	vmul.f32 v25, v13  }
0x21f: {  	v42 =	vld [tilespmem:s9+$0xFFFFFFB0];
	[tilespmem:s9+$0xFFFFFF40] =	vst v6;
	v6 =	vmul.f32 v36, v63  }
0x220: {  	v43 =	vld [tilespmem:s9+$0xFFFFFFC0];
	[tilespmem:s9+$0x80] =	vst v31;
	v7 =	vmul.f32 v7, v23  }
0x221: {  	v44 =	vld [tilespmem:s9+$0xFFFFFFD0];
	[tilespmem:s9+$0xFFFFFF60] =	vst v6;
	v6 =	vmul.f32 v38, v23  }
0x222: {  	v45 =	vld [tilespmem:s9+$0xFFFFFFE0];
	[tilespmem:s9+$0xFFFFFF70] =	vst v7;
	v7 =	vmul.f32 v39, v23  }
0x223: {  	v46 =	vld [tilespmem:s9+$0xFFFFFFF0];
	[tilespmem:s9+$0xFFFFFF80] =	vst v6;
	v6 =	vmul.f32 v41, v23  }
0x224: {  	v47 =	vld [tilespmem:s9+$0x0];
	[tilespmem:s9+$0xFFFFFF90] =	vst v7;
	v7 =	vmul.f32 v42, v23  }
0x225: {  	v48 =	vld [tilespmem:s9+$0x10];
	[tilespmem:s9+$0xFFFFFFA0] =	vst v6;
	v6 =	vmul.f32 v43, v23  }
0x226: {  	v49 =	vld [tilespmem:s9+$0x20];
	[tilespmem:s9+$0xFFFFFFB0] =	vst v7;
	v7 =	vmul.f32 v44, v23  }
0x227: {  	v50 =	vld [tilespmem:s9+$0x30];
	[tilespmem:s9+$0xFFFFFFC0] =	vst v6;
	v6 =	vmul.f32 v45, v23  }
0x228: {  	v51 =	vld [tilespmem:s9+$0x40];
	[tilespmem:s9+$0xFFFFFFD0] =	vst v7;
	v7 =	vmul.f32 v46, v23  }
0x229: {  	v52 =	vld [tilespmem:s9+$0x50];
	[tilespmem:s9+$0xFFFFFFE0] =	vst v6;
	v6 =	vmul.f32 v47, v13  }
0x22a: {  	v53 =	vld [tilespmem:s9+$0x60];
	[tilespmem:s9+$0xFFFFFFF0] =	vst v7;
	v7 =	vmul.f32 v48, v13  }
0x22b: {  	v54 =	vld [tilespmem:s9+$0x70];
	[tilespmem:s9+$0x0] =	vst v6;
	v6 =	vmul.f32 v49, v13  }
0x22c: {  	v55 =	vld [tilespmem:s9+$0x90];
	[tilespmem:s9+$0x10] =	vst v7;
	v7 =	vmul.f32 v50, v13  }
0x22d: {  	v56 =	vld [tilespmem:s9+$0xA0];
	[tilespmem:s9+$0x20] =	vst v6;
	v6 =	vmul.f32 v51, v13  }
0x22e: {  	v57 =	vld [tilespmem:s9+$0xB0];
	[tilespmem:s9+$0x30] =	vst v7;
	v7 =	vmul.f32 v52, v13  }
0x22f: {  	v58 =	vld [tilespmem:s9+$0xC0];
	[tilespmem:s9+$0x40] =	vst v6;
	v6 =	vmul.f32 v53, v13  }
0x230: {  	v59 =	vld [tilespmem:s9+$0xD0];
	[tilespmem:s9+$0x50] =	vst v7;
	v7 =	vmul.f32 v54, v13  }
0x231: {  	v60 =	vld [tilespmem:s9+$0xE0];
	[tilespmem:s9+$0x60] =	vst v6;
	v6 =	vmul.f32 v55, v9  }
0x232: {  	v61 =	vld [tilespmem:s9+$0xF0];
	[tilespmem:s9+$0x70] =	vst v7;
	v7 =	vmul.f32 v56, v9  }
0x233: {  	v62 =	vld [tilespmem:s9+$0x100];
	[tilespmem:s9+$0x90] =	vst v6;
	v6 =	vmul.f32 v57, v9  }
0x234: {  	v63 =	vld [tilespmem:s9+$0x110];
	[tilespmem:s9+$0xA0] =	vst v7;
	v7 =	vmul.f32 v58, v9  }
0x235: {  	[tilespmem:s9+$0xB0] =	vst v6;
	v6 =	vmul.f32 v59, v9  }
0x236: {  	s5 =	sadd.s32 $0x1, s5;
	[tilespmem:s9+$0xC0] =	vst v7;
	v7 =	vmul.f32 v60, v9  }
0x237: {  	p0 =	sne.s32 s5, $0x4F;
	[tilespmem:s9+$0xD0] =	vst v6;
	v6 =	vmul.f32 v61, v9  }
.Ltmp3:
0x238: {  	[tilespmem:s9+$0xE0] =	vst v7;
	v7 =	vmul.f32 v62, v9;
	(pc) =	sbr.rel @p0 .LBB2_4-.Ltmp3, $4  }
0x239: {  	[tilespmem:s9+$0xF0] =	vst v6;
	v6 =	vmul.f32 v63, v9  }
0x23a: {  	[tilespmem:s9+$0x100] =	vst v7  }
0x23b: {  	[tilespmem:s9+$0x110] =	vst v6  }
0x23c: {  	[spmem:s1] =	stream.indirect.scatter.add.f32 [tilespmem:s30], [sflag:$0x2], $0x90, s23, s25, $0xb8;
	[tilespmem:$0x1F770] =	vst v63  }
0x23d: {  	_ =	swait.ge [sflag:s22], $0x2400;
	s2 =	stileid.u32  }
0x23e: {  	s5 =	sshrl.u32 s8, $0x3;
	s26 =	sadd.s32 $0x1, s26;
	[sflag:s22] =	ssyncset.done $0x0  }
0x23f: {  	s2 =	sshll.u32 s2, $0x6;
	p0 =	sne.s32 s26, s19;
	[sflag:s22] =	ssyncadd.s32 $0xFFFFDC00  }
.Ltmp4:
0x240: {  	s2 =	sor.u32 $0x1C03, s2;
	[bflag:$0x0] =	sbarrier.arrive $0xFFFF;
	(pc) =	sbr.rel @p0 .LBB2_1-.Ltmp4, $4  }
0x241: {  	[hbm:s18], [sflag:s2] =	dma.local [spmem:s5], $0x2BF2  }
0x242: {  	_ =	swait.ge [sflag:s21], $0x2BF2  }
0x243: {  	[sflag:s21] =	ssyncset.done $0x0  }
0x244: {  	[sflag:s21] =	ssyncadd.s32 $0xFFFFD40E  }
0x245: {  	_ =	sfence.sel $0x180000  }
0x246: {  	[bflag:$0x0] =	sbarrier.arrive $0xFFFF  }
0x247: {  	_ =	strace $0x90000047  }
0x248: {  	s0 =	stileid.u32;
	[bflag:$0x2] =	sbarrier.arrive $0xFFFF  }
0x249: {  	p0 =	sne.s32 s0, $0x0;
	s0 =	rddreg [dreg:$0x3]  }
0x24a: {  	s0 =	sadd.s32 @!p0 $0x100000, s0  }
0x24b: {  	[sflag:s0] =	ssyncadd.tile.s32 @!p0 $0x1;
	_ =	shalt  }
.Lfunc_end2:
_tile_overlayer_lowered:
.L_overlay_start_2:
0x24c: {  	(tag) =	ssettag $0x2  }
0x24d: {  	s0 =	rddreg [dreg:$0x0];
	s2 =	stileid.u32  }
0x24e: {  	s1 =	rddreg [dreg:$0x1];
	p0 =	sne.s32 s2, $0x0  }
0x24f: {  	s3 =	rddreg [dreg:$0x2];
	[bflag:$0x3] =	sbarrier.arrive $0xFFFF;
	s2 =	simm.s32 @!p0 $0x1C03  }
0x250: {  	[timem:s3], [sflag:s2] =	dma.local @!p0 [hbm:s0], s1  }
0x251: {  	s0 =	simm.s32 @!p0 $0x3  }
0x252: {  	_ =	swait.ge @!p0 [sflag:s0], s1  }
0x253: {  	s1 =	ssub.s32 @!p0 $0x0, s1;
	[sflag:s0] =	ssyncset.done @!p0 $0x0  }
0x254: {  	[sflag:s0] =	ssyncadd.s32 @!p0 s1  }
0x255: {  	[bflag:$0x3] =	sbarrier.arrive $0xFFFF  }
0x256: {  	_ =	shalt  }

</sc_bundles>
